<compile_context>
chip_gen: v7x
topology: tpu7x:2x2x1
jax: 0.10.2.dev20260603
libtpu: 0.0.44.dev20260713+nightly
codegen_flags: <defaults>
</compile_context>

<pallas_src>
import functools

import jax
import jax.numpy as jnp
import numpy as np
from jax import lax
from jax.experimental import pallas as pl
from jax.experimental.pallas import tpu as pltpu
from jax.experimental.pallas import tpu_sc as plsc

N = 10000
E = 320000
NC = 2
NS = 16
NW = NC * NS
EPT = E // NS
CHUNK = 200
WROW = 128
HALF = 5120
NPC = 5248
TRASH = NPC - 1
ROWS_PT = NPC // NS


def _proj_body(nmats, pads, x_ref, *refs):
    x = x_ref[...]
    outs = []
    for i in range(nmats):
        w = refs[i][...]
        b = refs[nmats + i][...]
        outs.append(jnp.dot(x, w, preferred_element_type=jnp.float32,
                            precision=lax.Precision.HIGHEST) + b)
    bn = x.shape[0]
    for i, segs in enumerate(pads):
        if segs is None:
            refs[2 * nmats + i][...] = outs[i]
        else:
            parts = []
            for which, upto in segs:
                if which < 0:
                    if upto > 0:
                        parts.append(jnp.zeros((bn, upto), jnp.float32))
                else:
                    parts.append(outs[which])
            refs[2 * nmats + i][...] = jnp.concatenate(parts, axis=1)


def _proj(x, wts, biases, pads, owidths):
    n, din = x.shape
    nmats = len(wts)
    bn = 1000
    grid = (n // bn,)
    in_specs = [pl.BlockSpec((bn, din), lambda i: (i, 0))]
    for w in wts:
        in_specs.append(pl.BlockSpec(w.shape, lambda i: (0, 0)))
    for b in biases:
        in_specs.append(pl.BlockSpec(b.shape, lambda i: (0, 0)))
    out_shapes = [jax.ShapeDtypeStruct((n, ow), jnp.float32)
                  for ow in owidths]
    out_specs = [pl.BlockSpec((bn, ow), lambda i: (i, 0)) for ow in owidths]
    return pl.pallas_call(
        functools.partial(_proj_body, nmats, pads),
        grid=grid,
        in_specs=in_specs,
        out_specs=out_specs,
        out_shape=out_shapes,
    )(x, *wts, *biases)


def _tree(srow, row, t, shifts):
    for sh in shifts:
        srow[row, pl.ds(0, 16)] = t
        t = t + srow[row, pl.ds(sh, 16)]
    return t


def _edge_kernel_body(heads, d_head,
                      q_hbm, kv_hbm, src_hbm, dst_hbm, out_hbm,
                      src_v, dst_v, dsc_v, qb, kvb, wb, srow, acc_sh, sem):
    cid = lax.axis_index("c")
    sid = lax.axis_index("s")
    dout = heads * d_head
    inv = np.float32(1.0 / np.sqrt(d_head))
    zeros16 = jnp.zeros((16,), jnp.float32)

    def _zw(r, _):
        for c0 in range(WROW // 16):
            wb[r, pl.ds(c0 * 16, 16)] = zeros16
        return 0
    lax.fori_loop(0, CHUNK, _zw, 0)
    for r in (0, 4):
        srow[r, pl.ds(0, 16)] = zeros16
        srow[r, pl.ds(16, 16)] = zeros16

    for off, nrows in ((0, 96), (96, 96), (192, 96), (288, 40)):
        pltpu.sync_copy(
            wb.at[pl.ds(0, nrows)],
            acc_sh.at[pl.ds(sid * ROWS_PT + off, nrows)])
    plsc.subcore_barrier()

    eoff = sid * EPT
    lo = cid * HALF
    io16 = lax.iota(jnp.int32, 16)

    def _edge_one(e, row):
        q0 = qb[e, pl.ds(0, 16)]
        k0 = kvb[e, pl.ds(0, 16)]
        v0 = kvb[e, pl.ds(32, 16)]
        if dout == 32:
            q1 = qb[e, pl.ds(16, 16)]
            k1 = kvb[e, pl.ds(16, 16)]
            v1 = kvb[e, pl.ds(48, 16)]
        if heads == 4:
            t0 = _tree(srow, row, q0 * k0, (4, 2, 1))
            t1 = _tree(srow, row, q1 * k1, (4, 2, 1))
            b0 = jnp.broadcast_to(t0[0] * inv, (16,))
            b1 = jnp.broadcast_to(t0[8] * inv, (16,))
            b2 = jnp.broadcast_to(t1[0] * inv, (16,))
            b3 = jnp.broadcast_to(t1[8] * inv, (16,))
            ex01 = jnp.exp(jnp.where(io16 < 8, b0, b1))
            ex23 = jnp.exp(jnp.where(io16 < 8, b2, b3))
            wb[e, pl.ds(0, 16)] = v0 * ex01
            wb[e, pl.ds(16, 16)] = v1 * ex23
            e0 = jnp.broadcast_to(ex01[0], (16,))
            e1 = jnp.broadcast_to(ex01[8], (16,))
            e2 = jnp.broadcast_to(ex23[0], (16,))
            e3 = jnp.broadcast_to(ex23[8], (16,))
            dv = jnp.where(
                io16 == 0, e0,
                jnp.where(io16 == 1, e1,
                          jnp.where(io16 == 2, e2,
                                    jnp.where(io16 == 3, e3, zeros16))))
            wb[e, pl.ds(32, 16)] = dv
        elif d_head == 32:
            t = _tree(srow, row, q0 * k0 + q1 * k1, (8, 4, 2, 1))
            ex = jnp.exp(jnp.broadcast_to(t[0] * inv, (16,)))
            wb[e, pl.ds(0, 16)] = v0 * ex
            wb[e, pl.ds(16, 16)] = v1 * ex
            wb[e, pl.ds(32, 16)] = jnp.where(io16 == 0, ex, zeros16)
        else:
            t = _tree(srow, row, q0 * k0, (1,))
            ex = jnp.exp(jnp.broadcast_to(t[0] * inv, (16,)))
            w = jnp.where(io16 < 2, v0 * ex,
                          jnp.where(io16 == 2, ex, zeros16))
            wb[e, pl.ds(0, 16)] = w

    def _edge(e2, _):
        _edge_one(e2 * 2, 0)
        _edge_one(e2 * 2 + 1, 4)
        return 0

    def _remap(g, _):
        off = jnp.minimum(g * 16, CHUNK - 16)
        d16 = dst_v[pl.ds(off, 16)]
        rel = d16 - lo
        inb = (rel >= 0) & (rel < HALF)
        dsc_v[pl.ds(off, 16)] = jnp.where(inb, rel,
                                          jnp.full((16,), TRASH, jnp.int32))
        return 0

    def _chunk(ci, _):
        base = eoff + ci * CHUNK
        pltpu.sync_copy(src_hbm.at[pl.ds(base, CHUNK)], src_v)
        pltpu.sync_copy(dst_hbm.at[pl.ds(base, CHUNK)], dst_v)
        lax.fori_loop(0, (CHUNK + 15) // 16, _remap, 0)
        pltpu.async_copy(q_hbm.at[dst_v], qb, sem).wait()
        pltpu.async_copy(kv_hbm.at[src_v], kvb, sem).wait()
        lax.fori_loop(0, CHUNK // 2, _edge, 0)
        pltpu.sync_copy(wb, acc_sh.at[dsc_v], add=True)
        return 0
    lax.fori_loop(0, EPT // CHUNK, _chunk, 0)

    plsc.subcore_barrier()

    pltpu.sync_copy(
        acc_sh.at[pl.ds(sid * ROWS_PT, ROWS_PT)],
        out_hbm.at[pl.ds((cid * NPC) + sid * ROWS_PT, ROWS_PT)],
    )


def _edge_phase(qpad, kv, src, dst, heads, d_head):
    mesh = plsc.VectorSubcoreMesh(core_axis_name="c", subcore_axis_name="s",
                                  num_cores=NC, num_subcores=NS)
    kern = pl.kernel(
        functools.partial(_edge_kernel_body, heads, d_head),
        out_type=jax.ShapeDtypeStruct((2 * NPC, WROW), jnp.float32),
        mesh=mesh,
        scratch_types=[
            pltpu.VMEM((CHUNK,), jnp.int32),
            pltpu.VMEM((CHUNK,), jnp.int32),
            pltpu.VMEM((CHUNK,), jnp.int32),
            pltpu.VMEM((CHUNK, WROW), jnp.float32),
            pltpu.VMEM((CHUNK, WROW), jnp.float32),
            pltpu.VMEM((CHUNK, WROW), jnp.float32),
            pltpu.VMEM((8, 32), jnp.float32),
            pltpu.VMEM_SHARED((NPC, WROW), jnp.float32),
            pltpu.SemaphoreType.DMA,
        ],
    )
    return kern(qpad, kv, src, dst)


def _combine_bn_body(heads, d_head, p_ref, skip_ref, g_ref, b_ref, o_ref):
    dout = heads * d_head
    p = p_ref[...]
    acc = jnp.concatenate([p[:HALF, :], p[NPC:NPC + (N - HALF), :]], axis=0)
    num = acc[:, :dout]
    den = acc[:, dout:dout + heads]
    denr = jnp.concatenate(
        [jnp.broadcast_to(den[:, h:h + 1], (N, d_head)) for h in range(heads)],
        axis=1)
    y = num / (denr + 1e-16) + skip_ref[...]
    mean = jnp.mean(y, axis=0, keepdims=True)
    var = jnp.mean((y - mean) ** 2, axis=0, keepdims=True)
    o = (y - mean) * lax.rsqrt(var + 1e-5) * g_ref[...] + b_ref[...]
    o_ref[...] = jnp.maximum(o, 0.0)


def _combine_bn(partials, skip, gamma, beta, heads, d_head):
    dout = heads * d_head
    return pl.pallas_call(
        functools.partial(_combine_bn_body, heads, d_head),
        out_shape=jax.ShapeDtypeStruct((N, dout), jnp.float32),
    )(partials, skip, gamma, beta)


def _combine_softmax_body(p_ref, skip_ref, o_ref):
    p = p_ref[...]
    acc = jnp.concatenate([p[:HALF, :], p[NPC:NPC + (N - HALF), :]], axis=0)
    num = acc[:, :2]
    den = acc[:, 2:3]
    y = num / (den + 1e-16) + skip_ref[...]
    m = jnp.max(y, axis=1, keepdims=True)
    e = jnp.exp(y - m)
    o_ref[...] = e / jnp.sum(e, axis=1, keepdims=True)


def _combine_softmax(partials, skip):
    return pl.pallas_call(
        _combine_softmax_body,
        out_shape=jax.ShapeDtypeStruct((N, 2), jnp.float32),
    )(partials, skip)


def _wt(p):
    return p["W"].T, p["b"][None, :]


def _layer(x, src, dst, conv, heads, d_head, bn=None, last=False):
    dout = heads * d_head
    wq, bq = _wt(conv["q"])
    wk, bk = _wt(conv["k"])
    wv, bv = _wt(conv["v"])
    ws, bs = _wt(conv["skip"])
    pads = [
        [(0, 0), (-1, WROW - dout)],
        [(1, 0), (-1, 32 - dout), (2, 0), (-1, WROW - 32 - dout)],
        [(3, 0)],
    ]
    qpad, kv, skip = _proj(
        x, [wq, wk, wv, ws], [bq, bk, bv, bs],
        pads, [WROW, WROW, dout])
    partials = _edge_phase(qpad, kv, src, dst, heads, d_head)
    if last:
        return _combine_softmax(partials, skip)
    gamma = bn["gamma"][None, :]
    beta = bn["beta"][None, :]
    return _combine_bn(partials, skip, gamma, beta, heads, d_head)


def kernel(data, aj, params):
    src = aj[0]
    dst = aj[1]
    wfc, bfc = _wt(params["fc"])
    (x,) = _proj(data, [wfc], [bfc], [None], [32])
    x1 = _layer(x, src, dst, params["conv1"], 4, 8, params["bn1"])
    x2 = _layer(x1, src, dst, params["conv2"], 4, 8, params["bn2"])
    x3 = _layer(x2, src, dst, params["conv3"], 1, 32, params["bn3"])
    x4 = _layer(jnp.concatenate([x1, x3], axis=-1), src, dst,
                params["conv4"], 1, 32, params["bn4"])
    return _layer(jnp.concatenate([x2, x4], axis=-1), src, dst,
                  params["conv5"], 1, 2, last=True)

# --- scband reference (transcript-rebuilt; emitter-appended) ---
"""Pipeline reference for scband-gtnn-5884105195923 (READ-ONLY COPY).

The authoritative reference and input builder live on the scoring server;
editing this copy changes nothing except your own understanding.
"""

import jax, jax.numpy as jnp
import numpy as np

N = 10000
E = 320000
ENC_IN = 128


def _lin(key, in_dim, out_dim):
    w = jax.random.normal(key, (out_dim, in_dim), dtype=jnp.float32) * (1.0 / np.sqrt(in_dim))
    b = jnp.zeros((out_dim,), dtype=jnp.float32)
    return {"W": w, "b": b}


def _conv(key, in_dim, heads, d_head):
    ks = jax.random.split(key, 4)
    out = heads * d_head
    return {"q": _lin(ks[0], in_dim, out), "k": _lin(ks[1], in_dim, out), "v": _lin(ks[2], in_dim, out), "skip": _lin(ks[3], in_dim, out)}


def _bn(dim):
    return {"gamma": jnp.ones((dim,), dtype=jnp.float32), "beta": jnp.zeros((dim,), dtype=jnp.float32)}


def setup_inputs(seed: int = 0):
    key = jax.random.key(seed)
    ks = jax.random.split(key, 8)
    data = jax.random.normal(ks[0], (N, ENC_IN), dtype=jnp.float32)
    aj = jax.random.randint(ks[1], (2, E), 0, N, dtype=jnp.int32)
    params = {
        "fc": _lin(ks[2], ENC_IN, 32),
        "conv1": _conv(ks[3], 32, 4, 8), "bn1": _bn(32),
        "conv2": _conv(ks[4], 32, 4, 8), "bn2": _bn(32),
        "conv3": _conv(ks[5], 32, 1, 32), "bn3": _bn(32),
        "conv4": _conv(ks[6], 64, 1, 32), "bn4": _bn(32),
        "conv5": _conv(ks[7], 64, 1, 2),
    }
    return {"data": data, "aj": aj, "params": params}


def _apply_lin(p, x):
    return x @ p["W"].T + p["b"]


def _transformer_conv(p, x, src, dst, heads, d_head, n):
    # PyG TransformerConv (beta=False, root_weight=True, concat=True, eval mode -> no dropout)
    q = _apply_lin(p["q"], x).reshape(n, heads, d_head)
    k = _apply_lin(p["k"], x).reshape(n, heads, d_head)
    v = _apply_lin(p["v"], x).reshape(n, heads, d_head)
    alpha = jnp.sum(q[dst] * k[src], axis=-1) / np.sqrt(d_head).astype(np.float32)  # [E, heads]
    amax = jax.ops.segment_max(alpha, dst, num_segments=n)
    amax = jax.lax.stop_gradient(jnp.where(jnp.isfinite(amax), amax, 0.0))
    ex = jnp.exp(alpha - amax[dst])
    denom = jax.ops.segment_sum(ex, dst, num_segments=n)
    a = ex / (denom[dst] + 1e-16)
    out = jax.ops.segment_sum(v[src] * a[:, :, None], dst, num_segments=n)
    out = out.reshape(n, heads * d_head)
    return out + _apply_lin(p["skip"], x)


def _batchnorm(p, x):
    mean = jnp.mean(x, axis=0)
    var = jnp.var(x, axis=0)
    return (x - mean) * jax.lax.rsqrt(var + 1e-5) * p["gamma"] + p["beta"]


def _forward(data, aj, params):
    src = aj[0]
    dst = aj[1]
    n = data.shape[0]
    x = _apply_lin(params["fc"], data)  # Conv1d(enc_in, 32, kernel=1) == pointwise linear
    x1 = jax.nn.relu(_batchnorm(params["bn1"], _transformer_conv(params["conv1"], x, src, dst, 4, 8, n)))
    x2 = jax.nn.relu(_batchnorm(params["bn2"], _transformer_conv(params["conv2"], x1, src, dst, 4, 8, n)))
    x3 = jax.nn.relu(_batchnorm(params["bn3"], _transformer_conv(params["conv3"], x2, src, dst, 1, 32, n)))
    x4 = jax.nn.relu(_batchnorm(params["bn4"], _transformer_conv(params["conv4"], jnp.concatenate([x1, x3], axis=-1), src, dst, 1, 32, n)))
    x5 = _transformer_conv(params["conv5"], jnp.concatenate([x2, x4], axis=-1), src, dst, 1, 2, n)
    return jax.nn.softmax(x5, axis=-1)


def reference(data, aj, params):
    return _forward(data, aj, params)

if __name__ == "__main__":
    import jax
    _d = setup_inputs()
    print(jax.jit(kernel)(*tuple(_d.values())))

</pallas_src>

<mosaic_0001>
#map = affine_map<(d0, d1) -> (0, 0)>
#map1 = affine_map<(d0, d1) -> (0)>
module attributes {stable_mosaic.version = 14 : i64} {
  func.func @_edge_kernel_body(%arg0: i32, %arg1: i32, %arg2: memref<10000x128xf32, #tpu.memory_space<hbm>>, %arg3: memref<10000x128xf32, #tpu.memory_space<hbm>>, %arg4: memref<320000xi32, #tpu.memory_space<hbm>>, %arg5: memref<320000xi32, #tpu.memory_space<hbm>>, %arg6: memref<10496x128xf32, #tpu.memory_space<hbm>>, %arg7: memref<200xi32, #tpu.memory_space<vmem>>, %arg8: memref<200xi32, #tpu.memory_space<vmem>>, %arg9: memref<200xi32, #tpu.memory_space<vmem>>, %arg10: memref<200x128xf32, #tpu.memory_space<vmem>>, %arg11: memref<200x128xf32, #tpu.memory_space<vmem>>, %arg12: memref<200x128xf32, #tpu.memory_space<vmem>>, %arg13: memref<8x32xf32, #tpu.memory_space<vmem>>, %arg14: memref<5248x128xf32, #tpu.memory_space<vmem_shared>>, %arg15: memref<!tpu.dma_semaphore, #tpu.memory_space<semaphore_mem>>) attributes {dimension_semantics = [#tpu.dimension_semantics<core_parallel>, #tpu.dimension_semantics<subcore_parallel>], iteration_bounds = array<i64: 2, 16>, scalar_prefetch = 0 : i64, scratch_operands = 9 : i64, tpu.core_type = #tpu.core_type<sc_vector_subcore>, window_params = [{transform_indices = #map}, {transform_indices = #map}, {transform_indices = #map1}, {transform_indices = #map1}, {transform_indices = #map}]} {
    %broadcast_in_dim3A = arith.constant 0.000000e+00 : f32
    %broadcast_in_dim3A_0 = vector.broadcast %broadcast_in_dim3A : f32 to vector<16xf32>
    %scan3A = arith.constant 0 : i32
    %scan3A_1 = arith.constant 0 : i32
    %scan3A_2 = arith.constant 200 : i32
    %scan3A_3 = arith.addi %scan3A_1, %scan3A_2 : i32
    %scan3A_4 = arith.constant 1 : i32
    %scan3A_5 = scf.for %scan3A_63 = %scan3A_1 to %scan3A_3 step %scan3A_4 iter_args(%scan3A_64 = %scan3A) -> (i32)  : i32 {
      %swap3A_65 = arith.index_cast %scan3A_63 : i32 to index
      %swap3A_66 = arith.constant 0 : index
      %swap3A_67 = tpu.vector_load %arg12[%swap3A_65, %swap3A_66] {strides = array<i32>} : memref<200x128xf32, #tpu.memory_space<vmem>>, vector<1x16xf32>,
      %swap3A_68 = vector.shape_cast %swap3A_67 : vector<1x16xf32> to vector<16xf32>
      %swap3A_69 = vector.shape_cast %broadcast_in_dim3A_0 : vector<16xf32> to vector<1x16xf32>
      tpu.vector_store %arg12[%swap3A_65, %swap3A_66], %swap3A_69 {strides = array<i32>} : memref<200x128xf32, #tpu.memory_space<vmem>>, vector<1x16xf32>,
      %swap3A_70 = arith.index_cast %scan3A_63 : i32 to index
      %swap3A_71 = arith.constant 16 : index
      %swap3A_72 = tpu.vector_load %arg12[%swap3A_70, %swap3A_71] {strides = array<i32>} : memref<200x128xf32, #tpu.memory_space<vmem>>, vector<1x16xf32>,
      %swap3A_73 = vector.shape_cast %swap3A_72 : vector<1x16xf32> to vector<16xf32>
      %swap3A_74 = vector.shape_cast %broadcast_in_dim3A_0 : vector<16xf32> to vector<1x16xf32>
      tpu.vector_store %arg12[%swap3A_70, %swap3A_71], %swap3A_74 {strides = array<i32>} : memref<200x128xf32, #tpu.memory_space<vmem>>, vector<1x16xf32>,
      %swap3A_75 = arith.index_cast %scan3A_63 : i32 to index
      %swap3A_76 = arith.constant 32 : index
      %swap3A_77 = tpu.vector_load %arg12[%swap3A_75, %swap3A_76] {strides = array<i32>} : memref<200x128xf32, #tpu.memory_space<vmem>>, vector<1x16xf32>,
      %swap3A_78 = vector.shape_cast %swap3A_77 : vector<1x16xf32> to vector<16xf32>
      %swap3A_79 = vector.shape_cast %broadcast_in_dim3A_0 : vector<16xf32> to vector<1x16xf32>
      tpu.vector_store %arg12[%swap3A_75, %swap3A_76], %swap3A_79 {strides = array<i32>} : memref<200x128xf32, #tpu.memory_space<vmem>>, vector<1x16xf32>,
      %swap3A_80 = arith.index_cast %scan3A_63 : i32 to index
      %swap3A_81 = arith.constant 48 : index
      %swap3A_82 = tpu.vector_load %arg12[%swap3A_80, %swap3A_81] {strides = array<i32>} : memref<200x128xf32, #tpu.memory_space<vmem>>, vector<1x16xf32>,
      %swap3A_83 = vector.shape_cast %swap3A_82 : vector<1x16xf32> to vector<16xf32>
      %swap3A_84 = vector.shape_cast %broadcast_in_dim3A_0 : vector<16xf32> to vector<1x16xf32>
      tpu.vector_store %arg12[%swap3A_80, %swap3A_81], %swap3A_84 {strides = array<i32>} : memref<200x128xf32, #tpu.memory_space<vmem>>, vector<1x16xf32>,
      %swap3A_85 = arith.index_cast %scan3A_63 : i32 to index
      %swap3A_86 = arith.constant 64 : index
      %swap3A_87 = tpu.vector_load %arg12[%swap3A_85, %swap3A_86] {strides = array<i32>} : memref<200x128xf32, #tpu.memory_space<vmem>>, vector<1x16xf32>,
      %swap3A_88 = vector.shape_cast %swap3A_87 : vector<1x16xf32> to vector<16xf32>
      %swap3A_89 = vector.shape_cast %broadcast_in_dim3A_0 : vector<16xf32> to vector<1x16xf32>
      tpu.vector_store %arg12[%swap3A_85, %swap3A_86], %swap3A_89 {strides = array<i32>} : memref<200x128xf32, #tpu.memory_space<vmem>>, vector<1x16xf32>,
      %swap3A_90 = arith.index_cast %scan3A_63 : i32 to index
      %swap3A_91 = arith.constant 80 : index
      %swap3A_92 = tpu.vector_load %arg12[%swap3A_90, %swap3A_91] {strides = array<i32>} : memref<200x128xf32, #tpu.memory_space<vmem>>, vector<1x16xf32>,
      %swap3A_93 = vector.shape_cast %swap3A_92 : vector<1x16xf32> to vector<16xf32>
      %swap3A_94 = vector.shape_cast %broadcast_in_dim3A_0 : vector<16xf32> to vector<1x16xf32>
      tpu.vector_store %arg12[%swap3A_90, %swap3A_91], %swap3A_94 {strides = array<i32>} : memref<200x128xf32, #tpu.memory_space<vmem>>, vector<1x16xf32>,
      %swap3A_95 = arith.index_cast %scan3A_63 : i32 to index
      %swap3A_96 = arith.constant 96 : index
      %swap3A_97 = tpu.vector_load %arg12[%swap3A_95, %swap3A_96] {strides = array<i32>} : memref<200x128xf32, #tpu.memory_space<vmem>>, vector<1x16xf32>,
      %swap3A_98 = vector.shape_cast %swap3A_97 : vector<1x16xf32> to vector<16xf32>
      %swap3A_99 = vector.shape_cast %broadcast_in_dim3A_0 : vector<16xf32> to vector<1x16xf32>
      tpu.vector_store %arg12[%swap3A_95, %swap3A_96], %swap3A_99 {strides = array<i32>} : memref<200x128xf32, #tpu.memory_space<vmem>>, vector<1x16xf32>,
      %swap3A_100 = arith.index_cast %scan3A_63 : i32 to index
      %swap3A_101 = arith.constant 112 : index
      %swap3A_102 = tpu.vector_load %arg12[%swap3A_100, %swap3A_101] {strides = array<i32>} : memref<200x128xf32, #tpu.memory_space<vmem>>, vector<1x16xf32>,
      %swap3A_103 = vector.shape_cast %swap3A_102 : vector<1x16xf32> to vector<16xf32>
      %swap3A_104 = vector.shape_cast %broadcast_in_dim3A_0 : vector<16xf32> to vector<1x16xf32>
      tpu.vector_store %arg12[%swap3A_100, %swap3A_101], %swap3A_104 {strides = array<i32>} : memref<200x128xf32, #tpu.memory_space<vmem>>, vector<1x16xf32>,
      %scan3A_105 = arith.constant 0 : i32
      scf.yield %scan3A_105 : i32
    }
    %scan3A_6 = arith.constant 200 : i32
    %swap3A = arith.constant 0 : i32
    %swap3A_7 = arith.index_cast %swap3A : i32 to index
    %swap3A_8 = arith.constant 0 : index
    %swap3A_9 = tpu.vector_load %arg13[%swap3A_7, %swap3A_8] {strides = array<i32>} : memref<8x32xf32, #tpu.memory_space<vmem>>, vector<1x16xf32>,
    %swap3A_10 = vector.shape_cast %swap3A_9 : vector<1x16xf32> to vector<16xf32>
    %swap3A_11 = vector.shape_cast %broadcast_in_dim3A_0 : vector<16xf32> to vector<1x16xf32>
    tpu.vector_store %arg13[%swap3A_7, %swap3A_8], %swap3A_11 {strides = array<i32>} : memref<8x32xf32, #tpu.memory_space<vmem>>, vector<1x16xf32>,
    %swap3A_12 = arith.constant 0 : i32
    %swap3A_13 = arith.index_cast %swap3A_12 : i32 to index
    %swap3A_14 = arith.constant 16 : index
    %swap3A_15 = tpu.vector_load %arg13[%swap3A_13, %swap3A_14] {strides = array<i32>} : memref<8x32xf32, #tpu.memory_space<vmem>>, vector<1x16xf32>,
    %swap3A_16 = vector.shape_cast %swap3A_15 : vector<1x16xf32> to vector<16xf32>
    %swap3A_17 = vector.shape_cast %broadcast_in_dim3A_0 : vector<16xf32> to vector<1x16xf32>
    tpu.vector_store %arg13[%swap3A_13, %swap3A_14], %swap3A_17 {strides = array<i32>} : memref<8x32xf32, #tpu.memory_space<vmem>>, vector<1x16xf32>,
    %swap3A_18 = arith.constant 4 : i32
    %swap3A_19 = arith.index_cast %swap3A_18 : i32 to index
    %swap3A_20 = arith.constant 0 : index
    %swap3A_21 = tpu.vector_load %arg13[%swap3A_19, %swap3A_20] {strides = array<i32>} : memref<8x32xf32, #tpu.memory_space<vmem>>, vector<1x16xf32>,
    %swap3A_22 = vector.shape_cast %swap3A_21 : vector<1x16xf32> to vector<16xf32>
    %swap3A_23 = vector.shape_cast %broadcast_in_dim3A_0 : vector<16xf32> to vector<1x16xf32>
    tpu.vector_store %arg13[%swap3A_19, %swap3A_20], %swap3A_23 {strides = array<i32>} : memref<8x32xf32, #tpu.memory_space<vmem>>, vector<1x16xf32>,
    %swap3A_24 = arith.constant 4 : i32
    %swap3A_25 = arith.index_cast %swap3A_24 : i32 to index
    %swap3A_26 = arith.constant 16 : index
    %swap3A_27 = tpu.vector_load %arg13[%swap3A_25, %swap3A_26] {strides = array<i32>} : memref<8x32xf32, #tpu.memory_space<vmem>>, vector<1x16xf32>,
    %swap3A_28 = vector.shape_cast %swap3A_27 : vector<1x16xf32> to vector<16xf32>
    %swap3A_29 = vector.shape_cast %broadcast_in_dim3A_0 : vector<16xf32> to vector<1x16xf32>
    tpu.vector_store %arg13[%swap3A_25, %swap3A_26], %swap3A_29 {strides = array<i32>} : memref<8x32xf32, #tpu.memory_space<vmem>>, vector<1x16xf32>,
    %mul3A = arith.constant 328 : i32
    %mul3A_30 = arith.muli %arg1, %mul3A : i32
    %add3A = arith.constant 0 : i32
    %add3A_31 = arith.addi %mul3A_30, %add3A : i32
    "tpu.region"() ({
      %run_scoped3A = tpu.sem_alloc : memref<!tpu.dma_semaphore, #tpu.memory_space<semaphore_mem>>
      %dma_start3A = arith.constant 0 : i32
      %dma_start3A_63 = arith.constant 0 : i32
      %dma_start3A_64 = tpu.memref_slice %arg12[%dma_start3A, %dma_start3A_63] : memref<200x128xf32, #tpu.memory_space<vmem>> -> memref<96x128xf32, #tpu.memory_space<vmem>>
      %dma_start3A_65 = arith.constant 0 : i32
      %dma_start3A_66 = tpu.memref_slice %arg14[%add3A_31, %dma_start3A_65] : memref<5248x128xf32, #tpu.memory_space<vmem_shared>> -> memref<96x128xf32, #tpu.memory_space<vmem_shared>>
      %dma_start3A_67 = arith.constant 0 : i32
      %dma_start3A_68 = tpu.memref_slice %arg14[%add3A_31, %dma_start3A_67] : memref<5248x128xf32, #tpu.memory_space<vmem_shared>> -> memref<96x128xf32, #tpu.memory_space<vmem_shared>>
      %dma_start3A_69 = arith.constant 0 : i32
      %dma_start3A_70 = arith.constant 0 : i32
      %dma_start3A_71 = tpu.memref_slice %arg12[%dma_start3A_69, %dma_start3A_70] : memref<200x128xf32, #tpu.memory_space<vmem>> -> memref<96x128xf32, #tpu.memory_space<vmem>>
      tpu.enqueue_dma source(%dma_start3A_71 : memref<96x128xf32, #tpu.memory_space<vmem>>) target(%dma_start3A_68 : memref<96x128xf32, #tpu.memory_space<vmem_shared>>) target_semaphore(%run_scoped3A : memref<!tpu.dma_semaphore, #tpu.memory_space<semaphore_mem>>)
      %dma_wait3A = arith.constant 0 : i32
      %dma_wait3A_72 = arith.constant 0 : i32
      %dma_wait3A_73 = tpu.memref_slice %arg12[%dma_wait3A, %dma_wait3A_72] : memref<200x128xf32, #tpu.memory_space<vmem>> -> memref<96x128xf32, #tpu.memory_space<vmem>>
      %dma_wait3A_74 = arith.constant 0 : i32
      %dma_wait3A_75 = tpu.memref_slice %arg14[%add3A_31, %dma_wait3A_74] : memref<5248x128xf32, #tpu.memory_space<vmem_shared>> -> memref<96x128xf32, #tpu.memory_space<vmem_shared>>
      %dma_wait3A_76 = arith.constant 0 : i32
      %dma_wait3A_77 = tpu.memref_slice %arg14[%add3A_31, %dma_wait3A_76] : memref<5248x128xf32, #tpu.memory_space<vmem_shared>> -> memref<96x128xf32, #tpu.memory_space<vmem_shared>>
      %dma_wait3A_78 = arith.constant 0 : i32
      %dma_wait3A_79 = arith.constant 0 : i32
      %dma_wait3A_80 = tpu.memref_slice %arg12[%dma_wait3A_78, %dma_wait3A_79] : memref<200x128xf32, #tpu.memory_space<vmem>> -> memref<96x128xf32, #tpu.memory_space<vmem>>
      tpu.wait_dma2 semaphore(%run_scoped3A : memref<!tpu.dma_semaphore, #tpu.memory_space<semaphore_mem>>) src(%dma_wait3A_80 : memref<96x128xf32, #tpu.memory_space<vmem>>) dst(%dma_wait3A_77 : memref<96x128xf32, #tpu.memory_space<vmem_shared>>)
      tpu.yield
    }) : () -> ()
    %mul3A_32 = arith.constant 328 : i32
    %mul3A_33 = arith.muli %arg1, %mul3A_32 : i32
    %add3A_34 = arith.constant 96 : i32
    %add3A_35 = arith.addi %mul3A_33, %add3A_34 : i32
    "tpu.region"() ({
      %run_scoped3A = tpu.sem_alloc : memref<!tpu.dma_semaphore, #tpu.memory_space<semaphore_mem>>
      %dma_start3A = arith.constant 0 : i32
      %dma_start3A_63 = arith.constant 0 : i32
      %dma_start3A_64 = tpu.memref_slice %arg12[%dma_start3A, %dma_start3A_63] : memref<200x128xf32, #tpu.memory_space<vmem>> -> memref<96x128xf32, #tpu.memory_space<vmem>>
      %dma_start3A_65 = arith.constant 0 : i32
      %dma_start3A_66 = tpu.memref_slice %arg14[%add3A_35, %dma_start3A_65] : memref<5248x128xf32, #tpu.memory_space<vmem_shared>> -> memref<96x128xf32, #tpu.memory_space<vmem_shared>>
      %dma_start3A_67 = arith.constant 0 : i32
      %dma_start3A_68 = tpu.memref_slice %arg14[%add3A_35, %dma_start3A_67] : memref<5248x128xf32, #tpu.memory_space<vmem_shared>> -> memref<96x128xf32, #tpu.memory_space<vmem_shared>>
      %dma_start3A_69 = arith.constant 0 : i32
      %dma_start3A_70 = arith.constant 0 : i32
      %dma_start3A_71 = tpu.memref_slice %arg12[%dma_start3A_69, %dma_start3A_70] : memref<200x128xf32, #tpu.memory_space<vmem>> -> memref<96x128xf32, #tpu.memory_space<vmem>>
      tpu.enqueue_dma source(%dma_start3A_71 : memref<96x128xf32, #tpu.memory_space<vmem>>) target(%dma_start3A_68 : memref<96x128xf32, #tpu.memory_space<vmem_shared>>) target_semaphore(%run_scoped3A : memref<!tpu.dma_semaphore, #tpu.memory_space<semaphore_mem>>)
      %dma_wait3A = arith.constant 0 : i32
      %dma_wait3A_72 = arith.constant 0 : i32
      %dma_wait3A_73 = tpu.memref_slice %arg12[%dma_wait3A, %dma_wait3A_72] : memref<200x128xf32, #tpu.memory_space<vmem>> -> memref<96x128xf32, #tpu.memory_space<vmem>>
      %dma_wait3A_74 = arith.constant 0 : i32
      %dma_wait3A_75 = tpu.memref_slice %arg14[%add3A_35, %dma_wait3A_74] : memref<5248x128xf32, #tpu.memory_space<vmem_shared>> -> memref<96x128xf32, #tpu.memory_space<vmem_shared>>
      %dma_wait3A_76 = arith.constant 0 : i32
      %dma_wait3A_77 = tpu.memref_slice %arg14[%add3A_35, %dma_wait3A_76] : memref<5248x128xf32, #tpu.memory_space<vmem_shared>> -> memref<96x128xf32, #tpu.memory_space<vmem_shared>>
      %dma_wait3A_78 = arith.constant 0 : i32
      %dma_wait3A_79 = arith.constant 0 : i32
      %dma_wait3A_80 = tpu.memref_slice %arg12[%dma_wait3A_78, %dma_wait3A_79] : memref<200x128xf32, #tpu.memory_space<vmem>> -> memref<96x128xf32, #tpu.memory_space<vmem>>
      tpu.wait_dma2 semaphore(%run_scoped3A : memref<!tpu.dma_semaphore, #tpu.memory_space<semaphore_mem>>) src(%dma_wait3A_80 : memref<96x128xf32, #tpu.memory_space<vmem>>) dst(%dma_wait3A_77 : memref<96x128xf32, #tpu.memory_space<vmem_shared>>)
      tpu.yield
    }) : () -> ()
    %mul3A_36 = arith.constant 328 : i32
    %mul3A_37 = arith.muli %arg1, %mul3A_36 : i32
    %add3A_38 = arith.constant 192 : i32
    %add3A_39 = arith.addi %mul3A_37, %add3A_38 : i32
    "tpu.region"() ({
      %run_scoped3A = tpu.sem_alloc : memref<!tpu.dma_semaphore, #tpu.memory_space<semaphore_mem>>
      %dma_start3A = arith.constant 0 : i32
      %dma_start3A_63 = arith.constant 0 : i32
      %dma_start3A_64 = tpu.memref_slice %arg12[%dma_start3A, %dma_start3A_63] : memref<200x128xf32, #tpu.memory_space<vmem>> -> memref<96x128xf32, #tpu.memory_space<vmem>>
      %dma_start3A_65 = arith.constant 0 : i32
      %dma_start3A_66 = tpu.memref_slice %arg14[%add3A_39, %dma_start3A_65] : memref<5248x128xf32, #tpu.memory_space<vmem_shared>> -> memref<96x128xf32, #tpu.memory_space<vmem_shared>>
      %dma_start3A_67 = arith.constant 0 : i32
      %dma_start3A_68 = tpu.memref_slice %arg14[%add3A_39, %dma_start3A_67] : memref<5248x128xf32, #tpu.memory_space<vmem_shared>> -> memref<96x128xf32, #tpu.memory_space<vmem_shared>>
      %dma_start3A_69 = arith.constant 0 : i32
      %dma_start3A_70 = arith.constant 0 : i32
      %dma_start3A_71 = tpu.memref_slice %arg12[%dma_start3A_69, %dma_start3A_70] : memref<200x128xf32, #tpu.memory_space<vmem>> -> memref<96x128xf32, #tpu.memory_space<vmem>>
      tpu.enqueue_dma source(%dma_start3A_71 : memref<96x128xf32, #tpu.memory_space<vmem>>) target(%dma_start3A_68 : memref<96x128xf32, #tpu.memory_space<vmem_shared>>) target_semaphore(%run_scoped3A : memref<!tpu.dma_semaphore, #tpu.memory_space<semaphore_mem>>)
      %dma_wait3A = arith.constant 0 : i32
      %dma_wait3A_72 = arith.constant 0 : i32
      %dma_wait3A_73 = tpu.memref_slice %arg12[%dma_wait3A, %dma_wait3A_72] : memref<200x128xf32, #tpu.memory_space<vmem>> -> memref<96x128xf32, #tpu.memory_space<vmem>>
      %dma_wait3A_74 = arith.constant 0 : i32
      %dma_wait3A_75 = tpu.memref_slice %arg14[%add3A_39, %dma_wait3A_74] : memref<5248x128xf32, #tpu.memory_space<vmem_shared>> -> memref<96x128xf32, #tpu.memory_space<vmem_shared>>
      %dma_wait3A_76 = arith.constant 0 : i32
      %dma_wait3A_77 = tpu.memref_slice %arg14[%add3A_39, %dma_wait3A_76] : memref<5248x128xf32, #tpu.memory_space<vmem_shared>> -> memref<96x128xf32, #tpu.memory_space<vmem_shared>>
      %dma_wait3A_78 = arith.constant 0 : i32
      %dma_wait3A_79 = arith.constant 0 : i32
      %dma_wait3A_80 = tpu.memref_slice %arg12[%dma_wait3A_78, %dma_wait3A_79] : memref<200x128xf32, #tpu.memory_space<vmem>> -> memref<96x128xf32, #tpu.memory_space<vmem>>
      tpu.wait_dma2 semaphore(%run_scoped3A : memref<!tpu.dma_semaphore, #tpu.memory_space<semaphore_mem>>) src(%dma_wait3A_80 : memref<96x128xf32, #tpu.memory_space<vmem>>) dst(%dma_wait3A_77 : memref<96x128xf32, #tpu.memory_space<vmem_shared>>)
      tpu.yield
    }) : () -> ()
    %mul3A_40 = arith.constant 328 : i32
    %mul3A_41 = arith.muli %arg1, %mul3A_40 : i32
    %add3A_42 = arith.constant 288 : i32
    %add3A_43 = arith.addi %mul3A_41, %add3A_42 : i32
    "tpu.region"() ({
      %run_scoped3A = tpu.sem_alloc : memref<!tpu.dma_semaphore, #tpu.memory_space<semaphore_mem>>
      %dma_start3A = arith.constant 0 : i32
      %dma_start3A_63 = arith.constant 0 : i32
      %dma_start3A_64 = tpu.memref_slice %arg12[%dma_start3A, %dma_start3A_63] : memref<200x128xf32, #tpu.memory_space<vmem>> -> memref<40x128xf32, #tpu.memory_space<vmem>>
      %dma_start3A_65 = arith.constant 0 : i32
      %dma_start3A_66 = tpu.memref_slice %arg14[%add3A_43, %dma_start3A_65] : memref<5248x128xf32, #tpu.memory_space<vmem_shared>> -> memref<40x128xf32, #tpu.memory_space<vmem_shared>>
      %dma_start3A_67 = arith.constant 0 : i32
      %dma_start3A_68 = tpu.memref_slice %arg14[%add3A_43, %dma_start3A_67] : memref<5248x128xf32, #tpu.memory_space<vmem_shared>> -> memref<40x128xf32, #tpu.memory_space<vmem_shared>>
      %dma_start3A_69 = arith.constant 0 : i32
      %dma_start3A_70 = arith.constant 0 : i32
      %dma_start3A_71 = tpu.memref_slice %arg12[%dma_start3A_69, %dma_start3A_70] : memref<200x128xf32, #tpu.memory_space<vmem>> -> memref<40x128xf32, #tpu.memory_space<vmem>>
      tpu.enqueue_dma source(%dma_start3A_71 : memref<40x128xf32, #tpu.memory_space<vmem>>) target(%dma_start3A_68 : memref<40x128xf32, #tpu.memory_space<vmem_shared>>) target_semaphore(%run_scoped3A : memref<!tpu.dma_semaphore, #tpu.memory_space<semaphore_mem>>)
      %dma_wait3A = arith.constant 0 : i32
      %dma_wait3A_72 = arith.constant 0 : i32
      %dma_wait3A_73 = tpu.memref_slice %arg12[%dma_wait3A, %dma_wait3A_72] : memref<200x128xf32, #tpu.memory_space<vmem>> -> memref<40x128xf32, #tpu.memory_space<vmem>>
      %dma_wait3A_74 = arith.constant 0 : i32
      %dma_wait3A_75 = tpu.memref_slice %arg14[%add3A_43, %dma_wait3A_74] : memref<5248x128xf32, #tpu.memory_space<vmem_shared>> -> memref<40x128xf32, #tpu.memory_space<vmem_shared>>
      %dma_wait3A_76 = arith.constant 0 : i32
      %dma_wait3A_77 = tpu.memref_slice %arg14[%add3A_43, %dma_wait3A_76] : memref<5248x128xf32, #tpu.memory_space<vmem_shared>> -> memref<40x128xf32, #tpu.memory_space<vmem_shared>>
      %dma_wait3A_78 = arith.constant 0 : i32
      %dma_wait3A_79 = arith.constant 0 : i32
      %dma_wait3A_80 = tpu.memref_slice %arg12[%dma_wait3A_78, %dma_wait3A_79] : memref<200x128xf32, #tpu.memory_space<vmem>> -> memref<40x128xf32, #tpu.memory_space<vmem>>
      tpu.wait_dma2 semaphore(%run_scoped3A : memref<!tpu.dma_semaphore, #tpu.memory_space<semaphore_mem>>) src(%dma_wait3A_80 : memref<40x128xf32, #tpu.memory_space<vmem>>) dst(%dma_wait3A_77 : memref<40x128xf32, #tpu.memory_space<vmem_shared>>)
      tpu.yield
    }) : () -> ()
    %barrier3A = arith.constant 0 : index
    tpu.barrier barrier_id(%barrier3A)
    %mul3A_44 = arith.constant 20000 : i32
    %mul3A_45 = arith.muli %arg1, %mul3A_44 : i32
    %mul3A_46 = arith.constant 5120 : i32
    %mul3A_47 = arith.muli %arg0, %mul3A_46 : i32
    %iota3A = tpu.iota {dimensions = array<i32: 0>} : vector<16xi32>
    %scan3A_48 = arith.constant 0 : i32
    %scan3A_49 = arith.constant 0 : i32
    %scan3A_50 = arith.constant 100 : i32
    %scan3A_51 = arith.addi %scan3A_49, %scan3A_50 : i32
    %scan3A_52 = arith.constant 1 : i32
    %scan3A_53 = scf.for %scan3A_63 = %scan3A_49 to %scan3A_51 step %scan3A_52 iter_args(%scan3A_64 = %scan3A_48) -> (i32)  : i32 {
      %mul3A_65 = arith.constant 200 : i32
      %mul3A_66 = arith.muli %scan3A_63, %mul3A_65 : i32
      %add3A_67 = arith.addi %mul3A_45, %mul3A_66 : i32
      "tpu.region"() ({
        %run_scoped3A = tpu.sem_alloc : memref<!tpu.dma_semaphore, #tpu.memory_space<semaphore_mem>>
        %dma_start3A_93 = tpu.memref_slice %arg4[%add3A_67] : memref<320000xi32, #tpu.memory_space<hbm>> -> memref<200xi32, #tpu.memory_space<hbm>>
        %dma_start3A_94 = tpu.memref_slice %arg4[%add3A_67] : memref<320000xi32, #tpu.memory_space<hbm>> -> memref<200xi32, #tpu.memory_space<hbm>>
        tpu.enqueue_dma source(%dma_start3A_94 : memref<200xi32, #tpu.memory_space<hbm>>) target(%arg7 : memref<200xi32, #tpu.memory_space<vmem>>) target_semaphore(%run_scoped3A : memref<!tpu.dma_semaphore, #tpu.memory_space<semaphore_mem>>)
        %dma_wait3A_95 = tpu.memref_slice %arg4[%add3A_67] : memref<320000xi32, #tpu.memory_space<hbm>> -> memref<200xi32, #tpu.memory_space<hbm>>
        %dma_wait3A_96 = tpu.memref_slice %arg4[%add3A_67] : memref<320000xi32, #tpu.memory_space<hbm>> -> memref<200xi32, #tpu.memory_space<hbm>>
        tpu.wait_dma2 semaphore(%run_scoped3A : memref<!tpu.dma_semaphore, #tpu.memory_space<semaphore_mem>>) src(%dma_wait3A_96 : memref<200xi32, #tpu.memory_space<hbm>>) dst(%arg7 : memref<200xi32, #tpu.memory_space<vmem>>)
        tpu.yield
      }) : () -> ()
      "tpu.region"() ({
        %run_scoped3A = tpu.sem_alloc : memref<!tpu.dma_semaphore, #tpu.memory_space<semaphore_mem>>
        %dma_start3A_93 = tpu.memref_slice %arg5[%add3A_67] : memref<320000xi32, #tpu.memory_space<hbm>> -> memref<200xi32, #tpu.memory_space<hbm>>
        %dma_start3A_94 = tpu.memref_slice %arg5[%add3A_67] : memref<320000xi32, #tpu.memory_space<hbm>> -> memref<200xi32, #tpu.memory_space<hbm>>
        tpu.enqueue_dma source(%dma_start3A_94 : memref<200xi32, #tpu.memory_space<hbm>>) target(%arg8 : memref<200xi32, #tpu.memory_space<vmem>>) target_semaphore(%run_scoped3A : memref<!tpu.dma_semaphore, #tpu.memory_space<semaphore_mem>>)
        %dma_wait3A_95 = tpu.memref_slice %arg5[%add3A_67] : memref<320000xi32, #tpu.memory_space<hbm>> -> memref<200xi32, #tpu.memory_space<hbm>>
        %dma_wait3A_96 = tpu.memref_slice %arg5[%add3A_67] : memref<320000xi32, #tpu.memory_space<hbm>> -> memref<200xi32, #tpu.memory_space<hbm>>
        tpu.wait_dma2 semaphore(%run_scoped3A : memref<!tpu.dma_semaphore, #tpu.memory_space<semaphore_mem>>) src(%dma_wait3A_96 : memref<200xi32, #tpu.memory_space<hbm>>) dst(%arg8 : memref<200xi32, #tpu.memory_space<vmem>>)
        tpu.yield
      }) : () -> ()
      %scan3A_68 = arith.constant 0 : i32
      %scan3A_69 = arith.constant 0 : i32
      %scan3A_70 = arith.constant 13 : i32
      %scan3A_71 = arith.addi %scan3A_69, %scan3A_70 : i32
      %scan3A_72 = arith.constant 1 : i32
      %scan3A_73 = scf.for %scan3A_93 = %scan3A_69 to %scan3A_71 step %scan3A_72 iter_args(%scan3A_94 = %scan3A_68) -> (i32)  : i32 {
        %mul3A_95 = arith.constant 16 : i32
        %mul3A_96 = arith.muli %scan3A_93, %mul3A_95 : i32
        %min3A = arith.constant 184 : i32
        %min3A_97 = arith.minsi %mul3A_96, %min3A : i32
        %get3A = arith.index_cast %min3A_97 : i32 to index
        %get3A_98 = tpu.vector_load %arg8[%get3A] {strides = array<i32>} : memref<200xi32, #tpu.memory_space<vmem>>, vector<16xi32>,
        %get3A_99 = vector.shape_cast %get3A_98 : vector<16xi32> to vector<16xi32>
        %sub3A = vector.broadcast %mul3A_47 : i32 to vector<16xi32>
        %sub3A_100 = arith.subi %get3A_99, %sub3A : vector<16xi32>
        %ge3A = arith.constant 0 : i32
        %ge3A_101 = vector.broadcast %ge3A : i32 to vector<16xi32>
        %ge3A_102 = arith.cmpi sge, %sub3A_100, %ge3A_101 : vector<16xi32>
        %lt3A = arith.constant 5120 : i32
        %lt3A_103 = vector.broadcast %lt3A : i32 to vector<16xi32>
        %lt3A_104 = arith.cmpi slt, %sub3A_100, %lt3A_103 : vector<16xi32>
        %and3A = arith.andi %ge3A_102, %lt3A_104 : vector<16xi1>
        %broadcast_in_dim3A_105 = arith.constant 5247 : i32
        %broadcast_in_dim3A_106 = vector.broadcast %broadcast_in_dim3A_105 : i32 to vector<16xi32>
        %select_n3A = arith.select %and3A, %sub3A_100, %broadcast_in_dim3A_106 : vector<16xi1>, vector<16xi32>
        %swap3A_107 = arith.index_cast %min3A_97 : i32 to index
        %swap3A_108 = tpu.vector_load %arg9[%swap3A_107] {strides = array<i32>} : memref<200xi32, #tpu.memory_space<vmem>>, vector<16xi32>,
        %swap3A_109 = vector.shape_cast %swap3A_108 : vector<16xi32> to vector<16xi32>
        %swap3A_110 = vector.shape_cast %select_n3A : vector<16xi32> to vector<16xi32>
        tpu.vector_store %arg9[%swap3A_107], %swap3A_110 {strides = array<i32>} : memref<200xi32, #tpu.memory_space<vmem>>, vector<16xi32>,
        %scan3A_111 = arith.constant 0 : i32
        scf.yield %scan3A_111 : i32
      }
      %scan3A_74 = arith.constant 13 : i32
      %dma_start3A = arith.constant 0 : i32
      %dma_start3A_75 = arith.constant 0 : i32
      %dma_start3A_76 = tpu.memref_slice %arg2[%dma_start3A, %dma_start3A_75] : memref<10000x128xf32, #tpu.memory_space<hbm>> -> memref<10000x128xf32, #tpu.memory_space<hbm>>
      tpu.enqueue_indirect_dma source(%dma_start3A_76 : memref<10000x128xf32, #tpu.memory_space<hbm>>) target(%arg10 : memref<200x128xf32, #tpu.memory_space<vmem>>) offsets(%arg8 : memref<200xi32, #tpu.memory_space<vmem>>) semaphore(%arg15 : memref<!tpu.dma_semaphore, #tpu.memory_space<semaphore_mem>>)
      %dma_wait3A = arith.constant 0 : i32
      %dma_wait3A_77 = arith.constant 0 : i32
      %dma_wait3A_78 = tpu.memref_slice %arg2[%dma_wait3A, %dma_wait3A_77] : memref<10000x128xf32, #tpu.memory_space<hbm>> -> memref<10000x128xf32, #tpu.memory_space<hbm>>
      tpu.wait_indirect_dma semaphore(%arg15 : memref<!tpu.dma_semaphore, #tpu.memory_space<semaphore_mem>>) src(%dma_wait3A_78 : memref<10000x128xf32, #tpu.memory_space<hbm>>) dst(%arg10 : memref<200x128xf32, #tpu.memory_space<vmem>>)
      %dma_start3A_79 = arith.constant 0 : i32
      %dma_start3A_80 = arith.constant 0 : i32
      %dma_start3A_81 = tpu.memref_slice %arg3[%dma_start3A_79, %dma_start3A_80] : memref<10000x128xf32, #tpu.memory_space<hbm>> -> memref<10000x128xf32, #tpu.memory_space<hbm>>
      tpu.enqueue_indirect_dma source(%dma_start3A_81 : memref<10000x128xf32, #tpu.memory_space<hbm>>) target(%arg11 : memref<200x128xf32, #tpu.memory_space<vmem>>) offsets(%arg7 : memref<200xi32, #tpu.memory_space<vmem>>) semaphore(%arg15 : memref<!tpu.dma_semaphore, #tpu.memory_space<semaphore_mem>>)
      %dma_wait3A_82 = arith.constant 0 : i32
      %dma_wait3A_83 = arith.constant 0 : i32
      %dma_wait3A_84 = tpu.memref_slice %arg3[%dma_wait3A_82, %dma_wait3A_83] : memref<10000x128xf32, #tpu.memory_space<hbm>> -> memref<10000x128xf32, #tpu.memory_space<hbm>>
      tpu.wait_indirect_dma semaphore(%arg15 : memref<!tpu.dma_semaphore, #tpu.memory_space<semaphore_mem>>) src(%dma_wait3A_84 : memref<10000x128xf32, #tpu.memory_space<hbm>>) dst(%arg11 : memref<200x128xf32, #tpu.memory_space<vmem>>)
      %scan3A_85 = arith.constant 0 : i32
      %scan3A_86 = arith.constant 0 : i32
      %scan3A_87 = arith.constant 100 : i32
      %scan3A_88 = arith.addi %scan3A_86, %scan3A_87 : i32
      %scan3A_89 = arith.constant 1 : i32
      %scan3A_90 = scf.for %scan3A_93 = %scan3A_86 to %scan3A_88 step %scan3A_89 iter_args(%scan3A_94 = %scan3A_85) -> (i32)  : i32 {
        %mul3A_95 = arith.constant 2 : i32
        %mul3A_96 = arith.muli %scan3A_93, %mul3A_95 : i32
        %get3A = arith.index_cast %mul3A_96 : i32 to index
        %get3A_97 = arith.constant 0 : index
        %get3A_98 = tpu.vector_load %arg10[%get3A, %get3A_97] {strides = array<i32>} : memref<200x128xf32, #tpu.memory_space<vmem>>, vector<1x16xf32>,
        %get3A_99 = vector.shape_cast %get3A_98 : vector<1x16xf32> to vector<16xf32>
        %get3A_100 = arith.index_cast %mul3A_96 : i32 to index
        %get3A_101 = arith.constant 0 : index
        %get3A_102 = tpu.vector_load %arg11[%get3A_100, %get3A_101] {strides = array<i32>} : memref<200x128xf32, #tpu.memory_space<vmem>>, vector<1x16xf32>,
        %get3A_103 = vector.shape_cast %get3A_102 : vector<1x16xf32> to vector<16xf32>
        %get3A_104 = arith.index_cast %mul3A_96 : i32 to index
        %get3A_105 = arith.constant 32 : index
        %get3A_106 = tpu.vector_load %arg11[%get3A_104, %get3A_105] {strides = array<i32>} : memref<200x128xf32, #tpu.memory_space<vmem>>, vector<1x16xf32>,
        %get3A_107 = vector.shape_cast %get3A_106 : vector<1x16xf32> to vector<16xf32>
        %get3A_108 = arith.index_cast %mul3A_96 : i32 to index
        %get3A_109 = arith.constant 16 : index
        %get3A_110 = tpu.vector_load %arg10[%get3A_108, %get3A_109] {strides = array<i32>} : memref<200x128xf32, #tpu.memory_space<vmem>>, vector<1x16xf32>,
        %get3A_111 = vector.shape_cast %get3A_110 : vector<1x16xf32> to vector<16xf32>
        %get3A_112 = arith.index_cast %mul3A_96 : i32 to index
        %get3A_113 = arith.constant 16 : index
        %get3A_114 = tpu.vector_load %arg11[%get3A_112, %get3A_113] {strides = array<i32>} : memref<200x128xf32, #tpu.memory_space<vmem>>, vector<1x16xf32>,
        %get3A_115 = vector.shape_cast %get3A_114 : vector<1x16xf32> to vector<16xf32>
        %get3A_116 = arith.index_cast %mul3A_96 : i32 to index
        %get3A_117 = arith.constant 48 : index
        %get3A_118 = tpu.vector_load %arg11[%get3A_116, %get3A_117] {strides = array<i32>} : memref<200x128xf32, #tpu.memory_space<vmem>>, vector<1x16xf32>,
        %get3A_119 = vector.shape_cast %get3A_118 : vector<1x16xf32> to vector<16xf32>
        %mul3A_120 = arith.mulf %get3A_99, %get3A_103 : vector<16xf32>
        %swap3A_121 = arith.constant 0 : i32
        %swap3A_122 = arith.index_cast %swap3A_121 : i32 to index
        %swap3A_123 = arith.constant 0 : index
        %swap3A_124 = tpu.vector_load %arg13[%swap3A_122, %swap3A_123] {strides = array<i32>} : memref<8x32xf32, #tpu.memory_space<vmem>>, vector<1x16xf32>,
        %swap3A_125 = vector.shape_cast %swap3A_124 : vector<1x16xf32> to vector<16xf32>
        %swap3A_126 = vector.shape_cast %mul3A_120 : vector<16xf32> to vector<1x16xf32>
        tpu.vector_store %arg13[%swap3A_122, %swap3A_123], %swap3A_126 {strides = array<i32>} : memref<8x32xf32, #tpu.memory_space<vmem>>, vector<1x16xf32>,
        %get3A_127 = arith.constant 0 : i32
        %get3A_128 = arith.index_cast %get3A_127 : i32 to index
        %get3A_129 = arith.constant 4 : index
        %get3A_130 = tpu.vector_load %arg13[%get3A_128, %get3A_129] {strides = array<i32>} : memref<8x32xf32, #tpu.memory_space<vmem>>, vector<1x16xf32>,
        %get3A_131 = vector.shape_cast %get3A_130 : vector<1x16xf32> to vector<16xf32>
        %add3A_132 = arith.addf %mul3A_120, %get3A_131 : vector<16xf32>
        %swap3A_133 = arith.constant 0 : i32
        %swap3A_134 = arith.index_cast %swap3A_133 : i32 to index
        %swap3A_135 = arith.constant 0 : index
        %swap3A_136 = tpu.vector_load %arg13[%swap3A_134, %swap3A_135] {strides = array<i32>} : memref<8x32xf32, #tpu.memory_space<vmem>>, vector<1x16xf32>,
        %swap3A_137 = vector.shape_cast %swap3A_136 : vector<1x16xf32> to vector<16xf32>
        %swap3A_138 = vector.shape_cast %add3A_132 : vector<16xf32> to vector<1x16xf32>
        tpu.vector_store %arg13[%swap3A_134, %swap3A_135], %swap3A_138 {strides = array<i32>} : memref<8x32xf32, #tpu.memory_space<vmem>>, vector<1x16xf32>,
        %get3A_139 = arith.constant 0 : i32
        %get3A_140 = arith.index_cast %get3A_139 : i32 to index
        %get3A_141 = arith.constant 2 : index
        %get3A_142 = tpu.vector_load %arg13[%get3A_140, %get3A_141] {strides = array<i32>} : memref<8x32xf32, #tpu.memory_space<vmem>>, vector<1x16xf32>,
        %get3A_143 = vector.shape_cast %get3A_142 : vector<1x16xf32> to vector<16xf32>
        %add3A_144 = arith.addf %add3A_132, %get3A_143 : vector<16xf32>
        %swap3A_145 = arith.constant 0 : i32
        %swap3A_146 = arith.index_cast %swap3A_145 : i32 to index
        %swap3A_147 = arith.constant 0 : index
        %swap3A_148 = tpu.vector_load %arg13[%swap3A_146, %swap3A_147] {strides = array<i32>} : memref<8x32xf32, #tpu.memory_space<vmem>>, vector<1x16xf32>,
        %swap3A_149 = vector.shape_cast %swap3A_148 : vector<1x16xf32> to vector<16xf32>
        %swap3A_150 = vector.shape_cast %add3A_144 : vector<16xf32> to vector<1x16xf32>
        tpu.vector_store %arg13[%swap3A_146, %swap3A_147], %swap3A_150 {strides = array<i32>} : memref<8x32xf32, #tpu.memory_space<vmem>>, vector<1x16xf32>,
        %get3A_151 = arith.constant 0 : i32
        %get3A_152 = arith.index_cast %get3A_151 : i32 to index
        %get3A_153 = arith.constant 1 : index
        %get3A_154 = tpu.vector_load %arg13[%get3A_152, %get3A_153] {strides = array<i32>} : memref<8x32xf32, #tpu.memory_space<vmem>>, vector<1x16xf32>,
        %get3A_155 = vector.shape_cast %get3A_154 : vector<1x16xf32> to vector<16xf32>
        %add3A_156 = arith.addf %add3A_144, %get3A_155 : vector<16xf32>
        %mul3A_157 = arith.mulf %get3A_111, %get3A_115 : vector<16xf32>
        %swap3A_158 = arith.constant 0 : i32
        %swap3A_159 = arith.index_cast %swap3A_158 : i32 to index
        %swap3A_160 = arith.constant 0 : index
        %swap3A_161 = tpu.vector_load %arg13[%swap3A_159, %swap3A_160] {strides = array<i32>} : memref<8x32xf32, #tpu.memory_space<vmem>>, vector<1x16xf32>,
        %swap3A_162 = vector.shape_cast %swap3A_161 : vector<1x16xf32> to vector<16xf32>
        %swap3A_163 = vector.shape_cast %mul3A_157 : vector<16xf32> to vector<1x16xf32>
        tpu.vector_store %arg13[%swap3A_159, %swap3A_160], %swap3A_163 {strides = array<i32>} : memref<8x32xf32, #tpu.memory_space<vmem>>, vector<1x16xf32>,
        %get3A_164 = arith.constant 0 : i32
        %get3A_165 = arith.index_cast %get3A_164 : i32 to index
        %get3A_166 = arith.constant 4 : index
        %get3A_167 = tpu.vector_load %arg13[%get3A_165, %get3A_166] {strides = array<i32>} : memref<8x32xf32, #tpu.memory_space<vmem>>, vector<1x16xf32>,
        %get3A_168 = vector.shape_cast %get3A_167 : vector<1x16xf32> to vector<16xf32>
        %add3A_169 = arith.addf %mul3A_157, %get3A_168 : vector<16xf32>
        %swap3A_170 = arith.constant 0 : i32
        %swap3A_171 = arith.index_cast %swap3A_170 : i32 to index
        %swap3A_172 = arith.constant 0 : index
        %swap3A_173 = tpu.vector_load %arg13[%swap3A_171, %swap3A_172] {strides = array<i32>} : memref<8x32xf32, #tpu.memory_space<vmem>>, vector<1x16xf32>,
        %swap3A_174 = vector.shape_cast %swap3A_173 : vector<1x16xf32> to vector<16xf32>
        %swap3A_175 = vector.shape_cast %add3A_169 : vector<16xf32> to vector<1x16xf32>
        tpu.vector_store %arg13[%swap3A_171, %swap3A_172], %swap3A_175 {strides = array<i32>} : memref<8x32xf32, #tpu.memory_space<vmem>>, vector<1x16xf32>,
        %get3A_176 = arith.constant 0 : i32
        %get3A_177 = arith.index_cast %get3A_176 : i32 to index
        %get3A_178 = arith.constant 2 : index
        %get3A_179 = tpu.vector_load %arg13[%get3A_177, %get3A_178] {strides = array<i32>} : memref<8x32xf32, #tpu.memory_space<vmem>>, vector<1x16xf32>,
        %get3A_180 = vector.shape_cast %get3A_179 : vector<1x16xf32> to vector<16xf32>
        %add3A_181 = arith.addf %add3A_169, %get3A_180 : vector<16xf32>
        %swap3A_182 = arith.constant 0 : i32
        %swap3A_183 = arith.index_cast %swap3A_182 : i32 to index
        %swap3A_184 = arith.constant 0 : index
        %swap3A_185 = tpu.vector_load %arg13[%swap3A_183, %swap3A_184] {strides = array<i32>} : memref<8x32xf32, #tpu.memory_space<vmem>>, vector<1x16xf32>,
        %swap3A_186 = vector.shape_cast %swap3A_185 : vector<1x16xf32> to vector<16xf32>
        %swap3A_187 = vector.shape_cast %add3A_181 : vector<16xf32> to vector<1x16xf32>
        tpu.vector_store %arg13[%swap3A_183, %swap3A_184], %swap3A_187 {strides = array<i32>} : memref<8x32xf32, #tpu.memory_space<vmem>>, vector<1x16xf32>,
        %get3A_188 = arith.constant 0 : i32
        %get3A_189 = arith.index_cast %get3A_188 : i32 to index
        %get3A_190 = arith.constant 1 : index
        %get3A_191 = tpu.vector_load %arg13[%get3A_189, %get3A_190] {strides = array<i32>} : memref<8x32xf32, #tpu.memory_space<vmem>>, vector<1x16xf32>,
        %get3A_192 = vector.shape_cast %get3A_191 : vector<1x16xf32> to vector<16xf32>
        %add3A_193 = arith.addf %add3A_181, %get3A_192 : vector<16xf32>
        %slice3A = vector.extract_strided_slice %add3A_156 {offsets = [0], sizes = [1], strides = [1]} : vector<16xf32> to vector<1xf32>
        %squeeze3A = vector.extract %slice3A[0] : f32 from vector<1xf32>
        %mul3A_194 = arith.constant 0.353553385 : f32
        %mul3A_195 = arith.mulf %squeeze3A, %mul3A_194 : f32
        %broadcast_in_dim3A_196 = vector.broadcast %mul3A_195 : f32 to vector<16xf32>
        %slice3A_197 = vector.extract_strided_slice %add3A_156 {offsets = [8], sizes = [1], strides = [1]} : vector<16xf32> to vector<1xf32>
        %squeeze3A_198 = vector.extract %slice3A_197[0] : f32 from vector<1xf32>
        %mul3A_199 = arith.constant 0.353553385 : f32
        %mul3A_200 = arith.mulf %squeeze3A_198, %mul3A_199 : f32
        %broadcast_in_dim3A_201 = vector.broadcast %mul3A_200 : f32 to vector<16xf32>
        %slice3A_202 = vector.extract_strided_slice %add3A_193 {offsets = [0], sizes = [1], strides = [1]} : vector<16xf32> to vector<1xf32>
        %squeeze3A_203 = vector.extract %slice3A_202[0] : f32 from vector<1xf32>
        %mul3A_204 = arith.constant 0.353553385 : f32
        %mul3A_205 = arith.mulf %squeeze3A_203, %mul3A_204 : f32
        %broadcast_in_dim3A_206 = vector.broadcast %mul3A_205 : f32 to vector<16xf32>
        %slice3A_207 = vector.extract_strided_slice %add3A_193 {offsets = [8], sizes = [1], strides = [1]} : vector<16xf32> to vector<1xf32>
        %squeeze3A_208 = vector.extract %slice3A_207[0] : f32 from vector<1xf32>
        %mul3A_209 = arith.constant 0.353553385 : f32
        %mul3A_210 = arith.mulf %squeeze3A_208, %mul3A_209 : f32
        %broadcast_in_dim3A_211 = vector.broadcast %mul3A_210 : f32 to vector<16xf32>
        %lt3A = arith.constant 8 : i32
        %lt3A_212 = vector.broadcast %lt3A : i32 to vector<16xi32>
        %lt3A_213 = arith.cmpi slt, %iota3A, %lt3A_212 : vector<16xi32>
        %select_n3A = arith.select %lt3A_213, %broadcast_in_dim3A_196, %broadcast_in_dim3A_201 : vector<16xi1>, vector<16xf32>
        %exp3A = math.exp %select_n3A : vector<16xf32>
        %lt3A_214 = arith.constant 8 : i32
        %lt3A_215 = vector.broadcast %lt3A_214 : i32 to vector<16xi32>
        %lt3A_216 = arith.cmpi slt, %iota3A, %lt3A_215 : vector<16xi32>
        %select_n3A_217 = arith.select %lt3A_216, %broadcast_in_dim3A_206, %broadcast_in_dim3A_211 : vector<16xi1>, vector<16xf32>
        %exp3A_218 = math.exp %select_n3A_217 : vector<16xf32>
        %mul3A_219 = arith.mulf %get3A_107, %exp3A : vector<16xf32>
        %swap3A_220 = arith.index_cast %mul3A_96 : i32 to index
        %swap3A_221 = arith.constant 0 : index
        %swap3A_222 = tpu.vector_load %arg12[%swap3A_220, %swap3A_221] {strides = array<i32>} : memref<200x128xf32, #tpu.memory_space<vmem>>, vector<1x16xf32>,
        %swap3A_223 = vector.shape_cast %swap3A_222 : vector<1x16xf32> to vector<16xf32>
        %swap3A_224 = vector.shape_cast %mul3A_219 : vector<16xf32> to vector<1x16xf32>
        tpu.vector_store %arg12[%swap3A_220, %swap3A_221], %swap3A_224 {strides = array<i32>} : memref<200x128xf32, #tpu.memory_space<vmem>>, vector<1x16xf32>,
        %mul3A_225 = arith.mulf %get3A_119, %exp3A_218 : vector<16xf32>
        %swap3A_226 = arith.index_cast %mul3A_96 : i32 to index
        %swap3A_227 = arith.constant 16 : index
        %swap3A_228 = tpu.vector_load %arg12[%swap3A_226, %swap3A_227] {strides = array<i32>} : memref<200x128xf32, #tpu.memory_space<vmem>>, vector<1x16xf32>,
        %swap3A_229 = vector.shape_cast %swap3A_228 : vector<1x16xf32> to vector<16xf32>
        %swap3A_230 = vector.shape_cast %mul3A_225 : vector<16xf32> to vector<1x16xf32>
        tpu.vector_store %arg12[%swap3A_226, %swap3A_227], %swap3A_230 {strides = array<i32>} : memref<200x128xf32, #tpu.memory_space<vmem>>, vector<1x16xf32>,
        %slice3A_231 = vector.extract_strided_slice %exp3A {offsets = [0], sizes = [1], strides = [1]} : vector<16xf32> to vector<1xf32>
        %squeeze3A_232 = vector.extract %slice3A_231[0] : f32 from vector<1xf32>
        %broadcast_in_dim3A_233 = vector.broadcast %squeeze3A_232 : f32 to vector<16xf32>
        %slice3A_234 = vector.extract_strided_slice %exp3A {offsets = [8], sizes = [1], strides = [1]} : vector<16xf32> to vector<1xf32>
        %squeeze3A_235 = vector.extract %slice3A_234[0] : f32 from vector<1xf32>
        %broadcast_in_dim3A_236 = vector.broadcast %squeeze3A_235 : f32 to vector<16xf32>
        %slice3A_237 = vector.extract_strided_slice %exp3A_218 {offsets = [0], sizes = [1], strides = [1]} : vector<16xf32> to vector<1xf32>
        %squeeze3A_238 = vector.extract %slice3A_237[0] : f32 from vector<1xf32>
        %broadcast_in_dim3A_239 = vector.broadcast %squeeze3A_238 : f32 to vector<16xf32>
        %slice3A_240 = vector.extract_strided_slice %exp3A_218 {offsets = [8], sizes = [1], strides = [1]} : vector<16xf32> to vector<1xf32>
        %squeeze3A_241 = vector.extract %slice3A_240[0] : f32 from vector<1xf32>
        %broadcast_in_dim3A_242 = vector.broadcast %squeeze3A_241 : f32 to vector<16xf32>
        %eq3A = arith.constant 0 : i32
        %eq3A_243 = vector.broadcast %eq3A : i32 to vector<16xi32>
        %eq3A_244 = arith.cmpi eq, %iota3A, %eq3A_243 : vector<16xi32>
        %eq3A_245 = arith.constant 1 : i32
        %eq3A_246 = vector.broadcast %eq3A_245 : i32 to vector<16xi32>
        %eq3A_247 = arith.cmpi eq, %iota3A, %eq3A_246 : vector<16xi32>
        %eq3A_248 = arith.constant 2 : i32
        %eq3A_249 = vector.broadcast %eq3A_248 : i32 to vector<16xi32>
        %eq3A_250 = arith.cmpi eq, %iota3A, %eq3A_249 : vector<16xi32>
        %eq3A_251 = arith.constant 3 : i32
        %eq3A_252 = vector.broadcast %eq3A_251 : i32 to vector<16xi32>
        %eq3A_253 = arith.cmpi eq, %iota3A, %eq3A_252 : vector<16xi32>
        %select_n3A_254 = arith.select %eq3A_253, %broadcast_in_dim3A_242, %broadcast_in_dim3A_0 : vector<16xi1>, vector<16xf32>
        %select_n3A_255 = arith.select %eq3A_250, %broadcast_in_dim3A_239, %select_n3A_254 : vector<16xi1>, vector<16xf32>
        %select_n3A_256 = arith.select %eq3A_247, %broadcast_in_dim3A_236, %select_n3A_255 : vector<16xi1>, vector<16xf32>
        %select_n3A_257 = arith.select %eq3A_244, %broadcast_in_dim3A_233, %select_n3A_256 : vector<16xi1>, vector<16xf32>
        %swap3A_258 = arith.index_cast %mul3A_96 : i32 to index
        %swap3A_259 = arith.constant 32 : index
        %swap3A_260 = tpu.vector_load %arg12[%swap3A_258, %swap3A_259] {strides = array<i32>} : memref<200x128xf32, #tpu.memory_space<vmem>>, vector<1x16xf32>,
        %swap3A_261 = vector.shape_cast %swap3A_260 : vector<1x16xf32> to vector<16xf32>
        %swap3A_262 = vector.shape_cast %select_n3A_257 : vector<16xf32> to vector<1x16xf32>
        tpu.vector_store %arg12[%swap3A_258, %swap3A_259], %swap3A_262 {strides = array<i32>} : memref<200x128xf32, #tpu.memory_space<vmem>>, vector<1x16xf32>,
        %mul3A_263 = arith.constant 2 : i32
        %mul3A_264 = arith.muli %scan3A_93, %mul3A_263 : i32
        %add3A_265 = arith.constant 1 : i32
        %add3A_266 = arith.addi %mul3A_264, %add3A_265 : i32
        %get3A_267 = arith.index_cast %add3A_266 : i32 to index
        %get3A_268 = arith.constant 0 : index
        %get3A_269 = tpu.vector_load %arg10[%get3A_267, %get3A_268] {strides = array<i32>} : memref<200x128xf32, #tpu.memory_space<vmem>>, vector<1x16xf32>,
        %get3A_270 = vector.shape_cast %get3A_269 : vector<1x16xf32> to vector<16xf32>
        %get3A_271 = arith.index_cast %add3A_266 : i32 to index
        %get3A_272 = arith.constant 0 : index
        %get3A_273 = tpu.vector_load %arg11[%get3A_271, %get3A_272] {strides = array<i32>} : memref<200x128xf32, #tpu.memory_space<vmem>>, vector<1x16xf32>,
        %get3A_274 = vector.shape_cast %get3A_273 : vector<1x16xf32> to vector<16xf32>
        %get3A_275 = arith.index_cast %add3A_266 : i32 to index
        %get3A_276 = arith.constant 32 : index
        %get3A_277 = tpu.vector_load %arg11[%get3A_275, %get3A_276] {strides = array<i32>} : memref<200x128xf32, #tpu.memory_space<vmem>>, vector<1x16xf32>,
        %get3A_278 = vector.shape_cast %get3A_277 : vector<1x16xf32> to vector<16xf32>
        %get3A_279 = arith.index_cast %add3A_266 : i32 to index
        %get3A_280 = arith.constant 16 : index
        %get3A_281 = tpu.vector_load %arg10[%get3A_279, %get3A_280] {strides = array<i32>} : memref<200x128xf32, #tpu.memory_space<vmem>>, vector<1x16xf32>,
        %get3A_282 = vector.shape_cast %get3A_281 : vector<1x16xf32> to vector<16xf32>
        %get3A_283 = arith.index_cast %add3A_266 : i32 to index
        %get3A_284 = arith.constant 16 : index
        %get3A_285 = tpu.vector_load %arg11[%get3A_283, %get3A_284] {strides = array<i32>} : memref<200x128xf32, #tpu.memory_space<vmem>>, vector<1x16xf32>,
        %get3A_286 = vector.shape_cast %get3A_285 : vector<1x16xf32> to vector<16xf32>
        %get3A_287 = arith.index_cast %add3A_266 : i32 to index
        %get3A_288 = arith.constant 48 : index
        %get3A_289 = tpu.vector_load %arg11[%get3A_287, %get3A_288] {strides = array<i32>} : memref<200x128xf32, #tpu.memory_space<vmem>>, vector<1x16xf32>,
        %get3A_290 = vector.shape_cast %get3A_289 : vector<1x16xf32> to vector<16xf32>
        %mul3A_291 = arith.mulf %get3A_270, %get3A_274 : vector<16xf32>
        %swap3A_292 = arith.constant 4 : i32
        %swap3A_293 = arith.index_cast %swap3A_292 : i32 to index
        %swap3A_294 = arith.constant 0 : index
        %swap3A_295 = tpu.vector_load %arg13[%swap3A_293, %swap3A_294] {strides = array<i32>} : memref<8x32xf32, #tpu.memory_space<vmem>>, vector<1x16xf32>,
        %swap3A_296 = vector.shape_cast %swap3A_295 : vector<1x16xf32> to vector<16xf32>
        %swap3A_297 = vector.shape_cast %mul3A_291 : vector<16xf32> to vector<1x16xf32>
        tpu.vector_store %arg13[%swap3A_293, %swap3A_294], %swap3A_297 {strides = array<i32>} : memref<8x32xf32, #tpu.memory_space<vmem>>, vector<1x16xf32>,
        %get3A_298 = arith.constant 4 : i32
        %get3A_299 = arith.index_cast %get3A_298 : i32 to index
        %get3A_300 = arith.constant 4 : index
        %get3A_301 = tpu.vector_load %arg13[%get3A_299, %get3A_300] {strides = array<i32>} : memref<8x32xf32, #tpu.memory_space<vmem>>, vector<1x16xf32>,
        %get3A_302 = vector.shape_cast %get3A_301 : vector<1x16xf32> to vector<16xf32>
        %add3A_303 = arith.addf %mul3A_291, %get3A_302 : vector<16xf32>
        %swap3A_304 = arith.constant 4 : i32
        %swap3A_305 = arith.index_cast %swap3A_304 : i32 to index
        %swap3A_306 = arith.constant 0 : index
        %swap3A_307 = tpu.vector_load %arg13[%swap3A_305, %swap3A_306] {strides = array<i32>} : memref<8x32xf32, #tpu.memory_space<vmem>>, vector<1x16xf32>,
        %swap3A_308 = vector.shape_cast %swap3A_307 : vector<1x16xf32> to vector<16xf32>
        %swap3A_309 = vector.shape_cast %add3A_303 : vector<16xf32> to vector<1x16xf32>
        tpu.vector_store %arg13[%swap3A_305, %swap3A_306], %swap3A_309 {strides = array<i32>} : memref<8x32xf32, #tpu.memory_space<vmem>>, vector<1x16xf32>,
        %get3A_310 = arith.constant 4 : i32
        %get3A_311 = arith.index_cast %get3A_310 : i32 to index
        %get3A_312 = arith.constant 2 : index
        %get3A_313 = tpu.vector_load %arg13[%get3A_311, %get3A_312] {strides = array<i32>} : memref<8x32xf32, #tpu.memory_space<vmem>>, vector<1x16xf32>,
        %get3A_314 = vector.shape_cast %get3A_313 : vector<1x16xf32> to vector<16xf32>
        %add3A_315 = arith.addf %add3A_303, %get3A_314 : vector<16xf32>
        %swap3A_316 = arith.constant 4 : i32
        %swap3A_317 = arith.index_cast %swap3A_316 : i32 to index
        %swap3A_318 = arith.constant 0 : index
        %swap3A_319 = tpu.vector_load %arg13[%swap3A_317, %swap3A_318] {strides = array<i32>} : memref<8x32xf32, #tpu.memory_space<vmem>>, vector<1x16xf32>,
        %swap3A_320 = vector.shape_cast %swap3A_319 : vector<1x16xf32> to vector<16xf32>
        %swap3A_321 = vector.shape_cast %add3A_315 : vector<16xf32> to vector<1x16xf32>
        tpu.vector_store %arg13[%swap3A_317, %swap3A_318], %swap3A_321 {strides = array<i32>} : memref<8x32xf32, #tpu.memory_space<vmem>>, vector<1x16xf32>,
        %get3A_322 = arith.constant 4 : i32
        %get3A_323 = arith.index_cast %get3A_322 : i32 to index
        %get3A_324 = arith.constant 1 : index
        %get3A_325 = tpu.vector_load %arg13[%get3A_323, %get3A_324] {strides = array<i32>} : memref<8x32xf32, #tpu.memory_space<vmem>>, vector<1x16xf32>,
        %get3A_326 = vector.shape_cast %get3A_325 : vector<1x16xf32> to vector<16xf32>
        %add3A_327 = arith.addf %add3A_315, %get3A_326 : vector<16xf32>
        %mul3A_328 = arith.mulf %get3A_282, %get3A_286 : vector<16xf32>
        %swap3A_329 = arith.constant 4 : i32
        %swap3A_330 = arith.index_cast %swap3A_329 : i32 to index
        %swap3A_331 = arith.constant 0 : index
        %swap3A_332 = tpu.vector_load %arg13[%swap3A_330, %swap3A_331] {strides = array<i32>} : memref<8x32xf32, #tpu.memory_space<vmem>>, vector<1x16xf32>,
        %swap3A_333 = vector.shape_cast %swap3A_332 : vector<1x16xf32> to vector<16xf32>
        %swap3A_334 = vector.shape_cast %mul3A_328 : vector<16xf32> to vector<1x16xf32>
        tpu.vector_store %arg13[%swap3A_330, %swap3A_331], %swap3A_334 {strides = array<i32>} : memref<8x32xf32, #tpu.memory_space<vmem>>, vector<1x16xf32>,
        %get3A_335 = arith.constant 4 : i32
        %get3A_336 = arith.index_cast %get3A_335 : i32 to index
        %get3A_337 = arith.constant 4 : index
        %get3A_338 = tpu.vector_load %arg13[%get3A_336, %get3A_337] {strides = array<i32>} : memref<8x32xf32, #tpu.memory_space<vmem>>, vector<1x16xf32>,
        %get3A_339 = vector.shape_cast %get3A_338 : vector<1x16xf32> to vector<16xf32>
        %add3A_340 = arith.addf %mul3A_328, %get3A_339 : vector<16xf32>
        %swap3A_341 = arith.constant 4 : i32
        %swap3A_342 = arith.index_cast %swap3A_341 : i32 to index
        %swap3A_343 = arith.constant 0 : index
        %swap3A_344 = tpu.vector_load %arg13[%swap3A_342, %swap3A_343] {strides = array<i32>} : memref<8x32xf32, #tpu.memory_space<vmem>>, vector<1x16xf32>,
        %swap3A_345 = vector.shape_cast %swap3A_344 : vector<1x16xf32> to vector<16xf32>
        %swap3A_346 = vector.shape_cast %add3A_340 : vector<16xf32> to vector<1x16xf32>
        tpu.vector_store %arg13[%swap3A_342, %swap3A_343], %swap3A_346 {strides = array<i32>} : memref<8x32xf32, #tpu.memory_space<vmem>>, vector<1x16xf32>,
        %get3A_347 = arith.constant 4 : i32
        %get3A_348 = arith.index_cast %get3A_347 : i32 to index
        %get3A_349 = arith.constant 2 : index
        %get3A_350 = tpu.vector_load %arg13[%get3A_348, %get3A_349] {strides = array<i32>} : memref<8x32xf32, #tpu.memory_space<vmem>>, vector<1x16xf32>,
        %get3A_351 = vector.shape_cast %get3A_350 : vector<1x16xf32> to vector<16xf32>
        %add3A_352 = arith.addf %add3A_340, %get3A_351 : vector<16xf32>
        %swap3A_353 = arith.constant 4 : i32
        %swap3A_354 = arith.index_cast %swap3A_353 : i32 to index
        %swap3A_355 = arith.constant 0 : index
        %swap3A_356 = tpu.vector_load %arg13[%swap3A_354, %swap3A_355] {strides = array<i32>} : memref<8x32xf32, #tpu.memory_space<vmem>>, vector<1x16xf32>,
        %swap3A_357 = vector.shape_cast %swap3A_356 : vector<1x16xf32> to vector<16xf32>
        %swap3A_358 = vector.shape_cast %add3A_352 : vector<16xf32> to vector<1x16xf32>
        tpu.vector_store %arg13[%swap3A_354, %swap3A_355], %swap3A_358 {strides = array<i32>} : memref<8x32xf32, #tpu.memory_space<vmem>>, vector<1x16xf32>,
        %get3A_359 = arith.constant 4 : i32
        %get3A_360 = arith.index_cast %get3A_359 : i32 to index
        %get3A_361 = arith.constant 1 : index
        %get3A_362 = tpu.vector_load %arg13[%get3A_360, %get3A_361] {strides = array<i32>} : memref<8x32xf32, #tpu.memory_space<vmem>>, vector<1x16xf32>,
        %get3A_363 = vector.shape_cast %get3A_362 : vector<1x16xf32> to vector<16xf32>
        %add3A_364 = arith.addf %add3A_352, %get3A_363 : vector<16xf32>
        %slice3A_365 = vector.extract_strided_slice %add3A_327 {offsets = [0], sizes = [1], strides = [1]} : vector<16xf32> to vector<1xf32>
        %squeeze3A_366 = vector.extract %slice3A_365[0] : f32 from vector<1xf32>
        %mul3A_367 = arith.constant 0.353553385 : f32
        %mul3A_368 = arith.mulf %squeeze3A_366, %mul3A_367 : f32
        %broadcast_in_dim3A_369 = vector.broadcast %mul3A_368 : f32 to vector<16xf32>
        %slice3A_370 = vector.extract_strided_slice %add3A_327 {offsets = [8], sizes = [1], strides = [1]} : vector<16xf32> to vector<1xf32>
        %squeeze3A_371 = vector.extract %slice3A_370[0] : f32 from vector<1xf32>
        %mul3A_372 = arith.constant 0.353553385 : f32
        %mul3A_373 = arith.mulf %squeeze3A_371, %mul3A_372 : f32
        %broadcast_in_dim3A_374 = vector.broadcast %mul3A_373 : f32 to vector<16xf32>
        %slice3A_375 = vector.extract_strided_slice %add3A_364 {offsets = [0], sizes = [1], strides = [1]} : vector<16xf32> to vector<1xf32>
        %squeeze3A_376 = vector.extract %slice3A_375[0] : f32 from vector<1xf32>
        %mul3A_377 = arith.constant 0.353553385 : f32
        %mul3A_378 = arith.mulf %squeeze3A_376, %mul3A_377 : f32
        %broadcast_in_dim3A_379 = vector.broadcast %mul3A_378 : f32 to vector<16xf32>
        %slice3A_380 = vector.extract_strided_slice %add3A_364 {offsets = [8], sizes = [1], strides = [1]} : vector<16xf32> to vector<1xf32>
        %squeeze3A_381 = vector.extract %slice3A_380[0] : f32 from vector<1xf32>
        %mul3A_382 = arith.constant 0.353553385 : f32
        %mul3A_383 = arith.mulf %squeeze3A_381, %mul3A_382 : f32
        %broadcast_in_dim3A_384 = vector.broadcast %mul3A_383 : f32 to vector<16xf32>
        %lt3A_385 = arith.constant 8 : i32
        %lt3A_386 = vector.broadcast %lt3A_385 : i32 to vector<16xi32>
        %lt3A_387 = arith.cmpi slt, %iota3A, %lt3A_386 : vector<16xi32>
        %select_n3A_388 = arith.select %lt3A_387, %broadcast_in_dim3A_369, %broadcast_in_dim3A_374 : vector<16xi1>, vector<16xf32>
        %exp3A_389 = math.exp %select_n3A_388 : vector<16xf32>
        %lt3A_390 = arith.constant 8 : i32
        %lt3A_391 = vector.broadcast %lt3A_390 : i32 to vector<16xi32>
        %lt3A_392 = arith.cmpi slt, %iota3A, %lt3A_391 : vector<16xi32>
        %select_n3A_393 = arith.select %lt3A_392, %broadcast_in_dim3A_379, %broadcast_in_dim3A_384 : vector<16xi1>, vector<16xf32>
        %exp3A_394 = math.exp %select_n3A_393 : vector<16xf32>
        %mul3A_395 = arith.mulf %get3A_278, %exp3A_389 : vector<16xf32>
        %swap3A_396 = arith.index_cast %add3A_266 : i32 to index
        %swap3A_397 = arith.constant 0 : index
        %swap3A_398 = tpu.vector_load %arg12[%swap3A_396, %swap3A_397] {strides = array<i32>} : memref<200x128xf32, #tpu.memory_space<vmem>>, vector<1x16xf32>,
        %swap3A_399 = vector.shape_cast %swap3A_398 : vector<1x16xf32> to vector<16xf32>
        %swap3A_400 = vector.shape_cast %mul3A_395 : vector<16xf32> to vector<1x16xf32>
        tpu.vector_store %arg12[%swap3A_396, %swap3A_397], %swap3A_400 {strides = array<i32>} : memref<200x128xf32, #tpu.memory_space<vmem>>, vector<1x16xf32>,
        %mul3A_401 = arith.mulf %get3A_290, %exp3A_394 : vector<16xf32>
        %swap3A_402 = arith.index_cast %add3A_266 : i32 to index
        %swap3A_403 = arith.constant 16 : index
        %swap3A_404 = tpu.vector_load %arg12[%swap3A_402, %swap3A_403] {strides = array<i32>} : memref<200x128xf32, #tpu.memory_space<vmem>>, vector<1x16xf32>,
        %swap3A_405 = vector.shape_cast %swap3A_404 : vector<1x16xf32> to vector<16xf32>
        %swap3A_406 = vector.shape_cast %mul3A_401 : vector<16xf32> to vector<1x16xf32>
        tpu.vector_store %arg12[%swap3A_402, %swap3A_403], %swap3A_406 {strides = array<i32>} : memref<200x128xf32, #tpu.memory_space<vmem>>, vector<1x16xf32>,
        %slice3A_407 = vector.extract_strided_slice %exp3A_389 {offsets = [0], sizes = [1], strides = [1]} : vector<16xf32> to vector<1xf32>
        %squeeze3A_408 = vector.extract %slice3A_407[0] : f32 from vector<1xf32>
        %broadcast_in_dim3A_409 = vector.broadcast %squeeze3A_408 : f32 to vector<16xf32>
        %slice3A_410 = vector.extract_strided_slice %exp3A_389 {offsets = [8], sizes = [1], strides = [1]} : vector<16xf32> to vector<1xf32>
        %squeeze3A_411 = vector.extract %slice3A_410[0] : f32 from vector<1xf32>
        %broadcast_in_dim3A_412 = vector.broadcast %squeeze3A_411 : f32 to vector<16xf32>
        %slice3A_413 = vector.extract_strided_slice %exp3A_394 {offsets = [0], sizes = [1], strides = [1]} : vector<16xf32> to vector<1xf32>
        %squeeze3A_414 = vector.extract %slice3A_413[0] : f32 from vector<1xf32>
        %broadcast_in_dim3A_415 = vector.broadcast %squeeze3A_414 : f32 to vector<16xf32>
        %slice3A_416 = vector.extract_strided_slice %exp3A_394 {offsets = [8], sizes = [1], strides = [1]} : vector<16xf32> to vector<1xf32>
        %squeeze3A_417 = vector.extract %slice3A_416[0] : f32 from vector<1xf32>
        %broadcast_in_dim3A_418 = vector.broadcast %squeeze3A_417 : f32 to vector<16xf32>
        %eq3A_419 = arith.constant 0 : i32
        %eq3A_420 = vector.broadcast %eq3A_419 : i32 to vector<16xi32>
        %eq3A_421 = arith.cmpi eq, %iota3A, %eq3A_420 : vector<16xi32>
        %eq3A_422 = arith.constant 1 : i32
        %eq3A_423 = vector.broadcast %eq3A_422 : i32 to vector<16xi32>
        %eq3A_424 = arith.cmpi eq, %iota3A, %eq3A_423 : vector<16xi32>
        %eq3A_425 = arith.constant 2 : i32
        %eq3A_426 = vector.broadcast %eq3A_425 : i32 to vector<16xi32>
        %eq3A_427 = arith.cmpi eq, %iota3A, %eq3A_426 : vector<16xi32>
        %eq3A_428 = arith.constant 3 : i32
        %eq3A_429 = vector.broadcast %eq3A_428 : i32 to vector<16xi32>
        %eq3A_430 = arith.cmpi eq, %iota3A, %eq3A_429 : vector<16xi32>
        %select_n3A_431 = arith.select %eq3A_430, %broadcast_in_dim3A_418, %broadcast_in_dim3A_0 : vector<16xi1>, vector<16xf32>
        %select_n3A_432 = arith.select %eq3A_427, %broadcast_in_dim3A_415, %select_n3A_431 : vector<16xi1>, vector<16xf32>
        %select_n3A_433 = arith.select %eq3A_424, %broadcast_in_dim3A_412, %select_n3A_432 : vector<16xi1>, vector<16xf32>
        %select_n3A_434 = arith.select %eq3A_421, %broadcast_in_dim3A_409, %select_n3A_433 : vector<16xi1>, vector<16xf32>
        %swap3A_435 = arith.index_cast %add3A_266 : i32 to index
        %swap3A_436 = arith.constant 32 : index
        %swap3A_437 = tpu.vector_load %arg12[%swap3A_435, %swap3A_436] {strides = array<i32>} : memref<200x128xf32, #tpu.memory_space<vmem>>, vector<1x16xf32>,
        %swap3A_438 = vector.shape_cast %swap3A_437 : vector<1x16xf32> to vector<16xf32>
        %swap3A_439 = vector.shape_cast %select_n3A_434 : vector<16xf32> to vector<1x16xf32>
        tpu.vector_store %arg12[%swap3A_435, %swap3A_436], %swap3A_439 {strides = array<i32>} : memref<200x128xf32, #tpu.memory_space<vmem>>, vector<1x16xf32>,
        %scan3A_440 = arith.constant 0 : i32
        scf.yield %scan3A_440 : i32
      }
      %scan3A_91 = arith.constant 100 : i32
      "tpu.region"() ({
        %run_scoped3A = tpu.sem_alloc : memref<!tpu.dma_semaphore, #tpu.memory_space<semaphore_mem>>
        %dma_start3A_93 = arith.constant 0 : i32
        %dma_start3A_94 = arith.constant 0 : i32
        %dma_start3A_95 = tpu.memref_slice %arg14[%dma_start3A_93, %dma_start3A_94] : memref<5248x128xf32, #tpu.memory_space<vmem_shared>> -> memref<5248x128xf32, #tpu.memory_space<vmem_shared>>
        tpu.enqueue_indirect_dma source(%arg12 : memref<200x128xf32, #tpu.memory_space<vmem>>) target(%dma_start3A_95 : memref<5248x128xf32, #tpu.memory_space<vmem_shared>>) offsets(%arg9 : memref<200xi32, #tpu.memory_space<vmem>>) semaphore(%run_scoped3A : memref<!tpu.dma_semaphore, #tpu.memory_space<semaphore_mem>>) {add = true}
        %dma_wait3A_96 = arith.constant 0 : i32
        %dma_wait3A_97 = arith.constant 0 : i32
        %dma_wait3A_98 = tpu.memref_slice %arg14[%dma_wait3A_96, %dma_wait3A_97] : memref<5248x128xf32, #tpu.memory_space<vmem_shared>> -> memref<5248x128xf32, #tpu.memory_space<vmem_shared>>
        tpu.wait_indirect_dma semaphore(%run_scoped3A : memref<!tpu.dma_semaphore, #tpu.memory_space<semaphore_mem>>) src(%arg12 : memref<200x128xf32, #tpu.memory_space<vmem>>) dst(%dma_wait3A_98 : memref<5248x128xf32, #tpu.memory_space<vmem_shared>>)
        tpu.yield
      }) : () -> ()
      %scan3A_92 = arith.constant 0 : i32
      scf.yield %scan3A_92 : i32
    }
    %scan3A_54 = arith.constant 100 : i32
    %barrier3A_55 = arith.constant 0 : index
    tpu.barrier barrier_id(%barrier3A_55)
    %mul3A_56 = arith.constant 328 : i32
    %mul3A_57 = arith.muli %arg1, %mul3A_56 : i32
    %mul3A_58 = arith.constant 5248 : i32
    %mul3A_59 = arith.muli %arg0, %mul3A_58 : i32
    %mul3A_60 = arith.constant 328 : i32
    %mul3A_61 = arith.muli %arg1, %mul3A_60 : i32
    %add3A_62 = arith.addi %mul3A_59, %mul3A_61 : i32
    "tpu.region"() ({
      %run_scoped3A = tpu.sem_alloc : memref<!tpu.dma_semaphore, #tpu.memory_space<semaphore_mem>>
      %dma_start3A = arith.constant 0 : i32
      %dma_start3A_63 = tpu.memref_slice %arg6[%add3A_62, %dma_start3A] : memref<10496x128xf32, #tpu.memory_space<hbm>> -> memref<328x128xf32, #tpu.memory_space<hbm>>
      %dma_start3A_64 = arith.constant 0 : i32
      %dma_start3A_65 = tpu.memref_slice %arg14[%mul3A_57, %dma_start3A_64] : memref<5248x128xf32, #tpu.memory_space<vmem_shared>> -> memref<328x128xf32, #tpu.memory_space<vmem_shared>>
      tpu.enqueue_dma source(%dma_start3A_65 : memref<328x128xf32, #tpu.memory_space<vmem_shared>>) target(%dma_start3A_63 : memref<328x128xf32, #tpu.memory_space<hbm>>) target_semaphore(%run_scoped3A : memref<!tpu.dma_semaphore, #tpu.memory_space<semaphore_mem>>)
      %dma_wait3A = arith.constant 0 : i32
      %dma_wait3A_66 = tpu.memref_slice %arg6[%add3A_62, %dma_wait3A] : memref<10496x128xf32, #tpu.memory_space<hbm>> -> memref<328x128xf32, #tpu.memory_space<hbm>>
      %dma_wait3A_67 = arith.constant 0 : i32
      %dma_wait3A_68 = tpu.memref_slice %arg14[%mul3A_57, %dma_wait3A_67] : memref<5248x128xf32, #tpu.memory_space<vmem_shared>> -> memref<328x128xf32, #tpu.memory_space<vmem_shared>>
      tpu.wait_dma2 semaphore(%run_scoped3A : memref<!tpu.dma_semaphore, #tpu.memory_space<semaphore_mem>>) src(%dma_wait3A_68 : memref<328x128xf32, #tpu.memory_space<vmem_shared>>) dst(%dma_wait3A_66 : memref<328x128xf32, #tpu.memory_space<hbm>>)
      tpu.yield
    }) : () -> ()
    return
  }
}

#map = affine_map<(d0, d1) -> (0, 0)>
#map1 = affine_map<(d0, d1) -> (0)>
module attributes {stable_mosaic.version = 14 : i64} {
  func.func @_edge_kernel_body(%arg0: i32, %arg1: i32, %arg2: memref<10000x128xf32, #tpu.memory_space<hbm>>, %arg3: memref<10000x128xf32, #tpu.memory_space<hbm>>, %arg4: memref<320000xi32, #tpu.memory_space<hbm>>, %arg5: memref<320000xi32, #tpu.memory_space<hbm>>, %arg6: memref<10496x128xf32, #tpu.memory_space<hbm>>, %arg7: memref<200xi32, #tpu.memory_space<vmem>>, %arg8: memref<200xi32, #tpu.memory_space<vmem>>, %arg9: memref<200xi32, #tpu.memory_space<vmem>>, %arg10: memref<200x128xf32, #tpu.memory_space<vmem>>, %arg11: memref<200x128xf32, #tpu.memory_space<vmem>>, %arg12: memref<200x128xf32, #tpu.memory_space<vmem>>, %arg13: memref<8x32xf32, #tpu.memory_space<vmem>>, %arg14: memref<5248x128xf32, #tpu.memory_space<vmem_shared>>, %arg15: memref<!tpu.dma_semaphore, #tpu.memory_space<semaphore_mem>>) attributes {dimension_semantics = [#tpu.dimension_semantics<core_parallel>, #tpu.dimension_semantics<subcore_parallel>], iteration_bounds = array<i64: 2, 16>, scalar_prefetch = 0 : i64, scratch_operands = 9 : i64, tpu.core_type = #tpu.core_type<sc_vector_subcore>, window_params = [{transform_indices = #map}, {transform_indices = #map}, {transform_indices = #map1}, {transform_indices = #map1}, {transform_indices = #map}]} {
    %broadcast_in_dim3A = arith.constant 0.000000e+00 : f32
    %broadcast_in_dim3A_0 = vector.broadcast %broadcast_in_dim3A : f32 to vector<16xf32>
    %scan3A = arith.constant 0 : i32
    %scan3A_1 = arith.constant 0 : i32
    %scan3A_2 = arith.constant 200 : i32
    %scan3A_3 = arith.addi %scan3A_1, %scan3A_2 : i32
    %scan3A_4 = arith.constant 1 : i32
    %scan3A_5 = scf.for %scan3A_63 = %scan3A_1 to %scan3A_3 step %scan3A_4 iter_args(%scan3A_64 = %scan3A) -> (i32)  : i32 {
      %swap3A_65 = arith.index_cast %scan3A_63 : i32 to index
      %swap3A_66 = arith.constant 0 : index
      %swap3A_67 = tpu.vector_load %arg12[%swap3A_65, %swap3A_66] {strides = array<i32>} : memref<200x128xf32, #tpu.memory_space<vmem>>, vector<1x16xf32>,
      %swap3A_68 = vector.shape_cast %swap3A_67 : vector<1x16xf32> to vector<16xf32>
      %swap3A_69 = vector.shape_cast %broadcast_in_dim3A_0 : vector<16xf32> to vector<1x16xf32>
      tpu.vector_store %arg12[%swap3A_65, %swap3A_66], %swap3A_69 {strides = array<i32>} : memref<200x128xf32, #tpu.memory_space<vmem>>, vector<1x16xf32>,
      %swap3A_70 = arith.index_cast %scan3A_63 : i32 to index
      %swap3A_71 = arith.constant 16 : index
      %swap3A_72 = tpu.vector_load %arg12[%swap3A_70, %swap3A_71] {strides = array<i32>} : memref<200x128xf32, #tpu.memory_space<vmem>>, vector<1x16xf32>,
      %swap3A_73 = vector.shape_cast %swap3A_72 : vector<1x16xf32> to vector<16xf32>
      %swap3A_74 = vector.shape_cast %broadcast_in_dim3A_0 : vector<16xf32> to vector<1x16xf32>
      tpu.vector_store %arg12[%swap3A_70, %swap3A_71], %swap3A_74 {strides = array<i32>} : memref<200x128xf32, #tpu.memory_space<vmem>>, vector<1x16xf32>,
      %swap3A_75 = arith.index_cast %scan3A_63 : i32 to index
      %swap3A_76 = arith.constant 32 : index
      %swap3A_77 = tpu.vector_load %arg12[%swap3A_75, %swap3A_76] {strides = array<i32>} : memref<200x128xf32, #tpu.memory_space<vmem>>, vector<1x16xf32>,
      %swap3A_78 = vector.shape_cast %swap3A_77 : vector<1x16xf32> to vector<16xf32>
      %swap3A_79 = vector.shape_cast %broadcast_in_dim3A_0 : vector<16xf32> to vector<1x16xf32>
      tpu.vector_store %arg12[%swap3A_75, %swap3A_76], %swap3A_79 {strides = array<i32>} : memref<200x128xf32, #tpu.memory_space<vmem>>, vector<1x16xf32>,
      %swap3A_80 = arith.index_cast %scan3A_63 : i32 to index
      %swap3A_81 = arith.constant 48 : index
      %swap3A_82 = tpu.vector_load %arg12[%swap3A_80, %swap3A_81] {strides = array<i32>} : memref<200x128xf32, #tpu.memory_space<vmem>>, vector<1x16xf32>,
      %swap3A_83 = vector.shape_cast %swap3A_82 : vector<1x16xf32> to vector<16xf32>
      %swap3A_84 = vector.shape_cast %broadcast_in_dim3A_0 : vector<16xf32> to vector<1x16xf32>
      tpu.vector_store %arg12[%swap3A_80, %swap3A_81], %swap3A_84 {strides = array<i32>} : memref<200x128xf32, #tpu.memory_space<vmem>>, vector<1x16xf32>,
      %swap3A_85 = arith.index_cast %scan3A_63 : i32 to index
      %swap3A_86 = arith.constant 64 : index
      %swap3A_87 = tpu.vector_load %arg12[%swap3A_85, %swap3A_86] {strides = array<i32>} : memref<200x128xf32, #tpu.memory_space<vmem>>, vector<1x16xf32>,
      %swap3A_88 = vector.shape_cast %swap3A_87 : vector<1x16xf32> to vector<16xf32>
      %swap3A_89 = vector.shape_cast %broadcast_in_dim3A_0 : vector<16xf32> to vector<1x16xf32>
      tpu.vector_store %arg12[%swap3A_85, %swap3A_86], %swap3A_89 {strides = array<i32>} : memref<200x128xf32, #tpu.memory_space<vmem>>, vector<1x16xf32>,
      %swap3A_90 = arith.index_cast %scan3A_63 : i32 to index
      %swap3A_91 = arith.constant 80 : index
      %swap3A_92 = tpu.vector_load %arg12[%swap3A_90, %swap3A_91] {strides = array<i32>} : memref<200x128xf32, #tpu.memory_space<vmem>>, vector<1x16xf32>,
      %swap3A_93 = vector.shape_cast %swap3A_92 : vector<1x16xf32> to vector<16xf32>
      %swap3A_94 = vector.shape_cast %broadcast_in_dim3A_0 : vector<16xf32> to vector<1x16xf32>
      tpu.vector_store %arg12[%swap3A_90, %swap3A_91], %swap3A_94 {strides = array<i32>} : memref<200x128xf32, #tpu.memory_space<vmem>>, vector<1x16xf32>,
      %swap3A_95 = arith.index_cast %scan3A_63 : i32 to index
      %swap3A_96 = arith.constant 96 : index
      %swap3A_97 = tpu.vector_load %arg12[%swap3A_95, %swap3A_96] {strides = array<i32>} : memref<200x128xf32, #tpu.memory_space<vmem>>, vector<1x16xf32>,
      %swap3A_98 = vector.shape_cast %swap3A_97 : vector<1x16xf32> to vector<16xf32>
      %swap3A_99 = vector.shape_cast %broadcast_in_dim3A_0 : vector<16xf32> to vector<1x16xf32>
      tpu.vector_store %arg12[%swap3A_95, %swap3A_96], %swap3A_99 {strides = array<i32>} : memref<200x128xf32, #tpu.memory_space<vmem>>, vector<1x16xf32>,
      %swap3A_100 = arith.index_cast %scan3A_63 : i32 to index
      %swap3A_101 = arith.constant 112 : index
      %swap3A_102 = tpu.vector_load %arg12[%swap3A_100, %swap3A_101] {strides = array<i32>} : memref<200x128xf32, #tpu.memory_space<vmem>>, vector<1x16xf32>,
      %swap3A_103 = vector.shape_cast %swap3A_102 : vector<1x16xf32> to vector<16xf32>
      %swap3A_104 = vector.shape_cast %broadcast_in_dim3A_0 : vector<16xf32> to vector<1x16xf32>
      tpu.vector_store %arg12[%swap3A_100, %swap3A_101], %swap3A_104 {strides = array<i32>} : memref<200x128xf32, #tpu.memory_space<vmem>>, vector<1x16xf32>,
      %scan3A_105 = arith.constant 0 : i32
      scf.yield %scan3A_105 : i32
    }
    %scan3A_6 = arith.constant 200 : i32
    %swap3A = arith.constant 0 : i32
    %swap3A_7 = arith.index_cast %swap3A : i32 to index
    %swap3A_8 = arith.constant 0 : index
    %swap3A_9 = tpu.vector_load %arg13[%swap3A_7, %swap3A_8] {strides = array<i32>} : memref<8x32xf32, #tpu.memory_space<vmem>>, vector<1x16xf32>,
    %swap3A_10 = vector.shape_cast %swap3A_9 : vector<1x16xf32> to vector<16xf32>
    %swap3A_11 = vector.shape_cast %broadcast_in_dim3A_0 : vector<16xf32> to vector<1x16xf32>
    tpu.vector_store %arg13[%swap3A_7, %swap3A_8], %swap3A_11 {strides = array<i32>} : memref<8x32xf32, #tpu.memory_space<vmem>>, vector<1x16xf32>,
    %swap3A_12 = arith.constant 0 : i32
    %swap3A_13 = arith.index_cast %swap3A_12 : i32 to index
    %swap3A_14 = arith.constant 16 : index
    %swap3A_15 = tpu.vector_load %arg13[%swap3A_13, %swap3A_14] {strides = array<i32>} : memref<8x32xf32, #tpu.memory_space<vmem>>, vector<1x16xf32>,
    %swap3A_16 = vector.shape_cast %swap3A_15 : vector<1x16xf32> to vector<16xf32>
    %swap3A_17 = vector.shape_cast %broadcast_in_dim3A_0 : vector<16xf32> to vector<1x16xf32>
    tpu.vector_store %arg13[%swap3A_13, %swap3A_14], %swap3A_17 {strides = array<i32>} : memref<8x32xf32, #tpu.memory_space<vmem>>, vector<1x16xf32>,
    %swap3A_18 = arith.constant 4 : i32
    %swap3A_19 = arith.index_cast %swap3A_18 : i32 to index
    %swap3A_20 = arith.constant 0 : index
    %swap3A_21 = tpu.vector_load %arg13[%swap3A_19, %swap3A_20] {strides = array<i32>} : memref<8x32xf32, #tpu.memory_space<vmem>>, vector<1x16xf32>,
    %swap3A_22 = vector.shape_cast %swap3A_21 : vector<1x16xf32> to vector<16xf32>
    %swap3A_23 = vector.shape_cast %broadcast_in_dim3A_0 : vector<16xf32> to vector<1x16xf32>
    tpu.vector_store %arg13[%swap3A_19, %swap3A_20], %swap3A_23 {strides = array<i32>} : memref<8x32xf32, #tpu.memory_space<vmem>>, vector<1x16xf32>,
    %swap3A_24 = arith.constant 4 : i32
    %swap3A_25 = arith.index_cast %swap3A_24 : i32 to index
    %swap3A_26 = arith.constant 16 : index
    %swap3A_27 = tpu.vector_load %arg13[%swap3A_25, %swap3A_26] {strides = array<i32>} : memref<8x32xf32, #tpu.memory_space<vmem>>, vector<1x16xf32>,
    %swap3A_28 = vector.shape_cast %swap3A_27 : vector<1x16xf32> to vector<16xf32>
    %swap3A_29 = vector.shape_cast %broadcast_in_dim3A_0 : vector<16xf32> to vector<1x16xf32>
    tpu.vector_store %arg13[%swap3A_25, %swap3A_26], %swap3A_29 {strides = array<i32>} : memref<8x32xf32, #tpu.memory_space<vmem>>, vector<1x16xf32>,
    %mul3A = arith.constant 328 : i32
    %mul3A_30 = arith.muli %arg1, %mul3A : i32
    %add3A = arith.constant 0 : i32
    %add3A_31 = arith.addi %mul3A_30, %add3A : i32
    "tpu.region"() ({
      %run_scoped3A = tpu.sem_alloc : memref<!tpu.dma_semaphore, #tpu.memory_space<semaphore_mem>>
      %dma_start3A = arith.constant 0 : i32
      %dma_start3A_63 = arith.constant 0 : i32
      %dma_start3A_64 = tpu.memref_slice %arg12[%dma_start3A, %dma_start3A_63] : memref<200x128xf32, #tpu.memory_space<vmem>> -> memref<96x128xf32, #tpu.memory_space<vmem>>
      %dma_start3A_65 = arith.constant 0 : i32
      %dma_start3A_66 = tpu.memref_slice %arg14[%add3A_31, %dma_start3A_65] : memref<5248x128xf32, #tpu.memory_space<vmem_shared>> -> memref<96x128xf32, #tpu.memory_space<vmem_shared>>
      %dma_start3A_67 = arith.constant 0 : i32
      %dma_start3A_68 = tpu.memref_slice %arg14[%add3A_31, %dma_start3A_67] : memref<5248x128xf32, #tpu.memory_space<vmem_shared>> -> memref<96x128xf32, #tpu.memory_space<vmem_shared>>
      %dma_start3A_69 = arith.constant 0 : i32
      %dma_start3A_70 = arith.constant 0 : i32
      %dma_start3A_71 = tpu.memref_slice %arg12[%dma_start3A_69, %dma_start3A_70] : memref<200x128xf32, #tpu.memory_space<vmem>> -> memref<96x128xf32, #tpu.memory_space<vmem>>
      tpu.enqueue_dma source(%dma_start3A_71 : memref<96x128xf32, #tpu.memory_space<vmem>>) target(%dma_start3A_68 : memref<96x128xf32, #tpu.memory_space<vmem_shared>>) target_semaphore(%run_scoped3A : memref<!tpu.dma_semaphore, #tpu.memory_space<semaphore_mem>>)
      %dma_wait3A = arith.constant 0 : i32
      %dma_wait3A_72 = arith.constant 0 : i32
      %dma_wait3A_73 = tpu.memref_slice %arg12[%dma_wait3A, %dma_wait3A_72] : memref<200x128xf32, #tpu.memory_space<vmem>> -> memref<96x128xf32, #tpu.memory_space<vmem>>
      %dma_wait3A_74 = arith.constant 0 : i32
      %dma_wait3A_75 = tpu.memref_slice %arg14[%add3A_31, %dma_wait3A_74] : memref<5248x128xf32, #tpu.memory_space<vmem_shared>> -> memref<96x128xf32, #tpu.memory_space<vmem_shared>>
      %dma_wait3A_76 = arith.constant 0 : i32
      %dma_wait3A_77 = tpu.memref_slice %arg14[%add3A_31, %dma_wait3A_76] : memref<5248x128xf32, #tpu.memory_space<vmem_shared>> -> memref<96x128xf32, #tpu.memory_space<vmem_shared>>
      %dma_wait3A_78 = arith.constant 0 : i32
      %dma_wait3A_79 = arith.constant 0 : i32
      %dma_wait3A_80 = tpu.memref_slice %arg12[%dma_wait3A_78, %dma_wait3A_79] : memref<200x128xf32, #tpu.memory_space<vmem>> -> memref<96x128xf32, #tpu.memory_space<vmem>>
      tpu.wait_dma2 semaphore(%run_scoped3A : memref<!tpu.dma_semaphore, #tpu.memory_space<semaphore_mem>>) src(%dma_wait3A_80 : memref<96x128xf32, #tpu.memory_space<vmem>>) dst(%dma_wait3A_77 : memref<96x128xf32, #tpu.memory_space<vmem_shared>>)
      tpu.yield
    }) : () -> ()
    %mul3A_32 = arith.constant 328 : i32
    %mul3A_33 = arith.muli %arg1, %mul3A_32 : i32
    %add3A_34 = arith.constant 96 : i32
    %add3A_35 = arith.addi %mul3A_33, %add3A_34 : i32
    "tpu.region"() ({
      %run_scoped3A = tpu.sem_alloc : memref<!tpu.dma_semaphore, #tpu.memory_space<semaphore_mem>>
      %dma_start3A = arith.constant 0 : i32
      %dma_start3A_63 = arith.constant 0 : i32
      %dma_start3A_64 = tpu.memref_slice %arg12[%dma_start3A, %dma_start3A_63] : memref<200x128xf32, #tpu.memory_space<vmem>> -> memref<96x128xf32, #tpu.memory_space<vmem>>
      %dma_start3A_65 = arith.constant 0 : i32
      %dma_start3A_66 = tpu.memref_slice %arg14[%add3A_35, %dma_start3A_65] : memref<5248x128xf32, #tpu.memory_space<vmem_shared>> -> memref<96x128xf32, #tpu.memory_space<vmem_shared>>
      %dma_start3A_67 = arith.constant 0 : i32
      %dma_start3A_68 = tpu.memref_slice %arg14[%add3A_35, %dma_start3A_67] : memref<5248x128xf32, #tpu.memory_space<vmem_shared>> -> memref<96x128xf32, #tpu.memory_space<vmem_shared>>
      %dma_start3A_69 = arith.constant 0 : i32
      %dma_start3A_70 = arith.constant 0 : i32
      %dma_start3A_71 = tpu.memref_slice %arg12[%dma_start3A_69, %dma_start3A_70] : memref<200x128xf32, #tpu.memory_space<vmem>> -> memref<96x128xf32, #tpu.memory_space<vmem>>
      tpu.enqueue_dma source(%dma_start3A_71 : memref<96x128xf32, #tpu.memory_space<vmem>>) target(%dma_start3A_68 : memref<96x128xf32, #tpu.memory_space<vmem_shared>>) target_semaphore(%run_scoped3A : memref<!tpu.dma_semaphore, #tpu.memory_space<semaphore_mem>>)
      %dma_wait3A = arith.constant 0 : i32
      %dma_wait3A_72 = arith.constant 0 : i32
      %dma_wait3A_73 = tpu.memref_slice %arg12[%dma_wait3A, %dma_wait3A_72] : memref<200x128xf32, #tpu.memory_space<vmem>> -> memref<96x128xf32, #tpu.memory_space<vmem>>
      %dma_wait3A_74 = arith.constant 0 : i32
      %dma_wait3A_75 = tpu.memref_slice %arg14[%add3A_35, %dma_wait3A_74] : memref<5248x128xf32, #tpu.memory_space<vmem_shared>> -> memref<96x128xf32, #tpu.memory_space<vmem_shared>>
      %dma_wait3A_76 = arith.constant 0 : i32
      %dma_wait3A_77 = tpu.memref_slice %arg14[%add3A_35, %dma_wait3A_76] : memref<5248x128xf32, #tpu.memory_space<vmem_shared>> -> memref<96x128xf32, #tpu.memory_space<vmem_shared>>
      %dma_wait3A_78 = arith.constant 0 : i32
      %dma_wait3A_79 = arith.constant 0 : i32
      %dma_wait3A_80 = tpu.memref_slice %arg12[%dma_wait3A_78, %dma_wait3A_79] : memref<200x128xf32, #tpu.memory_space<vmem>> -> memref<96x128xf32, #tpu.memory_space<vmem>>
      tpu.wait_dma2 semaphore(%run_scoped3A : memref<!tpu.dma_semaphore, #tpu.memory_space<semaphore_mem>>) src(%dma_wait3A_80 : memref<96x128xf32, #tpu.memory_space<vmem>>) dst(%dma_wait3A_77 : memref<96x128xf32, #tpu.memory_space<vmem_shared>>)
      tpu.yield
    }) : () -> ()
    %mul3A_36 = arith.constant 328 : i32
    %mul3A_37 = arith.muli %arg1, %mul3A_36 : i32
    %add3A_38 = arith.constant 192 : i32
    %add3A_39 = arith.addi %mul3A_37, %add3A_38 : i32
    "tpu.region"() ({
      %run_scoped3A = tpu.sem_alloc : memref<!tpu.dma_semaphore, #tpu.memory_space<semaphore_mem>>
      %dma_start3A = arith.constant 0 : i32
      %dma_start3A_63 = arith.constant 0 : i32
      %dma_start3A_64 = tpu.memref_slice %arg12[%dma_start3A, %dma_start3A_63] : memref<200x128xf32, #tpu.memory_space<vmem>> -> memref<96x128xf32, #tpu.memory_space<vmem>>
      %dma_start3A_65 = arith.constant 0 : i32
      %dma_start3A_66 = tpu.memref_slice %arg14[%add3A_39, %dma_start3A_65] : memref<5248x128xf32, #tpu.memory_space<vmem_shared>> -> memref<96x128xf32, #tpu.memory_space<vmem_shared>>
      %dma_start3A_67 = arith.constant 0 : i32
      %dma_start3A_68 = tpu.memref_slice %arg14[%add3A_39, %dma_start3A_67] : memref<5248x128xf32, #tpu.memory_space<vmem_shared>> -> memref<96x128xf32, #tpu.memory_space<vmem_shared>>
      %dma_start3A_69 = arith.constant 0 : i32
      %dma_start3A_70 = arith.constant 0 : i32
      %dma_start3A_71 = tpu.memref_slice %arg12[%dma_start3A_69, %dma_start3A_70] : memref<200x128xf32, #tpu.memory_space<vmem>> -> memref<96x128xf32, #tpu.memory_space<vmem>>
      tpu.enqueue_dma source(%dma_start3A_71 : memref<96x128xf32, #tpu.memory_space<vmem>>) target(%dma_start3A_68 : memref<96x128xf32, #tpu.memory_space<vmem_shared>>) target_semaphore(%run_scoped3A : memref<!tpu.dma_semaphore, #tpu.memory_space<semaphore_mem>>)
      %dma_wait3A = arith.constant 0 : i32
      %dma_wait3A_72 = arith.constant 0 : i32
      %dma_wait3A_73 = tpu.memref_slice %arg12[%dma_wait3A, %dma_wait3A_72] : memref<200x128xf32, #tpu.memory_space<vmem>> -> memref<96x128xf32, #tpu.memory_space<vmem>>
      %dma_wait3A_74 = arith.constant 0 : i32
      %dma_wait3A_75 = tpu.memref_slice %arg14[%add3A_39, %dma_wait3A_74] : memref<5248x128xf32, #tpu.memory_space<vmem_shared>> -> memref<96x128xf32, #tpu.memory_space<vmem_shared>>
      %dma_wait3A_76 = arith.constant 0 : i32
      %dma_wait3A_77 = tpu.memref_slice %arg14[%add3A_39, %dma_wait3A_76] : memref<5248x128xf32, #tpu.memory_space<vmem_shared>> -> memref<96x128xf32, #tpu.memory_space<vmem_shared>>
      %dma_wait3A_78 = arith.constant 0 : i32
      %dma_wait3A_79 = arith.constant 0 : i32
      %dma_wait3A_80 = tpu.memref_slice %arg12[%dma_wait3A_78, %dma_wait3A_79] : memref<200x128xf32, #tpu.memory_space<vmem>> -> memref<96x128xf32, #tpu.memory_space<vmem>>
      tpu.wait_dma2 semaphore(%run_scoped3A : memref<!tpu.dma_semaphore, #tpu.memory_space<semaphore_mem>>) src(%dma_wait3A_80 : memref<96x128xf32, #tpu.memory_space<vmem>>) dst(%dma_wait3A_77 : memref<96x128xf32, #tpu.memory_space<vmem_shared>>)
      tpu.yield
    }) : () -> ()
    %mul3A_40 = arith.constant 328 : i32
    %mul3A_41 = arith.muli %arg1, %mul3A_40 : i32
    %add3A_42 = arith.constant 288 : i32
    %add3A_43 = arith.addi %mul3A_41, %add3A_42 : i32
    "tpu.region"() ({
      %run_scoped3A = tpu.sem_alloc : memref<!tpu.dma_semaphore, #tpu.memory_space<semaphore_mem>>
      %dma_start3A = arith.constant 0 : i32
      %dma_start3A_63 = arith.constant 0 : i32
      %dma_start3A_64 = tpu.memref_slice %arg12[%dma_start3A, %dma_start3A_63] : memref<200x128xf32, #tpu.memory_space<vmem>> -> memref<40x128xf32, #tpu.memory_space<vmem>>
      %dma_start3A_65 = arith.constant 0 : i32
      %dma_start3A_66 = tpu.memref_slice %arg14[%add3A_43, %dma_start3A_65] : memref<5248x128xf32, #tpu.memory_space<vmem_shared>> -> memref<40x128xf32, #tpu.memory_space<vmem_shared>>
      %dma_start3A_67 = arith.constant 0 : i32
      %dma_start3A_68 = tpu.memref_slice %arg14[%add3A_43, %dma_start3A_67] : memref<5248x128xf32, #tpu.memory_space<vmem_shared>> -> memref<40x128xf32, #tpu.memory_space<vmem_shared>>
      %dma_start3A_69 = arith.constant 0 : i32
      %dma_start3A_70 = arith.constant 0 : i32
      %dma_start3A_71 = tpu.memref_slice %arg12[%dma_start3A_69, %dma_start3A_70] : memref<200x128xf32, #tpu.memory_space<vmem>> -> memref<40x128xf32, #tpu.memory_space<vmem>>
      tpu.enqueue_dma source(%dma_start3A_71 : memref<40x128xf32, #tpu.memory_space<vmem>>) target(%dma_start3A_68 : memref<40x128xf32, #tpu.memory_space<vmem_shared>>) target_semaphore(%run_scoped3A : memref<!tpu.dma_semaphore, #tpu.memory_space<semaphore_mem>>)
      %dma_wait3A = arith.constant 0 : i32
      %dma_wait3A_72 = arith.constant 0 : i32
      %dma_wait3A_73 = tpu.memref_slice %arg12[%dma_wait3A, %dma_wait3A_72] : memref<200x128xf32, #tpu.memory_space<vmem>> -> memref<40x128xf32, #tpu.memory_space<vmem>>
      %dma_wait3A_74 = arith.constant 0 : i32
      %dma_wait3A_75 = tpu.memref_slice %arg14[%add3A_43, %dma_wait3A_74] : memref<5248x128xf32, #tpu.memory_space<vmem_shared>> -> memref<40x128xf32, #tpu.memory_space<vmem_shared>>
      %dma_wait3A_76 = arith.constant 0 : i32
      %dma_wait3A_77 = tpu.memref_slice %arg14[%add3A_43, %dma_wait3A_76] : memref<5248x128xf32, #tpu.memory_space<vmem_shared>> -> memref<40x128xf32, #tpu.memory_space<vmem_shared>>
      %dma_wait3A_78 = arith.constant 0 : i32
      %dma_wait3A_79 = arith.constant 0 : i32
      %dma_wait3A_80 = tpu.memref_slice %arg12[%dma_wait3A_78, %dma_wait3A_79] : memref<200x128xf32, #tpu.memory_space<vmem>> -> memref<40x128xf32, #tpu.memory_space<vmem>>
      tpu.wait_dma2 semaphore(%run_scoped3A : memref<!tpu.dma_semaphore, #tpu.memory_space<semaphore_mem>>) src(%dma_wait3A_80 : memref<40x128xf32, #tpu.memory_space<vmem>>) dst(%dma_wait3A_77 : memref<40x128xf32, #tpu.memory_space<vmem_shared>>)
      tpu.yield
    }) : () -> ()
    %barrier3A = arith.constant 0 : index
    tpu.barrier barrier_id(%barrier3A)
    %mul3A_44 = arith.constant 20000 : i32
    %mul3A_45 = arith.muli %arg1, %mul3A_44 : i32
    %mul3A_46 = arith.constant 5120 : i32
    %mul3A_47 = arith.muli %arg0, %mul3A_46 : i32
    %iota3A = tpu.iota {dimensions = array<i32: 0>} : vector<16xi32>
    %scan3A_48 = arith.constant 0 : i32
    %scan3A_49 = arith.constant 0 : i32
    %scan3A_50 = arith.constant 100 : i32
    %scan3A_51 = arith.addi %scan3A_49, %scan3A_50 : i32
    %scan3A_52 = arith.constant 1 : i32
    %scan3A_53 = scf.for %scan3A_63 = %scan3A_49 to %scan3A_51 step %scan3A_52 iter_args(%scan3A_64 = %scan3A_48) -> (i32)  : i32 {
      %mul3A_65 = arith.constant 200 : i32
      %mul3A_66 = arith.muli %scan3A_63, %mul3A_65 : i32
      %add3A_67 = arith.addi %mul3A_45, %mul3A_66 : i32
      "tpu.region"() ({
        %run_scoped3A = tpu.sem_alloc : memref<!tpu.dma_semaphore, #tpu.memory_space<semaphore_mem>>
        %dma_start3A_93 = tpu.memref_slice %arg4[%add3A_67] : memref<320000xi32, #tpu.memory_space<hbm>> -> memref<200xi32, #tpu.memory_space<hbm>>
        %dma_start3A_94 = tpu.memref_slice %arg4[%add3A_67] : memref<320000xi32, #tpu.memory_space<hbm>> -> memref<200xi32, #tpu.memory_space<hbm>>
        tpu.enqueue_dma source(%dma_start3A_94 : memref<200xi32, #tpu.memory_space<hbm>>) target(%arg7 : memref<200xi32, #tpu.memory_space<vmem>>) target_semaphore(%run_scoped3A : memref<!tpu.dma_semaphore, #tpu.memory_space<semaphore_mem>>)
        %dma_wait3A_95 = tpu.memref_slice %arg4[%add3A_67] : memref<320000xi32, #tpu.memory_space<hbm>> -> memref<200xi32, #tpu.memory_space<hbm>>
        %dma_wait3A_96 = tpu.memref_slice %arg4[%add3A_67] : memref<320000xi32, #tpu.memory_space<hbm>> -> memref<200xi32, #tpu.memory_space<hbm>>
        tpu.wait_dma2 semaphore(%run_scoped3A : memref<!tpu.dma_semaphore, #tpu.memory_space<semaphore_mem>>) src(%dma_wait3A_96 : memref<200xi32, #tpu.memory_space<hbm>>) dst(%arg7 : memref<200xi32, #tpu.memory_space<vmem>>)
        tpu.yield
      }) : () -> ()
      "tpu.region"() ({
        %run_scoped3A = tpu.sem_alloc : memref<!tpu.dma_semaphore, #tpu.memory_space<semaphore_mem>>
        %dma_start3A_93 = tpu.memref_slice %arg5[%add3A_67] : memref<320000xi32, #tpu.memory_space<hbm>> -> memref<200xi32, #tpu.memory_space<hbm>>
        %dma_start3A_94 = tpu.memref_slice %arg5[%add3A_67] : memref<320000xi32, #tpu.memory_space<hbm>> -> memref<200xi32, #tpu.memory_space<hbm>>
        tpu.enqueue_dma source(%dma_start3A_94 : memref<200xi32, #tpu.memory_space<hbm>>) target(%arg8 : memref<200xi32, #tpu.memory_space<vmem>>) target_semaphore(%run_scoped3A : memref<!tpu.dma_semaphore, #tpu.memory_space<semaphore_mem>>)
        %dma_wait3A_95 = tpu.memref_slice %arg5[%add3A_67] : memref<320000xi32, #tpu.memory_space<hbm>> -> memref<200xi32, #tpu.memory_space<hbm>>
        %dma_wait3A_96 = tpu.memref_slice %arg5[%add3A_67] : memref<320000xi32, #tpu.memory_space<hbm>> -> memref<200xi32, #tpu.memory_space<hbm>>
        tpu.wait_dma2 semaphore(%run_scoped3A : memref<!tpu.dma_semaphore, #tpu.memory_space<semaphore_mem>>) src(%dma_wait3A_96 : memref<200xi32, #tpu.memory_space<hbm>>) dst(%arg8 : memref<200xi32, #tpu.memory_space<vmem>>)
        tpu.yield
      }) : () -> ()
      %scan3A_68 = arith.constant 0 : i32
      %scan3A_69 = arith.constant 0 : i32
      %scan3A_70 = arith.constant 13 : i32
      %scan3A_71 = arith.addi %scan3A_69, %scan3A_70 : i32
      %scan3A_72 = arith.constant 1 : i32
      %scan3A_73 = scf.for %scan3A_93 = %scan3A_69 to %scan3A_71 step %scan3A_72 iter_args(%scan3A_94 = %scan3A_68) -> (i32)  : i32 {
        %mul3A_95 = arith.constant 16 : i32
        %mul3A_96 = arith.muli %scan3A_93, %mul3A_95 : i32
        %min3A = arith.constant 184 : i32
        %min3A_97 = arith.minsi %mul3A_96, %min3A : i32
        %get3A = arith.index_cast %min3A_97 : i32 to index
        %get3A_98 = tpu.vector_load %arg8[%get3A] {strides = array<i32>} : memref<200xi32, #tpu.memory_space<vmem>>, vector<16xi32>,
        %get3A_99 = vector.shape_cast %get3A_98 : vector<16xi32> to vector<16xi32>
        %sub3A = vector.broadcast %mul3A_47 : i32 to vector<16xi32>
        %sub3A_100 = arith.subi %get3A_99, %sub3A : vector<16xi32>
        %ge3A = arith.constant 0 : i32
        %ge3A_101 = vector.broadcast %ge3A : i32 to vector<16xi32>
        %ge3A_102 = arith.cmpi sge, %sub3A_100, %ge3A_101 : vector<16xi32>
        %lt3A = arith.constant 5120 : i32
        %lt3A_103 = vector.broadcast %lt3A : i32 to vector<16xi32>
        %lt3A_104 = arith.cmpi slt, %sub3A_100, %lt3A_103 : vector<16xi32>
        %and3A = arith.andi %ge3A_102, %lt3A_104 : vector<16xi1>
        %broadcast_in_dim3A_105 = arith.constant 5247 : i32
        %broadcast_in_dim3A_106 = vector.broadcast %broadcast_in_dim3A_105 : i32 to vector<16xi32>
        %select_n3A = arith.select %and3A, %sub3A_100, %broadcast_in_dim3A_106 : vector<16xi1>, vector<16xi32>
        %swap3A_107 = arith.index_cast %min3A_97 : i32 to index
        %swap3A_108 = tpu.vector_load %arg9[%swap3A_107] {strides = array<i32>} : memref<200xi32, #tpu.memory_space<vmem>>, vector<16xi32>,
        %swap3A_109 = vector.shape_cast %swap3A_108 : vector<16xi32> to vector<16xi32>
        %swap3A_110 = vector.shape_cast %select_n3A : vector<16xi32> to vector<16xi32>
        tpu.vector_store %arg9[%swap3A_107], %swap3A_110 {strides = array<i32>} : memref<200xi32, #tpu.memory_space<vmem>>, vector<16xi32>,
        %scan3A_111 = arith.constant 0 : i32
        scf.yield %scan3A_111 : i32
      }
      %scan3A_74 = arith.constant 13 : i32
      %dma_start3A = arith.constant 0 : i32
      %dma_start3A_75 = arith.constant 0 : i32
      %dma_start3A_76 = tpu.memref_slice %arg2[%dma_start3A, %dma_start3A_75] : memref<10000x128xf32, #tpu.memory_space<hbm>> -> memref<10000x128xf32, #tpu.memory_space<hbm>>
      tpu.enqueue_indirect_dma source(%dma_start3A_76 : memref<10000x128xf32, #tpu.memory_space<hbm>>) target(%arg10 : memref<200x128xf32, #tpu.memory_space<vmem>>) offsets(%arg8 : memref<200xi32, #tpu.memory_space<vmem>>) semaphore(%arg15 : memref<!tpu.dma_semaphore, #tpu.memory_space<semaphore_mem>>)
      %dma_wait3A = arith.constant 0 : i32
      %dma_wait3A_77 = arith.constant 0 : i32
      %dma_wait3A_78 = tpu.memref_slice %arg2[%dma_wait3A, %dma_wait3A_77] : memref<10000x128xf32, #tpu.memory_space<hbm>> -> memref<10000x128xf32, #tpu.memory_space<hbm>>
      tpu.wait_indirect_dma semaphore(%arg15 : memref<!tpu.dma_semaphore, #tpu.memory_space<semaphore_mem>>) src(%dma_wait3A_78 : memref<10000x128xf32, #tpu.memory_space<hbm>>) dst(%arg10 : memref<200x128xf32, #tpu.memory_space<vmem>>)
      %dma_start3A_79 = arith.constant 0 : i32
      %dma_start3A_80 = arith.constant 0 : i32
      %dma_start3A_81 = tpu.memref_slice %arg3[%dma_start3A_79, %dma_start3A_80] : memref<10000x128xf32, #tpu.memory_space<hbm>> -> memref<10000x128xf32, #tpu.memory_space<hbm>>
      tpu.enqueue_indirect_dma source(%dma_start3A_81 : memref<10000x128xf32, #tpu.memory_space<hbm>>) target(%arg11 : memref<200x128xf32, #tpu.memory_space<vmem>>) offsets(%arg7 : memref<200xi32, #tpu.memory_space<vmem>>) semaphore(%arg15 : memref<!tpu.dma_semaphore, #tpu.memory_space<semaphore_mem>>)
      %dma_wait3A_82 = arith.constant 0 : i32
      %dma_wait3A_83 = arith.constant 0 : i32
      %dma_wait3A_84 = tpu.memref_slice %arg3[%dma_wait3A_82, %dma_wait3A_83] : memref<10000x128xf32, #tpu.memory_space<hbm>> -> memref<10000x128xf32, #tpu.memory_space<hbm>>
      tpu.wait_indirect_dma semaphore(%arg15 : memref<!tpu.dma_semaphore, #tpu.memory_space<semaphore_mem>>) src(%dma_wait3A_84 : memref<10000x128xf32, #tpu.memory_space<hbm>>) dst(%arg11 : memref<200x128xf32, #tpu.memory_space<vmem>>)
      %scan3A_85 = arith.constant 0 : i32
      %scan3A_86 = arith.constant 0 : i32
      %scan3A_87 = arith.constant 100 : i32
      %scan3A_88 = arith.addi %scan3A_86, %scan3A_87 : i32
      %scan3A_89 = arith.constant 1 : i32
      %scan3A_90 = scf.for %scan3A_93 = %scan3A_86 to %scan3A_88 step %scan3A_89 iter_args(%scan3A_94 = %scan3A_85) -> (i32)  : i32 {
        %mul3A_95 = arith.constant 2 : i32
        %mul3A_96 = arith.muli %scan3A_93, %mul3A_95 : i32
        %get3A = arith.index_cast %mul3A_96 : i32 to index
        %get3A_97 = arith.constant 0 : index
        %get3A_98 = tpu.vector_load %arg10[%get3A, %get3A_97] {strides = array<i32>} : memref<200x128xf32, #tpu.memory_space<vmem>>, vector<1x16xf32>,
        %get3A_99 = vector.shape_cast %get3A_98 : vector<1x16xf32> to vector<16xf32>
        %get3A_100 = arith.index_cast %mul3A_96 : i32 to index
        %get3A_101 = arith.constant 0 : index
        %get3A_102 = tpu.vector_load %arg11[%get3A_100, %get3A_101] {strides = array<i32>} : memref<200x128xf32, #tpu.memory_space<vmem>>, vector<1x16xf32>,
        %get3A_103 = vector.shape_cast %get3A_102 : vector<1x16xf32> to vector<16xf32>
        %get3A_104 = arith.index_cast %mul3A_96 : i32 to index
        %get3A_105 = arith.constant 32 : index
        %get3A_106 = tpu.vector_load %arg11[%get3A_104, %get3A_105] {strides = array<i32>} : memref<200x128xf32, #tpu.memory_space<vmem>>, vector<1x16xf32>,
        %get3A_107 = vector.shape_cast %get3A_106 : vector<1x16xf32> to vector<16xf32>
        %get3A_108 = arith.index_cast %mul3A_96 : i32 to index
        %get3A_109 = arith.constant 16 : index
        %get3A_110 = tpu.vector_load %arg10[%get3A_108, %get3A_109] {strides = array<i32>} : memref<200x128xf32, #tpu.memory_space<vmem>>, vector<1x16xf32>,
        %get3A_111 = vector.shape_cast %get3A_110 : vector<1x16xf32> to vector<16xf32>
        %get3A_112 = arith.index_cast %mul3A_96 : i32 to index
        %get3A_113 = arith.constant 16 : index
        %get3A_114 = tpu.vector_load %arg11[%get3A_112, %get3A_113] {strides = array<i32>} : memref<200x128xf32, #tpu.memory_space<vmem>>, vector<1x16xf32>,
        %get3A_115 = vector.shape_cast %get3A_114 : vector<1x16xf32> to vector<16xf32>
        %get3A_116 = arith.index_cast %mul3A_96 : i32 to index
        %get3A_117 = arith.constant 48 : index
        %get3A_118 = tpu.vector_load %arg11[%get3A_116, %get3A_117] {strides = array<i32>} : memref<200x128xf32, #tpu.memory_space<vmem>>, vector<1x16xf32>,
        %get3A_119 = vector.shape_cast %get3A_118 : vector<1x16xf32> to vector<16xf32>
        %mul3A_120 = arith.mulf %get3A_99, %get3A_103 : vector<16xf32>
        %swap3A_121 = arith.constant 0 : i32
        %swap3A_122 = arith.index_cast %swap3A_121 : i32 to index
        %swap3A_123 = arith.constant 0 : index
        %swap3A_124 = tpu.vector_load %arg13[%swap3A_122, %swap3A_123] {strides = array<i32>} : memref<8x32xf32, #tpu.memory_space<vmem>>, vector<1x16xf32>,
        %swap3A_125 = vector.shape_cast %swap3A_124 : vector<1x16xf32> to vector<16xf32>
        %swap3A_126 = vector.shape_cast %mul3A_120 : vector<16xf32> to vector<1x16xf32>
        tpu.vector_store %arg13[%swap3A_122, %swap3A_123], %swap3A_126 {strides = array<i32>} : memref<8x32xf32, #tpu.memory_space<vmem>>, vector<1x16xf32>,
        %get3A_127 = arith.constant 0 : i32
        %get3A_128 = arith.index_cast %get3A_127 : i32 to index
        %get3A_129 = arith.constant 4 : index
        %get3A_130 = tpu.vector_load %arg13[%get3A_128, %get3A_129] {strides = array<i32>} : memref<8x32xf32, #tpu.memory_space<vmem>>, vector<1x16xf32>,
        %get3A_131 = vector.shape_cast %get3A_130 : vector<1x16xf32> to vector<16xf32>
        %add3A_132 = arith.addf %mul3A_120, %get3A_131 : vector<16xf32>
        %swap3A_133 = arith.constant 0 : i32
        %swap3A_134 = arith.index_cast %swap3A_133 : i32 to index
        %swap3A_135 = arith.constant 0 : index
        %swap3A_136 = tpu.vector_load %arg13[%swap3A_134, %swap3A_135] {strides = array<i32>} : memref<8x32xf32, #tpu.memory_space<vmem>>, vector<1x16xf32>,
        %swap3A_137 = vector.shape_cast %swap3A_136 : vector<1x16xf32> to vector<16xf32>
        %swap3A_138 = vector.shape_cast %add3A_132 : vector<16xf32> to vector<1x16xf32>
        tpu.vector_store %arg13[%swap3A_134, %swap3A_135], %swap3A_138 {strides = array<i32>} : memref<8x32xf32, #tpu.memory_space<vmem>>, vector<1x16xf32>,
        %get3A_139 = arith.constant 0 : i32
        %get3A_140 = arith.index_cast %get3A_139 : i32 to index
        %get3A_141 = arith.constant 2 : index
        %get3A_142 = tpu.vector_load %arg13[%get3A_140, %get3A_141] {strides = array<i32>} : memref<8x32xf32, #tpu.memory_space<vmem>>, vector<1x16xf32>,
        %get3A_143 = vector.shape_cast %get3A_142 : vector<1x16xf32> to vector<16xf32>
        %add3A_144 = arith.addf %add3A_132, %get3A_143 : vector<16xf32>
        %swap3A_145 = arith.constant 0 : i32
        %swap3A_146 = arith.index_cast %swap3A_145 : i32 to index
        %swap3A_147 = arith.constant 0 : index
        %swap3A_148 = tpu.vector_load %arg13[%swap3A_146, %swap3A_147] {strides = array<i32>} : memref<8x32xf32, #tpu.memory_space<vmem>>, vector<1x16xf32>,
        %swap3A_149 = vector.shape_cast %swap3A_148 : vector<1x16xf32> to vector<16xf32>
        %swap3A_150 = vector.shape_cast %add3A_144 : vector<16xf32> to vector<1x16xf32>
        tpu.vector_store %arg13[%swap3A_146, %swap3A_147], %swap3A_150 {strides = array<i32>} : memref<8x32xf32, #tpu.memory_space<vmem>>, vector<1x16xf32>,
        %get3A_151 = arith.constant 0 : i32
        %get3A_152 = arith.index_cast %get3A_151 : i32 to index
        %get3A_153 = arith.constant 1 : index
        %get3A_154 = tpu.vector_load %arg13[%get3A_152, %get3A_153] {strides = array<i32>} : memref<8x32xf32, #tpu.memory_space<vmem>>, vector<1x16xf32>,
        %get3A_155 = vector.shape_cast %get3A_154 : vector<1x16xf32> to vector<16xf32>
        %add3A_156 = arith.addf %add3A_144, %get3A_155 : vector<16xf32>
        %mul3A_157 = arith.mulf %get3A_111, %get3A_115 : vector<16xf32>
        %swap3A_158 = arith.constant 0 : i32
        %swap3A_159 = arith.index_cast %swap3A_158 : i32 to index
        %swap3A_160 = arith.constant 0 : index
        %swap3A_161 = tpu.vector_load %arg13[%swap3A_159, %swap3A_160] {strides = array<i32>} : memref<8x32xf32, #tpu.memory_space<vmem>>, vector<1x16xf32>,
        %swap3A_162 = vector.shape_cast %swap3A_161 : vector<1x16xf32> to vector<16xf32>
        %swap3A_163 = vector.shape_cast %mul3A_157 : vector<16xf32> to vector<1x16xf32>
        tpu.vector_store %arg13[%swap3A_159, %swap3A_160], %swap3A_163 {strides = array<i32>} : memref<8x32xf32, #tpu.memory_space<vmem>>, vector<1x16xf32>,
        %get3A_164 = arith.constant 0 : i32
        %get3A_165 = arith.index_cast %get3A_164 : i32 to index
        %get3A_166 = arith.constant 4 : index
        %get3A_167 = tpu.vector_load %arg13[%get3A_165, %get3A_166] {strides = array<i32>} : memref<8x32xf32, #tpu.memory_space<vmem>>, vector<1x16xf32>,
        %get3A_168 = vector.shape_cast %get3A_167 : vector<1x16xf32> to vector<16xf32>
        %add3A_169 = arith.addf %mul3A_157, %get3A_168 : vector<16xf32>
        %swap3A_170 = arith.constant 0 : i32
        %swap3A_171 = arith.index_cast %swap3A_170 : i32 to index
        %swap3A_172 = arith.constant 0 : index
        %swap3A_173 = tpu.vector_load %arg13[%swap3A_171, %swap3A_172] {strides = array<i32>} : memref<8x32xf32, #tpu.memory_space<vmem>>, vector<1x16xf32>,
        %swap3A_174 = vector.shape_cast %swap3A_173 : vector<1x16xf32> to vector<16xf32>
        %swap3A_175 = vector.shape_cast %add3A_169 : vector<16xf32> to vector<1x16xf32>
        tpu.vector_store %arg13[%swap3A_171, %swap3A_172], %swap3A_175 {strides = array<i32>} : memref<8x32xf32, #tpu.memory_space<vmem>>, vector<1x16xf32>,
        %get3A_176 = arith.constant 0 : i32
        %get3A_177 = arith.index_cast %get3A_176 : i32 to index
        %get3A_178 = arith.constant 2 : index
        %get3A_179 = tpu.vector_load %arg13[%get3A_177, %get3A_178] {strides = array<i32>} : memref<8x32xf32, #tpu.memory_space<vmem>>, vector<1x16xf32>,
        %get3A_180 = vector.shape_cast %get3A_179 : vector<1x16xf32> to vector<16xf32>
        %add3A_181 = arith.addf %add3A_169, %get3A_180 : vector<16xf32>
        %swap3A_182 = arith.constant 0 : i32
        %swap3A_183 = arith.index_cast %swap3A_182 : i32 to index
        %swap3A_184 = arith.constant 0 : index
        %swap3A_185 = tpu.vector_load %arg13[%swap3A_183, %swap3A_184] {strides = array<i32>} : memref<8x32xf32, #tpu.memory_space<vmem>>, vector<1x16xf32>,
        %swap3A_186 = vector.shape_cast %swap3A_185 : vector<1x16xf32> to vector<16xf32>
        %swap3A_187 = vector.shape_cast %add3A_181 : vector<16xf32> to vector<1x16xf32>
        tpu.vector_store %arg13[%swap3A_183, %swap3A_184], %swap3A_187 {strides = array<i32>} : memref<8x32xf32, #tpu.memory_space<vmem>>, vector<1x16xf32>,
        %get3A_188 = arith.constant 0 : i32
        %get3A_189 = arith.index_cast %get3A_188 : i32 to index
        %get3A_190 = arith.constant 1 : index
        %get3A_191 = tpu.vector_load %arg13[%get3A_189, %get3A_190] {strides = array<i32>} : memref<8x32xf32, #tpu.memory_space<vmem>>, vector<1x16xf32>,
        %get3A_192 = vector.shape_cast %get3A_191 : vector<1x16xf32> to vector<16xf32>
        %add3A_193 = arith.addf %add3A_181, %get3A_192 : vector<16xf32>
        %slice3A = vector.extract_strided_slice %add3A_156 {offsets = [0], sizes = [1], strides = [1]} : vector<16xf32> to vector<1xf32>
        %squeeze3A = vector.extract %slice3A[0] : f32 from vector<1xf32>
        %mul3A_194 = arith.constant 0.353553385 : f32
        %mul3A_195 = arith.mulf %squeeze3A, %mul3A_194 : f32
        %broadcast_in_dim3A_196 = vector.broadcast %mul3A_195 : f32 to vector<16xf32>
        %slice3A_197 = vector.extract_strided_slice %add3A_156 {offsets = [8], sizes = [1], strides = [1]} : vector<16xf32> to vector<1xf32>
        %squeeze3A_198 = vector.extract %slice3A_197[0] : f32 from vector<1xf32>
        %mul3A_199 = arith.constant 0.353553385 : f32
        %mul3A_200 = arith.mulf %squeeze3A_198, %mul3A_199 : f32
        %broadcast_in_dim3A_201 = vector.broadcast %mul3A_200 : f32 to vector<16xf32>
        %slice3A_202 = vector.extract_strided_slice %add3A_193 {offsets = [0], sizes = [1], strides = [1]} : vector<16xf32> to vector<1xf32>
        %squeeze3A_203 = vector.extract %slice3A_202[0] : f32 from vector<1xf32>
        %mul3A_204 = arith.constant 0.353553385 : f32
        %mul3A_205 = arith.mulf %squeeze3A_203, %mul3A_204 : f32
        %broadcast_in_dim3A_206 = vector.broadcast %mul3A_205 : f32 to vector<16xf32>
        %slice3A_207 = vector.extract_strided_slice %add3A_193 {offsets = [8], sizes = [1], strides = [1]} : vector<16xf32> to vector<1xf32>
        %squeeze3A_208 = vector.extract %slice3A_207[0] : f32 from vector<1xf32>
        %mul3A_209 = arith.constant 0.353553385 : f32
        %mul3A_210 = arith.mulf %squeeze3A_208, %mul3A_209 : f32
        %broadcast_in_dim3A_211 = vector.broadcast %mul3A_210 : f32 to vector<16xf32>
        %lt3A = arith.constant 8 : i32
        %lt3A_212 = vector.broadcast %lt3A : i32 to vector<16xi32>
        %lt3A_213 = arith.cmpi slt, %iota3A, %lt3A_212 : vector<16xi32>
        %select_n3A = arith.select %lt3A_213, %broadcast_in_dim3A_196, %broadcast_in_dim3A_201 : vector<16xi1>, vector<16xf32>
        %exp3A = math.exp %select_n3A : vector<16xf32>
        %lt3A_214 = arith.constant 8 : i32
        %lt3A_215 = vector.broadcast %lt3A_214 : i32 to vector<16xi32>
        %lt3A_216 = arith.cmpi slt, %iota3A, %lt3A_215 : vector<16xi32>
        %select_n3A_217 = arith.select %lt3A_216, %broadcast_in_dim3A_206, %broadcast_in_dim3A_211 : vector<16xi1>, vector<16xf32>
        %exp3A_218 = math.exp %select_n3A_217 : vector<16xf32>
        %mul3A_219 = arith.mulf %get3A_107, %exp3A : vector<16xf32>
        %swap3A_220 = arith.index_cast %mul3A_96 : i32 to index
        %swap3A_221 = arith.constant 0 : index
        %swap3A_222 = tpu.vector_load %arg12[%swap3A_220, %swap3A_221] {strides = array<i32>} : memref<200x128xf32, #tpu.memory_space<vmem>>, vector<1x16xf32>,
        %swap3A_223 = vector.shape_cast %swap3A_222 : vector<1x16xf32> to vector<16xf32>
        %swap3A_224 = vector.shape_cast %mul3A_219 : vector<16xf32> to vector<1x16xf32>
        tpu.vector_store %arg12[%swap3A_220, %swap3A_221], %swap3A_224 {strides = array<i32>} : memref<200x128xf32, #tpu.memory_space<vmem>>, vector<1x16xf32>,
        %mul3A_225 = arith.mulf %get3A_119, %exp3A_218 : vector<16xf32>
        %swap3A_226 = arith.index_cast %mul3A_96 : i32 to index
        %swap3A_227 = arith.constant 16 : index
        %swap3A_228 = tpu.vector_load %arg12[%swap3A_226, %swap3A_227] {strides = array<i32>} : memref<200x128xf32, #tpu.memory_space<vmem>>, vector<1x16xf32>,
        %swap3A_229 = vector.shape_cast %swap3A_228 : vector<1x16xf32> to vector<16xf32>
        %swap3A_230 = vector.shape_cast %mul3A_225 : vector<16xf32> to vector<1x16xf32>
        tpu.vector_store %arg12[%swap3A_226, %swap3A_227], %swap3A_230 {strides = array<i32>} : memref<200x128xf32, #tpu.memory_space<vmem>>, vector<1x16xf32>,
        %slice3A_231 = vector.extract_strided_slice %exp3A {offsets = [0], sizes = [1], strides = [1]} : vector<16xf32> to vector<1xf32>
        %squeeze3A_232 = vector.extract %slice3A_231[0] : f32 from vector<1xf32>
        %broadcast_in_dim3A_233 = vector.broadcast %squeeze3A_232 : f32 to vector<16xf32>
        %slice3A_234 = vector.extract_strided_slice %exp3A {offsets = [8], sizes = [1], strides = [1]} : vector<16xf32> to vector<1xf32>
        %squeeze3A_235 = vector.extract %slice3A_234[0] : f32 from vector<1xf32>
        %broadcast_in_dim3A_236 = vector.broadcast %squeeze3A_235 : f32 to vector<16xf32>
        %slice3A_237 = vector.extract_strided_slice %exp3A_218 {offsets = [0], sizes = [1], strides = [1]} : vector<16xf32> to vector<1xf32>
        %squeeze3A_238 = vector.extract %slice3A_237[0] : f32 from vector<1xf32>
        %broadcast_in_dim3A_239 = vector.broadcast %squeeze3A_238 : f32 to vector<16xf32>
        %slice3A_240 = vector.extract_strided_slice %exp3A_218 {offsets = [8], sizes = [1], strides = [1]} : vector<16xf32> to vector<1xf32>
        %squeeze3A_241 = vector.extract %slice3A_240[0] : f32 from vector<1xf32>
        %broadcast_in_dim3A_242 = vector.broadcast %squeeze3A_241 : f32 to vector<16xf32>
        %eq3A = arith.constant 0 : i32
        %eq3A_243 = vector.broadcast %eq3A : i32 to vector<16xi32>
        %eq3A_244 = arith.cmpi eq, %iota3A, %eq3A_243 : vector<16xi32>
        %eq3A_245 = arith.constant 1 : i32
        %eq3A_246 = vector.broadcast %eq3A_245 : i32 to vector<16xi32>
        %eq3A_247 = arith.cmpi eq, %iota3A, %eq3A_246 : vector<16xi32>
        %eq3A_248 = arith.constant 2 : i32
        %eq3A_249 = vector.broadcast %eq3A_248 : i32 to vector<16xi32>
        %eq3A_250 = arith.cmpi eq, %iota3A, %eq3A_249 : vector<16xi32>
        %eq3A_251 = arith.constant 3 : i32
        %eq3A_252 = vector.broadcast %eq3A_251 : i32 to vector<16xi32>
        %eq3A_253 = arith.cmpi eq, %iota3A, %eq3A_252 : vector<16xi32>
        %select_n3A_254 = arith.select %eq3A_253, %broadcast_in_dim3A_242, %broadcast_in_dim3A_0 : vector<16xi1>, vector<16xf32>
        %select_n3A_255 = arith.select %eq3A_250, %broadcast_in_dim3A_239, %select_n3A_254 : vector<16xi1>, vector<16xf32>
        %select_n3A_256 = arith.select %eq3A_247, %broadcast_in_dim3A_236, %select_n3A_255 : vector<16xi1>, vector<16xf32>
        %select_n3A_257 = arith.select %eq3A_244, %broadcast_in_dim3A_233, %select_n3A_256 : vector<16xi1>, vector<16xf32>
        %swap3A_258 = arith.index_cast %mul3A_96 : i32 to index
        %swap3A_259 = arith.constant 32 : index
        %swap3A_260 = tpu.vector_load %arg12[%swap3A_258, %swap3A_259] {strides = array<i32>} : memref<200x128xf32, #tpu.memory_space<vmem>>, vector<1x16xf32>,
        %swap3A_261 = vector.shape_cast %swap3A_260 : vector<1x16xf32> to vector<16xf32>
        %swap3A_262 = vector.shape_cast %select_n3A_257 : vector<16xf32> to vector<1x16xf32>
        tpu.vector_store %arg12[%swap3A_258, %swap3A_259], %swap3A_262 {strides = array<i32>} : memref<200x128xf32, #tpu.memory_space<vmem>>, vector<1x16xf32>,
        %mul3A_263 = arith.constant 2 : i32
        %mul3A_264 = arith.muli %scan3A_93, %mul3A_263 : i32
        %add3A_265 = arith.constant 1 : i32
        %add3A_266 = arith.addi %mul3A_264, %add3A_265 : i32
        %get3A_267 = arith.index_cast %add3A_266 : i32 to index
        %get3A_268 = arith.constant 0 : index
        %get3A_269 = tpu.vector_load %arg10[%get3A_267, %get3A_268] {strides = array<i32>} : memref<200x128xf32, #tpu.memory_space<vmem>>, vector<1x16xf32>,
        %get3A_270 = vector.shape_cast %get3A_269 : vector<1x16xf32> to vector<16xf32>
        %get3A_271 = arith.index_cast %add3A_266 : i32 to index
        %get3A_272 = arith.constant 0 : index
        %get3A_273 = tpu.vector_load %arg11[%get3A_271, %get3A_272] {strides = array<i32>} : memref<200x128xf32, #tpu.memory_space<vmem>>, vector<1x16xf32>,
        %get3A_274 = vector.shape_cast %get3A_273 : vector<1x16xf32> to vector<16xf32>
        %get3A_275 = arith.index_cast %add3A_266 : i32 to index
        %get3A_276 = arith.constant 32 : index
        %get3A_277 = tpu.vector_load %arg11[%get3A_275, %get3A_276] {strides = array<i32>} : memref<200x128xf32, #tpu.memory_space<vmem>>, vector<1x16xf32>,
        %get3A_278 = vector.shape_cast %get3A_277 : vector<1x16xf32> to vector<16xf32>
        %get3A_279 = arith.index_cast %add3A_266 : i32 to index
        %get3A_280 = arith.constant 16 : index
        %get3A_281 = tpu.vector_load %arg10[%get3A_279, %get3A_280] {strides = array<i32>} : memref<200x128xf32, #tpu.memory_space<vmem>>, vector<1x16xf32>,
        %get3A_282 = vector.shape_cast %get3A_281 : vector<1x16xf32> to vector<16xf32>
        %get3A_283 = arith.index_cast %add3A_266 : i32 to index
        %get3A_284 = arith.constant 16 : index
        %get3A_285 = tpu.vector_load %arg11[%get3A_283, %get3A_284] {strides = array<i32>} : memref<200x128xf32, #tpu.memory_space<vmem>>, vector<1x16xf32>,
        %get3A_286 = vector.shape_cast %get3A_285 : vector<1x16xf32> to vector<16xf32>
        %get3A_287 = arith.index_cast %add3A_266 : i32 to index
        %get3A_288 = arith.constant 48 : index
        %get3A_289 = tpu.vector_load %arg11[%get3A_287, %get3A_288] {strides = array<i32>} : memref<200x128xf32, #tpu.memory_space<vmem>>, vector<1x16xf32>,
        %get3A_290 = vector.shape_cast %get3A_289 : vector<1x16xf32> to vector<16xf32>
        %mul3A_291 = arith.mulf %get3A_270, %get3A_274 : vector<16xf32>
        %swap3A_292 = arith.constant 4 : i32
        %swap3A_293 = arith.index_cast %swap3A_292 : i32 to index
        %swap3A_294 = arith.constant 0 : index
        %swap3A_295 = tpu.vector_load %arg13[%swap3A_293, %swap3A_294] {strides = array<i32>} : memref<8x32xf32, #tpu.memory_space<vmem>>, vector<1x16xf32>,
        %swap3A_296 = vector.shape_cast %swap3A_295 : vector<1x16xf32> to vector<16xf32>
        %swap3A_297 = vector.shape_cast %mul3A_291 : vector<16xf32> to vector<1x16xf32>
        tpu.vector_store %arg13[%swap3A_293, %swap3A_294], %swap3A_297 {strides = array<i32>} : memref<8x32xf32, #tpu.memory_space<vmem>>, vector<1x16xf32>,
        %get3A_298 = arith.constant 4 : i32
        %get3A_299 = arith.index_cast %get3A_298 : i32 to index
        %get3A_300 = arith.constant 4 : index
        %get3A_301 = tpu.vector_load %arg13[%get3A_299, %get3A_300] {strides = array<i32>} : memref<8x32xf32, #tpu.memory_space<vmem>>, vector<1x16xf32>,
        %get3A_302 = vector.shape_cast %get3A_301 : vector<1x16xf32> to vector<16xf32>
        %add3A_303 = arith.addf %mul3A_291, %get3A_302 : vector<16xf32>
        %swap3A_304 = arith.constant 4 : i32
        %swap3A_305 = arith.index_cast %swap3A_304 : i32 to index
        %swap3A_306 = arith.constant 0 : index
        %swap3A_307 = tpu.vector_load %arg13[%swap3A_305, %swap3A_306] {strides = array<i32>} : memref<8x32xf32, #tpu.memory_space<vmem>>, vector<1x16xf32>,
        %swap3A_308 = vector.shape_cast %swap3A_307 : vector<1x16xf32> to vector<16xf32>
        %swap3A_309 = vector.shape_cast %add3A_303 : vector<16xf32> to vector<1x16xf32>
        tpu.vector_store %arg13[%swap3A_305, %swap3A_306], %swap3A_309 {strides = array<i32>} : memref<8x32xf32, #tpu.memory_space<vmem>>, vector<1x16xf32>,
        %get3A_310 = arith.constant 4 : i32
        %get3A_311 = arith.index_cast %get3A_310 : i32 to index
        %get3A_312 = arith.constant 2 : index
        %get3A_313 = tpu.vector_load %arg13[%get3A_311, %get3A_312] {strides = array<i32>} : memref<8x32xf32, #tpu.memory_space<vmem>>, vector<1x16xf32>,
        %get3A_314 = vector.shape_cast %get3A_313 : vector<1x16xf32> to vector<16xf32>
        %add3A_315 = arith.addf %add3A_303, %get3A_314 : vector<16xf32>
        %swap3A_316 = arith.constant 4 : i32
        %swap3A_317 = arith.index_cast %swap3A_316 : i32 to index
        %swap3A_318 = arith.constant 0 : index
        %swap3A_319 = tpu.vector_load %arg13[%swap3A_317, %swap3A_318] {strides = array<i32>} : memref<8x32xf32, #tpu.memory_space<vmem>>, vector<1x16xf32>,
        %swap3A_320 = vector.shape_cast %swap3A_319 : vector<1x16xf32> to vector<16xf32>
        %swap3A_321 = vector.shape_cast %add3A_315 : vector<16xf32> to vector<1x16xf32>
        tpu.vector_store %arg13[%swap3A_317, %swap3A_318], %swap3A_321 {strides = array<i32>} : memref<8x32xf32, #tpu.memory_space<vmem>>, vector<1x16xf32>,
        %get3A_322 = arith.constant 4 : i32
        %get3A_323 = arith.index_cast %get3A_322 : i32 to index
        %get3A_324 = arith.constant 1 : index
        %get3A_325 = tpu.vector_load %arg13[%get3A_323, %get3A_324] {strides = array<i32>} : memref<8x32xf32, #tpu.memory_space<vmem>>, vector<1x16xf32>,
        %get3A_326 = vector.shape_cast %get3A_325 : vector<1x16xf32> to vector<16xf32>
        %add3A_327 = arith.addf %add3A_315, %get3A_326 : vector<16xf32>
        %mul3A_328 = arith.mulf %get3A_282, %get3A_286 : vector<16xf32>
        %swap3A_329 = arith.constant 4 : i32
        %swap3A_330 = arith.index_cast %swap3A_329 : i32 to index
        %swap3A_331 = arith.constant 0 : index
        %swap3A_332 = tpu.vector_load %arg13[%swap3A_330, %swap3A_331] {strides = array<i32>} : memref<8x32xf32, #tpu.memory_space<vmem>>, vector<1x16xf32>,
        %swap3A_333 = vector.shape_cast %swap3A_332 : vector<1x16xf32> to vector<16xf32>
        %swap3A_334 = vector.shape_cast %mul3A_328 : vector<16xf32> to vector<1x16xf32>
        tpu.vector_store %arg13[%swap3A_330, %swap3A_331], %swap3A_334 {strides = array<i32>} : memref<8x32xf32, #tpu.memory_space<vmem>>, vector<1x16xf32>,
        %get3A_335 = arith.constant 4 : i32
        %get3A_336 = arith.index_cast %get3A_335 : i32 to index
        %get3A_337 = arith.constant 4 : index
        %get3A_338 = tpu.vector_load %arg13[%get3A_336, %get3A_337] {strides = array<i32>} : memref<8x32xf32, #tpu.memory_space<vmem>>, vector<1x16xf32>,
        %get3A_339 = vector.shape_cast %get3A_338 : vector<1x16xf32> to vector<16xf32>
        %add3A_340 = arith.addf %mul3A_328, %get3A_339 : vector<16xf32>
        %swap3A_341 = arith.constant 4 : i32
        %swap3A_342 = arith.index_cast %swap3A_341 : i32 to index
        %swap3A_343 = arith.constant 0 : index
        %swap3A_344 = tpu.vector_load %arg13[%swap3A_342, %swap3A_343] {strides = array<i32>} : memref<8x32xf32, #tpu.memory_space<vmem>>, vector<1x16xf32>,
        %swap3A_345 = vector.shape_cast %swap3A_344 : vector<1x16xf32> to vector<16xf32>
        %swap3A_346 = vector.shape_cast %add3A_340 : vector<16xf32> to vector<1x16xf32>
        tpu.vector_store %arg13[%swap3A_342, %swap3A_343], %swap3A_346 {strides = array<i32>} : memref<8x32xf32, #tpu.memory_space<vmem>>, vector<1x16xf32>,
        %get3A_347 = arith.constant 4 : i32
        %get3A_348 = arith.index_cast %get3A_347 : i32 to index
        %get3A_349 = arith.constant 2 : index
        %get3A_350 = tpu.vector_load %arg13[%get3A_348, %get3A_349] {strides = array<i32>} : memref<8x32xf32, #tpu.memory_space<vmem>>, vector<1x16xf32>,
        %get3A_351 = vector.shape_cast %get3A_350 : vector<1x16xf32> to vector<16xf32>
        %add3A_352 = arith.addf %add3A_340, %get3A_351 : vector<16xf32>
        %swap3A_353 = arith.constant 4 : i32
        %swap3A_354 = arith.index_cast %swap3A_353 : i32 to index
        %swap3A_355 = arith.constant 0 : index
        %swap3A_356 = tpu.vector_load %arg13[%swap3A_354, %swap3A_355] {strides = array<i32>} : memref<8x32xf32, #tpu.memory_space<vmem>>, vector<1x16xf32>,
        %swap3A_357 = vector.shape_cast %swap3A_356 : vector<1x16xf32> to vector<16xf32>
        %swap3A_358 = vector.shape_cast %add3A_352 : vector<16xf32> to vector<1x16xf32>
        tpu.vector_store %arg13[%swap3A_354, %swap3A_355], %swap3A_358 {strides = array<i32>} : memref<8x32xf32, #tpu.memory_space<vmem>>, vector<1x16xf32>,
        %get3A_359 = arith.constant 4 : i32
        %get3A_360 = arith.index_cast %get3A_359 : i32 to index
        %get3A_361 = arith.constant 1 : index
        %get3A_362 = tpu.vector_load %arg13[%get3A_360, %get3A_361] {strides = array<i32>} : memref<8x32xf32, #tpu.memory_space<vmem>>, vector<1x16xf32>,
        %get3A_363 = vector.shape_cast %get3A_362 : vector<1x16xf32> to vector<16xf32>
        %add3A_364 = arith.addf %add3A_352, %get3A_363 : vector<16xf32>
        %slice3A_365 = vector.extract_strided_slice %add3A_327 {offsets = [0], sizes = [1], strides = [1]} : vector<16xf32> to vector<1xf32>
        %squeeze3A_366 = vector.extract %slice3A_365[0] : f32 from vector<1xf32>
        %mul3A_367 = arith.constant 0.353553385 : f32
        %mul3A_368 = arith.mulf %squeeze3A_366, %mul3A_367 : f32
        %broadcast_in_dim3A_369 = vector.broadcast %mul3A_368 : f32 to vector<16xf32>
        %slice3A_370 = vector.extract_strided_slice %add3A_327 {offsets = [8], sizes = [1], strides = [1]} : vector<16xf32> to vector<1xf32>
        %squeeze3A_371 = vector.extract %slice3A_370[0] : f32 from vector<1xf32>
        %mul3A_372 = arith.constant 0.353553385 : f32
        %mul3A_373 = arith.mulf %squeeze3A_371, %mul3A_372 : f32
        %broadcast_in_dim3A_374 = vector.broadcast %mul3A_373 : f32 to vector<16xf32>
        %slice3A_375 = vector.extract_strided_slice %add3A_364 {offsets = [0], sizes = [1], strides = [1]} : vector<16xf32> to vector<1xf32>
        %squeeze3A_376 = vector.extract %slice3A_375[0] : f32 from vector<1xf32>
        %mul3A_377 = arith.constant 0.353553385 : f32
        %mul3A_378 = arith.mulf %squeeze3A_376, %mul3A_377 : f32
        %broadcast_in_dim3A_379 = vector.broadcast %mul3A_378 : f32 to vector<16xf32>
        %slice3A_380 = vector.extract_strided_slice %add3A_364 {offsets = [8], sizes = [1], strides = [1]} : vector<16xf32> to vector<1xf32>
        %squeeze3A_381 = vector.extract %slice3A_380[0] : f32 from vector<1xf32>
        %mul3A_382 = arith.constant 0.353553385 : f32
        %mul3A_383 = arith.mulf %squeeze3A_381, %mul3A_382 : f32
        %broadcast_in_dim3A_384 = vector.broadcast %mul3A_383 : f32 to vector<16xf32>
        %lt3A_385 = arith.constant 8 : i32
        %lt3A_386 = vector.broadcast %lt3A_385 : i32 to vector<16xi32>
        %lt3A_387 = arith.cmpi slt, %iota3A, %lt3A_386 : vector<16xi32>
        %select_n3A_388 = arith.select %lt3A_387, %broadcast_in_dim3A_369, %broadcast_in_dim3A_374 : vector<16xi1>, vector<16xf32>
        %exp3A_389 = math.exp %select_n3A_388 : vector<16xf32>
        %lt3A_390 = arith.constant 8 : i32
        %lt3A_391 = vector.broadcast %lt3A_390 : i32 to vector<16xi32>
        %lt3A_392 = arith.cmpi slt, %iota3A, %lt3A_391 : vector<16xi32>
        %select_n3A_393 = arith.select %lt3A_392, %broadcast_in_dim3A_379, %broadcast_in_dim3A_384 : vector<16xi1>, vector<16xf32>
        %exp3A_394 = math.exp %select_n3A_393 : vector<16xf32>
        %mul3A_395 = arith.mulf %get3A_278, %exp3A_389 : vector<16xf32>
        %swap3A_396 = arith.index_cast %add3A_266 : i32 to index
        %swap3A_397 = arith.constant 0 : index
        %swap3A_398 = tpu.vector_load %arg12[%swap3A_396, %swap3A_397] {strides = array<i32>} : memref<200x128xf32, #tpu.memory_space<vmem>>, vector<1x16xf32>,
        %swap3A_399 = vector.shape_cast %swap3A_398 : vector<1x16xf32> to vector<16xf32>
        %swap3A_400 = vector.shape_cast %mul3A_395 : vector<16xf32> to vector<1x16xf32>
        tpu.vector_store %arg12[%swap3A_396, %swap3A_397], %swap3A_400 {strides = array<i32>} : memref<200x128xf32, #tpu.memory_space<vmem>>, vector<1x16xf32>,
        %mul3A_401 = arith.mulf %get3A_290, %exp3A_394 : vector<16xf32>
        %swap3A_402 = arith.index_cast %add3A_266 : i32 to index
        %swap3A_403 = arith.constant 16 : index
        %swap3A_404 = tpu.vector_load %arg12[%swap3A_402, %swap3A_403] {strides = array<i32>} : memref<200x128xf32, #tpu.memory_space<vmem>>, vector<1x16xf32>,
        %swap3A_405 = vector.shape_cast %swap3A_404 : vector<1x16xf32> to vector<16xf32>
        %swap3A_406 = vector.shape_cast %mul3A_401 : vector<16xf32> to vector<1x16xf32>
        tpu.vector_store %arg12[%swap3A_402, %swap3A_403], %swap3A_406 {strides = array<i32>} : memref<200x128xf32, #tpu.memory_space<vmem>>, vector<1x16xf32>,
        %slice3A_407 = vector.extract_strided_slice %exp3A_389 {offsets = [0], sizes = [1], strides = [1]} : vector<16xf32> to vector<1xf32>
        %squeeze3A_408 = vector.extract %slice3A_407[0] : f32 from vector<1xf32>
        %broadcast_in_dim3A_409 = vector.broadcast %squeeze3A_408 : f32 to vector<16xf32>
        %slice3A_410 = vector.extract_strided_slice %exp3A_389 {offsets = [8], sizes = [1], strides = [1]} : vector<16xf32> to vector<1xf32>
        %squeeze3A_411 = vector.extract %slice3A_410[0] : f32 from vector<1xf32>
        %broadcast_in_dim3A_412 = vector.broadcast %squeeze3A_411 : f32 to vector<16xf32>
        %slice3A_413 = vector.extract_strided_slice %exp3A_394 {offsets = [0], sizes = [1], strides = [1]} : vector<16xf32> to vector<1xf32>
        %squeeze3A_414 = vector.extract %slice3A_413[0] : f32 from vector<1xf32>
        %broadcast_in_dim3A_415 = vector.broadcast %squeeze3A_414 : f32 to vector<16xf32>
        %slice3A_416 = vector.extract_strided_slice %exp3A_394 {offsets = [8], sizes = [1], strides = [1]} : vector<16xf32> to vector<1xf32>
        %squeeze3A_417 = vector.extract %slice3A_416[0] : f32 from vector<1xf32>
        %broadcast_in_dim3A_418 = vector.broadcast %squeeze3A_417 : f32 to vector<16xf32>
        %eq3A_419 = arith.constant 0 : i32
        %eq3A_420 = vector.broadcast %eq3A_419 : i32 to vector<16xi32>
        %eq3A_421 = arith.cmpi eq, %iota3A, %eq3A_420 : vector<16xi32>
        %eq3A_422 = arith.constant 1 : i32
        %eq3A_423 = vector.broadcast %eq3A_422 : i32 to vector<16xi32>
        %eq3A_424 = arith.cmpi eq, %iota3A, %eq3A_423 : vector<16xi32>
        %eq3A_425 = arith.constant 2 : i32
        %eq3A_426 = vector.broadcast %eq3A_425 : i32 to vector<16xi32>
        %eq3A_427 = arith.cmpi eq, %iota3A, %eq3A_426 : vector<16xi32>
        %eq3A_428 = arith.constant 3 : i32
        %eq3A_429 = vector.broadcast %eq3A_428 : i32 to vector<16xi32>
        %eq3A_430 = arith.cmpi eq, %iota3A, %eq3A_429 : vector<16xi32>
        %select_n3A_431 = arith.select %eq3A_430, %broadcast_in_dim3A_418, %broadcast_in_dim3A_0 : vector<16xi1>, vector<16xf32>
        %select_n3A_432 = arith.select %eq3A_427, %broadcast_in_dim3A_415, %select_n3A_431 : vector<16xi1>, vector<16xf32>
        %select_n3A_433 = arith.select %eq3A_424, %broadcast_in_dim3A_412, %select_n3A_432 : vector<16xi1>, vector<16xf32>
        %select_n3A_434 = arith.select %eq3A_421, %broadcast_in_dim3A_409, %select_n3A_433 : vector<16xi1>, vector<16xf32>
        %swap3A_435 = arith.index_cast %add3A_266 : i32 to index
        %swap3A_436 = arith.constant 32 : index
        %swap3A_437 = tpu.vector_load %arg12[%swap3A_435, %swap3A_436] {strides = array<i32>} : memref<200x128xf32, #tpu.memory_space<vmem>>, vector<1x16xf32>,
        %swap3A_438 = vector.shape_cast %swap3A_437 : vector<1x16xf32> to vector<16xf32>
        %swap3A_439 = vector.shape_cast %select_n3A_434 : vector<16xf32> to vector<1x16xf32>
        tpu.vector_store %arg12[%swap3A_435, %swap3A_436], %swap3A_439 {strides = array<i32>} : memref<200x128xf32, #tpu.memory_space<vmem>>, vector<1x16xf32>,
        %scan3A_440 = arith.constant 0 : i32
        scf.yield %scan3A_440 : i32
      }
      %scan3A_91 = arith.constant 100 : i32
      "tpu.region"() ({
        %run_scoped3A = tpu.sem_alloc : memref<!tpu.dma_semaphore, #tpu.memory_space<semaphore_mem>>
        %dma_start3A_93 = arith.constant 0 : i32
        %dma_start3A_94 = arith.constant 0 : i32
        %dma_start3A_95 = tpu.memref_slice %arg14[%dma_start3A_93, %dma_start3A_94] : memref<5248x128xf32, #tpu.memory_space<vmem_shared>> -> memref<5248x128xf32, #tpu.memory_space<vmem_shared>>
        tpu.enqueue_indirect_dma source(%arg12 : memref<200x128xf32, #tpu.memory_space<vmem>>) target(%dma_start3A_95 : memref<5248x128xf32, #tpu.memory_space<vmem_shared>>) offsets(%arg9 : memref<200xi32, #tpu.memory_space<vmem>>) semaphore(%run_scoped3A : memref<!tpu.dma_semaphore, #tpu.memory_space<semaphore_mem>>) {add = true}
        %dma_wait3A_96 = arith.constant 0 : i32
        %dma_wait3A_97 = arith.constant 0 : i32
        %dma_wait3A_98 = tpu.memref_slice %arg14[%dma_wait3A_96, %dma_wait3A_97] : memref<5248x128xf32, #tpu.memory_space<vmem_shared>> -> memref<5248x128xf32, #tpu.memory_space<vmem_shared>>
        tpu.wait_indirect_dma semaphore(%run_scoped3A : memref<!tpu.dma_semaphore, #tpu.memory_space<semaphore_mem>>) src(%arg12 : memref<200x128xf32, #tpu.memory_space<vmem>>) dst(%dma_wait3A_98 : memref<5248x128xf32, #tpu.memory_space<vmem_shared>>)
        tpu.yield
      }) : () -> ()
      %scan3A_92 = arith.constant 0 : i32
      scf.yield %scan3A_92 : i32
    }
    %scan3A_54 = arith.constant 100 : i32
    %barrier3A_55 = arith.constant 0 : index
    tpu.barrier barrier_id(%barrier3A_55)
    %mul3A_56 = arith.constant 328 : i32
    %mul3A_57 = arith.muli %arg1, %mul3A_56 : i32
    %mul3A_58 = arith.constant 5248 : i32
    %mul3A_59 = arith.muli %arg0, %mul3A_58 : i32
    %mul3A_60 = arith.constant 328 : i32
    %mul3A_61 = arith.muli %arg1, %mul3A_60 : i32
    %add3A_62 = arith.addi %mul3A_59, %mul3A_61 : i32
    "tpu.region"() ({
      %run_scoped3A = tpu.sem_alloc : memref<!tpu.dma_semaphore, #tpu.memory_space<semaphore_mem>>
      %dma_start3A = arith.constant 0 : i32
      %dma_start3A_63 = tpu.memref_slice %arg6[%add3A_62, %dma_start3A] : memref<10496x128xf32, #tpu.memory_space<hbm>> -> memref<328x128xf32, #tpu.memory_space<hbm>>
      %dma_start3A_64 = arith.constant 0 : i32
      %dma_start3A_65 = tpu.memref_slice %arg14[%mul3A_57, %dma_start3A_64] : memref<5248x128xf32, #tpu.memory_space<vmem_shared>> -> memref<328x128xf32, #tpu.memory_space<vmem_shared>>
      tpu.enqueue_dma source(%dma_start3A_65 : memref<328x128xf32, #tpu.memory_space<vmem_shared>>) target(%dma_start3A_63 : memref<328x128xf32, #tpu.memory_space<hbm>>) target_semaphore(%run_scoped3A : memref<!tpu.dma_semaphore, #tpu.memory_space<semaphore_mem>>)
      %dma_wait3A = arith.constant 0 : i32
      %dma_wait3A_66 = tpu.memref_slice %arg6[%add3A_62, %dma_wait3A] : memref<10496x128xf32, #tpu.memory_space<hbm>> -> memref<328x128xf32, #tpu.memory_space<hbm>>
      %dma_wait3A_67 = arith.constant 0 : i32
      %dma_wait3A_68 = tpu.memref_slice %arg14[%mul3A_57, %dma_wait3A_67] : memref<5248x128xf32, #tpu.memory_space<vmem_shared>> -> memref<328x128xf32, #tpu.memory_space<vmem_shared>>
      tpu.wait_dma2 semaphore(%run_scoped3A : memref<!tpu.dma_semaphore, #tpu.memory_space<semaphore_mem>>) src(%dma_wait3A_68 : memref<328x128xf32, #tpu.memory_space<vmem_shared>>) dst(%dma_wait3A_66 : memref<328x128xf32, #tpu.memory_space<hbm>>)
      tpu.yield
    }) : () -> ()
    return
  }
}

#map = affine_map<(d0, d1) -> (0, 0)>
#map1 = affine_map<(d0, d1) -> (0)>
module attributes {stable_mosaic.version = 14 : i64} {
  func.func @_edge_kernel_body(%arg0: i32, %arg1: i32, %arg2: memref<10000x128xf32, #tpu.memory_space<hbm>>, %arg3: memref<10000x128xf32, #tpu.memory_space<hbm>>, %arg4: memref<320000xi32, #tpu.memory_space<hbm>>, %arg5: memref<320000xi32, #tpu.memory_space<hbm>>, %arg6: memref<10496x128xf32, #tpu.memory_space<hbm>>, %arg7: memref<200xi32, #tpu.memory_space<vmem>>, %arg8: memref<200xi32, #tpu.memory_space<vmem>>, %arg9: memref<200xi32, #tpu.memory_space<vmem>>, %arg10: memref<200x128xf32, #tpu.memory_space<vmem>>, %arg11: memref<200x128xf32, #tpu.memory_space<vmem>>, %arg12: memref<200x128xf32, #tpu.memory_space<vmem>>, %arg13: memref<8x32xf32, #tpu.memory_space<vmem>>, %arg14: memref<5248x128xf32, #tpu.memory_space<vmem_shared>>, %arg15: memref<!tpu.dma_semaphore, #tpu.memory_space<semaphore_mem>>) attributes {dimension_semantics = [#tpu.dimension_semantics<core_parallel>, #tpu.dimension_semantics<subcore_parallel>], iteration_bounds = array<i64: 2, 16>, scalar_prefetch = 0 : i64, scratch_operands = 9 : i64, tpu.core_type = #tpu.core_type<sc_vector_subcore>, window_params = [{transform_indices = #map}, {transform_indices = #map}, {transform_indices = #map1}, {transform_indices = #map1}, {transform_indices = #map}]} {
    %broadcast_in_dim3A = arith.constant 0.000000e+00 : f32
    %broadcast_in_dim3A_0 = vector.broadcast %broadcast_in_dim3A : f32 to vector<16xf32>
    %scan3A = arith.constant 0 : i32
    %scan3A_1 = arith.constant 0 : i32
    %scan3A_2 = arith.constant 200 : i32
    %scan3A_3 = arith.addi %scan3A_1, %scan3A_2 : i32
    %scan3A_4 = arith.constant 1 : i32
    %scan3A_5 = scf.for %scan3A_63 = %scan3A_1 to %scan3A_3 step %scan3A_4 iter_args(%scan3A_64 = %scan3A) -> (i32)  : i32 {
      %swap3A_65 = arith.index_cast %scan3A_63 : i32 to index
      %swap3A_66 = arith.constant 0 : index
      %swap3A_67 = tpu.vector_load %arg12[%swap3A_65, %swap3A_66] {strides = array<i32>} : memref<200x128xf32, #tpu.memory_space<vmem>>, vector<1x16xf32>,
      %swap3A_68 = vector.shape_cast %swap3A_67 : vector<1x16xf32> to vector<16xf32>
      %swap3A_69 = vector.shape_cast %broadcast_in_dim3A_0 : vector<16xf32> to vector<1x16xf32>
      tpu.vector_store %arg12[%swap3A_65, %swap3A_66], %swap3A_69 {strides = array<i32>} : memref<200x128xf32, #tpu.memory_space<vmem>>, vector<1x16xf32>,
      %swap3A_70 = arith.index_cast %scan3A_63 : i32 to index
      %swap3A_71 = arith.constant 16 : index
      %swap3A_72 = tpu.vector_load %arg12[%swap3A_70, %swap3A_71] {strides = array<i32>} : memref<200x128xf32, #tpu.memory_space<vmem>>, vector<1x16xf32>,
      %swap3A_73 = vector.shape_cast %swap3A_72 : vector<1x16xf32> to vector<16xf32>
      %swap3A_74 = vector.shape_cast %broadcast_in_dim3A_0 : vector<16xf32> to vector<1x16xf32>
      tpu.vector_store %arg12[%swap3A_70, %swap3A_71], %swap3A_74 {strides = array<i32>} : memref<200x128xf32, #tpu.memory_space<vmem>>, vector<1x16xf32>,
      %swap3A_75 = arith.index_cast %scan3A_63 : i32 to index
      %swap3A_76 = arith.constant 32 : index
      %swap3A_77 = tpu.vector_load %arg12[%swap3A_75, %swap3A_76] {strides = array<i32>} : memref<200x128xf32, #tpu.memory_space<vmem>>, vector<1x16xf32>,
      %swap3A_78 = vector.shape_cast %swap3A_77 : vector<1x16xf32> to vector<16xf32>
      %swap3A_79 = vector.shape_cast %broadcast_in_dim3A_0 : vector<16xf32> to vector<1x16xf32>
      tpu.vector_store %arg12[%swap3A_75, %swap3A_76], %swap3A_79 {strides = array<i32>} : memref<200x128xf32, #tpu.memory_space<vmem>>, vector<1x16xf32>,
      %swap3A_80 = arith.index_cast %scan3A_63 : i32 to index
      %swap3A_81 = arith.constant 48 : index
      %swap3A_82 = tpu.vector_load %arg12[%swap3A_80, %swap3A_81] {strides = array<i32>} : memref<200x128xf32, #tpu.memory_space<vmem>>, vector<1x16xf32>,
      %swap3A_83 = vector.shape_cast %swap3A_82 : vector<1x16xf32> to vector<16xf32>
      %swap3A_84 = vector.shape_cast %broadcast_in_dim3A_0 : vector<16xf32> to vector<1x16xf32>
      tpu.vector_store %arg12[%swap3A_80, %swap3A_81], %swap3A_84 {strides = array<i32>} : memref<200x128xf32, #tpu.memory_space<vmem>>, vector<1x16xf32>,
      %swap3A_85 = arith.index_cast %scan3A_63 : i32 to index
      %swap3A_86 = arith.constant 64 : index
      %swap3A_87 = tpu.vector_load %arg12[%swap3A_85, %swap3A_86] {strides = array<i32>} : memref<200x128xf32, #tpu.memory_space<vmem>>, vector<1x16xf32>,
      %swap3A_88 = vector.shape_cast %swap3A_87 : vector<1x16xf32> to vector<16xf32>
      %swap3A_89 = vector.shape_cast %broadcast_in_dim3A_0 : vector<16xf32> to vector<1x16xf32>
      tpu.vector_store %arg12[%swap3A_85, %swap3A_86], %swap3A_89 {strides = array<i32>} : memref<200x128xf32, #tpu.memory_space<vmem>>, vector<1x16xf32>,
      %swap3A_90 = arith.index_cast %scan3A_63 : i32 to index
      %swap3A_91 = arith.constant 80 : index
      %swap3A_92 = tpu.vector_load %arg12[%swap3A_90, %swap3A_91] {strides = array<i32>} : memref<200x128xf32, #tpu.memory_space<vmem>>, vector<1x16xf32>,
      %swap3A_93 = vector.shape_cast %swap3A_92 : vector<1x16xf32> to vector<16xf32>
      %swap3A_94 = vector.shape_cast %broadcast_in_dim3A_0 : vector<16xf32> to vector<1x16xf32>
      tpu.vector_store %arg12[%swap3A_90, %swap3A_91], %swap3A_94 {strides = array<i32>} : memref<200x128xf32, #tpu.memory_space<vmem>>, vector<1x16xf32>,
      %swap3A_95 = arith.index_cast %scan3A_63 : i32 to index
      %swap3A_96 = arith.constant 96 : index
      %swap3A_97 = tpu.vector_load %arg12[%swap3A_95, %swap3A_96] {strides = array<i32>} : memref<200x128xf32, #tpu.memory_space<vmem>>, vector<1x16xf32>,
      %swap3A_98 = vector.shape_cast %swap3A_97 : vector<1x16xf32> to vector<16xf32>
      %swap3A_99 = vector.shape_cast %broadcast_in_dim3A_0 : vector<16xf32> to vector<1x16xf32>
      tpu.vector_store %arg12[%swap3A_95, %swap3A_96], %swap3A_99 {strides = array<i32>} : memref<200x128xf32, #tpu.memory_space<vmem>>, vector<1x16xf32>,
      %swap3A_100 = arith.index_cast %scan3A_63 : i32 to index
      %swap3A_101 = arith.constant 112 : index
      %swap3A_102 = tpu.vector_load %arg12[%swap3A_100, %swap3A_101] {strides = array<i32>} : memref<200x128xf32, #tpu.memory_space<vmem>>, vector<1x16xf32>,
      %swap3A_103 = vector.shape_cast %swap3A_102 : vector<1x16xf32> to vector<16xf32>
      %swap3A_104 = vector.shape_cast %broadcast_in_dim3A_0 : vector<16xf32> to vector<1x16xf32>
      tpu.vector_store %arg12[%swap3A_100, %swap3A_101], %swap3A_104 {strides = array<i32>} : memref<200x128xf32, #tpu.memory_space<vmem>>, vector<1x16xf32>,
      %scan3A_105 = arith.constant 0 : i32
      scf.yield %scan3A_105 : i32
    }
    %scan3A_6 = arith.constant 200 : i32
    %swap3A = arith.constant 0 : i32
    %swap3A_7 = arith.index_cast %swap3A : i32 to index
    %swap3A_8 = arith.constant 0 : index
    %swap3A_9 = tpu.vector_load %arg13[%swap3A_7, %swap3A_8] {strides = array<i32>} : memref<8x32xf32, #tpu.memory_space<vmem>>, vector<1x16xf32>,
    %swap3A_10 = vector.shape_cast %swap3A_9 : vector<1x16xf32> to vector<16xf32>
    %swap3A_11 = vector.shape_cast %broadcast_in_dim3A_0 : vector<16xf32> to vector<1x16xf32>
    tpu.vector_store %arg13[%swap3A_7, %swap3A_8], %swap3A_11 {strides = array<i32>} : memref<8x32xf32, #tpu.memory_space<vmem>>, vector<1x16xf32>,
    %swap3A_12 = arith.constant 0 : i32
    %swap3A_13 = arith.index_cast %swap3A_12 : i32 to index
    %swap3A_14 = arith.constant 16 : index
    %swap3A_15 = tpu.vector_load %arg13[%swap3A_13, %swap3A_14] {strides = array<i32>} : memref<8x32xf32, #tpu.memory_space<vmem>>, vector<1x16xf32>,
    %swap3A_16 = vector.shape_cast %swap3A_15 : vector<1x16xf32> to vector<16xf32>
    %swap3A_17 = vector.shape_cast %broadcast_in_dim3A_0 : vector<16xf32> to vector<1x16xf32>
    tpu.vector_store %arg13[%swap3A_13, %swap3A_14], %swap3A_17 {strides = array<i32>} : memref<8x32xf32, #tpu.memory_space<vmem>>, vector<1x16xf32>,
    %swap3A_18 = arith.constant 4 : i32
    %swap3A_19 = arith.index_cast %swap3A_18 : i32 to index
    %swap3A_20 = arith.constant 0 : index
    %swap3A_21 = tpu.vector_load %arg13[%swap3A_19, %swap3A_20] {strides = array<i32>} : memref<8x32xf32, #tpu.memory_space<vmem>>, vector<1x16xf32>,
    %swap3A_22 = vector.shape_cast %swap3A_21 : vector<1x16xf32> to vector<16xf32>
    %swap3A_23 = vector.shape_cast %broadcast_in_dim3A_0 : vector<16xf32> to vector<1x16xf32>
    tpu.vector_store %arg13[%swap3A_19, %swap3A_20], %swap3A_23 {strides = array<i32>} : memref<8x32xf32, #tpu.memory_space<vmem>>, vector<1x16xf32>,
    %swap3A_24 = arith.constant 4 : i32
    %swap3A_25 = arith.index_cast %swap3A_24 : i32 to index
    %swap3A_26 = arith.constant 16 : index
    %swap3A_27 = tpu.vector_load %arg13[%swap3A_25, %swap3A_26] {strides = array<i32>} : memref<8x32xf32, #tpu.memory_space<vmem>>, vector<1x16xf32>,
    %swap3A_28 = vector.shape_cast %swap3A_27 : vector<1x16xf32> to vector<16xf32>
    %swap3A_29 = vector.shape_cast %broadcast_in_dim3A_0 : vector<16xf32> to vector<1x16xf32>
    tpu.vector_store %arg13[%swap3A_25, %swap3A_26], %swap3A_29 {strides = array<i32>} : memref<8x32xf32, #tpu.memory_space<vmem>>, vector<1x16xf32>,
    %mul3A = arith.constant 328 : i32
    %mul3A_30 = arith.muli %arg1, %mul3A : i32
    %add3A = arith.constant 0 : i32
    %add3A_31 = arith.addi %mul3A_30, %add3A : i32
    "tpu.region"() ({
      %run_scoped3A = tpu.sem_alloc : memref<!tpu.dma_semaphore, #tpu.memory_space<semaphore_mem>>
      %dma_start3A = arith.constant 0 : i32
      %dma_start3A_63 = arith.constant 0 : i32
      %dma_start3A_64 = tpu.memref_slice %arg12[%dma_start3A, %dma_start3A_63] : memref<200x128xf32, #tpu.memory_space<vmem>> -> memref<96x128xf32, #tpu.memory_space<vmem>>
      %dma_start3A_65 = arith.constant 0 : i32
      %dma_start3A_66 = tpu.memref_slice %arg14[%add3A_31, %dma_start3A_65] : memref<5248x128xf32, #tpu.memory_space<vmem_shared>> -> memref<96x128xf32, #tpu.memory_space<vmem_shared>>
      %dma_start3A_67 = arith.constant 0 : i32
      %dma_start3A_68 = tpu.memref_slice %arg14[%add3A_31, %dma_start3A_67] : memref<5248x128xf32, #tpu.memory_space<vmem_shared>> -> memref<96x128xf32, #tpu.memory_space<vmem_shared>>
      %dma_start3A_69 = arith.constant 0 : i32
      %dma_start3A_70 = arith.constant 0 : i32
      %dma_start3A_71 = tpu.memref_slice %arg12[%dma_start3A_69, %dma_start3A_70] : memref<200x128xf32, #tpu.memory_space<vmem>> -> memref<96x128xf32, #tpu.memory_space<vmem>>
      tpu.enqueue_dma source(%dma_start3A_71 : memref<96x128xf32, #tpu.memory_space<vmem>>) target(%dma_start3A_68 : memref<96x128xf32, #tpu.memory_space<vmem_shared>>) target_semaphore(%run_scoped3A : memref<!tpu.dma_semaphore, #tpu.memory_space<semaphore_mem>>)
      %dma_wait3A = arith.constant 0 : i32
      %dma_wait3A_72 = arith.constant 0 : i32
      %dma_wait3A_73 = tpu.memref_slice %arg12[%dma_wait3A, %dma_wait3A_72] : memref<200x128xf32, #tpu.memory_space<vmem>> -> memref<96x128xf32, #tpu.memory_space<vmem>>
      %dma_wait3A_74 = arith.constant 0 : i32
      %dma_wait3A_75 = tpu.memref_slice %arg14[%add3A_31, %dma_wait3A_74] : memref<5248x128xf32, #tpu.memory_space<vmem_shared>> -> memref<96x128xf32, #tpu.memory_space<vmem_shared>>
      %dma_wait3A_76 = arith.constant 0 : i32
      %dma_wait3A_77 = tpu.memref_slice %arg14[%add3A_31, %dma_wait3A_76] : memref<5248x128xf32, #tpu.memory_space<vmem_shared>> -> memref<96x128xf32, #tpu.memory_space<vmem_shared>>
      %dma_wait3A_78 = arith.constant 0 : i32
      %dma_wait3A_79 = arith.constant 0 : i32
      %dma_wait3A_80 = tpu.memref_slice %arg12[%dma_wait3A_78, %dma_wait3A_79] : memref<200x128xf32, #tpu.memory_space<vmem>> -> memref<96x128xf32, #tpu.memory_space<vmem>>
      tpu.wait_dma2 semaphore(%run_scoped3A : memref<!tpu.dma_semaphore, #tpu.memory_space<semaphore_mem>>) src(%dma_wait3A_80 : memref<96x128xf32, #tpu.memory_space<vmem>>) dst(%dma_wait3A_77 : memref<96x128xf32, #tpu.memory_space<vmem_shared>>)
      tpu.yield
    }) : () -> ()
    %mul3A_32 = arith.constant 328 : i32
    %mul3A_33 = arith.muli %arg1, %mul3A_32 : i32
    %add3A_34 = arith.constant 96 : i32
    %add3A_35 = arith.addi %mul3A_33, %add3A_34 : i32
    "tpu.region"() ({
      %run_scoped3A = tpu.sem_alloc : memref<!tpu.dma_semaphore, #tpu.memory_space<semaphore_mem>>
      %dma_start3A = arith.constant 0 : i32
      %dma_start3A_63 = arith.constant 0 : i32
      %dma_start3A_64 = tpu.memref_slice %arg12[%dma_start3A, %dma_start3A_63] : memref<200x128xf32, #tpu.memory_space<vmem>> -> memref<96x128xf32, #tpu.memory_space<vmem>>
      %dma_start3A_65 = arith.constant 0 : i32
      %dma_start3A_66 = tpu.memref_slice %arg14[%add3A_35, %dma_start3A_65] : memref<5248x128xf32, #tpu.memory_space<vmem_shared>> -> memref<96x128xf32, #tpu.memory_space<vmem_shared>>
      %dma_start3A_67 = arith.constant 0 : i32
      %dma_start3A_68 = tpu.memref_slice %arg14[%add3A_35, %dma_start3A_67] : memref<5248x128xf32, #tpu.memory_space<vmem_shared>> -> memref<96x128xf32, #tpu.memory_space<vmem_shared>>
      %dma_start3A_69 = arith.constant 0 : i32
      %dma_start3A_70 = arith.constant 0 : i32
      %dma_start3A_71 = tpu.memref_slice %arg12[%dma_start3A_69, %dma_start3A_70] : memref<200x128xf32, #tpu.memory_space<vmem>> -> memref<96x128xf32, #tpu.memory_space<vmem>>
      tpu.enqueue_dma source(%dma_start3A_71 : memref<96x128xf32, #tpu.memory_space<vmem>>) target(%dma_start3A_68 : memref<96x128xf32, #tpu.memory_space<vmem_shared>>) target_semaphore(%run_scoped3A : memref<!tpu.dma_semaphore, #tpu.memory_space<semaphore_mem>>)
      %dma_wait3A = arith.constant 0 : i32
      %dma_wait3A_72 = arith.constant 0 : i32
      %dma_wait3A_73 = tpu.memref_slice %arg12[%dma_wait3A, %dma_wait3A_72] : memref<200x128xf32, #tpu.memory_space<vmem>> -> memref<96x128xf32, #tpu.memory_space<vmem>>
      %dma_wait3A_74 = arith.constant 0 : i32
      %dma_wait3A_75 = tpu.memref_slice %arg14[%add3A_35, %dma_wait3A_74] : memref<5248x128xf32, #tpu.memory_space<vmem_shared>> -> memref<96x128xf32, #tpu.memory_space<vmem_shared>>
      %dma_wait3A_76 = arith.constant 0 : i32
      %dma_wait3A_77 = tpu.memref_slice %arg14[%add3A_35, %dma_wait3A_76] : memref<5248x128xf32, #tpu.memory_space<vmem_shared>> -> memref<96x128xf32, #tpu.memory_space<vmem_shared>>
      %dma_wait3A_78 = arith.constant 0 : i32
      %dma_wait3A_79 = arith.constant 0 : i32
      %dma_wait3A_80 = tpu.memref_slice %arg12[%dma_wait3A_78, %dma_wait3A_79] : memref<200x128xf32, #tpu.memory_space<vmem>> -> memref<96x128xf32, #tpu.memory_space<vmem>>
      tpu.wait_dma2 semaphore(%run_scoped3A : memref<!tpu.dma_semaphore, #tpu.memory_space<semaphore_mem>>) src(%dma_wait3A_80 : memref<96x128xf32, #tpu.memory_space<vmem>>) dst(%dma_wait3A_77 : memref<96x128xf32, #tpu.memory_space<vmem_shared>>)
      tpu.yield
    }) : () -> ()
    %mul3A_36 = arith.constant 328 : i32
    %mul3A_37 = arith.muli %arg1, %mul3A_36 : i32
    %add3A_38 = arith.constant 192 : i32
    %add3A_39 = arith.addi %mul3A_37, %add3A_38 : i32
    "tpu.region"() ({
      %run_scoped3A = tpu.sem_alloc : memref<!tpu.dma_semaphore, #tpu.memory_space<semaphore_mem>>
      %dma_start3A = arith.constant 0 : i32
      %dma_start3A_63 = arith.constant 0 : i32
      %dma_start3A_64 = tpu.memref_slice %arg12[%dma_start3A, %dma_start3A_63] : memref<200x128xf32, #tpu.memory_space<vmem>> -> memref<96x128xf32, #tpu.memory_space<vmem>>
      %dma_start3A_65 = arith.constant 0 : i32
      %dma_start3A_66 = tpu.memref_slice %arg14[%add3A_39, %dma_start3A_65] : memref<5248x128xf32, #tpu.memory_space<vmem_shared>> -> memref<96x128xf32, #tpu.memory_space<vmem_shared>>
      %dma_start3A_67 = arith.constant 0 : i32
      %dma_start3A_68 = tpu.memref_slice %arg14[%add3A_39, %dma_start3A_67] : memref<5248x128xf32, #tpu.memory_space<vmem_shared>> -> memref<96x128xf32, #tpu.memory_space<vmem_shared>>
      %dma_start3A_69 = arith.constant 0 : i32
      %dma_start3A_70 = arith.constant 0 : i32
      %dma_start3A_71 = tpu.memref_slice %arg12[%dma_start3A_69, %dma_start3A_70] : memref<200x128xf32, #tpu.memory_space<vmem>> -> memref<96x128xf32, #tpu.memory_space<vmem>>
      tpu.enqueue_dma source(%dma_start3A_71 : memref<96x128xf32, #tpu.memory_space<vmem>>) target(%dma_start3A_68 : memref<96x128xf32, #tpu.memory_space<vmem_shared>>) target_semaphore(%run_scoped3A : memref<!tpu.dma_semaphore, #tpu.memory_space<semaphore_mem>>)
      %dma_wait3A = arith.constant 0 : i32
      %dma_wait3A_72 = arith.constant 0 : i32
      %dma_wait3A_73 = tpu.memref_slice %arg12[%dma_wait3A, %dma_wait3A_72] : memref<200x128xf32, #tpu.memory_space<vmem>> -> memref<96x128xf32, #tpu.memory_space<vmem>>
      %dma_wait3A_74 = arith.constant 0 : i32
      %dma_wait3A_75 = tpu.memref_slice %arg14[%add3A_39, %dma_wait3A_74] : memref<5248x128xf32, #tpu.memory_space<vmem_shared>> -> memref<96x128xf32, #tpu.memory_space<vmem_shared>>
      %dma_wait3A_76 = arith.constant 0 : i32
      %dma_wait3A_77 = tpu.memref_slice %arg14[%add3A_39, %dma_wait3A_76] : memref<5248x128xf32, #tpu.memory_space<vmem_shared>> -> memref<96x128xf32, #tpu.memory_space<vmem_shared>>
      %dma_wait3A_78 = arith.constant 0 : i32
      %dma_wait3A_79 = arith.constant 0 : i32
      %dma_wait3A_80 = tpu.memref_slice %arg12[%dma_wait3A_78, %dma_wait3A_79] : memref<200x128xf32, #tpu.memory_space<vmem>> -> memref<96x128xf32, #tpu.memory_space<vmem>>
      tpu.wait_dma2 semaphore(%run_scoped3A : memref<!tpu.dma_semaphore, #tpu.memory_space<semaphore_mem>>) src(%dma_wait3A_80 : memref<96x128xf32, #tpu.memory_space<vmem>>) dst(%dma_wait3A_77 : memref<96x128xf32, #tpu.memory_space<vmem_shared>>)
      tpu.yield
    }) : () -> ()
    %mul3A_40 = arith.constant 328 : i32
    %mul3A_41 = arith.muli %arg1, %mul3A_40 : i32
    %add3A_42 = arith.constant 288 : i32
    %add3A_43 = arith.addi %mul3A_41, %add3A_42 : i32
    "tpu.region"() ({
      %run_scoped3A = tpu.sem_alloc : memref<!tpu.dma_semaphore, #tpu.memory_space<semaphore_mem>>
      %dma_start3A = arith.constant 0 : i32
      %dma_start3A_63 = arith.constant 0 : i32
      %dma_start3A_64 = tpu.memref_slice %arg12[%dma_start3A, %dma_start3A_63] : memref<200x128xf32, #tpu.memory_space<vmem>> -> memref<40x128xf32, #tpu.memory_space<vmem>>
      %dma_start3A_65 = arith.constant 0 : i32
      %dma_start3A_66 = tpu.memref_slice %arg14[%add3A_43, %dma_start3A_65] : memref<5248x128xf32, #tpu.memory_space<vmem_shared>> -> memref<40x128xf32, #tpu.memory_space<vmem_shared>>
      %dma_start3A_67 = arith.constant 0 : i32
      %dma_start3A_68 = tpu.memref_slice %arg14[%add3A_43, %dma_start3A_67] : memref<5248x128xf32, #tpu.memory_space<vmem_shared>> -> memref<40x128xf32, #tpu.memory_space<vmem_shared>>
      %dma_start3A_69 = arith.constant 0 : i32
      %dma_start3A_70 = arith.constant 0 : i32
      %dma_start3A_71 = tpu.memref_slice %arg12[%dma_start3A_69, %dma_start3A_70] : memref<200x128xf32, #tpu.memory_space<vmem>> -> memref<40x128xf32, #tpu.memory_space<vmem>>
      tpu.enqueue_dma source(%dma_start3A_71 : memref<40x128xf32, #tpu.memory_space<vmem>>) target(%dma_start3A_68 : memref<40x128xf32, #tpu.memory_space<vmem_shared>>) target_semaphore(%run_scoped3A : memref<!tpu.dma_semaphore, #tpu.memory_space<semaphore_mem>>)
      %dma_wait3A = arith.constant 0 : i32
      %dma_wait3A_72 = arith.constant 0 : i32
      %dma_wait3A_73 = tpu.memref_slice %arg12[%dma_wait3A, %dma_wait3A_72] : memref<200x128xf32, #tpu.memory_space<vmem>> -> memref<40x128xf32, #tpu.memory_space<vmem>>
      %dma_wait3A_74 = arith.constant 0 : i32
      %dma_wait3A_75 = tpu.memref_slice %arg14[%add3A_43, %dma_wait3A_74] : memref<5248x128xf32, #tpu.memory_space<vmem_shared>> -> memref<40x128xf32, #tpu.memory_space<vmem_shared>>
      %dma_wait3A_76 = arith.constant 0 : i32
      %dma_wait3A_77 = tpu.memref_slice %arg14[%add3A_43, %dma_wait3A_76] : memref<5248x128xf32, #tpu.memory_space<vmem_shared>> -> memref<40x128xf32, #tpu.memory_space<vmem_shared>>
      %dma_wait3A_78 = arith.constant 0 : i32
      %dma_wait3A_79 = arith.constant 0 : i32
      %dma_wait3A_80 = tpu.memref_slice %arg12[%dma_wait3A_78, %dma_wait3A_79] : memref<200x128xf32, #tpu.memory_space<vmem>> -> memref<40x128xf32, #tpu.memory_space<vmem>>
      tpu.wait_dma2 semaphore(%run_scoped3A : memref<!tpu.dma_semaphore, #tpu.memory_space<semaphore_mem>>) src(%dma_wait3A_80 : memref<40x128xf32, #tpu.memory_space<vmem>>) dst(%dma_wait3A_77 : memref<40x128xf32, #tpu.memory_space<vmem_shared>>)
      tpu.yield
    }) : () -> ()
    %barrier3A = arith.constant 0 : index
    tpu.barrier barrier_id(%barrier3A)
    %mul3A_44 = arith.constant 20000 : i32
    %mul3A_45 = arith.muli %arg1, %mul3A_44 : i32
    %mul3A_46 = arith.constant 5120 : i32
    %mul3A_47 = arith.muli %arg0, %mul3A_46 : i32
    %iota3A = tpu.iota {dimensions = array<i32: 0>} : vector<16xi32>
    %scan3A_48 = arith.constant 0 : i32
    %scan3A_49 = arith.constant 0 : i32
    %scan3A_50 = arith.constant 100 : i32
    %scan3A_51 = arith.addi %scan3A_49, %scan3A_50 : i32
    %scan3A_52 = arith.constant 1 : i32
    %scan3A_53 = scf.for %scan3A_63 = %scan3A_49 to %scan3A_51 step %scan3A_52 iter_args(%scan3A_64 = %scan3A_48) -> (i32)  : i32 {
      %mul3A_65 = arith.constant 200 : i32
      %mul3A_66 = arith.muli %scan3A_63, %mul3A_65 : i32
      %add3A_67 = arith.addi %mul3A_45, %mul3A_66 : i32
      "tpu.region"() ({
        %run_scoped3A = tpu.sem_alloc : memref<!tpu.dma_semaphore, #tpu.memory_space<semaphore_mem>>
        %dma_start3A_93 = tpu.memref_slice %arg4[%add3A_67] : memref<320000xi32, #tpu.memory_space<hbm>> -> memref<200xi32, #tpu.memory_space<hbm>>
        %dma_start3A_94 = tpu.memref_slice %arg4[%add3A_67] : memref<320000xi32, #tpu.memory_space<hbm>> -> memref<200xi32, #tpu.memory_space<hbm>>
        tpu.enqueue_dma source(%dma_start3A_94 : memref<200xi32, #tpu.memory_space<hbm>>) target(%arg7 : memref<200xi32, #tpu.memory_space<vmem>>) target_semaphore(%run_scoped3A : memref<!tpu.dma_semaphore, #tpu.memory_space<semaphore_mem>>)
        %dma_wait3A_95 = tpu.memref_slice %arg4[%add3A_67] : memref<320000xi32, #tpu.memory_space<hbm>> -> memref<200xi32, #tpu.memory_space<hbm>>
        %dma_wait3A_96 = tpu.memref_slice %arg4[%add3A_67] : memref<320000xi32, #tpu.memory_space<hbm>> -> memref<200xi32, #tpu.memory_space<hbm>>
        tpu.wait_dma2 semaphore(%run_scoped3A : memref<!tpu.dma_semaphore, #tpu.memory_space<semaphore_mem>>) src(%dma_wait3A_96 : memref<200xi32, #tpu.memory_space<hbm>>) dst(%arg7 : memref<200xi32, #tpu.memory_space<vmem>>)
        tpu.yield
      }) : () -> ()
      "tpu.region"() ({
        %run_scoped3A = tpu.sem_alloc : memref<!tpu.dma_semaphore, #tpu.memory_space<semaphore_mem>>
        %dma_start3A_93 = tpu.memref_slice %arg5[%add3A_67] : memref<320000xi32, #tpu.memory_space<hbm>> -> memref<200xi32, #tpu.memory_space<hbm>>
        %dma_start3A_94 = tpu.memref_slice %arg5[%add3A_67] : memref<320000xi32, #tpu.memory_space<hbm>> -> memref<200xi32, #tpu.memory_space<hbm>>
        tpu.enqueue_dma source(%dma_start3A_94 : memref<200xi32, #tpu.memory_space<hbm>>) target(%arg8 : memref<200xi32, #tpu.memory_space<vmem>>) target_semaphore(%run_scoped3A : memref<!tpu.dma_semaphore, #tpu.memory_space<semaphore_mem>>)
        %dma_wait3A_95 = tpu.memref_slice %arg5[%add3A_67] : memref<320000xi32, #tpu.memory_space<hbm>> -> memref<200xi32, #tpu.memory_space<hbm>>
        %dma_wait3A_96 = tpu.memref_slice %arg5[%add3A_67] : memref<320000xi32, #tpu.memory_space<hbm>> -> memref<200xi32, #tpu.memory_space<hbm>>
        tpu.wait_dma2 semaphore(%run_scoped3A : memref<!tpu.dma_semaphore, #tpu.memory_space<semaphore_mem>>) src(%dma_wait3A_96 : memref<200xi32, #tpu.memory_space<hbm>>) dst(%arg8 : memref<200xi32, #tpu.memory_space<vmem>>)
        tpu.yield
      }) : () -> ()
      %scan3A_68 = arith.constant 0 : i32
      %scan3A_69 = arith.constant 0 : i32
      %scan3A_70 = arith.constant 13 : i32
      %scan3A_71 = arith.addi %scan3A_69, %scan3A_70 : i32
      %scan3A_72 = arith.constant 1 : i32
      %scan3A_73 = scf.for %scan3A_93 = %scan3A_69 to %scan3A_71 step %scan3A_72 iter_args(%scan3A_94 = %scan3A_68) -> (i32)  : i32 {
        %mul3A_95 = arith.constant 16 : i32
        %mul3A_96 = arith.muli %scan3A_93, %mul3A_95 : i32
        %min3A = arith.constant 184 : i32
        %min3A_97 = arith.minsi %mul3A_96, %min3A : i32
        %get3A = arith.index_cast %min3A_97 : i32 to index
        %get3A_98 = tpu.vector_load %arg8[%get3A] {strides = array<i32>} : memref<200xi32, #tpu.memory_space<vmem>>, vector<16xi32>,
        %get3A_99 = vector.shape_cast %get3A_98 : vector<16xi32> to vector<16xi32>
        %sub3A = vector.broadcast %mul3A_47 : i32 to vector<16xi32>
        %sub3A_100 = arith.subi %get3A_99, %sub3A : vector<16xi32>
        %ge3A = arith.constant 0 : i32
        %ge3A_101 = vector.broadcast %ge3A : i32 to vector<16xi32>
        %ge3A_102 = arith.cmpi sge, %sub3A_100, %ge3A_101 : vector<16xi32>
        %lt3A = arith.constant 5120 : i32
        %lt3A_103 = vector.broadcast %lt3A : i32 to vector<16xi32>
        %lt3A_104 = arith.cmpi slt, %sub3A_100, %lt3A_103 : vector<16xi32>
        %and3A = arith.andi %ge3A_102, %lt3A_104 : vector<16xi1>
        %broadcast_in_dim3A_105 = arith.constant 5247 : i32
        %broadcast_in_dim3A_106 = vector.broadcast %broadcast_in_dim3A_105 : i32 to vector<16xi32>
        %select_n3A = arith.select %and3A, %sub3A_100, %broadcast_in_dim3A_106 : vector<16xi1>, vector<16xi32>
        %swap3A_107 = arith.index_cast %min3A_97 : i32 to index
        %swap3A_108 = tpu.vector_load %arg9[%swap3A_107] {strides = array<i32>} : memref<200xi32, #tpu.memory_space<vmem>>, vector<16xi32>,
        %swap3A_109 = vector.shape_cast %swap3A_108 : vector<16xi32> to vector<16xi32>
        %swap3A_110 = vector.shape_cast %select_n3A : vector<16xi32> to vector<16xi32>
        tpu.vector_store %arg9[%swap3A_107], %swap3A_110 {strides = array<i32>} : memref<200xi32, #tpu.memory_space<vmem>>, vector<16xi32>,
        %scan3A_111 = arith.constant 0 : i32
        scf.yield %scan3A_111 : i32
      }
      %scan3A_74 = arith.constant 13 : i32
      %dma_start3A = arith.constant 0 : i32
      %dma_start3A_75 = arith.constant 0 : i32
      %dma_start3A_76 = tpu.memref_slice %arg2[%dma_start3A, %dma_start3A_75] : memref<10000x128xf32, #tpu.memory_space<hbm>> -> memref<10000x128xf32, #tpu.memory_space<hbm>>
      tpu.enqueue_indirect_dma source(%dma_start3A_76 : memref<10000x128xf32, #tpu.memory_space<hbm>>) target(%arg10 : memref<200x128xf32, #tpu.memory_space<vmem>>) offsets(%arg8 : memref<200xi32, #tpu.memory_space<vmem>>) semaphore(%arg15 : memref<!tpu.dma_semaphore, #tpu.memory_space<semaphore_mem>>)
      %dma_wait3A = arith.constant 0 : i32
      %dma_wait3A_77 = arith.constant 0 : i32
      %dma_wait3A_78 = tpu.memref_slice %arg2[%dma_wait3A, %dma_wait3A_77] : memref<10000x128xf32, #tpu.memory_space<hbm>> -> memref<10000x128xf32, #tpu.memory_space<hbm>>
      tpu.wait_indirect_dma semaphore(%arg15 : memref<!tpu.dma_semaphore, #tpu.memory_space<semaphore_mem>>) src(%dma_wait3A_78 : memref<10000x128xf32, #tpu.memory_space<hbm>>) dst(%arg10 : memref<200x128xf32, #tpu.memory_space<vmem>>)
      %dma_start3A_79 = arith.constant 0 : i32
      %dma_start3A_80 = arith.constant 0 : i32
      %dma_start3A_81 = tpu.memref_slice %arg3[%dma_start3A_79, %dma_start3A_80] : memref<10000x128xf32, #tpu.memory_space<hbm>> -> memref<10000x128xf32, #tpu.memory_space<hbm>>
      tpu.enqueue_indirect_dma source(%dma_start3A_81 : memref<10000x128xf32, #tpu.memory_space<hbm>>) target(%arg11 : memref<200x128xf32, #tpu.memory_space<vmem>>) offsets(%arg7 : memref<200xi32, #tpu.memory_space<vmem>>) semaphore(%arg15 : memref<!tpu.dma_semaphore, #tpu.memory_space<semaphore_mem>>)
      %dma_wait3A_82 = arith.constant 0 : i32
      %dma_wait3A_83 = arith.constant 0 : i32
      %dma_wait3A_84 = tpu.memref_slice %arg3[%dma_wait3A_82, %dma_wait3A_83] : memref<10000x128xf32, #tpu.memory_space<hbm>> -> memref<10000x128xf32, #tpu.memory_space<hbm>>
      tpu.wait_indirect_dma semaphore(%arg15 : memref<!tpu.dma_semaphore, #tpu.memory_space<semaphore_mem>>) src(%dma_wait3A_84 : memref<10000x128xf32, #tpu.memory_space<hbm>>) dst(%arg11 : memref<200x128xf32, #tpu.memory_space<vmem>>)
      %scan3A_85 = arith.constant 0 : i32
      %scan3A_86 = arith.constant 0 : i32
      %scan3A_87 = arith.constant 100 : i32
      %scan3A_88 = arith.addi %scan3A_86, %scan3A_87 : i32
      %scan3A_89 = arith.constant 1 : i32
      %scan3A_90 = scf.for %scan3A_93 = %scan3A_86 to %scan3A_88 step %scan3A_89 iter_args(%scan3A_94 = %scan3A_85) -> (i32)  : i32 {
        %mul3A_95 = arith.constant 2 : i32
        %mul3A_96 = arith.muli %scan3A_93, %mul3A_95 : i32
        %get3A = arith.index_cast %mul3A_96 : i32 to index
        %get3A_97 = arith.constant 0 : index
        %get3A_98 = tpu.vector_load %arg10[%get3A, %get3A_97] {strides = array<i32>} : memref<200x128xf32, #tpu.memory_space<vmem>>, vector<1x16xf32>,
        %get3A_99 = vector.shape_cast %get3A_98 : vector<1x16xf32> to vector<16xf32>
        %get3A_100 = arith.index_cast %mul3A_96 : i32 to index
        %get3A_101 = arith.constant 0 : index
        %get3A_102 = tpu.vector_load %arg11[%get3A_100, %get3A_101] {strides = array<i32>} : memref<200x128xf32, #tpu.memory_space<vmem>>, vector<1x16xf32>,
        %get3A_103 = vector.shape_cast %get3A_102 : vector<1x16xf32> to vector<16xf32>
        %get3A_104 = arith.index_cast %mul3A_96 : i32 to index
        %get3A_105 = arith.constant 32 : index
        %get3A_106 = tpu.vector_load %arg11[%get3A_104, %get3A_105] {strides = array<i32>} : memref<200x128xf32, #tpu.memory_space<vmem>>, vector<1x16xf32>,
        %get3A_107 = vector.shape_cast %get3A_106 : vector<1x16xf32> to vector<16xf32>
        %get3A_108 = arith.index_cast %mul3A_96 : i32 to index
        %get3A_109 = arith.constant 16 : index
        %get3A_110 = tpu.vector_load %arg10[%get3A_108, %get3A_109] {strides = array<i32>} : memref<200x128xf32, #tpu.memory_space<vmem>>, vector<1x16xf32>,
        %get3A_111 = vector.shape_cast %get3A_110 : vector<1x16xf32> to vector<16xf32>
        %get3A_112 = arith.index_cast %mul3A_96 : i32 to index
        %get3A_113 = arith.constant 16 : index
        %get3A_114 = tpu.vector_load %arg11[%get3A_112, %get3A_113] {strides = array<i32>} : memref<200x128xf32, #tpu.memory_space<vmem>>, vector<1x16xf32>,
        %get3A_115 = vector.shape_cast %get3A_114 : vector<1x16xf32> to vector<16xf32>
        %get3A_116 = arith.index_cast %mul3A_96 : i32 to index
        %get3A_117 = arith.constant 48 : index
        %get3A_118 = tpu.vector_load %arg11[%get3A_116, %get3A_117] {strides = array<i32>} : memref<200x128xf32, #tpu.memory_space<vmem>>, vector<1x16xf32>,
        %get3A_119 = vector.shape_cast %get3A_118 : vector<1x16xf32> to vector<16xf32>
        %mul3A_120 = arith.mulf %get3A_99, %get3A_103 : vector<16xf32>
        %mul3A_121 = arith.mulf %get3A_111, %get3A_115 : vector<16xf32>
        %add3A_122 = arith.addf %mul3A_120, %mul3A_121 : vector<16xf32>
        %swap3A_123 = arith.constant 0 : i32
        %swap3A_124 = arith.index_cast %swap3A_123 : i32 to index
        %swap3A_125 = arith.constant 0 : index
        %swap3A_126 = tpu.vector_load %arg13[%swap3A_124, %swap3A_125] {strides = array<i32>} : memref<8x32xf32, #tpu.memory_space<vmem>>, vector<1x16xf32>,
        %swap3A_127 = vector.shape_cast %swap3A_126 : vector<1x16xf32> to vector<16xf32>
        %swap3A_128 = vector.shape_cast %add3A_122 : vector<16xf32> to vector<1x16xf32>
        tpu.vector_store %arg13[%swap3A_124, %swap3A_125], %swap3A_128 {strides = array<i32>} : memref<8x32xf32, #tpu.memory_space<vmem>>, vector<1x16xf32>,
        %get3A_129 = arith.constant 0 : i32
        %get3A_130 = arith.index_cast %get3A_129 : i32 to index
        %get3A_131 = arith.constant 8 : index
        %get3A_132 = tpu.vector_load %arg13[%get3A_130, %get3A_131] {strides = array<i32>} : memref<8x32xf32, #tpu.memory_space<vmem>>, vector<1x16xf32>,
        %get3A_133 = vector.shape_cast %get3A_132 : vector<1x16xf32> to vector<16xf32>
        %add3A_134 = arith.addf %add3A_122, %get3A_133 : vector<16xf32>
        %swap3A_135 = arith.constant 0 : i32
        %swap3A_136 = arith.index_cast %swap3A_135 : i32 to index
        %swap3A_137 = arith.constant 0 : index
        %swap3A_138 = tpu.vector_load %arg13[%swap3A_136, %swap3A_137] {strides = array<i32>} : memref<8x32xf32, #tpu.memory_space<vmem>>, vector<1x16xf32>,
        %swap3A_139 = vector.shape_cast %swap3A_138 : vector<1x16xf32> to vector<16xf32>
        %swap3A_140 = vector.shape_cast %add3A_134 : vector<16xf32> to vector<1x16xf32>
        tpu.vector_store %arg13[%swap3A_136, %swap3A_137], %swap3A_140 {strides = array<i32>} : memref<8x32xf32, #tpu.memory_space<vmem>>, vector<1x16xf32>,
        %get3A_141 = arith.constant 0 : i32
        %get3A_142 = arith.index_cast %get3A_141 : i32 to index
        %get3A_143 = arith.constant 4 : index
        %get3A_144 = tpu.vector_load %arg13[%get3A_142, %get3A_143] {strides = array<i32>} : memref<8x32xf32, #tpu.memory_space<vmem>>, vector<1x16xf32>,
        %get3A_145 = vector.shape_cast %get3A_144 : vector<1x16xf32> to vector<16xf32>
        %add3A_146 = arith.addf %add3A_134, %get3A_145 : vector<16xf32>
        %swap3A_147 = arith.constant 0 : i32
        %swap3A_148 = arith.index_cast %swap3A_147 : i32 to index
        %swap3A_149 = arith.constant 0 : index
        %swap3A_150 = tpu.vector_load %arg13[%swap3A_148, %swap3A_149] {strides = array<i32>} : memref<8x32xf32, #tpu.memory_space<vmem>>, vector<1x16xf32>,
        %swap3A_151 = vector.shape_cast %swap3A_150 : vector<1x16xf32> to vector<16xf32>
        %swap3A_152 = vector.shape_cast %add3A_146 : vector<16xf32> to vector<1x16xf32>
        tpu.vector_store %arg13[%swap3A_148, %swap3A_149], %swap3A_152 {strides = array<i32>} : memref<8x32xf32, #tpu.memory_space<vmem>>, vector<1x16xf32>,
        %get3A_153 = arith.constant 0 : i32
        %get3A_154 = arith.index_cast %get3A_153 : i32 to index
        %get3A_155 = arith.constant 2 : index
        %get3A_156 = tpu.vector_load %arg13[%get3A_154, %get3A_155] {strides = array<i32>} : memref<8x32xf32, #tpu.memory_space<vmem>>, vector<1x16xf32>,
        %get3A_157 = vector.shape_cast %get3A_156 : vector<1x16xf32> to vector<16xf32>
        %add3A_158 = arith.addf %add3A_146, %get3A_157 : vector<16xf32>
        %swap3A_159 = arith.constant 0 : i32
        %swap3A_160 = arith.index_cast %swap3A_159 : i32 to index
        %swap3A_161 = arith.constant 0 : index
        %swap3A_162 = tpu.vector_load %arg13[%swap3A_160, %swap3A_161] {strides = array<i32>} : memref<8x32xf32, #tpu.memory_space<vmem>>, vector<1x16xf32>,
        %swap3A_163 = vector.shape_cast %swap3A_162 : vector<1x16xf32> to vector<16xf32>
        %swap3A_164 = vector.shape_cast %add3A_158 : vector<16xf32> to vector<1x16xf32>
        tpu.vector_store %arg13[%swap3A_160, %swap3A_161], %swap3A_164 {strides = array<i32>} : memref<8x32xf32, #tpu.memory_space<vmem>>, vector<1x16xf32>,
        %get3A_165 = arith.constant 0 : i32
        %get3A_166 = arith.index_cast %get3A_165 : i32 to index
        %get3A_167 = arith.constant 1 : index
        %get3A_168 = tpu.vector_load %arg13[%get3A_166, %get3A_167] {strides = array<i32>} : memref<8x32xf32, #tpu.memory_space<vmem>>, vector<1x16xf32>,
        %get3A_169 = vector.shape_cast %get3A_168 : vector<1x16xf32> to vector<16xf32>
        %add3A_170 = arith.addf %add3A_158, %get3A_169 : vector<16xf32>
        %slice3A = vector.extract_strided_slice %add3A_170 {offsets = [0], sizes = [1], strides = [1]} : vector<16xf32> to vector<1xf32>
        %squeeze3A = vector.extract %slice3A[0] : f32 from vector<1xf32>
        %mul3A_171 = arith.constant 0.176776692 : f32
        %mul3A_172 = arith.mulf %squeeze3A, %mul3A_171 : f32
        %broadcast_in_dim3A_173 = vector.broadcast %mul3A_172 : f32 to vector<16xf32>
        %exp3A = math.exp %broadcast_in_dim3A_173 : vector<16xf32>
        %mul3A_174 = arith.mulf %get3A_107, %exp3A : vector<16xf32>
        %swap3A_175 = arith.index_cast %mul3A_96 : i32 to index
        %swap3A_176 = arith.constant 0 : index
        %swap3A_177 = tpu.vector_load %arg12[%swap3A_175, %swap3A_176] {strides = array<i32>} : memref<200x128xf32, #tpu.memory_space<vmem>>, vector<1x16xf32>,
        %swap3A_178 = vector.shape_cast %swap3A_177 : vector<1x16xf32> to vector<16xf32>
        %swap3A_179 = vector.shape_cast %mul3A_174 : vector<16xf32> to vector<1x16xf32>
        tpu.vector_store %arg12[%swap3A_175, %swap3A_176], %swap3A_179 {strides = array<i32>} : memref<200x128xf32, #tpu.memory_space<vmem>>, vector<1x16xf32>,
        %mul3A_180 = arith.mulf %get3A_119, %exp3A : vector<16xf32>
        %swap3A_181 = arith.index_cast %mul3A_96 : i32 to index
        %swap3A_182 = arith.constant 16 : index
        %swap3A_183 = tpu.vector_load %arg12[%swap3A_181, %swap3A_182] {strides = array<i32>} : memref<200x128xf32, #tpu.memory_space<vmem>>, vector<1x16xf32>,
        %swap3A_184 = vector.shape_cast %swap3A_183 : vector<1x16xf32> to vector<16xf32>
        %swap3A_185 = vector.shape_cast %mul3A_180 : vector<16xf32> to vector<1x16xf32>
        tpu.vector_store %arg12[%swap3A_181, %swap3A_182], %swap3A_185 {strides = array<i32>} : memref<200x128xf32, #tpu.memory_space<vmem>>, vector<1x16xf32>,
        %eq3A = arith.constant 0 : i32
        %eq3A_186 = vector.broadcast %eq3A : i32 to vector<16xi32>
        %eq3A_187 = arith.cmpi eq, %iota3A, %eq3A_186 : vector<16xi32>
        %select_n3A = arith.select %eq3A_187, %exp3A, %broadcast_in_dim3A_0 : vector<16xi1>, vector<16xf32>
        %swap3A_188 = arith.index_cast %mul3A_96 : i32 to index
        %swap3A_189 = arith.constant 32 : index
        %swap3A_190 = tpu.vector_load %arg12[%swap3A_188, %swap3A_189] {strides = array<i32>} : memref<200x128xf32, #tpu.memory_space<vmem>>, vector<1x16xf32>,
        %swap3A_191 = vector.shape_cast %swap3A_190 : vector<1x16xf32> to vector<16xf32>
        %swap3A_192 = vector.shape_cast %select_n3A : vector<16xf32> to vector<1x16xf32>
        tpu.vector_store %arg12[%swap3A_188, %swap3A_189], %swap3A_192 {strides = array<i32>} : memref<200x128xf32, #tpu.memory_space<vmem>>, vector<1x16xf32>,
        %mul3A_193 = arith.constant 2 : i32
        %mul3A_194 = arith.muli %scan3A_93, %mul3A_193 : i32
        %add3A_195 = arith.constant 1 : i32
        %add3A_196 = arith.addi %mul3A_194, %add3A_195 : i32
        %get3A_197 = arith.index_cast %add3A_196 : i32 to index
        %get3A_198 = arith.constant 0 : index
        %get3A_199 = tpu.vector_load %arg10[%get3A_197, %get3A_198] {strides = array<i32>} : memref<200x128xf32, #tpu.memory_space<vmem>>, vector<1x16xf32>,
        %get3A_200 = vector.shape_cast %get3A_199 : vector<1x16xf32> to vector<16xf32>
        %get3A_201 = arith.index_cast %add3A_196 : i32 to index
        %get3A_202 = arith.constant 0 : index
        %get3A_203 = tpu.vector_load %arg11[%get3A_201, %get3A_202] {strides = array<i32>} : memref<200x128xf32, #tpu.memory_space<vmem>>, vector<1x16xf32>,
        %get3A_204 = vector.shape_cast %get3A_203 : vector<1x16xf32> to vector<16xf32>
        %get3A_205 = arith.index_cast %add3A_196 : i32 to index
        %get3A_206 = arith.constant 32 : index
        %get3A_207 = tpu.vector_load %arg11[%get3A_205, %get3A_206] {strides = array<i32>} : memref<200x128xf32, #tpu.memory_space<vmem>>, vector<1x16xf32>,
        %get3A_208 = vector.shape_cast %get3A_207 : vector<1x16xf32> to vector<16xf32>
        %get3A_209 = arith.index_cast %add3A_196 : i32 to index
        %get3A_210 = arith.constant 16 : index
        %get3A_211 = tpu.vector_load %arg10[%get3A_209, %get3A_210] {strides = array<i32>} : memref<200x128xf32, #tpu.memory_space<vmem>>, vector<1x16xf32>,
        %get3A_212 = vector.shape_cast %get3A_211 : vector<1x16xf32> to vector<16xf32>
        %get3A_213 = arith.index_cast %add3A_196 : i32 to index
        %get3A_214 = arith.constant 16 : index
        %get3A_215 = tpu.vector_load %arg11[%get3A_213, %get3A_214] {strides = array<i32>} : memref<200x128xf32, #tpu.memory_space<vmem>>, vector<1x16xf32>,
        %get3A_216 = vector.shape_cast %get3A_215 : vector<1x16xf32> to vector<16xf32>
        %get3A_217 = arith.index_cast %add3A_196 : i32 to index
        %get3A_218 = arith.constant 48 : index
        %get3A_219 = tpu.vector_load %arg11[%get3A_217, %get3A_218] {strides = array<i32>} : memref<200x128xf32, #tpu.memory_space<vmem>>, vector<1x16xf32>,
        %get3A_220 = vector.shape_cast %get3A_219 : vector<1x16xf32> to vector<16xf32>
        %mul3A_221 = arith.mulf %get3A_200, %get3A_204 : vector<16xf32>
        %mul3A_222 = arith.mulf %get3A_212, %get3A_216 : vector<16xf32>
        %add3A_223 = arith.addf %mul3A_221, %mul3A_222 : vector<16xf32>
        %swap3A_224 = arith.constant 4 : i32
        %swap3A_225 = arith.index_cast %swap3A_224 : i32 to index
        %swap3A_226 = arith.constant 0 : index
        %swap3A_227 = tpu.vector_load %arg13[%swap3A_225, %swap3A_226] {strides = array<i32>} : memref<8x32xf32, #tpu.memory_space<vmem>>, vector<1x16xf32>,
        %swap3A_228 = vector.shape_cast %swap3A_227 : vector<1x16xf32> to vector<16xf32>
        %swap3A_229 = vector.shape_cast %add3A_223 : vector<16xf32> to vector<1x16xf32>
        tpu.vector_store %arg13[%swap3A_225, %swap3A_226], %swap3A_229 {strides = array<i32>} : memref<8x32xf32, #tpu.memory_space<vmem>>, vector<1x16xf32>,
        %get3A_230 = arith.constant 4 : i32
        %get3A_231 = arith.index_cast %get3A_230 : i32 to index
        %get3A_232 = arith.constant 8 : index
        %get3A_233 = tpu.vector_load %arg13[%get3A_231, %get3A_232] {strides = array<i32>} : memref<8x32xf32, #tpu.memory_space<vmem>>, vector<1x16xf32>,
        %get3A_234 = vector.shape_cast %get3A_233 : vector<1x16xf32> to vector<16xf32>
        %add3A_235 = arith.addf %add3A_223, %get3A_234 : vector<16xf32>
        %swap3A_236 = arith.constant 4 : i32
        %swap3A_237 = arith.index_cast %swap3A_236 : i32 to index
        %swap3A_238 = arith.constant 0 : index
        %swap3A_239 = tpu.vector_load %arg13[%swap3A_237, %swap3A_238] {strides = array<i32>} : memref<8x32xf32, #tpu.memory_space<vmem>>, vector<1x16xf32>,
        %swap3A_240 = vector.shape_cast %swap3A_239 : vector<1x16xf32> to vector<16xf32>
        %swap3A_241 = vector.shape_cast %add3A_235 : vector<16xf32> to vector<1x16xf32>
        tpu.vector_store %arg13[%swap3A_237, %swap3A_238], %swap3A_241 {strides = array<i32>} : memref<8x32xf32, #tpu.memory_space<vmem>>, vector<1x16xf32>,
        %get3A_242 = arith.constant 4 : i32
        %get3A_243 = arith.index_cast %get3A_242 : i32 to index
        %get3A_244 = arith.constant 4 : index
        %get3A_245 = tpu.vector_load %arg13[%get3A_243, %get3A_244] {strides = array<i32>} : memref<8x32xf32, #tpu.memory_space<vmem>>, vector<1x16xf32>,
        %get3A_246 = vector.shape_cast %get3A_245 : vector<1x16xf32> to vector<16xf32>
        %add3A_247 = arith.addf %add3A_235, %get3A_246 : vector<16xf32>
        %swap3A_248 = arith.constant 4 : i32
        %swap3A_249 = arith.index_cast %swap3A_248 : i32 to index
        %swap3A_250 = arith.constant 0 : index
        %swap3A_251 = tpu.vector_load %arg13[%swap3A_249, %swap3A_250] {strides = array<i32>} : memref<8x32xf32, #tpu.memory_space<vmem>>, vector<1x16xf32>,
        %swap3A_252 = vector.shape_cast %swap3A_251 : vector<1x16xf32> to vector<16xf32>
        %swap3A_253 = vector.shape_cast %add3A_247 : vector<16xf32> to vector<1x16xf32>
        tpu.vector_store %arg13[%swap3A_249, %swap3A_250], %swap3A_253 {strides = array<i32>} : memref<8x32xf32, #tpu.memory_space<vmem>>, vector<1x16xf32>,
        %get3A_254 = arith.constant 4 : i32
        %get3A_255 = arith.index_cast %get3A_254 : i32 to index
        %get3A_256 = arith.constant 2 : index
        %get3A_257 = tpu.vector_load %arg13[%get3A_255, %get3A_256] {strides = array<i32>} : memref<8x32xf32, #tpu.memory_space<vmem>>, vector<1x16xf32>,
        %get3A_258 = vector.shape_cast %get3A_257 : vector<1x16xf32> to vector<16xf32>
        %add3A_259 = arith.addf %add3A_247, %get3A_258 : vector<16xf32>
        %swap3A_260 = arith.constant 4 : i32
        %swap3A_261 = arith.index_cast %swap3A_260 : i32 to index
        %swap3A_262 = arith.constant 0 : index
        %swap3A_263 = tpu.vector_load %arg13[%swap3A_261, %swap3A_262] {strides = array<i32>} : memref<8x32xf32, #tpu.memory_space<vmem>>, vector<1x16xf32>,
        %swap3A_264 = vector.shape_cast %swap3A_263 : vector<1x16xf32> to vector<16xf32>
        %swap3A_265 = vector.shape_cast %add3A_259 : vector<16xf32> to vector<1x16xf32>
        tpu.vector_store %arg13[%swap3A_261, %swap3A_262], %swap3A_265 {strides = array<i32>} : memref<8x32xf32, #tpu.memory_space<vmem>>, vector<1x16xf32>,
        %get3A_266 = arith.constant 4 : i32
        %get3A_267 = arith.index_cast %get3A_266 : i32 to index
        %get3A_268 = arith.constant 1 : index
        %get3A_269 = tpu.vector_load %arg13[%get3A_267, %get3A_268] {strides = array<i32>} : memref<8x32xf32, #tpu.memory_space<vmem>>, vector<1x16xf32>,
        %get3A_270 = vector.shape_cast %get3A_269 : vector<1x16xf32> to vector<16xf32>
        %add3A_271 = arith.addf %add3A_259, %get3A_270 : vector<16xf32>
        %slice3A_272 = vector.extract_strided_slice %add3A_271 {offsets = [0], sizes = [1], strides = [1]} : vector<16xf32> to vector<1xf32>
        %squeeze3A_273 = vector.extract %slice3A_272[0] : f32 from vector<1xf32>
        %mul3A_274 = arith.constant 0.176776692 : f32
        %mul3A_275 = arith.mulf %squeeze3A_273, %mul3A_274 : f32
        %broadcast_in_dim3A_276 = vector.broadcast %mul3A_275 : f32 to vector<16xf32>
        %exp3A_277 = math.exp %broadcast_in_dim3A_276 : vector<16xf32>
        %mul3A_278 = arith.mulf %get3A_208, %exp3A_277 : vector<16xf32>
        %swap3A_279 = arith.index_cast %add3A_196 : i32 to index
        %swap3A_280 = arith.constant 0 : index
        %swap3A_281 = tpu.vector_load %arg12[%swap3A_279, %swap3A_280] {strides = array<i32>} : memref<200x128xf32, #tpu.memory_space<vmem>>, vector<1x16xf32>,
        %swap3A_282 = vector.shape_cast %swap3A_281 : vector<1x16xf32> to vector<16xf32>
        %swap3A_283 = vector.shape_cast %mul3A_278 : vector<16xf32> to vector<1x16xf32>
        tpu.vector_store %arg12[%swap3A_279, %swap3A_280], %swap3A_283 {strides = array<i32>} : memref<200x128xf32, #tpu.memory_space<vmem>>, vector<1x16xf32>,
        %mul3A_284 = arith.mulf %get3A_220, %exp3A_277 : vector<16xf32>
        %swap3A_285 = arith.index_cast %add3A_196 : i32 to index
        %swap3A_286 = arith.constant 16 : index
        %swap3A_287 = tpu.vector_load %arg12[%swap3A_285, %swap3A_286] {strides = array<i32>} : memref<200x128xf32, #tpu.memory_space<vmem>>, vector<1x16xf32>,
        %swap3A_288 = vector.shape_cast %swap3A_287 : vector<1x16xf32> to vector<16xf32>
        %swap3A_289 = vector.shape_cast %mul3A_284 : vector<16xf32> to vector<1x16xf32>
        tpu.vector_store %arg12[%swap3A_285, %swap3A_286], %swap3A_289 {strides = array<i32>} : memref<200x128xf32, #tpu.memory_space<vmem>>, vector<1x16xf32>,
        %eq3A_290 = arith.constant 0 : i32
        %eq3A_291 = vector.broadcast %eq3A_290 : i32 to vector<16xi32>
        %eq3A_292 = arith.cmpi eq, %iota3A, %eq3A_291 : vector<16xi32>
        %select_n3A_293 = arith.select %eq3A_292, %exp3A_277, %broadcast_in_dim3A_0 : vector<16xi1>, vector<16xf32>
        %swap3A_294 = arith.index_cast %add3A_196 : i32 to index
        %swap3A_295 = arith.constant 32 : index
        %swap3A_296 = tpu.vector_load %arg12[%swap3A_294, %swap3A_295] {strides = array<i32>} : memref<200x128xf32, #tpu.memory_space<vmem>>, vector<1x16xf32>,
        %swap3A_297 = vector.shape_cast %swap3A_296 : vector<1x16xf32> to vector<16xf32>
        %swap3A_298 = vector.shape_cast %select_n3A_293 : vector<16xf32> to vector<1x16xf32>
        tpu.vector_store %arg12[%swap3A_294, %swap3A_295], %swap3A_298 {strides = array<i32>} : memref<200x128xf32, #tpu.memory_space<vmem>>, vector<1x16xf32>,
        %scan3A_299 = arith.constant 0 : i32
        scf.yield %scan3A_299 : i32
      }
      %scan3A_91 = arith.constant 100 : i32
      "tpu.region"() ({
        %run_scoped3A = tpu.sem_alloc : memref<!tpu.dma_semaphore, #tpu.memory_space<semaphore_mem>>
        %dma_start3A_93 = arith.constant 0 : i32
        %dma_start3A_94 = arith.constant 0 : i32
        %dma_start3A_95 = tpu.memref_slice %arg14[%dma_start3A_93, %dma_start3A_94] : memref<5248x128xf32, #tpu.memory_space<vmem_shared>> -> memref<5248x128xf32, #tpu.memory_space<vmem_shared>>
        tpu.enqueue_indirect_dma source(%arg12 : memref<200x128xf32, #tpu.memory_space<vmem>>) target(%dma_start3A_95 : memref<5248x128xf32, #tpu.memory_space<vmem_shared>>) offsets(%arg9 : memref<200xi32, #tpu.memory_space<vmem>>) semaphore(%run_scoped3A : memref<!tpu.dma_semaphore, #tpu.memory_space<semaphore_mem>>) {add = true}
        %dma_wait3A_96 = arith.constant 0 : i32
        %dma_wait3A_97 = arith.constant 0 : i32
        %dma_wait3A_98 = tpu.memref_slice %arg14[%dma_wait3A_96, %dma_wait3A_97] : memref<5248x128xf32, #tpu.memory_space<vmem_shared>> -> memref<5248x128xf32, #tpu.memory_space<vmem_shared>>
        tpu.wait_indirect_dma semaphore(%run_scoped3A : memref<!tpu.dma_semaphore, #tpu.memory_space<semaphore_mem>>) src(%arg12 : memref<200x128xf32, #tpu.memory_space<vmem>>) dst(%dma_wait3A_98 : memref<5248x128xf32, #tpu.memory_space<vmem_shared>>)
        tpu.yield
      }) : () -> ()
      %scan3A_92 = arith.constant 0 : i32
      scf.yield %scan3A_92 : i32
    }
    %scan3A_54 = arith.constant 100 : i32
    %barrier3A_55 = arith.constant 0 : index
    tpu.barrier barrier_id(%barrier3A_55)
    %mul3A_56 = arith.constant 328 : i32
    %mul3A_57 = arith.muli %arg1, %mul3A_56 : i32
    %mul3A_58 = arith.constant 5248 : i32
    %mul3A_59 = arith.muli %arg0, %mul3A_58 : i32
    %mul3A_60 = arith.constant 328 : i32
    %mul3A_61 = arith.muli %arg1, %mul3A_60 : i32
    %add3A_62 = arith.addi %mul3A_59, %mul3A_61 : i32
    "tpu.region"() ({
      %run_scoped3A = tpu.sem_alloc : memref<!tpu.dma_semaphore, #tpu.memory_space<semaphore_mem>>
      %dma_start3A = arith.constant 0 : i32
      %dma_start3A_63 = tpu.memref_slice %arg6[%add3A_62, %dma_start3A] : memref<10496x128xf32, #tpu.memory_space<hbm>> -> memref<328x128xf32, #tpu.memory_space<hbm>>
      %dma_start3A_64 = arith.constant 0 : i32
      %dma_start3A_65 = tpu.memref_slice %arg14[%mul3A_57, %dma_start3A_64] : memref<5248x128xf32, #tpu.memory_space<vmem_shared>> -> memref<328x128xf32, #tpu.memory_space<vmem_shared>>
      tpu.enqueue_dma source(%dma_start3A_65 : memref<328x128xf32, #tpu.memory_space<vmem_shared>>) target(%dma_start3A_63 : memref<328x128xf32, #tpu.memory_space<hbm>>) target_semaphore(%run_scoped3A : memref<!tpu.dma_semaphore, #tpu.memory_space<semaphore_mem>>)
      %dma_wait3A = arith.constant 0 : i32
      %dma_wait3A_66 = tpu.memref_slice %arg6[%add3A_62, %dma_wait3A] : memref<10496x128xf32, #tpu.memory_space<hbm>> -> memref<328x128xf32, #tpu.memory_space<hbm>>
      %dma_wait3A_67 = arith.constant 0 : i32
      %dma_wait3A_68 = tpu.memref_slice %arg14[%mul3A_57, %dma_wait3A_67] : memref<5248x128xf32, #tpu.memory_space<vmem_shared>> -> memref<328x128xf32, #tpu.memory_space<vmem_shared>>
      tpu.wait_dma2 semaphore(%run_scoped3A : memref<!tpu.dma_semaphore, #tpu.memory_space<semaphore_mem>>) src(%dma_wait3A_68 : memref<328x128xf32, #tpu.memory_space<vmem_shared>>) dst(%dma_wait3A_66 : memref<328x128xf32, #tpu.memory_space<hbm>>)
      tpu.yield
    }) : () -> ()
    return
  }
}

#map = affine_map<(d0, d1) -> (0, 0)>
#map1 = affine_map<(d0, d1) -> (0)>
module attributes {stable_mosaic.version = 14 : i64} {
  func.func @_edge_kernel_body(%arg0: i32, %arg1: i32, %arg2: memref<10000x128xf32, #tpu.memory_space<hbm>>, %arg3: memref<10000x128xf32, #tpu.memory_space<hbm>>, %arg4: memref<320000xi32, #tpu.memory_space<hbm>>, %arg5: memref<320000xi32, #tpu.memory_space<hbm>>, %arg6: memref<10496x128xf32, #tpu.memory_space<hbm>>, %arg7: memref<200xi32, #tpu.memory_space<vmem>>, %arg8: memref<200xi32, #tpu.memory_space<vmem>>, %arg9: memref<200xi32, #tpu.memory_space<vmem>>, %arg10: memref<200x128xf32, #tpu.memory_space<vmem>>, %arg11: memref<200x128xf32, #tpu.memory_space<vmem>>, %arg12: memref<200x128xf32, #tpu.memory_space<vmem>>, %arg13: memref<8x32xf32, #tpu.memory_space<vmem>>, %arg14: memref<5248x128xf32, #tpu.memory_space<vmem_shared>>, %arg15: memref<!tpu.dma_semaphore, #tpu.memory_space<semaphore_mem>>) attributes {dimension_semantics = [#tpu.dimension_semantics<core_parallel>, #tpu.dimension_semantics<subcore_parallel>], iteration_bounds = array<i64: 2, 16>, scalar_prefetch = 0 : i64, scratch_operands = 9 : i64, tpu.core_type = #tpu.core_type<sc_vector_subcore>, window_params = [{transform_indices = #map}, {transform_indices = #map}, {transform_indices = #map1}, {transform_indices = #map1}, {transform_indices = #map}]} {
    %broadcast_in_dim3A = arith.constant 0.000000e+00 : f32
    %broadcast_in_dim3A_0 = vector.broadcast %broadcast_in_dim3A : f32 to vector<16xf32>
    %scan3A = arith.constant 0 : i32
    %scan3A_1 = arith.constant 0 : i32
    %scan3A_2 = arith.constant 200 : i32
    %scan3A_3 = arith.addi %scan3A_1, %scan3A_2 : i32
    %scan3A_4 = arith.constant 1 : i32
    %scan3A_5 = scf.for %scan3A_63 = %scan3A_1 to %scan3A_3 step %scan3A_4 iter_args(%scan3A_64 = %scan3A) -> (i32)  : i32 {
      %swap3A_65 = arith.index_cast %scan3A_63 : i32 to index
      %swap3A_66 = arith.constant 0 : index
      %swap3A_67 = tpu.vector_load %arg12[%swap3A_65, %swap3A_66] {strides = array<i32>} : memref<200x128xf32, #tpu.memory_space<vmem>>, vector<1x16xf32>,
      %swap3A_68 = vector.shape_cast %swap3A_67 : vector<1x16xf32> to vector<16xf32>
      %swap3A_69 = vector.shape_cast %broadcast_in_dim3A_0 : vector<16xf32> to vector<1x16xf32>
      tpu.vector_store %arg12[%swap3A_65, %swap3A_66], %swap3A_69 {strides = array<i32>} : memref<200x128xf32, #tpu.memory_space<vmem>>, vector<1x16xf32>,
      %swap3A_70 = arith.index_cast %scan3A_63 : i32 to index
      %swap3A_71 = arith.constant 16 : index
      %swap3A_72 = tpu.vector_load %arg12[%swap3A_70, %swap3A_71] {strides = array<i32>} : memref<200x128xf32, #tpu.memory_space<vmem>>, vector<1x16xf32>,
      %swap3A_73 = vector.shape_cast %swap3A_72 : vector<1x16xf32> to vector<16xf32>
      %swap3A_74 = vector.shape_cast %broadcast_in_dim3A_0 : vector<16xf32> to vector<1x16xf32>
      tpu.vector_store %arg12[%swap3A_70, %swap3A_71], %swap3A_74 {strides = array<i32>} : memref<200x128xf32, #tpu.memory_space<vmem>>, vector<1x16xf32>,
      %swap3A_75 = arith.index_cast %scan3A_63 : i32 to index
      %swap3A_76 = arith.constant 32 : index
      %swap3A_77 = tpu.vector_load %arg12[%swap3A_75, %swap3A_76] {strides = array<i32>} : memref<200x128xf32, #tpu.memory_space<vmem>>, vector<1x16xf32>,
      %swap3A_78 = vector.shape_cast %swap3A_77 : vector<1x16xf32> to vector<16xf32>
      %swap3A_79 = vector.shape_cast %broadcast_in_dim3A_0 : vector<16xf32> to vector<1x16xf32>
      tpu.vector_store %arg12[%swap3A_75, %swap3A_76], %swap3A_79 {strides = array<i32>} : memref<200x128xf32, #tpu.memory_space<vmem>>, vector<1x16xf32>,
      %swap3A_80 = arith.index_cast %scan3A_63 : i32 to index
      %swap3A_81 = arith.constant 48 : index
      %swap3A_82 = tpu.vector_load %arg12[%swap3A_80, %swap3A_81] {strides = array<i32>} : memref<200x128xf32, #tpu.memory_space<vmem>>, vector<1x16xf32>,
      %swap3A_83 = vector.shape_cast %swap3A_82 : vector<1x16xf32> to vector<16xf32>
      %swap3A_84 = vector.shape_cast %broadcast_in_dim3A_0 : vector<16xf32> to vector<1x16xf32>
      tpu.vector_store %arg12[%swap3A_80, %swap3A_81], %swap3A_84 {strides = array<i32>} : memref<200x128xf32, #tpu.memory_space<vmem>>, vector<1x16xf32>,
      %swap3A_85 = arith.index_cast %scan3A_63 : i32 to index
      %swap3A_86 = arith.constant 64 : index
      %swap3A_87 = tpu.vector_load %arg12[%swap3A_85, %swap3A_86] {strides = array<i32>} : memref<200x128xf32, #tpu.memory_space<vmem>>, vector<1x16xf32>,
      %swap3A_88 = vector.shape_cast %swap3A_87 : vector<1x16xf32> to vector<16xf32>
      %swap3A_89 = vector.shape_cast %broadcast_in_dim3A_0 : vector<16xf32> to vector<1x16xf32>
      tpu.vector_store %arg12[%swap3A_85, %swap3A_86], %swap3A_89 {strides = array<i32>} : memref<200x128xf32, #tpu.memory_space<vmem>>, vector<1x16xf32>,
      %swap3A_90 = arith.index_cast %scan3A_63 : i32 to index
      %swap3A_91 = arith.constant 80 : index
      %swap3A_92 = tpu.vector_load %arg12[%swap3A_90, %swap3A_91] {strides = array<i32>} : memref<200x128xf32, #tpu.memory_space<vmem>>, vector<1x16xf32>,
      %swap3A_93 = vector.shape_cast %swap3A_92 : vector<1x16xf32> to vector<16xf32>
      %swap3A_94 = vector.shape_cast %broadcast_in_dim3A_0 : vector<16xf32> to vector<1x16xf32>
      tpu.vector_store %arg12[%swap3A_90, %swap3A_91], %swap3A_94 {strides = array<i32>} : memref<200x128xf32, #tpu.memory_space<vmem>>, vector<1x16xf32>,
      %swap3A_95 = arith.index_cast %scan3A_63 : i32 to index
      %swap3A_96 = arith.constant 96 : index
      %swap3A_97 = tpu.vector_load %arg12[%swap3A_95, %swap3A_96] {strides = array<i32>} : memref<200x128xf32, #tpu.memory_space<vmem>>, vector<1x16xf32>,
      %swap3A_98 = vector.shape_cast %swap3A_97 : vector<1x16xf32> to vector<16xf32>
      %swap3A_99 = vector.shape_cast %broadcast_in_dim3A_0 : vector<16xf32> to vector<1x16xf32>
      tpu.vector_store %arg12[%swap3A_95, %swap3A_96], %swap3A_99 {strides = array<i32>} : memref<200x128xf32, #tpu.memory_space<vmem>>, vector<1x16xf32>,
      %swap3A_100 = arith.index_cast %scan3A_63 : i32 to index
      %swap3A_101 = arith.constant 112 : index
      %swap3A_102 = tpu.vector_load %arg12[%swap3A_100, %swap3A_101] {strides = array<i32>} : memref<200x128xf32, #tpu.memory_space<vmem>>, vector<1x16xf32>,
      %swap3A_103 = vector.shape_cast %swap3A_102 : vector<1x16xf32> to vector<16xf32>
      %swap3A_104 = vector.shape_cast %broadcast_in_dim3A_0 : vector<16xf32> to vector<1x16xf32>
      tpu.vector_store %arg12[%swap3A_100, %swap3A_101], %swap3A_104 {strides = array<i32>} : memref<200x128xf32, #tpu.memory_space<vmem>>, vector<1x16xf32>,
      %scan3A_105 = arith.constant 0 : i32
      scf.yield %scan3A_105 : i32
    }
    %scan3A_6 = arith.constant 200 : i32
    %swap3A = arith.constant 0 : i32
    %swap3A_7 = arith.index_cast %swap3A : i32 to index
    %swap3A_8 = arith.constant 0 : index
    %swap3A_9 = tpu.vector_load %arg13[%swap3A_7, %swap3A_8] {strides = array<i32>} : memref<8x32xf32, #tpu.memory_space<vmem>>, vector<1x16xf32>,
    %swap3A_10 = vector.shape_cast %swap3A_9 : vector<1x16xf32> to vector<16xf32>
    %swap3A_11 = vector.shape_cast %broadcast_in_dim3A_0 : vector<16xf32> to vector<1x16xf32>
    tpu.vector_store %arg13[%swap3A_7, %swap3A_8], %swap3A_11 {strides = array<i32>} : memref<8x32xf32, #tpu.memory_space<vmem>>, vector<1x16xf32>,
    %swap3A_12 = arith.constant 0 : i32
    %swap3A_13 = arith.index_cast %swap3A_12 : i32 to index
    %swap3A_14 = arith.constant 16 : index
    %swap3A_15 = tpu.vector_load %arg13[%swap3A_13, %swap3A_14] {strides = array<i32>} : memref<8x32xf32, #tpu.memory_space<vmem>>, vector<1x16xf32>,
    %swap3A_16 = vector.shape_cast %swap3A_15 : vector<1x16xf32> to vector<16xf32>
    %swap3A_17 = vector.shape_cast %broadcast_in_dim3A_0 : vector<16xf32> to vector<1x16xf32>
    tpu.vector_store %arg13[%swap3A_13, %swap3A_14], %swap3A_17 {strides = array<i32>} : memref<8x32xf32, #tpu.memory_space<vmem>>, vector<1x16xf32>,
    %swap3A_18 = arith.constant 4 : i32
    %swap3A_19 = arith.index_cast %swap3A_18 : i32 to index
    %swap3A_20 = arith.constant 0 : index
    %swap3A_21 = tpu.vector_load %arg13[%swap3A_19, %swap3A_20] {strides = array<i32>} : memref<8x32xf32, #tpu.memory_space<vmem>>, vector<1x16xf32>,
    %swap3A_22 = vector.shape_cast %swap3A_21 : vector<1x16xf32> to vector<16xf32>
    %swap3A_23 = vector.shape_cast %broadcast_in_dim3A_0 : vector<16xf32> to vector<1x16xf32>
    tpu.vector_store %arg13[%swap3A_19, %swap3A_20], %swap3A_23 {strides = array<i32>} : memref<8x32xf32, #tpu.memory_space<vmem>>, vector<1x16xf32>,
    %swap3A_24 = arith.constant 4 : i32
    %swap3A_25 = arith.index_cast %swap3A_24 : i32 to index
    %swap3A_26 = arith.constant 16 : index
    %swap3A_27 = tpu.vector_load %arg13[%swap3A_25, %swap3A_26] {strides = array<i32>} : memref<8x32xf32, #tpu.memory_space<vmem>>, vector<1x16xf32>,
    %swap3A_28 = vector.shape_cast %swap3A_27 : vector<1x16xf32> to vector<16xf32>
    %swap3A_29 = vector.shape_cast %broadcast_in_dim3A_0 : vector<16xf32> to vector<1x16xf32>
    tpu.vector_store %arg13[%swap3A_25, %swap3A_26], %swap3A_29 {strides = array<i32>} : memref<8x32xf32, #tpu.memory_space<vmem>>, vector<1x16xf32>,
    %mul3A = arith.constant 328 : i32
    %mul3A_30 = arith.muli %arg1, %mul3A : i32
    %add3A = arith.constant 0 : i32
    %add3A_31 = arith.addi %mul3A_30, %add3A : i32
    "tpu.region"() ({
      %run_scoped3A = tpu.sem_alloc : memref<!tpu.dma_semaphore, #tpu.memory_space<semaphore_mem>>
      %dma_start3A = arith.constant 0 : i32
      %dma_start3A_63 = arith.constant 0 : i32
      %dma_start3A_64 = tpu.memref_slice %arg12[%dma_start3A, %dma_start3A_63] : memref<200x128xf32, #tpu.memory_space<vmem>> -> memref<96x128xf32, #tpu.memory_space<vmem>>
      %dma_start3A_65 = arith.constant 0 : i32
      %dma_start3A_66 = tpu.memref_slice %arg14[%add3A_31, %dma_start3A_65] : memref<5248x128xf32, #tpu.memory_space<vmem_shared>> -> memref<96x128xf32, #tpu.memory_space<vmem_shared>>
      %dma_start3A_67 = arith.constant 0 : i32
      %dma_start3A_68 = tpu.memref_slice %arg14[%add3A_31, %dma_start3A_67] : memref<5248x128xf32, #tpu.memory_space<vmem_shared>> -> memref<96x128xf32, #tpu.memory_space<vmem_shared>>
      %dma_start3A_69 = arith.constant 0 : i32
      %dma_start3A_70 = arith.constant 0 : i32
      %dma_start3A_71 = tpu.memref_slice %arg12[%dma_start3A_69, %dma_start3A_70] : memref<200x128xf32, #tpu.memory_space<vmem>> -> memref<96x128xf32, #tpu.memory_space<vmem>>
      tpu.enqueue_dma source(%dma_start3A_71 : memref<96x128xf32, #tpu.memory_space<vmem>>) target(%dma_start3A_68 : memref<96x128xf32, #tpu.memory_space<vmem_shared>>) target_semaphore(%run_scoped3A : memref<!tpu.dma_semaphore, #tpu.memory_space<semaphore_mem>>)
      %dma_wait3A = arith.constant 0 : i32
      %dma_wait3A_72 = arith.constant 0 : i32
      %dma_wait3A_73 = tpu.memref_slice %arg12[%dma_wait3A, %dma_wait3A_72] : memref<200x128xf32, #tpu.memory_space<vmem>> -> memref<96x128xf32, #tpu.memory_space<vmem>>
      %dma_wait3A_74 = arith.constant 0 : i32
      %dma_wait3A_75 = tpu.memref_slice %arg14[%add3A_31, %dma_wait3A_74] : memref<5248x128xf32, #tpu.memory_space<vmem_shared>> -> memref<96x128xf32, #tpu.memory_space<vmem_shared>>
      %dma_wait3A_76 = arith.constant 0 : i32
      %dma_wait3A_77 = tpu.memref_slice %arg14[%add3A_31, %dma_wait3A_76] : memref<5248x128xf32, #tpu.memory_space<vmem_shared>> -> memref<96x128xf32, #tpu.memory_space<vmem_shared>>
      %dma_wait3A_78 = arith.constant 0 : i32
      %dma_wait3A_79 = arith.constant 0 : i32
      %dma_wait3A_80 = tpu.memref_slice %arg12[%dma_wait3A_78, %dma_wait3A_79] : memref<200x128xf32, #tpu.memory_space<vmem>> -> memref<96x128xf32, #tpu.memory_space<vmem>>
      tpu.wait_dma2 semaphore(%run_scoped3A : memref<!tpu.dma_semaphore, #tpu.memory_space<semaphore_mem>>) src(%dma_wait3A_80 : memref<96x128xf32, #tpu.memory_space<vmem>>) dst(%dma_wait3A_77 : memref<96x128xf32, #tpu.memory_space<vmem_shared>>)
      tpu.yield
    }) : () -> ()
    %mul3A_32 = arith.constant 328 : i32
    %mul3A_33 = arith.muli %arg1, %mul3A_32 : i32
    %add3A_34 = arith.constant 96 : i32
    %add3A_35 = arith.addi %mul3A_33, %add3A_34 : i32
    "tpu.region"() ({
      %run_scoped3A = tpu.sem_alloc : memref<!tpu.dma_semaphore, #tpu.memory_space<semaphore_mem>>
      %dma_start3A = arith.constant 0 : i32
      %dma_start3A_63 = arith.constant 0 : i32
      %dma_start3A_64 = tpu.memref_slice %arg12[%dma_start3A, %dma_start3A_63] : memref<200x128xf32, #tpu.memory_space<vmem>> -> memref<96x128xf32, #tpu.memory_space<vmem>>
      %dma_start3A_65 = arith.constant 0 : i32
      %dma_start3A_66 = tpu.memref_slice %arg14[%add3A_35, %dma_start3A_65] : memref<5248x128xf32, #tpu.memory_space<vmem_shared>> -> memref<96x128xf32, #tpu.memory_space<vmem_shared>>
      %dma_start3A_67 = arith.constant 0 : i32
      %dma_start3A_68 = tpu.memref_slice %arg14[%add3A_35, %dma_start3A_67] : memref<5248x128xf32, #tpu.memory_space<vmem_shared>> -> memref<96x128xf32, #tpu.memory_space<vmem_shared>>
      %dma_start3A_69 = arith.constant 0 : i32
      %dma_start3A_70 = arith.constant 0 : i32
      %dma_start3A_71 = tpu.memref_slice %arg12[%dma_start3A_69, %dma_start3A_70] : memref<200x128xf32, #tpu.memory_space<vmem>> -> memref<96x128xf32, #tpu.memory_space<vmem>>
      tpu.enqueue_dma source(%dma_start3A_71 : memref<96x128xf32, #tpu.memory_space<vmem>>) target(%dma_start3A_68 : memref<96x128xf32, #tpu.memory_space<vmem_shared>>) target_semaphore(%run_scoped3A : memref<!tpu.dma_semaphore, #tpu.memory_space<semaphore_mem>>)
      %dma_wait3A = arith.constant 0 : i32
      %dma_wait3A_72 = arith.constant 0 : i32
      %dma_wait3A_73 = tpu.memref_slice %arg12[%dma_wait3A, %dma_wait3A_72] : memref<200x128xf32, #tpu.memory_space<vmem>> -> memref<96x128xf32, #tpu.memory_space<vmem>>
      %dma_wait3A_74 = arith.constant 0 : i32
      %dma_wait3A_75 = tpu.memref_slice %arg14[%add3A_35, %dma_wait3A_74] : memref<5248x128xf32, #tpu.memory_space<vmem_shared>> -> memref<96x128xf32, #tpu.memory_space<vmem_shared>>
      %dma_wait3A_76 = arith.constant 0 : i32
      %dma_wait3A_77 = tpu.memref_slice %arg14[%add3A_35, %dma_wait3A_76] : memref<5248x128xf32, #tpu.memory_space<vmem_shared>> -> memref<96x128xf32, #tpu.memory_space<vmem_shared>>
      %dma_wait3A_78 = arith.constant 0 : i32
      %dma_wait3A_79 = arith.constant 0 : i32
      %dma_wait3A_80 = tpu.memref_slice %arg12[%dma_wait3A_78, %dma_wait3A_79] : memref<200x128xf32, #tpu.memory_space<vmem>> -> memref<96x128xf32, #tpu.memory_space<vmem>>
      tpu.wait_dma2 semaphore(%run_scoped3A : memref<!tpu.dma_semaphore, #tpu.memory_space<semaphore_mem>>) src(%dma_wait3A_80 : memref<96x128xf32, #tpu.memory_space<vmem>>) dst(%dma_wait3A_77 : memref<96x128xf32, #tpu.memory_space<vmem_shared>>)
      tpu.yield
    }) : () -> ()
    %mul3A_36 = arith.constant 328 : i32
    %mul3A_37 = arith.muli %arg1, %mul3A_36 : i32
    %add3A_38 = arith.constant 192 : i32
    %add3A_39 = arith.addi %mul3A_37, %add3A_38 : i32
    "tpu.region"() ({
      %run_scoped3A = tpu.sem_alloc : memref<!tpu.dma_semaphore, #tpu.memory_space<semaphore_mem>>
      %dma_start3A = arith.constant 0 : i32
      %dma_start3A_63 = arith.constant 0 : i32
      %dma_start3A_64 = tpu.memref_slice %arg12[%dma_start3A, %dma_start3A_63] : memref<200x128xf32, #tpu.memory_space<vmem>> -> memref<96x128xf32, #tpu.memory_space<vmem>>
      %dma_start3A_65 = arith.constant 0 : i32
      %dma_start3A_66 = tpu.memref_slice %arg14[%add3A_39, %dma_start3A_65] : memref<5248x128xf32, #tpu.memory_space<vmem_shared>> -> memref<96x128xf32, #tpu.memory_space<vmem_shared>>
      %dma_start3A_67 = arith.constant 0 : i32
      %dma_start3A_68 = tpu.memref_slice %arg14[%add3A_39, %dma_start3A_67] : memref<5248x128xf32, #tpu.memory_space<vmem_shared>> -> memref<96x128xf32, #tpu.memory_space<vmem_shared>>
      %dma_start3A_69 = arith.constant 0 : i32
      %dma_start3A_70 = arith.constant 0 : i32
      %dma_start3A_71 = tpu.memref_slice %arg12[%dma_start3A_69, %dma_start3A_70] : memref<200x128xf32, #tpu.memory_space<vmem>> -> memref<96x128xf32, #tpu.memory_space<vmem>>
      tpu.enqueue_dma source(%dma_start3A_71 : memref<96x128xf32, #tpu.memory_space<vmem>>) target(%dma_start3A_68 : memref<96x128xf32, #tpu.memory_space<vmem_shared>>) target_semaphore(%run_scoped3A : memref<!tpu.dma_semaphore, #tpu.memory_space<semaphore_mem>>)
      %dma_wait3A = arith.constant 0 : i32
      %dma_wait3A_72 = arith.constant 0 : i32
      %dma_wait3A_73 = tpu.memref_slice %arg12[%dma_wait3A, %dma_wait3A_72] : memref<200x128xf32, #tpu.memory_space<vmem>> -> memref<96x128xf32, #tpu.memory_space<vmem>>
      %dma_wait3A_74 = arith.constant 0 : i32
      %dma_wait3A_75 = tpu.memref_slice %arg14[%add3A_39, %dma_wait3A_74] : memref<5248x128xf32, #tpu.memory_space<vmem_shared>> -> memref<96x128xf32, #tpu.memory_space<vmem_shared>>
      %dma_wait3A_76 = arith.constant 0 : i32
      %dma_wait3A_77 = tpu.memref_slice %arg14[%add3A_39, %dma_wait3A_76] : memref<5248x128xf32, #tpu.memory_space<vmem_shared>> -> memref<96x128xf32, #tpu.memory_space<vmem_shared>>
      %dma_wait3A_78 = arith.constant 0 : i32
      %dma_wait3A_79 = arith.constant 0 : i32
      %dma_wait3A_80 = tpu.memref_slice %arg12[%dma_wait3A_78, %dma_wait3A_79] : memref<200x128xf32, #tpu.memory_space<vmem>> -> memref<96x128xf32, #tpu.memory_space<vmem>>
      tpu.wait_dma2 semaphore(%run_scoped3A : memref<!tpu.dma_semaphore, #tpu.memory_space<semaphore_mem>>) src(%dma_wait3A_80 : memref<96x128xf32, #tpu.memory_space<vmem>>) dst(%dma_wait3A_77 : memref<96x128xf32, #tpu.memory_space<vmem_shared>>)
      tpu.yield
    }) : () -> ()
    %mul3A_40 = arith.constant 328 : i32
    %mul3A_41 = arith.muli %arg1, %mul3A_40 : i32
    %add3A_42 = arith.constant 288 : i32
    %add3A_43 = arith.addi %mul3A_41, %add3A_42 : i32
    "tpu.region"() ({
      %run_scoped3A = tpu.sem_alloc : memref<!tpu.dma_semaphore, #tpu.memory_space<semaphore_mem>>
      %dma_start3A = arith.constant 0 : i32
      %dma_start3A_63 = arith.constant 0 : i32
      %dma_start3A_64 = tpu.memref_slice %arg12[%dma_start3A, %dma_start3A_63] : memref<200x128xf32, #tpu.memory_space<vmem>> -> memref<40x128xf32, #tpu.memory_space<vmem>>
      %dma_start3A_65 = arith.constant 0 : i32
      %dma_start3A_66 = tpu.memref_slice %arg14[%add3A_43, %dma_start3A_65] : memref<5248x128xf32, #tpu.memory_space<vmem_shared>> -> memref<40x128xf32, #tpu.memory_space<vmem_shared>>
      %dma_start3A_67 = arith.constant 0 : i32
      %dma_start3A_68 = tpu.memref_slice %arg14[%add3A_43, %dma_start3A_67] : memref<5248x128xf32, #tpu.memory_space<vmem_shared>> -> memref<40x128xf32, #tpu.memory_space<vmem_shared>>
      %dma_start3A_69 = arith.constant 0 : i32
      %dma_start3A_70 = arith.constant 0 : i32
      %dma_start3A_71 = tpu.memref_slice %arg12[%dma_start3A_69, %dma_start3A_70] : memref<200x128xf32, #tpu.memory_space<vmem>> -> memref<40x128xf32, #tpu.memory_space<vmem>>
      tpu.enqueue_dma source(%dma_start3A_71 : memref<40x128xf32, #tpu.memory_space<vmem>>) target(%dma_start3A_68 : memref<40x128xf32, #tpu.memory_space<vmem_shared>>) target_semaphore(%run_scoped3A : memref<!tpu.dma_semaphore, #tpu.memory_space<semaphore_mem>>)
      %dma_wait3A = arith.constant 0 : i32
      %dma_wait3A_72 = arith.constant 0 : i32
      %dma_wait3A_73 = tpu.memref_slice %arg12[%dma_wait3A, %dma_wait3A_72] : memref<200x128xf32, #tpu.memory_space<vmem>> -> memref<40x128xf32, #tpu.memory_space<vmem>>
      %dma_wait3A_74 = arith.constant 0 : i32
      %dma_wait3A_75 = tpu.memref_slice %arg14[%add3A_43, %dma_wait3A_74] : memref<5248x128xf32, #tpu.memory_space<vmem_shared>> -> memref<40x128xf32, #tpu.memory_space<vmem_shared>>
      %dma_wait3A_76 = arith.constant 0 : i32
      %dma_wait3A_77 = tpu.memref_slice %arg14[%add3A_43, %dma_wait3A_76] : memref<5248x128xf32, #tpu.memory_space<vmem_shared>> -> memref<40x128xf32, #tpu.memory_space<vmem_shared>>
      %dma_wait3A_78 = arith.constant 0 : i32
      %dma_wait3A_79 = arith.constant 0 : i32
      %dma_wait3A_80 = tpu.memref_slice %arg12[%dma_wait3A_78, %dma_wait3A_79] : memref<200x128xf32, #tpu.memory_space<vmem>> -> memref<40x128xf32, #tpu.memory_space<vmem>>
      tpu.wait_dma2 semaphore(%run_scoped3A : memref<!tpu.dma_semaphore, #tpu.memory_space<semaphore_mem>>) src(%dma_wait3A_80 : memref<40x128xf32, #tpu.memory_space<vmem>>) dst(%dma_wait3A_77 : memref<40x128xf32, #tpu.memory_space<vmem_shared>>)
      tpu.yield
    }) : () -> ()
    %barrier3A = arith.constant 0 : index
    tpu.barrier barrier_id(%barrier3A)
    %mul3A_44 = arith.constant 20000 : i32
    %mul3A_45 = arith.muli %arg1, %mul3A_44 : i32
    %mul3A_46 = arith.constant 5120 : i32
    %mul3A_47 = arith.muli %arg0, %mul3A_46 : i32
    %iota3A = tpu.iota {dimensions = array<i32: 0>} : vector<16xi32>
    %scan3A_48 = arith.constant 0 : i32
    %scan3A_49 = arith.constant 0 : i32
    %scan3A_50 = arith.constant 100 : i32
    %scan3A_51 = arith.addi %scan3A_49, %scan3A_50 : i32
    %scan3A_52 = arith.constant 1 : i32
    %scan3A_53 = scf.for %scan3A_63 = %scan3A_49 to %scan3A_51 step %scan3A_52 iter_args(%scan3A_64 = %scan3A_48) -> (i32)  : i32 {
      %mul3A_65 = arith.constant 200 : i32
      %mul3A_66 = arith.muli %scan3A_63, %mul3A_65 : i32
      %add3A_67 = arith.addi %mul3A_45, %mul3A_66 : i32
      "tpu.region"() ({
        %run_scoped3A = tpu.sem_alloc : memref<!tpu.dma_semaphore, #tpu.memory_space<semaphore_mem>>
        %dma_start3A_93 = tpu.memref_slice %arg4[%add3A_67] : memref<320000xi32, #tpu.memory_space<hbm>> -> memref<200xi32, #tpu.memory_space<hbm>>
        %dma_start3A_94 = tpu.memref_slice %arg4[%add3A_67] : memref<320000xi32, #tpu.memory_space<hbm>> -> memref<200xi32, #tpu.memory_space<hbm>>
        tpu.enqueue_dma source(%dma_start3A_94 : memref<200xi32, #tpu.memory_space<hbm>>) target(%arg7 : memref<200xi32, #tpu.memory_space<vmem>>) target_semaphore(%run_scoped3A : memref<!tpu.dma_semaphore, #tpu.memory_space<semaphore_mem>>)
        %dma_wait3A_95 = tpu.memref_slice %arg4[%add3A_67] : memref<320000xi32, #tpu.memory_space<hbm>> -> memref<200xi32, #tpu.memory_space<hbm>>
        %dma_wait3A_96 = tpu.memref_slice %arg4[%add3A_67] : memref<320000xi32, #tpu.memory_space<hbm>> -> memref<200xi32, #tpu.memory_space<hbm>>
        tpu.wait_dma2 semaphore(%run_scoped3A : memref<!tpu.dma_semaphore, #tpu.memory_space<semaphore_mem>>) src(%dma_wait3A_96 : memref<200xi32, #tpu.memory_space<hbm>>) dst(%arg7 : memref<200xi32, #tpu.memory_space<vmem>>)
        tpu.yield
      }) : () -> ()
      "tpu.region"() ({
        %run_scoped3A = tpu.sem_alloc : memref<!tpu.dma_semaphore, #tpu.memory_space<semaphore_mem>>
        %dma_start3A_93 = tpu.memref_slice %arg5[%add3A_67] : memref<320000xi32, #tpu.memory_space<hbm>> -> memref<200xi32, #tpu.memory_space<hbm>>
        %dma_start3A_94 = tpu.memref_slice %arg5[%add3A_67] : memref<320000xi32, #tpu.memory_space<hbm>> -> memref<200xi32, #tpu.memory_space<hbm>>
        tpu.enqueue_dma source(%dma_start3A_94 : memref<200xi32, #tpu.memory_space<hbm>>) target(%arg8 : memref<200xi32, #tpu.memory_space<vmem>>) target_semaphore(%run_scoped3A : memref<!tpu.dma_semaphore, #tpu.memory_space<semaphore_mem>>)
        %dma_wait3A_95 = tpu.memref_slice %arg5[%add3A_67] : memref<320000xi32, #tpu.memory_space<hbm>> -> memref<200xi32, #tpu.memory_space<hbm>>
        %dma_wait3A_96 = tpu.memref_slice %arg5[%add3A_67] : memref<320000xi32, #tpu.memory_space<hbm>> -> memref<200xi32, #tpu.memory_space<hbm>>
        tpu.wait_dma2 semaphore(%run_scoped3A : memref<!tpu.dma_semaphore, #tpu.memory_space<semaphore_mem>>) src(%dma_wait3A_96 : memref<200xi32, #tpu.memory_space<hbm>>) dst(%arg8 : memref<200xi32, #tpu.memory_space<vmem>>)
        tpu.yield
      }) : () -> ()
      %scan3A_68 = arith.constant 0 : i32
      %scan3A_69 = arith.constant 0 : i32
      %scan3A_70 = arith.constant 13 : i32
      %scan3A_71 = arith.addi %scan3A_69, %scan3A_70 : i32
      %scan3A_72 = arith.constant 1 : i32
      %scan3A_73 = scf.for %scan3A_93 = %scan3A_69 to %scan3A_71 step %scan3A_72 iter_args(%scan3A_94 = %scan3A_68) -> (i32)  : i32 {
        %mul3A_95 = arith.constant 16 : i32
        %mul3A_96 = arith.muli %scan3A_93, %mul3A_95 : i32
        %min3A = arith.constant 184 : i32
        %min3A_97 = arith.minsi %mul3A_96, %min3A : i32
        %get3A = arith.index_cast %min3A_97 : i32 to index
        %get3A_98 = tpu.vector_load %arg8[%get3A] {strides = array<i32>} : memref<200xi32, #tpu.memory_space<vmem>>, vector<16xi32>,
        %get3A_99 = vector.shape_cast %get3A_98 : vector<16xi32> to vector<16xi32>
        %sub3A = vector.broadcast %mul3A_47 : i32 to vector<16xi32>
        %sub3A_100 = arith.subi %get3A_99, %sub3A : vector<16xi32>
        %ge3A = arith.constant 0 : i32
        %ge3A_101 = vector.broadcast %ge3A : i32 to vector<16xi32>
        %ge3A_102 = arith.cmpi sge, %sub3A_100, %ge3A_101 : vector<16xi32>
        %lt3A = arith.constant 5120 : i32
        %lt3A_103 = vector.broadcast %lt3A : i32 to vector<16xi32>
        %lt3A_104 = arith.cmpi slt, %sub3A_100, %lt3A_103 : vector<16xi32>
        %and3A = arith.andi %ge3A_102, %lt3A_104 : vector<16xi1>
        %broadcast_in_dim3A_105 = arith.constant 5247 : i32
        %broadcast_in_dim3A_106 = vector.broadcast %broadcast_in_dim3A_105 : i32 to vector<16xi32>
        %select_n3A = arith.select %and3A, %sub3A_100, %broadcast_in_dim3A_106 : vector<16xi1>, vector<16xi32>
        %swap3A_107 = arith.index_cast %min3A_97 : i32 to index
        %swap3A_108 = tpu.vector_load %arg9[%swap3A_107] {strides = array<i32>} : memref<200xi32, #tpu.memory_space<vmem>>, vector<16xi32>,
        %swap3A_109 = vector.shape_cast %swap3A_108 : vector<16xi32> to vector<16xi32>
        %swap3A_110 = vector.shape_cast %select_n3A : vector<16xi32> to vector<16xi32>
        tpu.vector_store %arg9[%swap3A_107], %swap3A_110 {strides = array<i32>} : memref<200xi32, #tpu.memory_space<vmem>>, vector<16xi32>,
        %scan3A_111 = arith.constant 0 : i32
        scf.yield %scan3A_111 : i32
      }
      %scan3A_74 = arith.constant 13 : i32
      %dma_start3A = arith.constant 0 : i32
      %dma_start3A_75 = arith.constant 0 : i32
      %dma_start3A_76 = tpu.memref_slice %arg2[%dma_start3A, %dma_start3A_75] : memref<10000x128xf32, #tpu.memory_space<hbm>> -> memref<10000x128xf32, #tpu.memory_space<hbm>>
      tpu.enqueue_indirect_dma source(%dma_start3A_76 : memref<10000x128xf32, #tpu.memory_space<hbm>>) target(%arg10 : memref<200x128xf32, #tpu.memory_space<vmem>>) offsets(%arg8 : memref<200xi32, #tpu.memory_space<vmem>>) semaphore(%arg15 : memref<!tpu.dma_semaphore, #tpu.memory_space<semaphore_mem>>)
      %dma_wait3A = arith.constant 0 : i32
      %dma_wait3A_77 = arith.constant 0 : i32
      %dma_wait3A_78 = tpu.memref_slice %arg2[%dma_wait3A, %dma_wait3A_77] : memref<10000x128xf32, #tpu.memory_space<hbm>> -> memref<10000x128xf32, #tpu.memory_space<hbm>>
      tpu.wait_indirect_dma semaphore(%arg15 : memref<!tpu.dma_semaphore, #tpu.memory_space<semaphore_mem>>) src(%dma_wait3A_78 : memref<10000x128xf32, #tpu.memory_space<hbm>>) dst(%arg10 : memref<200x128xf32, #tpu.memory_space<vmem>>)
      %dma_start3A_79 = arith.constant 0 : i32
      %dma_start3A_80 = arith.constant 0 : i32
      %dma_start3A_81 = tpu.memref_slice %arg3[%dma_start3A_79, %dma_start3A_80] : memref<10000x128xf32, #tpu.memory_space<hbm>> -> memref<10000x128xf32, #tpu.memory_space<hbm>>
      tpu.enqueue_indirect_dma source(%dma_start3A_81 : memref<10000x128xf32, #tpu.memory_space<hbm>>) target(%arg11 : memref<200x128xf32, #tpu.memory_space<vmem>>) offsets(%arg7 : memref<200xi32, #tpu.memory_space<vmem>>) semaphore(%arg15 : memref<!tpu.dma_semaphore, #tpu.memory_space<semaphore_mem>>)
      %dma_wait3A_82 = arith.constant 0 : i32
      %dma_wait3A_83 = arith.constant 0 : i32
      %dma_wait3A_84 = tpu.memref_slice %arg3[%dma_wait3A_82, %dma_wait3A_83] : memref<10000x128xf32, #tpu.memory_space<hbm>> -> memref<10000x128xf32, #tpu.memory_space<hbm>>
      tpu.wait_indirect_dma semaphore(%arg15 : memref<!tpu.dma_semaphore, #tpu.memory_space<semaphore_mem>>) src(%dma_wait3A_84 : memref<10000x128xf32, #tpu.memory_space<hbm>>) dst(%arg11 : memref<200x128xf32, #tpu.memory_space<vmem>>)
      %scan3A_85 = arith.constant 0 : i32
      %scan3A_86 = arith.constant 0 : i32
      %scan3A_87 = arith.constant 100 : i32
      %scan3A_88 = arith.addi %scan3A_86, %scan3A_87 : i32
      %scan3A_89 = arith.constant 1 : i32
      %scan3A_90 = scf.for %scan3A_93 = %scan3A_86 to %scan3A_88 step %scan3A_89 iter_args(%scan3A_94 = %scan3A_85) -> (i32)  : i32 {
        %mul3A_95 = arith.constant 2 : i32
        %mul3A_96 = arith.muli %scan3A_93, %mul3A_95 : i32
        %get3A = arith.index_cast %mul3A_96 : i32 to index
        %get3A_97 = arith.constant 0 : index
        %get3A_98 = tpu.vector_load %arg10[%get3A, %get3A_97] {strides = array<i32>} : memref<200x128xf32, #tpu.memory_space<vmem>>, vector<1x16xf32>,
        %get3A_99 = vector.shape_cast %get3A_98 : vector<1x16xf32> to vector<16xf32>
        %get3A_100 = arith.index_cast %mul3A_96 : i32 to index
        %get3A_101 = arith.constant 0 : index
        %get3A_102 = tpu.vector_load %arg11[%get3A_100, %get3A_101] {strides = array<i32>} : memref<200x128xf32, #tpu.memory_space<vmem>>, vector<1x16xf32>,
        %get3A_103 = vector.shape_cast %get3A_102 : vector<1x16xf32> to vector<16xf32>
        %get3A_104 = arith.index_cast %mul3A_96 : i32 to index
        %get3A_105 = arith.constant 32 : index
        %get3A_106 = tpu.vector_load %arg11[%get3A_104, %get3A_105] {strides = array<i32>} : memref<200x128xf32, #tpu.memory_space<vmem>>, vector<1x16xf32>,
        %get3A_107 = vector.shape_cast %get3A_106 : vector<1x16xf32> to vector<16xf32>
        %get3A_108 = arith.index_cast %mul3A_96 : i32 to index
        %get3A_109 = arith.constant 16 : index
        %get3A_110 = tpu.vector_load %arg10[%get3A_108, %get3A_109] {strides = array<i32>} : memref<200x128xf32, #tpu.memory_space<vmem>>, vector<1x16xf32>,
        %get3A_111 = vector.shape_cast %get3A_110 : vector<1x16xf32> to vector<16xf32>
        %get3A_112 = arith.index_cast %mul3A_96 : i32 to index
        %get3A_113 = arith.constant 16 : index
        %get3A_114 = tpu.vector_load %arg11[%get3A_112, %get3A_113] {strides = array<i32>} : memref<200x128xf32, #tpu.memory_space<vmem>>, vector<1x16xf32>,
        %get3A_115 = vector.shape_cast %get3A_114 : vector<1x16xf32> to vector<16xf32>
        %get3A_116 = arith.index_cast %mul3A_96 : i32 to index
        %get3A_117 = arith.constant 48 : index
        %get3A_118 = tpu.vector_load %arg11[%get3A_116, %get3A_117] {strides = array<i32>} : memref<200x128xf32, #tpu.memory_space<vmem>>, vector<1x16xf32>,
        %get3A_119 = vector.shape_cast %get3A_118 : vector<1x16xf32> to vector<16xf32>
        %mul3A_120 = arith.mulf %get3A_99, %get3A_103 : vector<16xf32>
        %mul3A_121 = arith.mulf %get3A_111, %get3A_115 : vector<16xf32>
        %add3A_122 = arith.addf %mul3A_120, %mul3A_121 : vector<16xf32>
        %swap3A_123 = arith.constant 0 : i32
        %swap3A_124 = arith.index_cast %swap3A_123 : i32 to index
        %swap3A_125 = arith.constant 0 : index
        %swap3A_126 = tpu.vector_load %arg13[%swap3A_124, %swap3A_125] {strides = array<i32>} : memref<8x32xf32, #tpu.memory_space<vmem>>, vector<1x16xf32>,
        %swap3A_127 = vector.shape_cast %swap3A_126 : vector<1x16xf32> to vector<16xf32>
        %swap3A_128 = vector.shape_cast %add3A_122 : vector<16xf32> to vector<1x16xf32>
        tpu.vector_store %arg13[%swap3A_124, %swap3A_125], %swap3A_128 {strides = array<i32>} : memref<8x32xf32, #tpu.memory_space<vmem>>, vector<1x16xf32>,
        %get3A_129 = arith.constant 0 : i32
        %get3A_130 = arith.index_cast %get3A_129 : i32 to index
        %get3A_131 = arith.constant 8 : index
        %get3A_132 = tpu.vector_load %arg13[%get3A_130, %get3A_131] {strides = array<i32>} : memref<8x32xf32, #tpu.memory_space<vmem>>, vector<1x16xf32>,
        %get3A_133 = vector.shape_cast %get3A_132 : vector<1x16xf32> to vector<16xf32>
        %add3A_134 = arith.addf %add3A_122, %get3A_133 : vector<16xf32>
        %swap3A_135 = arith.constant 0 : i32
        %swap3A_136 = arith.index_cast %swap3A_135 : i32 to index
        %swap3A_137 = arith.constant 0 : index
        %swap3A_138 = tpu.vector_load %arg13[%swap3A_136, %swap3A_137] {strides = array<i32>} : memref<8x32xf32, #tpu.memory_space<vmem>>, vector<1x16xf32>,
        %swap3A_139 = vector.shape_cast %swap3A_138 : vector<1x16xf32> to vector<16xf32>
        %swap3A_140 = vector.shape_cast %add3A_134 : vector<16xf32> to vector<1x16xf32>
        tpu.vector_store %arg13[%swap3A_136, %swap3A_137], %swap3A_140 {strides = array<i32>} : memref<8x32xf32, #tpu.memory_space<vmem>>, vector<1x16xf32>,
        %get3A_141 = arith.constant 0 : i32
        %get3A_142 = arith.index_cast %get3A_141 : i32 to index
        %get3A_143 = arith.constant 4 : index
        %get3A_144 = tpu.vector_load %arg13[%get3A_142, %get3A_143] {strides = array<i32>} : memref<8x32xf32, #tpu.memory_space<vmem>>, vector<1x16xf32>,
        %get3A_145 = vector.shape_cast %get3A_144 : vector<1x16xf32> to vector<16xf32>
        %add3A_146 = arith.addf %add3A_134, %get3A_145 : vector<16xf32>
        %swap3A_147 = arith.constant 0 : i32
        %swap3A_148 = arith.index_cast %swap3A_147 : i32 to index
        %swap3A_149 = arith.constant 0 : index
        %swap3A_150 = tpu.vector_load %arg13[%swap3A_148, %swap3A_149] {strides = array<i32>} : memref<8x32xf32, #tpu.memory_space<vmem>>, vector<1x16xf32>,
        %swap3A_151 = vector.shape_cast %swap3A_150 : vector<1x16xf32> to vector<16xf32>
        %swap3A_152 = vector.shape_cast %add3A_146 : vector<16xf32> to vector<1x16xf32>
        tpu.vector_store %arg13[%swap3A_148, %swap3A_149], %swap3A_152 {strides = array<i32>} : memref<8x32xf32, #tpu.memory_space<vmem>>, vector<1x16xf32>,
        %get3A_153 = arith.constant 0 : i32
        %get3A_154 = arith.index_cast %get3A_153 : i32 to index
        %get3A_155 = arith.constant 2 : index
        %get3A_156 = tpu.vector_load %arg13[%get3A_154, %get3A_155] {strides = array<i32>} : memref<8x32xf32, #tpu.memory_space<vmem>>, vector<1x16xf32>,
        %get3A_157 = vector.shape_cast %get3A_156 : vector<1x16xf32> to vector<16xf32>
        %add3A_158 = arith.addf %add3A_146, %get3A_157 : vector<16xf32>
        %swap3A_159 = arith.constant 0 : i32
        %swap3A_160 = arith.index_cast %swap3A_159 : i32 to index
        %swap3A_161 = arith.constant 0 : index
        %swap3A_162 = tpu.vector_load %arg13[%swap3A_160, %swap3A_161] {strides = array<i32>} : memref<8x32xf32, #tpu.memory_space<vmem>>, vector<1x16xf32>,
        %swap3A_163 = vector.shape_cast %swap3A_162 : vector<1x16xf32> to vector<16xf32>
        %swap3A_164 = vector.shape_cast %add3A_158 : vector<16xf32> to vector<1x16xf32>
        tpu.vector_store %arg13[%swap3A_160, %swap3A_161], %swap3A_164 {strides = array<i32>} : memref<8x32xf32, #tpu.memory_space<vmem>>, vector<1x16xf32>,
        %get3A_165 = arith.constant 0 : i32
        %get3A_166 = arith.index_cast %get3A_165 : i32 to index
        %get3A_167 = arith.constant 1 : index
        %get3A_168 = tpu.vector_load %arg13[%get3A_166, %get3A_167] {strides = array<i32>} : memref<8x32xf32, #tpu.memory_space<vmem>>, vector<1x16xf32>,
        %get3A_169 = vector.shape_cast %get3A_168 : vector<1x16xf32> to vector<16xf32>
        %add3A_170 = arith.addf %add3A_158, %get3A_169 : vector<16xf32>
        %slice3A = vector.extract_strided_slice %add3A_170 {offsets = [0], sizes = [1], strides = [1]} : vector<16xf32> to vector<1xf32>
        %squeeze3A = vector.extract %slice3A[0] : f32 from vector<1xf32>
        %mul3A_171 = arith.constant 0.176776692 : f32
        %mul3A_172 = arith.mulf %squeeze3A, %mul3A_171 : f32
        %broadcast_in_dim3A_173 = vector.broadcast %mul3A_172 : f32 to vector<16xf32>
        %exp3A = math.exp %broadcast_in_dim3A_173 : vector<16xf32>
        %mul3A_174 = arith.mulf %get3A_107, %exp3A : vector<16xf32>
        %swap3A_175 = arith.index_cast %mul3A_96 : i32 to index
        %swap3A_176 = arith.constant 0 : index
        %swap3A_177 = tpu.vector_load %arg12[%swap3A_175, %swap3A_176] {strides = array<i32>} : memref<200x128xf32, #tpu.memory_space<vmem>>, vector<1x16xf32>,
        %swap3A_178 = vector.shape_cast %swap3A_177 : vector<1x16xf32> to vector<16xf32>
        %swap3A_179 = vector.shape_cast %mul3A_174 : vector<16xf32> to vector<1x16xf32>
        tpu.vector_store %arg12[%swap3A_175, %swap3A_176], %swap3A_179 {strides = array<i32>} : memref<200x128xf32, #tpu.memory_space<vmem>>, vector<1x16xf32>,
        %mul3A_180 = arith.mulf %get3A_119, %exp3A : vector<16xf32>
        %swap3A_181 = arith.index_cast %mul3A_96 : i32 to index
        %swap3A_182 = arith.constant 16 : index
        %swap3A_183 = tpu.vector_load %arg12[%swap3A_181, %swap3A_182] {strides = array<i32>} : memref<200x128xf32, #tpu.memory_space<vmem>>, vector<1x16xf32>,
        %swap3A_184 = vector.shape_cast %swap3A_183 : vector<1x16xf32> to vector<16xf32>
        %swap3A_185 = vector.shape_cast %mul3A_180 : vector<16xf32> to vector<1x16xf32>
        tpu.vector_store %arg12[%swap3A_181, %swap3A_182], %swap3A_185 {strides = array<i32>} : memref<200x128xf32, #tpu.memory_space<vmem>>, vector<1x16xf32>,
        %eq3A = arith.constant 0 : i32
        %eq3A_186 = vector.broadcast %eq3A : i32 to vector<16xi32>
        %eq3A_187 = arith.cmpi eq, %iota3A, %eq3A_186 : vector<16xi32>
        %select_n3A = arith.select %eq3A_187, %exp3A, %broadcast_in_dim3A_0 : vector<16xi1>, vector<16xf32>
        %swap3A_188 = arith.index_cast %mul3A_96 : i32 to index
        %swap3A_189 = arith.constant 32 : index
        %swap3A_190 = tpu.vector_load %arg12[%swap3A_188, %swap3A_189] {strides = array<i32>} : memref<200x128xf32, #tpu.memory_space<vmem>>, vector<1x16xf32>,
        %swap3A_191 = vector.shape_cast %swap3A_190 : vector<1x16xf32> to vector<16xf32>
        %swap3A_192 = vector.shape_cast %select_n3A : vector<16xf32> to vector<1x16xf32>
        tpu.vector_store %arg12[%swap3A_188, %swap3A_189], %swap3A_192 {strides = array<i32>} : memref<200x128xf32, #tpu.memory_space<vmem>>, vector<1x16xf32>,
        %mul3A_193 = arith.constant 2 : i32
        %mul3A_194 = arith.muli %scan3A_93, %mul3A_193 : i32
        %add3A_195 = arith.constant 1 : i32
        %add3A_196 = arith.addi %mul3A_194, %add3A_195 : i32
        %get3A_197 = arith.index_cast %add3A_196 : i32 to index
        %get3A_198 = arith.constant 0 : index
        %get3A_199 = tpu.vector_load %arg10[%get3A_197, %get3A_198] {strides = array<i32>} : memref<200x128xf32, #tpu.memory_space<vmem>>, vector<1x16xf32>,
        %get3A_200 = vector.shape_cast %get3A_199 : vector<1x16xf32> to vector<16xf32>
        %get3A_201 = arith.index_cast %add3A_196 : i32 to index
        %get3A_202 = arith.constant 0 : index
        %get3A_203 = tpu.vector_load %arg11[%get3A_201, %get3A_202] {strides = array<i32>} : memref<200x128xf32, #tpu.memory_space<vmem>>, vector<1x16xf32>,
        %get3A_204 = vector.shape_cast %get3A_203 : vector<1x16xf32> to vector<16xf32>
        %get3A_205 = arith.index_cast %add3A_196 : i32 to index
        %get3A_206 = arith.constant 32 : index
        %get3A_207 = tpu.vector_load %arg11[%get3A_205, %get3A_206] {strides = array<i32>} : memref<200x128xf32, #tpu.memory_space<vmem>>, vector<1x16xf32>,
        %get3A_208 = vector.shape_cast %get3A_207 : vector<1x16xf32> to vector<16xf32>
        %get3A_209 = arith.index_cast %add3A_196 : i32 to index
        %get3A_210 = arith.constant 16 : index
        %get3A_211 = tpu.vector_load %arg10[%get3A_209, %get3A_210] {strides = array<i32>} : memref<200x128xf32, #tpu.memory_space<vmem>>, vector<1x16xf32>,
        %get3A_212 = vector.shape_cast %get3A_211 : vector<1x16xf32> to vector<16xf32>
        %get3A_213 = arith.index_cast %add3A_196 : i32 to index
        %get3A_214 = arith.constant 16 : index
        %get3A_215 = tpu.vector_load %arg11[%get3A_213, %get3A_214] {strides = array<i32>} : memref<200x128xf32, #tpu.memory_space<vmem>>, vector<1x16xf32>,
        %get3A_216 = vector.shape_cast %get3A_215 : vector<1x16xf32> to vector<16xf32>
        %get3A_217 = arith.index_cast %add3A_196 : i32 to index
        %get3A_218 = arith.constant 48 : index
        %get3A_219 = tpu.vector_load %arg11[%get3A_217, %get3A_218] {strides = array<i32>} : memref<200x128xf32, #tpu.memory_space<vmem>>, vector<1x16xf32>,
        %get3A_220 = vector.shape_cast %get3A_219 : vector<1x16xf32> to vector<16xf32>
        %mul3A_221 = arith.mulf %get3A_200, %get3A_204 : vector<16xf32>
        %mul3A_222 = arith.mulf %get3A_212, %get3A_216 : vector<16xf32>
        %add3A_223 = arith.addf %mul3A_221, %mul3A_222 : vector<16xf32>
        %swap3A_224 = arith.constant 4 : i32
        %swap3A_225 = arith.index_cast %swap3A_224 : i32 to index
        %swap3A_226 = arith.constant 0 : index
        %swap3A_227 = tpu.vector_load %arg13[%swap3A_225, %swap3A_226] {strides = array<i32>} : memref<8x32xf32, #tpu.memory_space<vmem>>, vector<1x16xf32>,
        %swap3A_228 = vector.shape_cast %swap3A_227 : vector<1x16xf32> to vector<16xf32>
        %swap3A_229 = vector.shape_cast %add3A_223 : vector<16xf32> to vector<1x16xf32>
        tpu.vector_store %arg13[%swap3A_225, %swap3A_226], %swap3A_229 {strides = array<i32>} : memref<8x32xf32, #tpu.memory_space<vmem>>, vector<1x16xf32>,
        %get3A_230 = arith.constant 4 : i32
        %get3A_231 = arith.index_cast %get3A_230 : i32 to index
        %get3A_232 = arith.constant 8 : index
        %get3A_233 = tpu.vector_load %arg13[%get3A_231, %get3A_232] {strides = array<i32>} : memref<8x32xf32, #tpu.memory_space<vmem>>, vector<1x16xf32>,
        %get3A_234 = vector.shape_cast %get3A_233 : vector<1x16xf32> to vector<16xf32>
        %add3A_235 = arith.addf %add3A_223, %get3A_234 : vector<16xf32>
        %swap3A_236 = arith.constant 4 : i32
        %swap3A_237 = arith.index_cast %swap3A_236 : i32 to index
        %swap3A_238 = arith.constant 0 : index
        %swap3A_239 = tpu.vector_load %arg13[%swap3A_237, %swap3A_238] {strides = array<i32>} : memref<8x32xf32, #tpu.memory_space<vmem>>, vector<1x16xf32>,
        %swap3A_240 = vector.shape_cast %swap3A_239 : vector<1x16xf32> to vector<16xf32>
        %swap3A_241 = vector.shape_cast %add3A_235 : vector<16xf32> to vector<1x16xf32>
        tpu.vector_store %arg13[%swap3A_237, %swap3A_238], %swap3A_241 {strides = array<i32>} : memref<8x32xf32, #tpu.memory_space<vmem>>, vector<1x16xf32>,
        %get3A_242 = arith.constant 4 : i32
        %get3A_243 = arith.index_cast %get3A_242 : i32 to index
        %get3A_244 = arith.constant 4 : index
        %get3A_245 = tpu.vector_load %arg13[%get3A_243, %get3A_244] {strides = array<i32>} : memref<8x32xf32, #tpu.memory_space<vmem>>, vector<1x16xf32>,
        %get3A_246 = vector.shape_cast %get3A_245 : vector<1x16xf32> to vector<16xf32>
        %add3A_247 = arith.addf %add3A_235, %get3A_246 : vector<16xf32>
        %swap3A_248 = arith.constant 4 : i32
        %swap3A_249 = arith.index_cast %swap3A_248 : i32 to index
        %swap3A_250 = arith.constant 0 : index
        %swap3A_251 = tpu.vector_load %arg13[%swap3A_249, %swap3A_250] {strides = array<i32>} : memref<8x32xf32, #tpu.memory_space<vmem>>, vector<1x16xf32>,
        %swap3A_252 = vector.shape_cast %swap3A_251 : vector<1x16xf32> to vector<16xf32>
        %swap3A_253 = vector.shape_cast %add3A_247 : vector<16xf32> to vector<1x16xf32>
        tpu.vector_store %arg13[%swap3A_249, %swap3A_250], %swap3A_253 {strides = array<i32>} : memref<8x32xf32, #tpu.memory_space<vmem>>, vector<1x16xf32>,
        %get3A_254 = arith.constant 4 : i32
        %get3A_255 = arith.index_cast %get3A_254 : i32 to index
        %get3A_256 = arith.constant 2 : index
        %get3A_257 = tpu.vector_load %arg13[%get3A_255, %get3A_256] {strides = array<i32>} : memref<8x32xf32, #tpu.memory_space<vmem>>, vector<1x16xf32>,
        %get3A_258 = vector.shape_cast %get3A_257 : vector<1x16xf32> to vector<16xf32>
        %add3A_259 = arith.addf %add3A_247, %get3A_258 : vector<16xf32>
        %swap3A_260 = arith.constant 4 : i32
        %swap3A_261 = arith.index_cast %swap3A_260 : i32 to index
        %swap3A_262 = arith.constant 0 : index
        %swap3A_263 = tpu.vector_load %arg13[%swap3A_261, %swap3A_262] {strides = array<i32>} : memref<8x32xf32, #tpu.memory_space<vmem>>, vector<1x16xf32>,
        %swap3A_264 = vector.shape_cast %swap3A_263 : vector<1x16xf32> to vector<16xf32>
        %swap3A_265 = vector.shape_cast %add3A_259 : vector<16xf32> to vector<1x16xf32>
        tpu.vector_store %arg13[%swap3A_261, %swap3A_262], %swap3A_265 {strides = array<i32>} : memref<8x32xf32, #tpu.memory_space<vmem>>, vector<1x16xf32>,
        %get3A_266 = arith.constant 4 : i32
        %get3A_267 = arith.index_cast %get3A_266 : i32 to index
        %get3A_268 = arith.constant 1 : index
        %get3A_269 = tpu.vector_load %arg13[%get3A_267, %get3A_268] {strides = array<i32>} : memref<8x32xf32, #tpu.memory_space<vmem>>, vector<1x16xf32>,
        %get3A_270 = vector.shape_cast %get3A_269 : vector<1x16xf32> to vector<16xf32>
        %add3A_271 = arith.addf %add3A_259, %get3A_270 : vector<16xf32>
        %slice3A_272 = vector.extract_strided_slice %add3A_271 {offsets = [0], sizes = [1], strides = [1]} : vector<16xf32> to vector<1xf32>
        %squeeze3A_273 = vector.extract %slice3A_272[0] : f32 from vector<1xf32>
        %mul3A_274 = arith.constant 0.176776692 : f32
        %mul3A_275 = arith.mulf %squeeze3A_273, %mul3A_274 : f32
        %broadcast_in_dim3A_276 = vector.broadcast %mul3A_275 : f32 to vector<16xf32>
        %exp3A_277 = math.exp %broadcast_in_dim3A_276 : vector<16xf32>
        %mul3A_278 = arith.mulf %get3A_208, %exp3A_277 : vector<16xf32>
        %swap3A_279 = arith.index_cast %add3A_196 : i32 to index
        %swap3A_280 = arith.constant 0 : index
        %swap3A_281 = tpu.vector_load %arg12[%swap3A_279, %swap3A_280] {strides = array<i32>} : memref<200x128xf32, #tpu.memory_space<vmem>>, vector<1x16xf32>,
        %swap3A_282 = vector.shape_cast %swap3A_281 : vector<1x16xf32> to vector<16xf32>
        %swap3A_283 = vector.shape_cast %mul3A_278 : vector<16xf32> to vector<1x16xf32>
        tpu.vector_store %arg12[%swap3A_279, %swap3A_280], %swap3A_283 {strides = array<i32>} : memref<200x128xf32, #tpu.memory_space<vmem>>, vector<1x16xf32>,
        %mul3A_284 = arith.mulf %get3A_220, %exp3A_277 : vector<16xf32>
        %swap3A_285 = arith.index_cast %add3A_196 : i32 to index
        %swap3A_286 = arith.constant 16 : index
        %swap3A_287 = tpu.vector_load %arg12[%swap3A_285, %swap3A_286] {strides = array<i32>} : memref<200x128xf32, #tpu.memory_space<vmem>>, vector<1x16xf32>,
        %swap3A_288 = vector.shape_cast %swap3A_287 : vector<1x16xf32> to vector<16xf32>
        %swap3A_289 = vector.shape_cast %mul3A_284 : vector<16xf32> to vector<1x16xf32>
        tpu.vector_store %arg12[%swap3A_285, %swap3A_286], %swap3A_289 {strides = array<i32>} : memref<200x128xf32, #tpu.memory_space<vmem>>, vector<1x16xf32>,
        %eq3A_290 = arith.constant 0 : i32
        %eq3A_291 = vector.broadcast %eq3A_290 : i32 to vector<16xi32>
        %eq3A_292 = arith.cmpi eq, %iota3A, %eq3A_291 : vector<16xi32>
        %select_n3A_293 = arith.select %eq3A_292, %exp3A_277, %broadcast_in_dim3A_0 : vector<16xi1>, vector<16xf32>
        %swap3A_294 = arith.index_cast %add3A_196 : i32 to index
        %swap3A_295 = arith.constant 32 : index
        %swap3A_296 = tpu.vector_load %arg12[%swap3A_294, %swap3A_295] {strides = array<i32>} : memref<200x128xf32, #tpu.memory_space<vmem>>, vector<1x16xf32>,
        %swap3A_297 = vector.shape_cast %swap3A_296 : vector<1x16xf32> to vector<16xf32>
        %swap3A_298 = vector.shape_cast %select_n3A_293 : vector<16xf32> to vector<1x16xf32>
        tpu.vector_store %arg12[%swap3A_294, %swap3A_295], %swap3A_298 {strides = array<i32>} : memref<200x128xf32, #tpu.memory_space<vmem>>, vector<1x16xf32>,
        %scan3A_299 = arith.constant 0 : i32
        scf.yield %scan3A_299 : i32
      }
      %scan3A_91 = arith.constant 100 : i32
      "tpu.region"() ({
        %run_scoped3A = tpu.sem_alloc : memref<!tpu.dma_semaphore, #tpu.memory_space<semaphore_mem>>
        %dma_start3A_93 = arith.constant 0 : i32
        %dma_start3A_94 = arith.constant 0 : i32
        %dma_start3A_95 = tpu.memref_slice %arg14[%dma_start3A_93, %dma_start3A_94] : memref<5248x128xf32, #tpu.memory_space<vmem_shared>> -> memref<5248x128xf32, #tpu.memory_space<vmem_shared>>
        tpu.enqueue_indirect_dma source(%arg12 : memref<200x128xf32, #tpu.memory_space<vmem>>) target(%dma_start3A_95 : memref<5248x128xf32, #tpu.memory_space<vmem_shared>>) offsets(%arg9 : memref<200xi32, #tpu.memory_space<vmem>>) semaphore(%run_scoped3A : memref<!tpu.dma_semaphore, #tpu.memory_space<semaphore_mem>>) {add = true}
        %dma_wait3A_96 = arith.constant 0 : i32
        %dma_wait3A_97 = arith.constant 0 : i32
        %dma_wait3A_98 = tpu.memref_slice %arg14[%dma_wait3A_96, %dma_wait3A_97] : memref<5248x128xf32, #tpu.memory_space<vmem_shared>> -> memref<5248x128xf32, #tpu.memory_space<vmem_shared>>
        tpu.wait_indirect_dma semaphore(%run_scoped3A : memref<!tpu.dma_semaphore, #tpu.memory_space<semaphore_mem>>) src(%arg12 : memref<200x128xf32, #tpu.memory_space<vmem>>) dst(%dma_wait3A_98 : memref<5248x128xf32, #tpu.memory_space<vmem_shared>>)
        tpu.yield
      }) : () -> ()
      %scan3A_92 = arith.constant 0 : i32
      scf.yield %scan3A_92 : i32
    }
    %scan3A_54 = arith.constant 100 : i32
    %barrier3A_55 = arith.constant 0 : index
    tpu.barrier barrier_id(%barrier3A_55)
    %mul3A_56 = arith.constant 328 : i32
    %mul3A_57 = arith.muli %arg1, %mul3A_56 : i32
    %mul3A_58 = arith.constant 5248 : i32
    %mul3A_59 = arith.muli %arg0, %mul3A_58 : i32
    %mul3A_60 = arith.constant 328 : i32
    %mul3A_61 = arith.muli %arg1, %mul3A_60 : i32
    %add3A_62 = arith.addi %mul3A_59, %mul3A_61 : i32
    "tpu.region"() ({
      %run_scoped3A = tpu.sem_alloc : memref<!tpu.dma_semaphore, #tpu.memory_space<semaphore_mem>>
      %dma_start3A = arith.constant 0 : i32
      %dma_start3A_63 = tpu.memref_slice %arg6[%add3A_62, %dma_start3A] : memref<10496x128xf32, #tpu.memory_space<hbm>> -> memref<328x128xf32, #tpu.memory_space<hbm>>
      %dma_start3A_64 = arith.constant 0 : i32
      %dma_start3A_65 = tpu.memref_slice %arg14[%mul3A_57, %dma_start3A_64] : memref<5248x128xf32, #tpu.memory_space<vmem_shared>> -> memref<328x128xf32, #tpu.memory_space<vmem_shared>>
      tpu.enqueue_dma source(%dma_start3A_65 : memref<328x128xf32, #tpu.memory_space<vmem_shared>>) target(%dma_start3A_63 : memref<328x128xf32, #tpu.memory_space<hbm>>) target_semaphore(%run_scoped3A : memref<!tpu.dma_semaphore, #tpu.memory_space<semaphore_mem>>)
      %dma_wait3A = arith.constant 0 : i32
      %dma_wait3A_66 = tpu.memref_slice %arg6[%add3A_62, %dma_wait3A] : memref<10496x128xf32, #tpu.memory_space<hbm>> -> memref<328x128xf32, #tpu.memory_space<hbm>>
      %dma_wait3A_67 = arith.constant 0 : i32
      %dma_wait3A_68 = tpu.memref_slice %arg14[%mul3A_57, %dma_wait3A_67] : memref<5248x128xf32, #tpu.memory_space<vmem_shared>> -> memref<328x128xf32, #tpu.memory_space<vmem_shared>>
      tpu.wait_dma2 semaphore(%run_scoped3A : memref<!tpu.dma_semaphore, #tpu.memory_space<semaphore_mem>>) src(%dma_wait3A_68 : memref<328x128xf32, #tpu.memory_space<vmem_shared>>) dst(%dma_wait3A_66 : memref<328x128xf32, #tpu.memory_space<hbm>>)
      tpu.yield
    }) : () -> ()
    return
  }
}

#map = affine_map<(d0, d1) -> (0, 0)>
#map1 = affine_map<(d0, d1) -> (0)>
module attributes {stable_mosaic.version = 14 : i64} {
  func.func @_edge_kernel_body(%arg0: i32, %arg1: i32, %arg2: memref<10000x128xf32, #tpu.memory_space<hbm>>, %arg3: memref<10000x128xf32, #tpu.memory_space<hbm>>, %arg4: memref<320000xi32, #tpu.memory_space<hbm>>, %arg5: memref<320000xi32, #tpu.memory_space<hbm>>, %arg6: memref<10496x128xf32, #tpu.memory_space<hbm>>, %arg7: memref<200xi32, #tpu.memory_space<vmem>>, %arg8: memref<200xi32, #tpu.memory_space<vmem>>, %arg9: memref<200xi32, #tpu.memory_space<vmem>>, %arg10: memref<200x128xf32, #tpu.memory_space<vmem>>, %arg11: memref<200x128xf32, #tpu.memory_space<vmem>>, %arg12: memref<200x128xf32, #tpu.memory_space<vmem>>, %arg13: memref<8x32xf32, #tpu.memory_space<vmem>>, %arg14: memref<5248x128xf32, #tpu.memory_space<vmem_shared>>, %arg15: memref<!tpu.dma_semaphore, #tpu.memory_space<semaphore_mem>>) attributes {dimension_semantics = [#tpu.dimension_semantics<core_parallel>, #tpu.dimension_semantics<subcore_parallel>], iteration_bounds = array<i64: 2, 16>, scalar_prefetch = 0 : i64, scratch_operands = 9 : i64, tpu.core_type = #tpu.core_type<sc_vector_subcore>, window_params = [{transform_indices = #map}, {transform_indices = #map}, {transform_indices = #map1}, {transform_indices = #map1}, {transform_indices = #map}]} {
    %broadcast_in_dim3A = arith.constant 0.000000e+00 : f32
    %broadcast_in_dim3A_0 = vector.broadcast %broadcast_in_dim3A : f32 to vector<16xf32>
    %scan3A = arith.constant 0 : i32
    %scan3A_1 = arith.constant 0 : i32
    %scan3A_2 = arith.constant 200 : i32
    %scan3A_3 = arith.addi %scan3A_1, %scan3A_2 : i32
    %scan3A_4 = arith.constant 1 : i32
    %scan3A_5 = scf.for %scan3A_63 = %scan3A_1 to %scan3A_3 step %scan3A_4 iter_args(%scan3A_64 = %scan3A) -> (i32)  : i32 {
      %swap3A_65 = arith.index_cast %scan3A_63 : i32 to index
      %swap3A_66 = arith.constant 0 : index
      %swap3A_67 = tpu.vector_load %arg12[%swap3A_65, %swap3A_66] {strides = array<i32>} : memref<200x128xf32, #tpu.memory_space<vmem>>, vector<1x16xf32>,
      %swap3A_68 = vector.shape_cast %swap3A_67 : vector<1x16xf32> to vector<16xf32>
      %swap3A_69 = vector.shape_cast %broadcast_in_dim3A_0 : vector<16xf32> to vector<1x16xf32>
      tpu.vector_store %arg12[%swap3A_65, %swap3A_66], %swap3A_69 {strides = array<i32>} : memref<200x128xf32, #tpu.memory_space<vmem>>, vector<1x16xf32>,
      %swap3A_70 = arith.index_cast %scan3A_63 : i32 to index
      %swap3A_71 = arith.constant 16 : index
      %swap3A_72 = tpu.vector_load %arg12[%swap3A_70, %swap3A_71] {strides = array<i32>} : memref<200x128xf32, #tpu.memory_space<vmem>>, vector<1x16xf32>,
      %swap3A_73 = vector.shape_cast %swap3A_72 : vector<1x16xf32> to vector<16xf32>
      %swap3A_74 = vector.shape_cast %broadcast_in_dim3A_0 : vector<16xf32> to vector<1x16xf32>
      tpu.vector_store %arg12[%swap3A_70, %swap3A_71], %swap3A_74 {strides = array<i32>} : memref<200x128xf32, #tpu.memory_space<vmem>>, vector<1x16xf32>,
      %swap3A_75 = arith.index_cast %scan3A_63 : i32 to index
      %swap3A_76 = arith.constant 32 : index
      %swap3A_77 = tpu.vector_load %arg12[%swap3A_75, %swap3A_76] {strides = array<i32>} : memref<200x128xf32, #tpu.memory_space<vmem>>, vector<1x16xf32>,
      %swap3A_78 = vector.shape_cast %swap3A_77 : vector<1x16xf32> to vector<16xf32>
      %swap3A_79 = vector.shape_cast %broadcast_in_dim3A_0 : vector<16xf32> to vector<1x16xf32>
      tpu.vector_store %arg12[%swap3A_75, %swap3A_76], %swap3A_79 {strides = array<i32>} : memref<200x128xf32, #tpu.memory_space<vmem>>, vector<1x16xf32>,
      %swap3A_80 = arith.index_cast %scan3A_63 : i32 to index
      %swap3A_81 = arith.constant 48 : index
      %swap3A_82 = tpu.vector_load %arg12[%swap3A_80, %swap3A_81] {strides = array<i32>} : memref<200x128xf32, #tpu.memory_space<vmem>>, vector<1x16xf32>,
      %swap3A_83 = vector.shape_cast %swap3A_82 : vector<1x16xf32> to vector<16xf32>
      %swap3A_84 = vector.shape_cast %broadcast_in_dim3A_0 : vector<16xf32> to vector<1x16xf32>
      tpu.vector_store %arg12[%swap3A_80, %swap3A_81], %swap3A_84 {strides = array<i32>} : memref<200x128xf32, #tpu.memory_space<vmem>>, vector<1x16xf32>,
      %swap3A_85 = arith.index_cast %scan3A_63 : i32 to index
      %swap3A_86 = arith.constant 64 : index
      %swap3A_87 = tpu.vector_load %arg12[%swap3A_85, %swap3A_86] {strides = array<i32>} : memref<200x128xf32, #tpu.memory_space<vmem>>, vector<1x16xf32>,
      %swap3A_88 = vector.shape_cast %swap3A_87 : vector<1x16xf32> to vector<16xf32>
      %swap3A_89 = vector.shape_cast %broadcast_in_dim3A_0 : vector<16xf32> to vector<1x16xf32>
      tpu.vector_store %arg12[%swap3A_85, %swap3A_86], %swap3A_89 {strides = array<i32>} : memref<200x128xf32, #tpu.memory_space<vmem>>, vector<1x16xf32>,
      %swap3A_90 = arith.index_cast %scan3A_63 : i32 to index
      %swap3A_91 = arith.constant 80 : index
      %swap3A_92 = tpu.vector_load %arg12[%swap3A_90, %swap3A_91] {strides = array<i32>} : memref<200x128xf32, #tpu.memory_space<vmem>>, vector<1x16xf32>,
      %swap3A_93 = vector.shape_cast %swap3A_92 : vector<1x16xf32> to vector<16xf32>
      %swap3A_94 = vector.shape_cast %broadcast_in_dim3A_0 : vector<16xf32> to vector<1x16xf32>
      tpu.vector_store %arg12[%swap3A_90, %swap3A_91], %swap3A_94 {strides = array<i32>} : memref<200x128xf32, #tpu.memory_space<vmem>>, vector<1x16xf32>,
      %swap3A_95 = arith.index_cast %scan3A_63 : i32 to index
      %swap3A_96 = arith.constant 96 : index
      %swap3A_97 = tpu.vector_load %arg12[%swap3A_95, %swap3A_96] {strides = array<i32>} : memref<200x128xf32, #tpu.memory_space<vmem>>, vector<1x16xf32>,
      %swap3A_98 = vector.shape_cast %swap3A_97 : vector<1x16xf32> to vector<16xf32>
      %swap3A_99 = vector.shape_cast %broadcast_in_dim3A_0 : vector<16xf32> to vector<1x16xf32>
      tpu.vector_store %arg12[%swap3A_95, %swap3A_96], %swap3A_99 {strides = array<i32>} : memref<200x128xf32, #tpu.memory_space<vmem>>, vector<1x16xf32>,
      %swap3A_100 = arith.index_cast %scan3A_63 : i32 to index
      %swap3A_101 = arith.constant 112 : index
      %swap3A_102 = tpu.vector_load %arg12[%swap3A_100, %swap3A_101] {strides = array<i32>} : memref<200x128xf32, #tpu.memory_space<vmem>>, vector<1x16xf32>,
      %swap3A_103 = vector.shape_cast %swap3A_102 : vector<1x16xf32> to vector<16xf32>
      %swap3A_104 = vector.shape_cast %broadcast_in_dim3A_0 : vector<16xf32> to vector<1x16xf32>
      tpu.vector_store %arg12[%swap3A_100, %swap3A_101], %swap3A_104 {strides = array<i32>} : memref<200x128xf32, #tpu.memory_space<vmem>>, vector<1x16xf32>,
      %scan3A_105 = arith.constant 0 : i32
      scf.yield %scan3A_105 : i32
    }
    %scan3A_6 = arith.constant 200 : i32
    %swap3A = arith.constant 0 : i32
    %swap3A_7 = arith.index_cast %swap3A : i32 to index
    %swap3A_8 = arith.constant 0 : index
    %swap3A_9 = tpu.vector_load %arg13[%swap3A_7, %swap3A_8] {strides = array<i32>} : memref<8x32xf32, #tpu.memory_space<vmem>>, vector<1x16xf32>,
    %swap3A_10 = vector.shape_cast %swap3A_9 : vector<1x16xf32> to vector<16xf32>
    %swap3A_11 = vector.shape_cast %broadcast_in_dim3A_0 : vector<16xf32> to vector<1x16xf32>
    tpu.vector_store %arg13[%swap3A_7, %swap3A_8], %swap3A_11 {strides = array<i32>} : memref<8x32xf32, #tpu.memory_space<vmem>>, vector<1x16xf32>,
    %swap3A_12 = arith.constant 0 : i32
    %swap3A_13 = arith.index_cast %swap3A_12 : i32 to index
    %swap3A_14 = arith.constant 16 : index
    %swap3A_15 = tpu.vector_load %arg13[%swap3A_13, %swap3A_14] {strides = array<i32>} : memref<8x32xf32, #tpu.memory_space<vmem>>, vector<1x16xf32>,
    %swap3A_16 = vector.shape_cast %swap3A_15 : vector<1x16xf32> to vector<16xf32>
    %swap3A_17 = vector.shape_cast %broadcast_in_dim3A_0 : vector<16xf32> to vector<1x16xf32>
    tpu.vector_store %arg13[%swap3A_13, %swap3A_14], %swap3A_17 {strides = array<i32>} : memref<8x32xf32, #tpu.memory_space<vmem>>, vector<1x16xf32>,
    %swap3A_18 = arith.constant 4 : i32
    %swap3A_19 = arith.index_cast %swap3A_18 : i32 to index
    %swap3A_20 = arith.constant 0 : index
    %swap3A_21 = tpu.vector_load %arg13[%swap3A_19, %swap3A_20] {strides = array<i32>} : memref<8x32xf32, #tpu.memory_space<vmem>>, vector<1x16xf32>,
    %swap3A_22 = vector.shape_cast %swap3A_21 : vector<1x16xf32> to vector<16xf32>
    %swap3A_23 = vector.shape_cast %broadcast_in_dim3A_0 : vector<16xf32> to vector<1x16xf32>
    tpu.vector_store %arg13[%swap3A_19, %swap3A_20], %swap3A_23 {strides = array<i32>} : memref<8x32xf32, #tpu.memory_space<vmem>>, vector<1x16xf32>,
    %swap3A_24 = arith.constant 4 : i32
    %swap3A_25 = arith.index_cast %swap3A_24 : i32 to index
    %swap3A_26 = arith.constant 16 : index
    %swap3A_27 = tpu.vector_load %arg13[%swap3A_25, %swap3A_26] {strides = array<i32>} : memref<8x32xf32, #tpu.memory_space<vmem>>, vector<1x16xf32>,
    %swap3A_28 = vector.shape_cast %swap3A_27 : vector<1x16xf32> to vector<16xf32>
    %swap3A_29 = vector.shape_cast %broadcast_in_dim3A_0 : vector<16xf32> to vector<1x16xf32>
    tpu.vector_store %arg13[%swap3A_25, %swap3A_26], %swap3A_29 {strides = array<i32>} : memref<8x32xf32, #tpu.memory_space<vmem>>, vector<1x16xf32>,
    %mul3A = arith.constant 328 : i32
    %mul3A_30 = arith.muli %arg1, %mul3A : i32
    %add3A = arith.constant 0 : i32
    %add3A_31 = arith.addi %mul3A_30, %add3A : i32
    "tpu.region"() ({
      %run_scoped3A = tpu.sem_alloc : memref<!tpu.dma_semaphore, #tpu.memory_space<semaphore_mem>>
      %dma_start3A = arith.constant 0 : i32
      %dma_start3A_63 = arith.constant 0 : i32
      %dma_start3A_64 = tpu.memref_slice %arg12[%dma_start3A, %dma_start3A_63] : memref<200x128xf32, #tpu.memory_space<vmem>> -> memref<96x128xf32, #tpu.memory_space<vmem>>
      %dma_start3A_65 = arith.constant 0 : i32
      %dma_start3A_66 = tpu.memref_slice %arg14[%add3A_31, %dma_start3A_65] : memref<5248x128xf32, #tpu.memory_space<vmem_shared>> -> memref<96x128xf32, #tpu.memory_space<vmem_shared>>
      %dma_start3A_67 = arith.constant 0 : i32
      %dma_start3A_68 = tpu.memref_slice %arg14[%add3A_31, %dma_start3A_67] : memref<5248x128xf32, #tpu.memory_space<vmem_shared>> -> memref<96x128xf32, #tpu.memory_space<vmem_shared>>
      %dma_start3A_69 = arith.constant 0 : i32
      %dma_start3A_70 = arith.constant 0 : i32
      %dma_start3A_71 = tpu.memref_slice %arg12[%dma_start3A_69, %dma_start3A_70] : memref<200x128xf32, #tpu.memory_space<vmem>> -> memref<96x128xf32, #tpu.memory_space<vmem>>
      tpu.enqueue_dma source(%dma_start3A_71 : memref<96x128xf32, #tpu.memory_space<vmem>>) target(%dma_start3A_68 : memref<96x128xf32, #tpu.memory_space<vmem_shared>>) target_semaphore(%run_scoped3A : memref<!tpu.dma_semaphore, #tpu.memory_space<semaphore_mem>>)
      %dma_wait3A = arith.constant 0 : i32
      %dma_wait3A_72 = arith.constant 0 : i32
      %dma_wait3A_73 = tpu.memref_slice %arg12[%dma_wait3A, %dma_wait3A_72] : memref<200x128xf32, #tpu.memory_space<vmem>> -> memref<96x128xf32, #tpu.memory_space<vmem>>
      %dma_wait3A_74 = arith.constant 0 : i32
      %dma_wait3A_75 = tpu.memref_slice %arg14[%add3A_31, %dma_wait3A_74] : memref<5248x128xf32, #tpu.memory_space<vmem_shared>> -> memref<96x128xf32, #tpu.memory_space<vmem_shared>>
      %dma_wait3A_76 = arith.constant 0 : i32
      %dma_wait3A_77 = tpu.memref_slice %arg14[%add3A_31, %dma_wait3A_76] : memref<5248x128xf32, #tpu.memory_space<vmem_shared>> -> memref<96x128xf32, #tpu.memory_space<vmem_shared>>
      %dma_wait3A_78 = arith.constant 0 : i32
      %dma_wait3A_79 = arith.constant 0 : i32
      %dma_wait3A_80 = tpu.memref_slice %arg12[%dma_wait3A_78, %dma_wait3A_79] : memref<200x128xf32, #tpu.memory_space<vmem>> -> memref<96x128xf32, #tpu.memory_space<vmem>>
      tpu.wait_dma2 semaphore(%run_scoped3A : memref<!tpu.dma_semaphore, #tpu.memory_space<semaphore_mem>>) src(%dma_wait3A_80 : memref<96x128xf32, #tpu.memory_space<vmem>>) dst(%dma_wait3A_77 : memref<96x128xf32, #tpu.memory_space<vmem_shared>>)
      tpu.yield
    }) : () -> ()
    %mul3A_32 = arith.constant 328 : i32
    %mul3A_33 = arith.muli %arg1, %mul3A_32 : i32
    %add3A_34 = arith.constant 96 : i32
    %add3A_35 = arith.addi %mul3A_33, %add3A_34 : i32
    "tpu.region"() ({
      %run_scoped3A = tpu.sem_alloc : memref<!tpu.dma_semaphore, #tpu.memory_space<semaphore_mem>>
      %dma_start3A = arith.constant 0 : i32
      %dma_start3A_63 = arith.constant 0 : i32
      %dma_start3A_64 = tpu.memref_slice %arg12[%dma_start3A, %dma_start3A_63] : memref<200x128xf32, #tpu.memory_space<vmem>> -> memref<96x128xf32, #tpu.memory_space<vmem>>
      %dma_start3A_65 = arith.constant 0 : i32
      %dma_start3A_66 = tpu.memref_slice %arg14[%add3A_35, %dma_start3A_65] : memref<5248x128xf32, #tpu.memory_space<vmem_shared>> -> memref<96x128xf32, #tpu.memory_space<vmem_shared>>
      %dma_start3A_67 = arith.constant 0 : i32
      %dma_start3A_68 = tpu.memref_slice %arg14[%add3A_35, %dma_start3A_67] : memref<5248x128xf32, #tpu.memory_space<vmem_shared>> -> memref<96x128xf32, #tpu.memory_space<vmem_shared>>
      %dma_start3A_69 = arith.constant 0 : i32
      %dma_start3A_70 = arith.constant 0 : i32
      %dma_start3A_71 = tpu.memref_slice %arg12[%dma_start3A_69, %dma_start3A_70] : memref<200x128xf32, #tpu.memory_space<vmem>> -> memref<96x128xf32, #tpu.memory_space<vmem>>
      tpu.enqueue_dma source(%dma_start3A_71 : memref<96x128xf32, #tpu.memory_space<vmem>>) target(%dma_start3A_68 : memref<96x128xf32, #tpu.memory_space<vmem_shared>>) target_semaphore(%run_scoped3A : memref<!tpu.dma_semaphore, #tpu.memory_space<semaphore_mem>>)
      %dma_wait3A = arith.constant 0 : i32
      %dma_wait3A_72 = arith.constant 0 : i32
      %dma_wait3A_73 = tpu.memref_slice %arg12[%dma_wait3A, %dma_wait3A_72] : memref<200x128xf32, #tpu.memory_space<vmem>> -> memref<96x128xf32, #tpu.memory_space<vmem>>
      %dma_wait3A_74 = arith.constant 0 : i32
      %dma_wait3A_75 = tpu.memref_slice %arg14[%add3A_35, %dma_wait3A_74] : memref<5248x128xf32, #tpu.memory_space<vmem_shared>> -> memref<96x128xf32, #tpu.memory_space<vmem_shared>>
      %dma_wait3A_76 = arith.constant 0 : i32
      %dma_wait3A_77 = tpu.memref_slice %arg14[%add3A_35, %dma_wait3A_76] : memref<5248x128xf32, #tpu.memory_space<vmem_shared>> -> memref<96x128xf32, #tpu.memory_space<vmem_shared>>
      %dma_wait3A_78 = arith.constant 0 : i32
      %dma_wait3A_79 = arith.constant 0 : i32
      %dma_wait3A_80 = tpu.memref_slice %arg12[%dma_wait3A_78, %dma_wait3A_79] : memref<200x128xf32, #tpu.memory_space<vmem>> -> memref<96x128xf32, #tpu.memory_space<vmem>>
      tpu.wait_dma2 semaphore(%run_scoped3A : memref<!tpu.dma_semaphore, #tpu.memory_space<semaphore_mem>>) src(%dma_wait3A_80 : memref<96x128xf32, #tpu.memory_space<vmem>>) dst(%dma_wait3A_77 : memref<96x128xf32, #tpu.memory_space<vmem_shared>>)
      tpu.yield
    }) : () -> ()
    %mul3A_36 = arith.constant 328 : i32
    %mul3A_37 = arith.muli %arg1, %mul3A_36 : i32
    %add3A_38 = arith.constant 192 : i32
    %add3A_39 = arith.addi %mul3A_37, %add3A_38 : i32
    "tpu.region"() ({
      %run_scoped3A = tpu.sem_alloc : memref<!tpu.dma_semaphore, #tpu.memory_space<semaphore_mem>>
      %dma_start3A = arith.constant 0 : i32
      %dma_start3A_63 = arith.constant 0 : i32
      %dma_start3A_64 = tpu.memref_slice %arg12[%dma_start3A, %dma_start3A_63] : memref<200x128xf32, #tpu.memory_space<vmem>> -> memref<96x128xf32, #tpu.memory_space<vmem>>
      %dma_start3A_65 = arith.constant 0 : i32
      %dma_start3A_66 = tpu.memref_slice %arg14[%add3A_39, %dma_start3A_65] : memref<5248x128xf32, #tpu.memory_space<vmem_shared>> -> memref<96x128xf32, #tpu.memory_space<vmem_shared>>
      %dma_start3A_67 = arith.constant 0 : i32
      %dma_start3A_68 = tpu.memref_slice %arg14[%add3A_39, %dma_start3A_67] : memref<5248x128xf32, #tpu.memory_space<vmem_shared>> -> memref<96x128xf32, #tpu.memory_space<vmem_shared>>
      %dma_start3A_69 = arith.constant 0 : i32
      %dma_start3A_70 = arith.constant 0 : i32
      %dma_start3A_71 = tpu.memref_slice %arg12[%dma_start3A_69, %dma_start3A_70] : memref<200x128xf32, #tpu.memory_space<vmem>> -> memref<96x128xf32, #tpu.memory_space<vmem>>
      tpu.enqueue_dma source(%dma_start3A_71 : memref<96x128xf32, #tpu.memory_space<vmem>>) target(%dma_start3A_68 : memref<96x128xf32, #tpu.memory_space<vmem_shared>>) target_semaphore(%run_scoped3A : memref<!tpu.dma_semaphore, #tpu.memory_space<semaphore_mem>>)
      %dma_wait3A = arith.constant 0 : i32
      %dma_wait3A_72 = arith.constant 0 : i32
      %dma_wait3A_73 = tpu.memref_slice %arg12[%dma_wait3A, %dma_wait3A_72] : memref<200x128xf32, #tpu.memory_space<vmem>> -> memref<96x128xf32, #tpu.memory_space<vmem>>
      %dma_wait3A_74 = arith.constant 0 : i32
      %dma_wait3A_75 = tpu.memref_slice %arg14[%add3A_39, %dma_wait3A_74] : memref<5248x128xf32, #tpu.memory_space<vmem_shared>> -> memref<96x128xf32, #tpu.memory_space<vmem_shared>>
      %dma_wait3A_76 = arith.constant 0 : i32
      %dma_wait3A_77 = tpu.memref_slice %arg14[%add3A_39, %dma_wait3A_76] : memref<5248x128xf32, #tpu.memory_space<vmem_shared>> -> memref<96x128xf32, #tpu.memory_space<vmem_shared>>
      %dma_wait3A_78 = arith.constant 0 : i32
      %dma_wait3A_79 = arith.constant 0 : i32
      %dma_wait3A_80 = tpu.memref_slice %arg12[%dma_wait3A_78, %dma_wait3A_79] : memref<200x128xf32, #tpu.memory_space<vmem>> -> memref<96x128xf32, #tpu.memory_space<vmem>>
      tpu.wait_dma2 semaphore(%run_scoped3A : memref<!tpu.dma_semaphore, #tpu.memory_space<semaphore_mem>>) src(%dma_wait3A_80 : memref<96x128xf32, #tpu.memory_space<vmem>>) dst(%dma_wait3A_77 : memref<96x128xf32, #tpu.memory_space<vmem_shared>>)
      tpu.yield
    }) : () -> ()
    %mul3A_40 = arith.constant 328 : i32
    %mul3A_41 = arith.muli %arg1, %mul3A_40 : i32
    %add3A_42 = arith.constant 288 : i32
    %add3A_43 = arith.addi %mul3A_41, %add3A_42 : i32
    "tpu.region"() ({
      %run_scoped3A = tpu.sem_alloc : memref<!tpu.dma_semaphore, #tpu.memory_space<semaphore_mem>>
      %dma_start3A = arith.constant 0 : i32
      %dma_start3A_63 = arith.constant 0 : i32
      %dma_start3A_64 = tpu.memref_slice %arg12[%dma_start3A, %dma_start3A_63] : memref<200x128xf32, #tpu.memory_space<vmem>> -> memref<40x128xf32, #tpu.memory_space<vmem>>
      %dma_start3A_65 = arith.constant 0 : i32
      %dma_start3A_66 = tpu.memref_slice %arg14[%add3A_43, %dma_start3A_65] : memref<5248x128xf32, #tpu.memory_space<vmem_shared>> -> memref<40x128xf32, #tpu.memory_space<vmem_shared>>
      %dma_start3A_67 = arith.constant 0 : i32
      %dma_start3A_68 = tpu.memref_slice %arg14[%add3A_43, %dma_start3A_67] : memref<5248x128xf32, #tpu.memory_space<vmem_shared>> -> memref<40x128xf32, #tpu.memory_space<vmem_shared>>
      %dma_start3A_69 = arith.constant 0 : i32
      %dma_start3A_70 = arith.constant 0 : i32
      %dma_start3A_71 = tpu.memref_slice %arg12[%dma_start3A_69, %dma_start3A_70] : memref<200x128xf32, #tpu.memory_space<vmem>> -> memref<40x128xf32, #tpu.memory_space<vmem>>
      tpu.enqueue_dma source(%dma_start3A_71 : memref<40x128xf32, #tpu.memory_space<vmem>>) target(%dma_start3A_68 : memref<40x128xf32, #tpu.memory_space<vmem_shared>>) target_semaphore(%run_scoped3A : memref<!tpu.dma_semaphore, #tpu.memory_space<semaphore_mem>>)
      %dma_wait3A = arith.constant 0 : i32
      %dma_wait3A_72 = arith.constant 0 : i32
      %dma_wait3A_73 = tpu.memref_slice %arg12[%dma_wait3A, %dma_wait3A_72] : memref<200x128xf32, #tpu.memory_space<vmem>> -> memref<40x128xf32, #tpu.memory_space<vmem>>
      %dma_wait3A_74 = arith.constant 0 : i32
      %dma_wait3A_75 = tpu.memref_slice %arg14[%add3A_43, %dma_wait3A_74] : memref<5248x128xf32, #tpu.memory_space<vmem_shared>> -> memref<40x128xf32, #tpu.memory_space<vmem_shared>>
      %dma_wait3A_76 = arith.constant 0 : i32
      %dma_wait3A_77 = tpu.memref_slice %arg14[%add3A_43, %dma_wait3A_76] : memref<5248x128xf32, #tpu.memory_space<vmem_shared>> -> memref<40x128xf32, #tpu.memory_space<vmem_shared>>
      %dma_wait3A_78 = arith.constant 0 : i32
      %dma_wait3A_79 = arith.constant 0 : i32
      %dma_wait3A_80 = tpu.memref_slice %arg12[%dma_wait3A_78, %dma_wait3A_79] : memref<200x128xf32, #tpu.memory_space<vmem>> -> memref<40x128xf32, #tpu.memory_space<vmem>>
      tpu.wait_dma2 semaphore(%run_scoped3A : memref<!tpu.dma_semaphore, #tpu.memory_space<semaphore_mem>>) src(%dma_wait3A_80 : memref<40x128xf32, #tpu.memory_space<vmem>>) dst(%dma_wait3A_77 : memref<40x128xf32, #tpu.memory_space<vmem_shared>>)
      tpu.yield
    }) : () -> ()
    %barrier3A = arith.constant 0 : index
    tpu.barrier barrier_id(%barrier3A)
    %mul3A_44 = arith.constant 20000 : i32
    %mul3A_45 = arith.muli %arg1, %mul3A_44 : i32
    %mul3A_46 = arith.constant 5120 : i32
    %mul3A_47 = arith.muli %arg0, %mul3A_46 : i32
    %iota3A = tpu.iota {dimensions = array<i32: 0>} : vector<16xi32>
    %scan3A_48 = arith.constant 0 : i32
    %scan3A_49 = arith.constant 0 : i32
    %scan3A_50 = arith.constant 100 : i32
    %scan3A_51 = arith.addi %scan3A_49, %scan3A_50 : i32
    %scan3A_52 = arith.constant 1 : i32
    %scan3A_53 = scf.for %scan3A_63 = %scan3A_49 to %scan3A_51 step %scan3A_52 iter_args(%scan3A_64 = %scan3A_48) -> (i32)  : i32 {
      %mul3A_65 = arith.constant 200 : i32
      %mul3A_66 = arith.muli %scan3A_63, %mul3A_65 : i32
      %add3A_67 = arith.addi %mul3A_45, %mul3A_66 : i32
      "tpu.region"() ({
        %run_scoped3A = tpu.sem_alloc : memref<!tpu.dma_semaphore, #tpu.memory_space<semaphore_mem>>
        %dma_start3A_93 = tpu.memref_slice %arg4[%add3A_67] : memref<320000xi32, #tpu.memory_space<hbm>> -> memref<200xi32, #tpu.memory_space<hbm>>
        %dma_start3A_94 = tpu.memref_slice %arg4[%add3A_67] : memref<320000xi32, #tpu.memory_space<hbm>> -> memref<200xi32, #tpu.memory_space<hbm>>
        tpu.enqueue_dma source(%dma_start3A_94 : memref<200xi32, #tpu.memory_space<hbm>>) target(%arg7 : memref<200xi32, #tpu.memory_space<vmem>>) target_semaphore(%run_scoped3A : memref<!tpu.dma_semaphore, #tpu.memory_space<semaphore_mem>>)
        %dma_wait3A_95 = tpu.memref_slice %arg4[%add3A_67] : memref<320000xi32, #tpu.memory_space<hbm>> -> memref<200xi32, #tpu.memory_space<hbm>>
        %dma_wait3A_96 = tpu.memref_slice %arg4[%add3A_67] : memref<320000xi32, #tpu.memory_space<hbm>> -> memref<200xi32, #tpu.memory_space<hbm>>
        tpu.wait_dma2 semaphore(%run_scoped3A : memref<!tpu.dma_semaphore, #tpu.memory_space<semaphore_mem>>) src(%dma_wait3A_96 : memref<200xi32, #tpu.memory_space<hbm>>) dst(%arg7 : memref<200xi32, #tpu.memory_space<vmem>>)
        tpu.yield
      }) : () -> ()
      "tpu.region"() ({
        %run_scoped3A = tpu.sem_alloc : memref<!tpu.dma_semaphore, #tpu.memory_space<semaphore_mem>>
        %dma_start3A_93 = tpu.memref_slice %arg5[%add3A_67] : memref<320000xi32, #tpu.memory_space<hbm>> -> memref<200xi32, #tpu.memory_space<hbm>>
        %dma_start3A_94 = tpu.memref_slice %arg5[%add3A_67] : memref<320000xi32, #tpu.memory_space<hbm>> -> memref<200xi32, #tpu.memory_space<hbm>>
        tpu.enqueue_dma source(%dma_start3A_94 : memref<200xi32, #tpu.memory_space<hbm>>) target(%arg8 : memref<200xi32, #tpu.memory_space<vmem>>) target_semaphore(%run_scoped3A : memref<!tpu.dma_semaphore, #tpu.memory_space<semaphore_mem>>)
        %dma_wait3A_95 = tpu.memref_slice %arg5[%add3A_67] : memref<320000xi32, #tpu.memory_space<hbm>> -> memref<200xi32, #tpu.memory_space<hbm>>
        %dma_wait3A_96 = tpu.memref_slice %arg5[%add3A_67] : memref<320000xi32, #tpu.memory_space<hbm>> -> memref<200xi32, #tpu.memory_space<hbm>>
        tpu.wait_dma2 semaphore(%run_scoped3A : memref<!tpu.dma_semaphore, #tpu.memory_space<semaphore_mem>>) src(%dma_wait3A_96 : memref<200xi32, #tpu.memory_space<hbm>>) dst(%arg8 : memref<200xi32, #tpu.memory_space<vmem>>)
        tpu.yield
      }) : () -> ()
      %scan3A_68 = arith.constant 0 : i32
      %scan3A_69 = arith.constant 0 : i32
      %scan3A_70 = arith.constant 13 : i32
      %scan3A_71 = arith.addi %scan3A_69, %scan3A_70 : i32
      %scan3A_72 = arith.constant 1 : i32
      %scan3A_73 = scf.for %scan3A_93 = %scan3A_69 to %scan3A_71 step %scan3A_72 iter_args(%scan3A_94 = %scan3A_68) -> (i32)  : i32 {
        %mul3A_95 = arith.constant 16 : i32
        %mul3A_96 = arith.muli %scan3A_93, %mul3A_95 : i32
        %min3A = arith.constant 184 : i32
        %min3A_97 = arith.minsi %mul3A_96, %min3A : i32
        %get3A = arith.index_cast %min3A_97 : i32 to index
        %get3A_98 = tpu.vector_load %arg8[%get3A] {strides = array<i32>} : memref<200xi32, #tpu.memory_space<vmem>>, vector<16xi32>,
        %get3A_99 = vector.shape_cast %get3A_98 : vector<16xi32> to vector<16xi32>
        %sub3A = vector.broadcast %mul3A_47 : i32 to vector<16xi32>
        %sub3A_100 = arith.subi %get3A_99, %sub3A : vector<16xi32>
        %ge3A = arith.constant 0 : i32
        %ge3A_101 = vector.broadcast %ge3A : i32 to vector<16xi32>
        %ge3A_102 = arith.cmpi sge, %sub3A_100, %ge3A_101 : vector<16xi32>
        %lt3A = arith.constant 5120 : i32
        %lt3A_103 = vector.broadcast %lt3A : i32 to vector<16xi32>
        %lt3A_104 = arith.cmpi slt, %sub3A_100, %lt3A_103 : vector<16xi32>
        %and3A = arith.andi %ge3A_102, %lt3A_104 : vector<16xi1>
        %broadcast_in_dim3A_105 = arith.constant 5247 : i32
        %broadcast_in_dim3A_106 = vector.broadcast %broadcast_in_dim3A_105 : i32 to vector<16xi32>
        %select_n3A = arith.select %and3A, %sub3A_100, %broadcast_in_dim3A_106 : vector<16xi1>, vector<16xi32>
        %swap3A_107 = arith.index_cast %min3A_97 : i32 to index
        %swap3A_108 = tpu.vector_load %arg9[%swap3A_107] {strides = array<i32>} : memref<200xi32, #tpu.memory_space<vmem>>, vector<16xi32>,
        %swap3A_109 = vector.shape_cast %swap3A_108 : vector<16xi32> to vector<16xi32>
        %swap3A_110 = vector.shape_cast %select_n3A : vector<16xi32> to vector<16xi32>
        tpu.vector_store %arg9[%swap3A_107], %swap3A_110 {strides = array<i32>} : memref<200xi32, #tpu.memory_space<vmem>>, vector<16xi32>,
        %scan3A_111 = arith.constant 0 : i32
        scf.yield %scan3A_111 : i32
      }
      %scan3A_74 = arith.constant 13 : i32
      %dma_start3A = arith.constant 0 : i32
      %dma_start3A_75 = arith.constant 0 : i32
      %dma_start3A_76 = tpu.memref_slice %arg2[%dma_start3A, %dma_start3A_75] : memref<10000x128xf32, #tpu.memory_space<hbm>> -> memref<10000x128xf32, #tpu.memory_space<hbm>>
      tpu.enqueue_indirect_dma source(%dma_start3A_76 : memref<10000x128xf32, #tpu.memory_space<hbm>>) target(%arg10 : memref<200x128xf32, #tpu.memory_space<vmem>>) offsets(%arg8 : memref<200xi32, #tpu.memory_space<vmem>>) semaphore(%arg15 : memref<!tpu.dma_semaphore, #tpu.memory_space<semaphore_mem>>)
      %dma_wait3A = arith.constant 0 : i32
      %dma_wait3A_77 = arith.constant 0 : i32
      %dma_wait3A_78 = tpu.memref_slice %arg2[%dma_wait3A, %dma_wait3A_77] : memref<10000x128xf32, #tpu.memory_space<hbm>> -> memref<10000x128xf32, #tpu.memory_space<hbm>>
      tpu.wait_indirect_dma semaphore(%arg15 : memref<!tpu.dma_semaphore, #tpu.memory_space<semaphore_mem>>) src(%dma_wait3A_78 : memref<10000x128xf32, #tpu.memory_space<hbm>>) dst(%arg10 : memref<200x128xf32, #tpu.memory_space<vmem>>)
      %dma_start3A_79 = arith.constant 0 : i32
      %dma_start3A_80 = arith.constant 0 : i32
      %dma_start3A_81 = tpu.memref_slice %arg3[%dma_start3A_79, %dma_start3A_80] : memref<10000x128xf32, #tpu.memory_space<hbm>> -> memref<10000x128xf32, #tpu.memory_space<hbm>>
      tpu.enqueue_indirect_dma source(%dma_start3A_81 : memref<10000x128xf32, #tpu.memory_space<hbm>>) target(%arg11 : memref<200x128xf32, #tpu.memory_space<vmem>>) offsets(%arg7 : memref<200xi32, #tpu.memory_space<vmem>>) semaphore(%arg15 : memref<!tpu.dma_semaphore, #tpu.memory_space<semaphore_mem>>)
      %dma_wait3A_82 = arith.constant 0 : i32
      %dma_wait3A_83 = arith.constant 0 : i32
      %dma_wait3A_84 = tpu.memref_slice %arg3[%dma_wait3A_82, %dma_wait3A_83] : memref<10000x128xf32, #tpu.memory_space<hbm>> -> memref<10000x128xf32, #tpu.memory_space<hbm>>
      tpu.wait_indirect_dma semaphore(%arg15 : memref<!tpu.dma_semaphore, #tpu.memory_space<semaphore_mem>>) src(%dma_wait3A_84 : memref<10000x128xf32, #tpu.memory_space<hbm>>) dst(%arg11 : memref<200x128xf32, #tpu.memory_space<vmem>>)
      %scan3A_85 = arith.constant 0 : i32
      %scan3A_86 = arith.constant 0 : i32
      %scan3A_87 = arith.constant 100 : i32
      %scan3A_88 = arith.addi %scan3A_86, %scan3A_87 : i32
      %scan3A_89 = arith.constant 1 : i32
      %scan3A_90 = scf.for %scan3A_93 = %scan3A_86 to %scan3A_88 step %scan3A_89 iter_args(%scan3A_94 = %scan3A_85) -> (i32)  : i32 {
        %mul3A_95 = arith.constant 2 : i32
        %mul3A_96 = arith.muli %scan3A_93, %mul3A_95 : i32
        %get3A = arith.index_cast %mul3A_96 : i32 to index
        %get3A_97 = arith.constant 0 : index
        %get3A_98 = tpu.vector_load %arg10[%get3A, %get3A_97] {strides = array<i32>} : memref<200x128xf32, #tpu.memory_space<vmem>>, vector<1x16xf32>,
        %get3A_99 = vector.shape_cast %get3A_98 : vector<1x16xf32> to vector<16xf32>
        %get3A_100 = arith.index_cast %mul3A_96 : i32 to index
        %get3A_101 = arith.constant 0 : index
        %get3A_102 = tpu.vector_load %arg11[%get3A_100, %get3A_101] {strides = array<i32>} : memref<200x128xf32, #tpu.memory_space<vmem>>, vector<1x16xf32>,
        %get3A_103 = vector.shape_cast %get3A_102 : vector<1x16xf32> to vector<16xf32>
        %get3A_104 = arith.index_cast %mul3A_96 : i32 to index
        %get3A_105 = arith.constant 32 : index
        %get3A_106 = tpu.vector_load %arg11[%get3A_104, %get3A_105] {strides = array<i32>} : memref<200x128xf32, #tpu.memory_space<vmem>>, vector<1x16xf32>,
        %get3A_107 = vector.shape_cast %get3A_106 : vector<1x16xf32> to vector<16xf32>
        %mul3A_108 = arith.mulf %get3A_99, %get3A_103 : vector<16xf32>
        %swap3A_109 = arith.constant 0 : i32
        %swap3A_110 = arith.index_cast %swap3A_109 : i32 to index
        %swap3A_111 = arith.constant 0 : index
        %swap3A_112 = tpu.vector_load %arg13[%swap3A_110, %swap3A_111] {strides = array<i32>} : memref<8x32xf32, #tpu.memory_space<vmem>>, vector<1x16xf32>,
        %swap3A_113 = vector.shape_cast %swap3A_112 : vector<1x16xf32> to vector<16xf32>
        %swap3A_114 = vector.shape_cast %mul3A_108 : vector<16xf32> to vector<1x16xf32>
        tpu.vector_store %arg13[%swap3A_110, %swap3A_111], %swap3A_114 {strides = array<i32>} : memref<8x32xf32, #tpu.memory_space<vmem>>, vector<1x16xf32>,
        %get3A_115 = arith.constant 0 : i32
        %get3A_116 = arith.index_cast %get3A_115 : i32 to index
        %get3A_117 = arith.constant 1 : index
        %get3A_118 = tpu.vector_load %arg13[%get3A_116, %get3A_117] {strides = array<i32>} : memref<8x32xf32, #tpu.memory_space<vmem>>, vector<1x16xf32>,
        %get3A_119 = vector.shape_cast %get3A_118 : vector<1x16xf32> to vector<16xf32>
        %add3A_120 = arith.addf %mul3A_108, %get3A_119 : vector<16xf32>
        %slice3A = vector.extract_strided_slice %add3A_120 {offsets = [0], sizes = [1], strides = [1]} : vector<16xf32> to vector<1xf32>
        %squeeze3A = vector.extract %slice3A[0] : f32 from vector<1xf32>
        %mul3A_121 = arith.constant 0.707106769 : f32
        %mul3A_122 = arith.mulf %squeeze3A, %mul3A_121 : f32
        %broadcast_in_dim3A_123 = vector.broadcast %mul3A_122 : f32 to vector<16xf32>
        %exp3A = math.exp %broadcast_in_dim3A_123 : vector<16xf32>
        %lt3A = arith.constant 2 : i32
        %lt3A_124 = vector.broadcast %lt3A : i32 to vector<16xi32>
        %lt3A_125 = arith.cmpi slt, %iota3A, %lt3A_124 : vector<16xi32>
        %mul3A_126 = arith.mulf %get3A_107, %exp3A : vector<16xf32>
        %eq3A = arith.constant 2 : i32
        %eq3A_127 = vector.broadcast %eq3A : i32 to vector<16xi32>
        %eq3A_128 = arith.cmpi eq, %iota3A, %eq3A_127 : vector<16xi32>
        %select_n3A = arith.select %eq3A_128, %exp3A, %broadcast_in_dim3A_0 : vector<16xi1>, vector<16xf32>
        %select_n3A_129 = arith.select %lt3A_125, %mul3A_126, %select_n3A : vector<16xi1>, vector<16xf32>
        %swap3A_130 = arith.index_cast %mul3A_96 : i32 to index
        %swap3A_131 = arith.constant 0 : index
        %swap3A_132 = tpu.vector_load %arg12[%swap3A_130, %swap3A_131] {strides = array<i32>} : memref<200x128xf32, #tpu.memory_space<vmem>>, vector<1x16xf32>,
        %swap3A_133 = vector.shape_cast %swap3A_132 : vector<1x16xf32> to vector<16xf32>
        %swap3A_134 = vector.shape_cast %select_n3A_129 : vector<16xf32> to vector<1x16xf32>
        tpu.vector_store %arg12[%swap3A_130, %swap3A_131], %swap3A_134 {strides = array<i32>} : memref<200x128xf32, #tpu.memory_space<vmem>>, vector<1x16xf32>,
        %mul3A_135 = arith.constant 2 : i32
        %mul3A_136 = arith.muli %scan3A_93, %mul3A_135 : i32
        %add3A_137 = arith.constant 1 : i32
        %add3A_138 = arith.addi %mul3A_136, %add3A_137 : i32
        %get3A_139 = arith.index_cast %add3A_138 : i32 to index
        %get3A_140 = arith.constant 0 : index
        %get3A_141 = tpu.vector_load %arg10[%get3A_139, %get3A_140] {strides = array<i32>} : memref<200x128xf32, #tpu.memory_space<vmem>>, vector<1x16xf32>,
        %get3A_142 = vector.shape_cast %get3A_141 : vector<1x16xf32> to vector<16xf32>
        %get3A_143 = arith.index_cast %add3A_138 : i32 to index
        %get3A_144 = arith.constant 0 : index
        %get3A_145 = tpu.vector_load %arg11[%get3A_143, %get3A_144] {strides = array<i32>} : memref<200x128xf32, #tpu.memory_space<vmem>>, vector<1x16xf32>,
        %get3A_146 = vector.shape_cast %get3A_145 : vector<1x16xf32> to vector<16xf32>
        %get3A_147 = arith.index_cast %add3A_138 : i32 to index
        %get3A_148 = arith.constant 32 : index
        %get3A_149 = tpu.vector_load %arg11[%get3A_147, %get3A_148] {strides = array<i32>} : memref<200x128xf32, #tpu.memory_space<vmem>>, vector<1x16xf32>,
        %get3A_150 = vector.shape_cast %get3A_149 : vector<1x16xf32> to vector<16xf32>
        %mul3A_151 = arith.mulf %get3A_142, %get3A_146 : vector<16xf32>
        %swap3A_152 = arith.constant 4 : i32
        %swap3A_153 = arith.index_cast %swap3A_152 : i32 to index
        %swap3A_154 = arith.constant 0 : index
        %swap3A_155 = tpu.vector_load %arg13[%swap3A_153, %swap3A_154] {strides = array<i32>} : memref<8x32xf32, #tpu.memory_space<vmem>>, vector<1x16xf32>,
        %swap3A_156 = vector.shape_cast %swap3A_155 : vector<1x16xf32> to vector<16xf32>
        %swap3A_157 = vector.shape_cast %mul3A_151 : vector<16xf32> to vector<1x16xf32>
        tpu.vector_store %arg13[%swap3A_153, %swap3A_154], %swap3A_157 {strides = array<i32>} : memref<8x32xf32, #tpu.memory_space<vmem>>, vector<1x16xf32>,
        %get3A_158 = arith.constant 4 : i32
        %get3A_159 = arith.index_cast %get3A_158 : i32 to index
        %get3A_160 = arith.constant 1 : index
        %get3A_161 = tpu.vector_load %arg13[%get3A_159, %get3A_160] {strides = array<i32>} : memref<8x32xf32, #tpu.memory_space<vmem>>, vector<1x16xf32>,
        %get3A_162 = vector.shape_cast %get3A_161 : vector<1x16xf32> to vector<16xf32>
        %add3A_163 = arith.addf %mul3A_151, %get3A_162 : vector<16xf32>
        %slice3A_164 = vector.extract_strided_slice %add3A_163 {offsets = [0], sizes = [1], strides = [1]} : vector<16xf32> to vector<1xf32>
        %squeeze3A_165 = vector.extract %slice3A_164[0] : f32 from vector<1xf32>
        %mul3A_166 = arith.constant 0.707106769 : f32
        %mul3A_167 = arith.mulf %squeeze3A_165, %mul3A_166 : f32
        %broadcast_in_dim3A_168 = vector.broadcast %mul3A_167 : f32 to vector<16xf32>
        %exp3A_169 = math.exp %broadcast_in_dim3A_168 : vector<16xf32>
        %lt3A_170 = arith.constant 2 : i32
        %lt3A_171 = vector.broadcast %lt3A_170 : i32 to vector<16xi32>
        %lt3A_172 = arith.cmpi slt, %iota3A, %lt3A_171 : vector<16xi32>
        %mul3A_173 = arith.mulf %get3A_150, %exp3A_169 : vector<16xf32>
        %eq3A_174 = arith.constant 2 : i32
        %eq3A_175 = vector.broadcast %eq3A_174 : i32 to vector<16xi32>
        %eq3A_176 = arith.cmpi eq, %iota3A, %eq3A_175 : vector<16xi32>
        %select_n3A_177 = arith.select %eq3A_176, %exp3A_169, %broadcast_in_dim3A_0 : vector<16xi1>, vector<16xf32>
        %select_n3A_178 = arith.select %lt3A_172, %mul3A_173, %select_n3A_177 : vector<16xi1>, vector<16xf32>
        %swap3A_179 = arith.index_cast %add3A_138 : i32 to index
        %swap3A_180 = arith.constant 0 : index
        %swap3A_181 = tpu.vector_load %arg12[%swap3A_179, %swap3A_180] {strides = array<i32>} : memref<200x128xf32, #tpu.memory_space<vmem>>, vector<1x16xf32>,
        %swap3A_182 = vector.shape_cast %swap3A_181 : vector<1x16xf32> to vector<16xf32>
        %swap3A_183 = vector.shape_cast %select_n3A_178 : vector<16xf32> to vector<1x16xf32>
        tpu.vector_store %arg12[%swap3A_179, %swap3A_180], %swap3A_183 {strides = array<i32>} : memref<200x128xf32, #tpu.memory_space<vmem>>, vector<1x16xf32>,
        %scan3A_184 = arith.constant 0 : i32
        scf.yield %scan3A_184 : i32
      }
      %scan3A_91 = arith.constant 100 : i32
      "tpu.region"() ({
        %run_scoped3A = tpu.sem_alloc : memref<!tpu.dma_semaphore, #tpu.memory_space<semaphore_mem>>
        %dma_start3A_93 = arith.constant 0 : i32
        %dma_start3A_94 = arith.constant 0 : i32
        %dma_start3A_95 = tpu.memref_slice %arg14[%dma_start3A_93, %dma_start3A_94] : memref<5248x128xf32, #tpu.memory_space<vmem_shared>> -> memref<5248x128xf32, #tpu.memory_space<vmem_shared>>
        tpu.enqueue_indirect_dma source(%arg12 : memref<200x128xf32, #tpu.memory_space<vmem>>) target(%dma_start3A_95 : memref<5248x128xf32, #tpu.memory_space<vmem_shared>>) offsets(%arg9 : memref<200xi32, #tpu.memory_space<vmem>>) semaphore(%run_scoped3A : memref<!tpu.dma_semaphore, #tpu.memory_space<semaphore_mem>>) {add = true}
        %dma_wait3A_96 = arith.constant 0 : i32
        %dma_wait3A_97 = arith.constant 0 : i32
        %dma_wait3A_98 = tpu.memref_slice %arg14[%dma_wait3A_96, %dma_wait3A_97] : memref<5248x128xf32, #tpu.memory_space<vmem_shared>> -> memref<5248x128xf32, #tpu.memory_space<vmem_shared>>
        tpu.wait_indirect_dma semaphore(%run_scoped3A : memref<!tpu.dma_semaphore, #tpu.memory_space<semaphore_mem>>) src(%arg12 : memref<200x128xf32, #tpu.memory_space<vmem>>) dst(%dma_wait3A_98 : memref<5248x128xf32, #tpu.memory_space<vmem_shared>>)
        tpu.yield
      }) : () -> ()
      %scan3A_92 = arith.constant 0 : i32
      scf.yield %scan3A_92 : i32
    }
    %scan3A_54 = arith.constant 100 : i32
    %barrier3A_55 = arith.constant 0 : index
    tpu.barrier barrier_id(%barrier3A_55)
    %mul3A_56 = arith.constant 328 : i32
    %mul3A_57 = arith.muli %arg1, %mul3A_56 : i32
    %mul3A_58 = arith.constant 5248 : i32
    %mul3A_59 = arith.muli %arg0, %mul3A_58 : i32
    %mul3A_60 = arith.constant 328 : i32
    %mul3A_61 = arith.muli %arg1, %mul3A_60 : i32
    %add3A_62 = arith.addi %mul3A_59, %mul3A_61 : i32
    "tpu.region"() ({
      %run_scoped3A = tpu.sem_alloc : memref<!tpu.dma_semaphore, #tpu.memory_space<semaphore_mem>>
      %dma_start3A = arith.constant 0 : i32
      %dma_start3A_63 = tpu.memref_slice %arg6[%add3A_62, %dma_start3A] : memref<10496x128xf32, #tpu.memory_space<hbm>> -> memref<328x128xf32, #tpu.memory_space<hbm>>
      %dma_start3A_64 = arith.constant 0 : i32
      %dma_start3A_65 = tpu.memref_slice %arg14[%mul3A_57, %dma_start3A_64] : memref<5248x128xf32, #tpu.memory_space<vmem_shared>> -> memref<328x128xf32, #tpu.memory_space<vmem_shared>>
      tpu.enqueue_dma source(%dma_start3A_65 : memref<328x128xf32, #tpu.memory_space<vmem_shared>>) target(%dma_start3A_63 : memref<328x128xf32, #tpu.memory_space<hbm>>) target_semaphore(%run_scoped3A : memref<!tpu.dma_semaphore, #tpu.memory_space<semaphore_mem>>)
      %dma_wait3A = arith.constant 0 : i32
      %dma_wait3A_66 = tpu.memref_slice %arg6[%add3A_62, %dma_wait3A] : memref<10496x128xf32, #tpu.memory_space<hbm>> -> memref<328x128xf32, #tpu.memory_space<hbm>>
      %dma_wait3A_67 = arith.constant 0 : i32
      %dma_wait3A_68 = tpu.memref_slice %arg14[%mul3A_57, %dma_wait3A_67] : memref<5248x128xf32, #tpu.memory_space<vmem_shared>> -> memref<328x128xf32, #tpu.memory_space<vmem_shared>>
      tpu.wait_dma2 semaphore(%run_scoped3A : memref<!tpu.dma_semaphore, #tpu.memory_space<semaphore_mem>>) src(%dma_wait3A_68 : memref<328x128xf32, #tpu.memory_space<vmem_shared>>) dst(%dma_wait3A_66 : memref<328x128xf32, #tpu.memory_space<hbm>>)
      tpu.yield
    }) : () -> ()
    return
  }
}

module attributes {stable_mosaic.version = 14 : i64} {
  func.func @_proj_body(%arg0: i32, %arg1: memref<1000x128xf32, #tpu.memory_space<vmem>>, %arg2: memref<128x32xf32, #tpu.memory_space<vmem>>, %arg3: memref<1x32xf32, #tpu.memory_space<vmem>>, %arg4: memref<1000x32xf32, #tpu.memory_space<vmem>>) attributes {dimension_semantics = [#tpu.dimension_semantics<arbitrary>], iteration_bounds = array<i64: 10>, scalar_prefetch = 0 : i64, scratch_operands = 0 : i64, tpu.core_type = #tpu.core_type<tc>, window_params = [{transform_indices = @transform_0, window_bounds = array<i64: 1000, 128>}, {pipeline_mode = #tpu.pipeline_mode<synchronous>, transform_indices = @transform_1, window_bounds = array<i64: 128, 32>}, {pipeline_mode = #tpu.pipeline_mode<synchronous>, transform_indices = @transform_2, window_bounds = array<i64: 1, 32>}, {transform_indices = @transform_3, window_bounds = array<i64: 1000, 32>}]} {
    %get3A = arith.constant 0 : index
    %get3A_0 = arith.constant 0 : index
    %get3A_1 = vector.load %arg1[%get3A, %get3A_0] : memref<1000x128xf32, #tpu.memory_space<vmem>>, vector<1000x128xf32>
    %get3A_2 = arith.constant 0 : index
    %get3A_3 = arith.constant 0 : index
    %get3A_4 = vector.load %arg2[%get3A_2, %get3A_3] : memref<128x32xf32, #tpu.memory_space<vmem>>, vector<128x32xf32>
    %get3A_5 = arith.constant 0 : index
    %get3A_6 = arith.constant 0 : index
    %get3A_7 = vector.load %arg3[%get3A_5, %get3A_6] : memref<1x32xf32, #tpu.memory_space<vmem>>, vector<1x32xf32>
    %dot_general3A = arith.constant dense<0.000000e+00> : vector<1000x32xf32>
    %dot_general3A_8 = tpu.matmul %get3A_1, %get3A_4, %dot_general3A {dimension_numbers = #tpu.dot_dimension_numbers<[1], [0], [0], [1], [0, 0, 1, 1], [], []>, precision = #tpu.contract_precision<fp32>, transpose_lhs_hint = false} : vector<1000x128xf32>, vector<128x32xf32>, vector<1000x32xf32> -> vector<1000x32xf32>
    %add3A = vector.broadcast %get3A_7 : vector<1x32xf32> to vector<1000x32xf32>
    %add3A_9 = arith.addf %dot_general3A_8, %add3A : vector<1000x32xf32>
    %swap3A = arith.constant 0 : index
    %swap3A_10 = arith.constant 0 : index
    %swap3A_11 = vector.load %arg4[%swap3A, %swap3A_10] : memref<1000x32xf32, #tpu.memory_space<vmem>>, vector<1000x32xf32>
    tpu.vector_store %arg4[%swap3A, %swap3A_10], %add3A_9 {strides = array<i32>} : memref<1000x32xf32, #tpu.memory_space<vmem>>, vector<1000x32xf32>,
    return
  }
  func.func @transform_0(%arg0: i32) -> (i32, i32) {
    %c0_i32 = arith.constant 0 : i32
    %c0_i32_0 = arith.constant 0 : i32
    return %arg0, %c0_i32 : i32, i32
  }
  func.func @transform_1(%arg0: i32) -> (i32, i32) {
    %c0_i32 = arith.constant 0 : i32
    %c0_i32_0 = arith.constant 0 : i32
    %c0_i32_1 = arith.constant 0 : i32
    return %c0_i32, %c0_i32_0 : i32, i32
  }
  func.func @transform_2(%arg0: i32) -> (i32, i32) {
    %c0_i32 = arith.constant 0 : i32
    %c0_i32_0 = arith.constant 0 : i32
    %c0_i32_1 = arith.constant 0 : i32
    return %c0_i32, %c0_i32_0 : i32, i32
  }
  func.func @transform_3(%arg0: i32) -> (i32, i32) {
    %c0_i32 = arith.constant 0 : i32
    %c0_i32_0 = arith.constant 0 : i32
    return %arg0, %c0_i32 : i32, i32
  }
}

module attributes {stable_mosaic.version = 14 : i64} {
  func.func @_combine_bn_body(%arg0: memref<10496x128xf32, #tpu.memory_space<vmem>>, %arg1: memref<10000x32xf32, #tpu.memory_space<vmem>>, %arg2: memref<1x32xf32, #tpu.memory_space<vmem>>, %arg3: memref<1x32xf32, #tpu.memory_space<vmem>>, %arg4: memref<10000x32xf32, #tpu.memory_space<vmem>>) attributes {dimension_semantics = [], scalar_prefetch = 0 : i64, scratch_operands = 0 : i64, tpu.core_type = #tpu.core_type<tc>} {
    %get3A = arith.constant 0 : index
    %get3A_0 = arith.constant 0 : index
    %get3A_1 = vector.load %arg0[%get3A, %get3A_0] : memref<10496x128xf32, #tpu.memory_space<vmem>>, vector<10496x128xf32>
    %slice3A = vector.extract_strided_slice %get3A_1 {offsets = [0, 0], sizes = [5120, 128], strides = [1, 1]} : vector<10496x128xf32> to vector<5120x128xf32>
    %slice3A_2 = vector.extract_strided_slice %get3A_1 {offsets = [5248, 0], sizes = [4880, 128], strides = [1, 1]} : vector<10496x128xf32> to vector<4880x128xf32>
    %concatenate3A = tpu.concatenate %slice3A, %slice3A_2 in 0 : vector<5120x128xf32>, vector<4880x128xf32> -> vector<10000x128xf32>
    %slice3A_3 = vector.extract_strided_slice %concatenate3A {offsets = [0, 0], sizes = [10000, 32], strides = [1, 1]} : vector<10000x128xf32> to vector<10000x32xf32>
    %slice3A_4 = vector.extract_strided_slice %concatenate3A {offsets = [0, 32], sizes = [10000, 4], strides = [1, 1]} : vector<10000x128xf32> to vector<10000x4xf32>
    %slice3A_5 = vector.extract_strided_slice %slice3A_4 {offsets = [0, 0], sizes = [10000, 1], strides = [1, 1]} : vector<10000x4xf32> to vector<10000x1xf32>
    %broadcast_in_dim3A = vector.shape_cast %slice3A_5 : vector<10000x1xf32> to vector<10000x1xf32>
    %broadcast_in_dim3A_6 = vector.broadcast %broadcast_in_dim3A : vector<10000x1xf32> to vector<10000x8xf32>
    %slice3A_7 = vector.extract_strided_slice %slice3A_4 {offsets = [0, 1], sizes = [10000, 1], strides = [1, 1]} : vector<10000x4xf32> to vector<10000x1xf32>
    %broadcast_in_dim3A_8 = vector.shape_cast %slice3A_7 : vector<10000x1xf32> to vector<10000x1xf32>
    %broadcast_in_dim3A_9 = vector.broadcast %broadcast_in_dim3A_8 : vector<10000x1xf32> to vector<10000x8xf32>
    %slice3A_10 = vector.extract_strided_slice %slice3A_4 {offsets = [0, 2], sizes = [10000, 1], strides = [1, 1]} : vector<10000x4xf32> to vector<10000x1xf32>
    %broadcast_in_dim3A_11 = vector.shape_cast %slice3A_10 : vector<10000x1xf32> to vector<10000x1xf32>
    %broadcast_in_dim3A_12 = vector.broadcast %broadcast_in_dim3A_11 : vector<10000x1xf32> to vector<10000x8xf32>
    %slice3A_13 = vector.extract_strided_slice %slice3A_4 {offsets = [0, 3], sizes = [10000, 1], strides = [1, 1]} : vector<10000x4xf32> to vector<10000x1xf32>
    %broadcast_in_dim3A_14 = vector.shape_cast %slice3A_13 : vector<10000x1xf32> to vector<10000x1xf32>
    %broadcast_in_dim3A_15 = vector.broadcast %broadcast_in_dim3A_14 : vector<10000x1xf32> to vector<10000x8xf32>
    %concatenate3A_16 = tpu.concatenate %broadcast_in_dim3A_6, %broadcast_in_dim3A_9, %broadcast_in_dim3A_12, %broadcast_in_dim3A_15 in 1 : vector<10000x8xf32>, vector<10000x8xf32>, vector<10000x8xf32>, vector<10000x8xf32> -> vector<10000x32xf32>
    %add3A = arith.constant 1.000000e-16 : f32
    %add3A_17 = vector.broadcast %add3A : f32 to vector<10000x32xf32>
    %add3A_18 = arith.addf %concatenate3A_16, %add3A_17 : vector<10000x32xf32>
    %div3A = arith.divf %slice3A_3, %add3A_18 : vector<10000x32xf32>
    %get3A_19 = arith.constant 0 : index
    %get3A_20 = arith.constant 0 : index
    %get3A_21 = vector.load %arg1[%get3A_19, %get3A_20] : memref<10000x32xf32, #tpu.memory_space<vmem>>, vector<10000x32xf32>
    %add3A_22 = arith.addf %div3A, %get3A_21 : vector<10000x32xf32>
    %reduce_sum3A = arith.constant dense<0.000000e+00> : vector<32xf32>
    %reduce_sum3A_23 = vector.multi_reduction <add>, %add3A_22, %reduce_sum3A [0] : vector<10000x32xf32> to vector<32xf32>
    %broadcast_in_dim3A_24 = vector.shape_cast %reduce_sum3A_23 : vector<32xf32> to vector<1x32xf32>
    %div3A_25 = arith.constant 1.000000e+04 : f32
    %div3A_26 = vector.broadcast %div3A_25 : f32 to vector<1x32xf32>
    %div3A_27 = arith.divf %broadcast_in_dim3A_24, %div3A_26 : vector<1x32xf32>
    %sub3A = vector.broadcast %div3A_27 : vector<1x32xf32> to vector<10000x32xf32>
    %sub3A_28 = arith.subf %add3A_22, %sub3A : vector<10000x32xf32>
    %integer_pow3A = arith.mulf %sub3A_28, %sub3A_28 : vector<10000x32xf32>
    %reduce_sum3A_29 = arith.constant dense<0.000000e+00> : vector<32xf32>
    %reduce_sum3A_30 = vector.multi_reduction <add>, %integer_pow3A, %reduce_sum3A_29 [0] : vector<10000x32xf32> to vector<32xf32>
    %broadcast_in_dim3A_31 = vector.shape_cast %reduce_sum3A_30 : vector<32xf32> to vector<1x32xf32>
    %div3A_32 = arith.constant 1.000000e+04 : f32
    %div3A_33 = vector.broadcast %div3A_32 : f32 to vector<1x32xf32>
    %div3A_34 = arith.divf %broadcast_in_dim3A_31, %div3A_33 : vector<1x32xf32>
    %sub3A_35 = vector.broadcast %div3A_27 : vector<1x32xf32> to vector<10000x32xf32>
    %sub3A_36 = arith.subf %add3A_22, %sub3A_35 : vector<10000x32xf32>
    %add3A_37 = arith.constant 9.99999974E-6 : f32
    %add3A_38 = vector.broadcast %add3A_37 : f32 to vector<1x32xf32>
    %add3A_39 = arith.addf %div3A_34, %add3A_38 : vector<1x32xf32>
    %rsqrt3A = math.rsqrt %add3A_39 : vector<1x32xf32>
    %mul3A = vector.broadcast %rsqrt3A : vector<1x32xf32> to vector<10000x32xf32>
    %mul3A_40 = arith.mulf %sub3A_36, %mul3A : vector<10000x32xf32>
    %get3A_41 = arith.constant 0 : index
    %get3A_42 = arith.constant 0 : index
    %get3A_43 = vector.load %arg2[%get3A_41, %get3A_42] : memref<1x32xf32, #tpu.memory_space<vmem>>, vector<1x32xf32>
    %mul3A_44 = vector.broadcast %get3A_43 : vector<1x32xf32> to vector<10000x32xf32>
    %mul3A_45 = arith.mulf %mul3A_40, %mul3A_44 : vector<10000x32xf32>
    %get3A_46 = arith.constant 0 : index
    %get3A_47 = arith.constant 0 : index
    %get3A_48 = vector.load %arg3[%get3A_46, %get3A_47] : memref<1x32xf32, #tpu.memory_space<vmem>>, vector<1x32xf32>
    %add3A_49 = vector.broadcast %get3A_48 : vector<1x32xf32> to vector<10000x32xf32>
    %add3A_50 = arith.addf %mul3A_45, %add3A_49 : vector<10000x32xf32>
    %max3A = arith.constant 0.000000e+00 : f32
    %max3A_51 = vector.broadcast %max3A : f32 to vector<10000x32xf32>
    %max3A_52 = arith.maximumf %add3A_50, %max3A_51 : vector<10000x32xf32>
    %swap3A = arith.constant 0 : index
    %swap3A_53 = arith.constant 0 : index
    %swap3A_54 = vector.load %arg4[%swap3A, %swap3A_53] : memref<10000x32xf32, #tpu.memory_space<vmem>>, vector<10000x32xf32>
    tpu.vector_store %arg4[%swap3A, %swap3A_53], %max3A_52 {strides = array<i32>} : memref<10000x32xf32, #tpu.memory_space<vmem>>, vector<10000x32xf32>,
    return
  }
}

module attributes {stable_mosaic.version = 14 : i64} {
  func.func @_proj_body(%arg0: i32, %arg1: memref<1000x32xf32, #tpu.memory_space<vmem>>, %arg2: memref<32x32xf32, #tpu.memory_space<vmem>>, %arg3: memref<32x32xf32, #tpu.memory_space<vmem>>, %arg4: memref<32x32xf32, #tpu.memory_space<vmem>>, %arg5: memref<32x32xf32, #tpu.memory_space<vmem>>, %arg6: memref<1x32xf32, #tpu.memory_space<vmem>>, %arg7: memref<1x32xf32, #tpu.memory_space<vmem>>, %arg8: memref<1x32xf32, #tpu.memory_space<vmem>>, %arg9: memref<1x32xf32, #tpu.memory_space<vmem>>, %arg10: memref<1000x128xf32, #tpu.memory_space<vmem>>, %arg11: memref<1000x128xf32, #tpu.memory_space<vmem>>, %arg12: memref<1000x32xf32, #tpu.memory_space<vmem>>) attributes {dimension_semantics = [#tpu.dimension_semantics<arbitrary>], iteration_bounds = array<i64: 10>, scalar_prefetch = 0 : i64, scratch_operands = 0 : i64, tpu.core_type = #tpu.core_type<tc>, window_params = [{transform_indices = @transform_0, window_bounds = array<i64: 1000, 32>}, {pipeline_mode = #tpu.pipeline_mode<synchronous>, transform_indices = @transform_1, window_bounds = array<i64: 32, 32>}, {pipeline_mode = #tpu.pipeline_mode<synchronous>, transform_indices = @transform_2, window_bounds = array<i64: 32, 32>}, {pipeline_mode = #tpu.pipeline_mode<synchronous>, transform_indices = @transform_3, window_bounds = array<i64: 32, 32>}, {pipeline_mode = #tpu.pipeline_mode<synchronous>, transform_indices = @transform_4, window_bounds = array<i64: 32, 32>}, {pipeline_mode = #tpu.pipeline_mode<synchronous>, transform_indices = @transform_5, window_bounds = array<i64: 1, 32>}, {pipeline_mode = #tpu.pipeline_mode<synchronous>, transform_indices = @transform_6, window_bounds = array<i64: 1, 32>}, {pipeline_mode = #tpu.pipeline_mode<synchronous>, transform_indices = @transform_7, window_bounds = array<i64: 1, 32>}, {pipeline_mode = #tpu.pipeline_mode<synchronous>, transform_indices = @transform_8, window_bounds = array<i64: 1, 32>}, {transform_indices = @transform_9, window_bounds = array<i64: 1000, 128>}, {transform_indices = @transform_10, window_bounds = array<i64: 1000, 128>}, {transform_indices = @transform_11, window_bounds = array<i64: 1000, 32>}]} {
    %get3A = arith.constant 0 : index
    %get3A_0 = arith.constant 0 : index
    %get3A_1 = vector.load %arg1[%get3A, %get3A_0] : memref<1000x32xf32, #tpu.memory_space<vmem>>, vector<1000x32xf32>
    %get3A_2 = arith.constant 0 : index
    %get3A_3 = arith.constant 0 : index
    %get3A_4 = vector.load %arg2[%get3A_2, %get3A_3] : memref<32x32xf32, #tpu.memory_space<vmem>>, vector<32x32xf32>
    %get3A_5 = arith.constant 0 : index
    %get3A_6 = arith.constant 0 : index
    %get3A_7 = vector.load %arg6[%get3A_5, %get3A_6] : memref<1x32xf32, #tpu.memory_space<vmem>>, vector<1x32xf32>
    %dot_general3A = arith.constant dense<0.000000e+00> : vector<1000x32xf32>
    %dot_general3A_8 = tpu.matmul %get3A_1, %get3A_4, %dot_general3A {dimension_numbers = #tpu.dot_dimension_numbers<[1], [0], [0], [1], [0, 0, 1, 1], [], []>, precision = #tpu.contract_precision<fp32>, transpose_lhs_hint = false} : vector<1000x32xf32>, vector<32x32xf32>, vector<1000x32xf32> -> vector<1000x32xf32>
    %add3A = vector.broadcast %get3A_7 : vector<1x32xf32> to vector<1000x32xf32>
    %add3A_9 = arith.addf %dot_general3A_8, %add3A : vector<1000x32xf32>
    %get3A_10 = arith.constant 0 : index
    %get3A_11 = arith.constant 0 : index
    %get3A_12 = vector.load %arg3[%get3A_10, %get3A_11] : memref<32x32xf32, #tpu.memory_space<vmem>>, vector<32x32xf32>
    %get3A_13 = arith.constant 0 : index
    %get3A_14 = arith.constant 0 : index
    %get3A_15 = vector.load %arg7[%get3A_13, %get3A_14] : memref<1x32xf32, #tpu.memory_space<vmem>>, vector<1x32xf32>
    %dot_general3A_16 = arith.constant dense<0.000000e+00> : vector<1000x32xf32>
    %dot_general3A_17 = tpu.matmul %get3A_1, %get3A_12, %dot_general3A_16 {dimension_numbers = #tpu.dot_dimension_numbers<[1], [0], [0], [1], [0, 0, 1, 1], [], []>, precision = #tpu.contract_precision<fp32>, transpose_lhs_hint = false} : vector<1000x32xf32>, vector<32x32xf32>, vector<1000x32xf32> -> vector<1000x32xf32>
    %add3A_18 = vector.broadcast %get3A_15 : vector<1x32xf32> to vector<1000x32xf32>
    %add3A_19 = arith.addf %dot_general3A_17, %add3A_18 : vector<1000x32xf32>
    %get3A_20 = arith.constant 0 : index
    %get3A_21 = arith.constant 0 : index
    %get3A_22 = vector.load %arg4[%get3A_20, %get3A_21] : memref<32x32xf32, #tpu.memory_space<vmem>>, vector<32x32xf32>
    %get3A_23 = arith.constant 0 : index
    %get3A_24 = arith.constant 0 : index
    %get3A_25 = vector.load %arg8[%get3A_23, %get3A_24] : memref<1x32xf32, #tpu.memory_space<vmem>>, vector<1x32xf32>
    %dot_general3A_26 = arith.constant dense<0.000000e+00> : vector<1000x32xf32>
    %dot_general3A_27 = tpu.matmul %get3A_1, %get3A_22, %dot_general3A_26 {dimension_numbers = #tpu.dot_dimension_numbers<[1], [0], [0], [1], [0, 0, 1, 1], [], []>, precision = #tpu.contract_precision<fp32>, transpose_lhs_hint = false} : vector<1000x32xf32>, vector<32x32xf32>, vector<1000x32xf32> -> vector<1000x32xf32>
    %add3A_28 = vector.broadcast %get3A_25 : vector<1x32xf32> to vector<1000x32xf32>
    %add3A_29 = arith.addf %dot_general3A_27, %add3A_28 : vector<1000x32xf32>
    %get3A_30 = arith.constant 0 : index
    %get3A_31 = arith.constant 0 : index
    %get3A_32 = vector.load %arg5[%get3A_30, %get3A_31] : memref<32x32xf32, #tpu.memory_space<vmem>>, vector<32x32xf32>
    %get3A_33 = arith.constant 0 : index
    %get3A_34 = arith.constant 0 : index
    %get3A_35 = vector.load %arg9[%get3A_33, %get3A_34] : memref<1x32xf32, #tpu.memory_space<vmem>>, vector<1x32xf32>
    %dot_general3A_36 = arith.constant dense<0.000000e+00> : vector<1000x32xf32>
    %dot_general3A_37 = tpu.matmul %get3A_1, %get3A_32, %dot_general3A_36 {dimension_numbers = #tpu.dot_dimension_numbers<[1], [0], [0], [1], [0, 0, 1, 1], [], []>, precision = #tpu.contract_precision<fp32>, transpose_lhs_hint = false} : vector<1000x32xf32>, vector<32x32xf32>, vector<1000x32xf32> -> vector<1000x32xf32>
    %add3A_38 = vector.broadcast %get3A_35 : vector<1x32xf32> to vector<1000x32xf32>
    %add3A_39 = arith.addf %dot_general3A_37, %add3A_38 : vector<1000x32xf32>
    %broadcast_in_dim3A = arith.constant 0.000000e+00 : f32
    %broadcast_in_dim3A_40 = vector.broadcast %broadcast_in_dim3A : f32 to vector<1000x96xf32>
    %concatenate3A = tpu.concatenate %add3A_9, %broadcast_in_dim3A_40 in 1 : vector<1000x32xf32>, vector<1000x96xf32> -> vector<1000x128xf32>
    %swap3A = arith.constant 0 : index
    %swap3A_41 = arith.constant 0 : index
    %swap3A_42 = vector.load %arg10[%swap3A, %swap3A_41] : memref<1000x128xf32, #tpu.memory_space<vmem>>, vector<1000x128xf32>
    tpu.vector_store %arg10[%swap3A, %swap3A_41], %concatenate3A {strides = array<i32>} : memref<1000x128xf32, #tpu.memory_space<vmem>>, vector<1000x128xf32>,
    %broadcast_in_dim3A_43 = arith.constant 0.000000e+00 : f32
    %broadcast_in_dim3A_44 = vector.broadcast %broadcast_in_dim3A_43 : f32 to vector<1000x64xf32>
    %concatenate3A_45 = tpu.concatenate %add3A_19, %add3A_29, %broadcast_in_dim3A_44 in 1 : vector<1000x32xf32>, vector<1000x32xf32>, vector<1000x64xf32> -> vector<1000x128xf32>
    %swap3A_46 = arith.constant 0 : index
    %swap3A_47 = arith.constant 0 : index
    %swap3A_48 = vector.load %arg11[%swap3A_46, %swap3A_47] : memref<1000x128xf32, #tpu.memory_space<vmem>>, vector<1000x128xf32>
    tpu.vector_store %arg11[%swap3A_46, %swap3A_47], %concatenate3A_45 {strides = array<i32>} : memref<1000x128xf32, #tpu.memory_space<vmem>>, vector<1000x128xf32>,
    %swap3A_49 = arith.constant 0 : index
    %swap3A_50 = arith.constant 0 : index
    %swap3A_51 = vector.load %arg12[%swap3A_49, %swap3A_50] : memref<1000x32xf32, #tpu.memory_space<vmem>>, vector<1000x32xf32>
    tpu.vector_store %arg12[%swap3A_49, %swap3A_50], %add3A_39 {strides = array<i32>} : memref<1000x32xf32, #tpu.memory_space<vmem>>, vector<1000x32xf32>,
    return
  }
  func.func @transform_0(%arg0: i32) -> (i32, i32) {
    %c0_i32 = arith.constant 0 : i32
    %c0_i32_0 = arith.constant 0 : i32
    return %arg0, %c0_i32 : i32, i32
  }
  func.func @transform_1(%arg0: i32) -> (i32, i32) {
    %c0_i32 = arith.constant 0 : i32
    %c0_i32_0 = arith.constant 0 : i32
    %c0_i32_1 = arith.constant 0 : i32
    return %c0_i32, %c0_i32_0 : i32, i32
  }
  func.func @transform_2(%arg0: i32) -> (i32, i32) {
    %c0_i32 = arith.constant 0 : i32
    %c0_i32_0 = arith.constant 0 : i32
    %c0_i32_1 = arith.constant 0 : i32
    return %c0_i32, %c0_i32_0 : i32, i32
  }
  func.func @transform_3(%arg0: i32) -> (i32, i32) {
    %c0_i32 = arith.constant 0 : i32
    %c0_i32_0 = arith.constant 0 : i32
    %c0_i32_1 = arith.constant 0 : i32
    return %c0_i32, %c0_i32_0 : i32, i32
  }
  func.func @transform_4(%arg0: i32) -> (i32, i32) {
    %c0_i32 = arith.constant 0 : i32
    %c0_i32_0 = arith.constant 0 : i32
    %c0_i32_1 = arith.constant 0 : i32
    return %c0_i32, %c0_i32_0 : i32, i32
  }
  func.func @transform_5(%arg0: i32) -> (i32, i32) {
    %c0_i32 = arith.constant 0 : i32
    %c0_i32_0 = arith.constant 0 : i32
    %c0_i32_1 = arith.constant 0 : i32
    return %c0_i32, %c0_i32_0 : i32, i32
  }
  func.func @transform_6(%arg0: i32) -> (i32, i32) {
    %c0_i32 = arith.constant 0 : i32
    %c0_i32_0 = arith.constant 0 : i32
    %c0_i32_1 = arith.constant 0 : i32
    return %c0_i32, %c0_i32_0 : i32, i32
  }
  func.func @transform_7(%arg0: i32) -> (i32, i32) {
    %c0_i32 = arith.constant 0 : i32
    %c0_i32_0 = arith.constant 0 : i32
    %c0_i32_1 = arith.constant 0 : i32
    return %c0_i32, %c0_i32_0 : i32, i32
  }
  func.func @transform_8(%arg0: i32) -> (i32, i32) {
    %c0_i32 = arith.constant 0 : i32
    %c0_i32_0 = arith.constant 0 : i32
    %c0_i32_1 = arith.constant 0 : i32
    return %c0_i32, %c0_i32_0 : i32, i32
  }
  func.func @transform_9(%arg0: i32) -> (i32, i32) {
    %c0_i32 = arith.constant 0 : i32
    %c0_i32_0 = arith.constant 0 : i32
    return %arg0, %c0_i32 : i32, i32
  }
  func.func @transform_10(%arg0: i32) -> (i32, i32) {
    %c0_i32 = arith.constant 0 : i32
    %c0_i32_0 = arith.constant 0 : i32
    return %arg0, %c0_i32 : i32, i32
  }
  func.func @transform_11(%arg0: i32) -> (i32, i32) {
    %c0_i32 = arith.constant 0 : i32
    %c0_i32_0 = arith.constant 0 : i32
    return %arg0, %c0_i32 : i32, i32
  }
}

module attributes {stable_mosaic.version = 14 : i64} {
  func.func @_combine_bn_body(%arg0: memref<10496x128xf32, #tpu.memory_space<vmem>>, %arg1: memref<10000x32xf32, #tpu.memory_space<vmem>>, %arg2: memref<1x32xf32, #tpu.memory_space<vmem>>, %arg3: memref<1x32xf32, #tpu.memory_space<vmem>>, %arg4: memref<10000x32xf32, #tpu.memory_space<vmem>>) attributes {dimension_semantics = [], scalar_prefetch = 0 : i64, scratch_operands = 0 : i64, tpu.core_type = #tpu.core_type<tc>} {
    %get3A = arith.constant 0 : index
    %get3A_0 = arith.constant 0 : index
    %get3A_1 = vector.load %arg0[%get3A, %get3A_0] : memref<10496x128xf32, #tpu.memory_space<vmem>>, vector<10496x128xf32>
    %slice3A = vector.extract_strided_slice %get3A_1 {offsets = [0, 0], sizes = [5120, 128], strides = [1, 1]} : vector<10496x128xf32> to vector<5120x128xf32>
    %slice3A_2 = vector.extract_strided_slice %get3A_1 {offsets = [5248, 0], sizes = [4880, 128], strides = [1, 1]} : vector<10496x128xf32> to vector<4880x128xf32>
    %concatenate3A = tpu.concatenate %slice3A, %slice3A_2 in 0 : vector<5120x128xf32>, vector<4880x128xf32> -> vector<10000x128xf32>
    %slice3A_3 = vector.extract_strided_slice %concatenate3A {offsets = [0, 0], sizes = [10000, 32], strides = [1, 1]} : vector<10000x128xf32> to vector<10000x32xf32>
    %slice3A_4 = vector.extract_strided_slice %concatenate3A {offsets = [0, 32], sizes = [10000, 1], strides = [1, 1]} : vector<10000x128xf32> to vector<10000x1xf32>
    %broadcast_in_dim3A = vector.shape_cast %slice3A_4 : vector<10000x1xf32> to vector<10000x1xf32>
    %broadcast_in_dim3A_5 = vector.broadcast %broadcast_in_dim3A : vector<10000x1xf32> to vector<10000x32xf32>
    %add3A = arith.constant 1.000000e-16 : f32
    %add3A_6 = vector.broadcast %add3A : f32 to vector<10000x32xf32>
    %add3A_7 = arith.addf %broadcast_in_dim3A_5, %add3A_6 : vector<10000x32xf32>
    %div3A = arith.divf %slice3A_3, %add3A_7 : vector<10000x32xf32>
    %get3A_8 = arith.constant 0 : index
    %get3A_9 = arith.constant 0 : index
    %get3A_10 = vector.load %arg1[%get3A_8, %get3A_9] : memref<10000x32xf32, #tpu.memory_space<vmem>>, vector<10000x32xf32>
    %add3A_11 = arith.addf %div3A, %get3A_10 : vector<10000x32xf32>
    %reduce_sum3A = arith.constant dense<0.000000e+00> : vector<32xf32>
    %reduce_sum3A_12 = vector.multi_reduction <add>, %add3A_11, %reduce_sum3A [0] : vector<10000x32xf32> to vector<32xf32>
    %broadcast_in_dim3A_13 = vector.shape_cast %reduce_sum3A_12 : vector<32xf32> to vector<1x32xf32>
    %div3A_14 = arith.constant 1.000000e+04 : f32
    %div3A_15 = vector.broadcast %div3A_14 : f32 to vector<1x32xf32>
    %div3A_16 = arith.divf %broadcast_in_dim3A_13, %div3A_15 : vector<1x32xf32>
    %sub3A = vector.broadcast %div3A_16 : vector<1x32xf32> to vector<10000x32xf32>
    %sub3A_17 = arith.subf %add3A_11, %sub3A : vector<10000x32xf32>
    %integer_pow3A = arith.mulf %sub3A_17, %sub3A_17 : vector<10000x32xf32>
    %reduce_sum3A_18 = arith.constant dense<0.000000e+00> : vector<32xf32>
    %reduce_sum3A_19 = vector.multi_reduction <add>, %integer_pow3A, %reduce_sum3A_18 [0] : vector<10000x32xf32> to vector<32xf32>
    %broadcast_in_dim3A_20 = vector.shape_cast %reduce_sum3A_19 : vector<32xf32> to vector<1x32xf32>
    %div3A_21 = arith.constant 1.000000e+04 : f32
    %div3A_22 = vector.broadcast %div3A_21 : f32 to vector<1x32xf32>
    %div3A_23 = arith.divf %broadcast_in_dim3A_20, %div3A_22 : vector<1x32xf32>
    %sub3A_24 = vector.broadcast %div3A_16 : vector<1x32xf32> to vector<10000x32xf32>
    %sub3A_25 = arith.subf %add3A_11, %sub3A_24 : vector<10000x32xf32>
    %add3A_26 = arith.constant 9.99999974E-6 : f32
    %add3A_27 = vector.broadcast %add3A_26 : f32 to vector<1x32xf32>
    %add3A_28 = arith.addf %div3A_23, %add3A_27 : vector<1x32xf32>
    %rsqrt3A = math.rsqrt %add3A_28 : vector<1x32xf32>
    %mul3A = vector.broadcast %rsqrt3A : vector<1x32xf32> to vector<10000x32xf32>
    %mul3A_29 = arith.mulf %sub3A_25, %mul3A : vector<10000x32xf32>
    %get3A_30 = arith.constant 0 : index
    %get3A_31 = arith.constant 0 : index
    %get3A_32 = vector.load %arg2[%get3A_30, %get3A_31] : memref<1x32xf32, #tpu.memory_space<vmem>>, vector<1x32xf32>
    %mul3A_33 = vector.broadcast %get3A_32 : vector<1x32xf32> to vector<10000x32xf32>
    %mul3A_34 = arith.mulf %mul3A_29, %mul3A_33 : vector<10000x32xf32>
    %get3A_35 = arith.constant 0 : index
    %get3A_36 = arith.constant 0 : index
    %get3A_37 = vector.load %arg3[%get3A_35, %get3A_36] : memref<1x32xf32, #tpu.memory_space<vmem>>, vector<1x32xf32>
    %add3A_38 = vector.broadcast %get3A_37 : vector<1x32xf32> to vector<10000x32xf32>
    %add3A_39 = arith.addf %mul3A_34, %add3A_38 : vector<10000x32xf32>
    %max3A = arith.constant 0.000000e+00 : f32
    %max3A_40 = vector.broadcast %max3A : f32 to vector<10000x32xf32>
    %max3A_41 = arith.maximumf %add3A_39, %max3A_40 : vector<10000x32xf32>
    %swap3A = arith.constant 0 : index
    %swap3A_42 = arith.constant 0 : index
    %swap3A_43 = vector.load %arg4[%swap3A, %swap3A_42] : memref<10000x32xf32, #tpu.memory_space<vmem>>, vector<10000x32xf32>
    tpu.vector_store %arg4[%swap3A, %swap3A_42], %max3A_41 {strides = array<i32>} : memref<10000x32xf32, #tpu.memory_space<vmem>>, vector<10000x32xf32>,
    return
  }
}

module attributes {stable_mosaic.version = 14 : i64} {
  func.func @_proj_body(%arg0: i32, %arg1: memref<1000x64xf32, #tpu.memory_space<vmem>>, %arg2: memref<64x32xf32, #tpu.memory_space<vmem>>, %arg3: memref<64x32xf32, #tpu.memory_space<vmem>>, %arg4: memref<64x32xf32, #tpu.memory_space<vmem>>, %arg5: memref<64x32xf32, #tpu.memory_space<vmem>>, %arg6: memref<1x32xf32, #tpu.memory_space<vmem>>, %arg7: memref<1x32xf32, #tpu.memory_space<vmem>>, %arg8: memref<1x32xf32, #tpu.memory_space<vmem>>, %arg9: memref<1x32xf32, #tpu.memory_space<vmem>>, %arg10: memref<1000x128xf32, #tpu.memory_space<vmem>>, %arg11: memref<1000x128xf32, #tpu.memory_space<vmem>>, %arg12: memref<1000x32xf32, #tpu.memory_space<vmem>>) attributes {dimension_semantics = [#tpu.dimension_semantics<arbitrary>], iteration_bounds = array<i64: 10>, scalar_prefetch = 0 : i64, scratch_operands = 0 : i64, tpu.core_type = #tpu.core_type<tc>, window_params = [{transform_indices = @transform_0, window_bounds = array<i64: 1000, 64>}, {pipeline_mode = #tpu.pipeline_mode<synchronous>, transform_indices = @transform_1, window_bounds = array<i64: 64, 32>}, {pipeline_mode = #tpu.pipeline_mode<synchronous>, transform_indices = @transform_2, window_bounds = array<i64: 64, 32>}, {pipeline_mode = #tpu.pipeline_mode<synchronous>, transform_indices = @transform_3, window_bounds = array<i64: 64, 32>}, {pipeline_mode = #tpu.pipeline_mode<synchronous>, transform_indices = @transform_4, window_bounds = array<i64: 64, 32>}, {pipeline_mode = #tpu.pipeline_mode<synchronous>, transform_indices = @transform_5, window_bounds = array<i64: 1, 32>}, {pipeline_mode = #tpu.pipeline_mode<synchronous>, transform_indices = @transform_6, window_bounds = array<i64: 1, 32>}, {pipeline_mode = #tpu.pipeline_mode<synchronous>, transform_indices = @transform_7, window_bounds = array<i64: 1, 32>}, {pipeline_mode = #tpu.pipeline_mode<synchronous>, transform_indices = @transform_8, window_bounds = array<i64: 1, 32>}, {transform_indices = @transform_9, window_bounds = array<i64: 1000, 128>}, {transform_indices = @transform_10, window_bounds = array<i64: 1000, 128>}, {transform_indices = @transform_11, window_bounds = array<i64: 1000, 32>}]} {
    %get3A = arith.constant 0 : index
    %get3A_0 = arith.constant 0 : index
    %get3A_1 = vector.load %arg1[%get3A, %get3A_0] : memref<1000x64xf32, #tpu.memory_space<vmem>>, vector<1000x64xf32>
    %get3A_2 = arith.constant 0 : index
    %get3A_3 = arith.constant 0 : index
    %get3A_4 = vector.load %arg2[%get3A_2, %get3A_3] : memref<64x32xf32, #tpu.memory_space<vmem>>, vector<64x32xf32>
    %get3A_5 = arith.constant 0 : index
    %get3A_6 = arith.constant 0 : index
    %get3A_7 = vector.load %arg6[%get3A_5, %get3A_6] : memref<1x32xf32, #tpu.memory_space<vmem>>, vector<1x32xf32>
    %dot_general3A = arith.constant dense<0.000000e+00> : vector<1000x32xf32>
    %dot_general3A_8 = tpu.matmul %get3A_1, %get3A_4, %dot_general3A {dimension_numbers = #tpu.dot_dimension_numbers<[1], [0], [0], [1], [0, 0, 1, 1], [], []>, precision = #tpu.contract_precision<fp32>, transpose_lhs_hint = false} : vector<1000x64xf32>, vector<64x32xf32>, vector<1000x32xf32> -> vector<1000x32xf32>
    %add3A = vector.broadcast %get3A_7 : vector<1x32xf32> to vector<1000x32xf32>
    %add3A_9 = arith.addf %dot_general3A_8, %add3A : vector<1000x32xf32>
    %get3A_10 = arith.constant 0 : index
    %get3A_11 = arith.constant 0 : index
    %get3A_12 = vector.load %arg3[%get3A_10, %get3A_11] : memref<64x32xf32, #tpu.memory_space<vmem>>, vector<64x32xf32>
    %get3A_13 = arith.constant 0 : index
    %get3A_14 = arith.constant 0 : index
    %get3A_15 = vector.load %arg7[%get3A_13, %get3A_14] : memref<1x32xf32, #tpu.memory_space<vmem>>, vector<1x32xf32>
    %dot_general3A_16 = arith.constant dense<0.000000e+00> : vector<1000x32xf32>
    %dot_general3A_17 = tpu.matmul %get3A_1, %get3A_12, %dot_general3A_16 {dimension_numbers = #tpu.dot_dimension_numbers<[1], [0], [0], [1], [0, 0, 1, 1], [], []>, precision = #tpu.contract_precision<fp32>, transpose_lhs_hint = false} : vector<1000x64xf32>, vector<64x32xf32>, vector<1000x32xf32> -> vector<1000x32xf32>
    %add3A_18 = vector.broadcast %get3A_15 : vector<1x32xf32> to vector<1000x32xf32>
    %add3A_19 = arith.addf %dot_general3A_17, %add3A_18 : vector<1000x32xf32>
    %get3A_20 = arith.constant 0 : index
    %get3A_21 = arith.constant 0 : index
    %get3A_22 = vector.load %arg4[%get3A_20, %get3A_21] : memref<64x32xf32, #tpu.memory_space<vmem>>, vector<64x32xf32>
    %get3A_23 = arith.constant 0 : index
    %get3A_24 = arith.constant 0 : index
    %get3A_25 = vector.load %arg8[%get3A_23, %get3A_24] : memref<1x32xf32, #tpu.memory_space<vmem>>, vector<1x32xf32>
    %dot_general3A_26 = arith.constant dense<0.000000e+00> : vector<1000x32xf32>
    %dot_general3A_27 = tpu.matmul %get3A_1, %get3A_22, %dot_general3A_26 {dimension_numbers = #tpu.dot_dimension_numbers<[1], [0], [0], [1], [0, 0, 1, 1], [], []>, precision = #tpu.contract_precision<fp32>, transpose_lhs_hint = false} : vector<1000x64xf32>, vector<64x32xf32>, vector<1000x32xf32> -> vector<1000x32xf32>
    %add3A_28 = vector.broadcast %get3A_25 : vector<1x32xf32> to vector<1000x32xf32>
    %add3A_29 = arith.addf %dot_general3A_27, %add3A_28 : vector<1000x32xf32>
    %get3A_30 = arith.constant 0 : index
    %get3A_31 = arith.constant 0 : index
    %get3A_32 = vector.load %arg5[%get3A_30, %get3A_31] : memref<64x32xf32, #tpu.memory_space<vmem>>, vector<64x32xf32>
    %get3A_33 = arith.constant 0 : index
    %get3A_34 = arith.constant 0 : index
    %get3A_35 = vector.load %arg9[%get3A_33, %get3A_34] : memref<1x32xf32, #tpu.memory_space<vmem>>, vector<1x32xf32>
    %dot_general3A_36 = arith.constant dense<0.000000e+00> : vector<1000x32xf32>
    %dot_general3A_37 = tpu.matmul %get3A_1, %get3A_32, %dot_general3A_36 {dimension_numbers = #tpu.dot_dimension_numbers<[1], [0], [0], [1], [0, 0, 1, 1], [], []>, precision = #tpu.contract_precision<fp32>, transpose_lhs_hint = false} : vector<1000x64xf32>, vector<64x32xf32>, vector<1000x32xf32> -> vector<1000x32xf32>
    %add3A_38 = vector.broadcast %get3A_35 : vector<1x32xf32> to vector<1000x32xf32>
    %add3A_39 = arith.addf %dot_general3A_37, %add3A_38 : vector<1000x32xf32>
    %broadcast_in_dim3A = arith.constant 0.000000e+00 : f32
    %broadcast_in_dim3A_40 = vector.broadcast %broadcast_in_dim3A : f32 to vector<1000x96xf32>
    %concatenate3A = tpu.concatenate %add3A_9, %broadcast_in_dim3A_40 in 1 : vector<1000x32xf32>, vector<1000x96xf32> -> vector<1000x128xf32>
    %swap3A = arith.constant 0 : index
    %swap3A_41 = arith.constant 0 : index
    %swap3A_42 = vector.load %arg10[%swap3A, %swap3A_41] : memref<1000x128xf32, #tpu.memory_space<vmem>>, vector<1000x128xf32>
    tpu.vector_store %arg10[%swap3A, %swap3A_41], %concatenate3A {strides = array<i32>} : memref<1000x128xf32, #tpu.memory_space<vmem>>, vector<1000x128xf32>,
    %broadcast_in_dim3A_43 = arith.constant 0.000000e+00 : f32
    %broadcast_in_dim3A_44 = vector.broadcast %broadcast_in_dim3A_43 : f32 to vector<1000x64xf32>
    %concatenate3A_45 = tpu.concatenate %add3A_19, %add3A_29, %broadcast_in_dim3A_44 in 1 : vector<1000x32xf32>, vector<1000x32xf32>, vector<1000x64xf32> -> vector<1000x128xf32>
    %swap3A_46 = arith.constant 0 : index
    %swap3A_47 = arith.constant 0 : index
    %swap3A_48 = vector.load %arg11[%swap3A_46, %swap3A_47] : memref<1000x128xf32, #tpu.memory_space<vmem>>, vector<1000x128xf32>
    tpu.vector_store %arg11[%swap3A_46, %swap3A_47], %concatenate3A_45 {strides = array<i32>} : memref<1000x128xf32, #tpu.memory_space<vmem>>, vector<1000x128xf32>,
    %swap3A_49 = arith.constant 0 : index
    %swap3A_50 = arith.constant 0 : index
    %swap3A_51 = vector.load %arg12[%swap3A_49, %swap3A_50] : memref<1000x32xf32, #tpu.memory_space<vmem>>, vector<1000x32xf32>
    tpu.vector_store %arg12[%swap3A_49, %swap3A_50], %add3A_39 {strides = array<i32>} : memref<1000x32xf32, #tpu.memory_space<vmem>>, vector<1000x32xf32>,
    return
  }
  func.func @transform_0(%arg0: i32) -> (i32, i32) {
    %c0_i32 = arith.constant 0 : i32
    %c0_i32_0 = arith.constant 0 : i32
    return %arg0, %c0_i32 : i32, i32
  }
  func.func @transform_1(%arg0: i32) -> (i32, i32) {
    %c0_i32 = arith.constant 0 : i32
    %c0_i32_0 = arith.constant 0 : i32
    %c0_i32_1 = arith.constant 0 : i32
    return %c0_i32, %c0_i32_0 : i32, i32
  }
  func.func @transform_2(%arg0: i32) -> (i32, i32) {
    %c0_i32 = arith.constant 0 : i32
    %c0_i32_0 = arith.constant 0 : i32
    %c0_i32_1 = arith.constant 0 : i32
    return %c0_i32, %c0_i32_0 : i32, i32
  }
  func.func @transform_3(%arg0: i32) -> (i32, i32) {
    %c0_i32 = arith.constant 0 : i32
    %c0_i32_0 = arith.constant 0 : i32
    %c0_i32_1 = arith.constant 0 : i32
    return %c0_i32, %c0_i32_0 : i32, i32
  }
  func.func @transform_4(%arg0: i32) -> (i32, i32) {
    %c0_i32 = arith.constant 0 : i32
    %c0_i32_0 = arith.constant 0 : i32
    %c0_i32_1 = arith.constant 0 : i32
    return %c0_i32, %c0_i32_0 : i32, i32
  }
  func.func @transform_5(%arg0: i32) -> (i32, i32) {
    %c0_i32 = arith.constant 0 : i32
    %c0_i32_0 = arith.constant 0 : i32
    %c0_i32_1 = arith.constant 0 : i32
    return %c0_i32, %c0_i32_0 : i32, i32
  }
  func.func @transform_6(%arg0: i32) -> (i32, i32) {
    %c0_i32 = arith.constant 0 : i32
    %c0_i32_0 = arith.constant 0 : i32
    %c0_i32_1 = arith.constant 0 : i32
    return %c0_i32, %c0_i32_0 : i32, i32
  }
  func.func @transform_7(%arg0: i32) -> (i32, i32) {
    %c0_i32 = arith.constant 0 : i32
    %c0_i32_0 = arith.constant 0 : i32
    %c0_i32_1 = arith.constant 0 : i32
    return %c0_i32, %c0_i32_0 : i32, i32
  }
  func.func @transform_8(%arg0: i32) -> (i32, i32) {
    %c0_i32 = arith.constant 0 : i32
    %c0_i32_0 = arith.constant 0 : i32
    %c0_i32_1 = arith.constant 0 : i32
    return %c0_i32, %c0_i32_0 : i32, i32
  }
  func.func @transform_9(%arg0: i32) -> (i32, i32) {
    %c0_i32 = arith.constant 0 : i32
    %c0_i32_0 = arith.constant 0 : i32
    return %arg0, %c0_i32 : i32, i32
  }
  func.func @transform_10(%arg0: i32) -> (i32, i32) {
    %c0_i32 = arith.constant 0 : i32
    %c0_i32_0 = arith.constant 0 : i32
    return %arg0, %c0_i32 : i32, i32
  }
  func.func @transform_11(%arg0: i32) -> (i32, i32) {
    %c0_i32 = arith.constant 0 : i32
    %c0_i32_0 = arith.constant 0 : i32
    return %arg0, %c0_i32 : i32, i32
  }
}

module attributes {stable_mosaic.version = 14 : i64} {
  func.func @_proj_body(%arg0: i32, %arg1: memref<1000x64xf32, #tpu.memory_space<vmem>>, %arg2: memref<64x2xf32, #tpu.memory_space<vmem>>, %arg3: memref<64x2xf32, #tpu.memory_space<vmem>>, %arg4: memref<64x2xf32, #tpu.memory_space<vmem>>, %arg5: memref<64x2xf32, #tpu.memory_space<vmem>>, %arg6: memref<1x2xf32, #tpu.memory_space<vmem>>, %arg7: memref<1x2xf32, #tpu.memory_space<vmem>>, %arg8: memref<1x2xf32, #tpu.memory_space<vmem>>, %arg9: memref<1x2xf32, #tpu.memory_space<vmem>>, %arg10: memref<1000x128xf32, #tpu.memory_space<vmem>>, %arg11: memref<1000x128xf32, #tpu.memory_space<vmem>>, %arg12: memref<1000x2xf32, #tpu.memory_space<vmem>>) attributes {dimension_semantics = [#tpu.dimension_semantics<arbitrary>], iteration_bounds = array<i64: 10>, scalar_prefetch = 0 : i64, scratch_operands = 0 : i64, tpu.core_type = #tpu.core_type<tc>, window_params = [{transform_indices = @transform_0, window_bounds = array<i64: 1000, 64>}, {pipeline_mode = #tpu.pipeline_mode<synchronous>, transform_indices = @transform_1, window_bounds = array<i64: 64, 2>}, {pipeline_mode = #tpu.pipeline_mode<synchronous>, transform_indices = @transform_2, window_bounds = array<i64: 64, 2>}, {pipeline_mode = #tpu.pipeline_mode<synchronous>, transform_indices = @transform_3, window_bounds = array<i64: 64, 2>}, {pipeline_mode = #tpu.pipeline_mode<synchronous>, transform_indices = @transform_4, window_bounds = array<i64: 64, 2>}, {pipeline_mode = #tpu.pipeline_mode<synchronous>, transform_indices = @transform_5, window_bounds = array<i64: 1, 2>}, {pipeline_mode = #tpu.pipeline_mode<synchronous>, transform_indices = @transform_6, window_bounds = array<i64: 1, 2>}, {pipeline_mode = #tpu.pipeline_mode<synchronous>, transform_indices = @transform_7, window_bounds = array<i64: 1, 2>}, {pipeline_mode = #tpu.pipeline_mode<synchronous>, transform_indices = @transform_8, window_bounds = array<i64: 1, 2>}, {transform_indices = @transform_9, window_bounds = array<i64: 1000, 128>}, {transform_indices = @transform_10, window_bounds = array<i64: 1000, 128>}, {transform_indices = @transform_11, window_bounds = array<i64: 1000, 2>}]} {
    %get3A = arith.constant 0 : index
    %get3A_0 = arith.constant 0 : index
    %get3A_1 = vector.load %arg1[%get3A, %get3A_0] : memref<1000x64xf32, #tpu.memory_space<vmem>>, vector<1000x64xf32>
    %get3A_2 = arith.constant 0 : index
    %get3A_3 = arith.constant 0 : index
    %get3A_4 = vector.load %arg2[%get3A_2, %get3A_3] : memref<64x2xf32, #tpu.memory_space<vmem>>, vector<64x2xf32>
    %get3A_5 = arith.constant 0 : index
    %get3A_6 = arith.constant 0 : index
    %get3A_7 = vector.load %arg6[%get3A_5, %get3A_6] : memref<1x2xf32, #tpu.memory_space<vmem>>, vector<1x2xf32>
    %dot_general3A = arith.constant dense<0.000000e+00> : vector<1000x2xf32>
    %dot_general3A_8 = tpu.matmul %get3A_1, %get3A_4, %dot_general3A {dimension_numbers = #tpu.dot_dimension_numbers<[1], [0], [0], [1], [0, 0, 1, 1], [], []>, precision = #tpu.contract_precision<fp32>, transpose_lhs_hint = false} : vector<1000x64xf32>, vector<64x2xf32>, vector<1000x2xf32> -> vector<1000x2xf32>
    %add3A = vector.broadcast %get3A_7 : vector<1x2xf32> to vector<1000x2xf32>
    %add3A_9 = arith.addf %dot_general3A_8, %add3A : vector<1000x2xf32>
    %get3A_10 = arith.constant 0 : index
    %get3A_11 = arith.constant 0 : index
    %get3A_12 = vector.load %arg3[%get3A_10, %get3A_11] : memref<64x2xf32, #tpu.memory_space<vmem>>, vector<64x2xf32>
    %get3A_13 = arith.constant 0 : index
    %get3A_14 = arith.constant 0 : index
    %get3A_15 = vector.load %arg7[%get3A_13, %get3A_14] : memref<1x2xf32, #tpu.memory_space<vmem>>, vector<1x2xf32>
    %dot_general3A_16 = arith.constant dense<0.000000e+00> : vector<1000x2xf32>
    %dot_general3A_17 = tpu.matmul %get3A_1, %get3A_12, %dot_general3A_16 {dimension_numbers = #tpu.dot_dimension_numbers<[1], [0], [0], [1], [0, 0, 1, 1], [], []>, precision = #tpu.contract_precision<fp32>, transpose_lhs_hint = false} : vector<1000x64xf32>, vector<64x2xf32>, vector<1000x2xf32> -> vector<1000x2xf32>
    %add3A_18 = vector.broadcast %get3A_15 : vector<1x2xf32> to vector<1000x2xf32>
    %add3A_19 = arith.addf %dot_general3A_17, %add3A_18 : vector<1000x2xf32>
    %get3A_20 = arith.constant 0 : index
    %get3A_21 = arith.constant 0 : index
    %get3A_22 = vector.load %arg4[%get3A_20, %get3A_21] : memref<64x2xf32, #tpu.memory_space<vmem>>, vector<64x2xf32>
    %get3A_23 = arith.constant 0 : index
    %get3A_24 = arith.constant 0 : index
    %get3A_25 = vector.load %arg8[%get3A_23, %get3A_24] : memref<1x2xf32, #tpu.memory_space<vmem>>, vector<1x2xf32>
    %dot_general3A_26 = arith.constant dense<0.000000e+00> : vector<1000x2xf32>
    %dot_general3A_27 = tpu.matmul %get3A_1, %get3A_22, %dot_general3A_26 {dimension_numbers = #tpu.dot_dimension_numbers<[1], [0], [0], [1], [0, 0, 1, 1], [], []>, precision = #tpu.contract_precision<fp32>, transpose_lhs_hint = false} : vector<1000x64xf32>, vector<64x2xf32>, vector<1000x2xf32> -> vector<1000x2xf32>
    %add3A_28 = vector.broadcast %get3A_25 : vector<1x2xf32> to vector<1000x2xf32>
    %add3A_29 = arith.addf %dot_general3A_27, %add3A_28 : vector<1000x2xf32>
    %get3A_30 = arith.constant 0 : index
    %get3A_31 = arith.constant 0 : index
    %get3A_32 = vector.load %arg5[%get3A_30, %get3A_31] : memref<64x2xf32, #tpu.memory_space<vmem>>, vector<64x2xf32>
    %get3A_33 = arith.constant 0 : index
    %get3A_34 = arith.constant 0 : index
    %get3A_35 = vector.load %arg9[%get3A_33, %get3A_34] : memref<1x2xf32, #tpu.memory_space<vmem>>, vector<1x2xf32>
    %dot_general3A_36 = arith.constant dense<0.000000e+00> : vector<1000x2xf32>
    %dot_general3A_37 = tpu.matmul %get3A_1, %get3A_32, %dot_general3A_36 {dimension_numbers = #tpu.dot_dimension_numbers<[1], [0], [0], [1], [0, 0, 1, 1], [], []>, precision = #tpu.contract_precision<fp32>, transpose_lhs_hint = false} : vector<1000x64xf32>, vector<64x2xf32>, vector<1000x2xf32> -> vector<1000x2xf32>
    %add3A_38 = vector.broadcast %get3A_35 : vector<1x2xf32> to vector<1000x2xf32>
    %add3A_39 = arith.addf %dot_general3A_37, %add3A_38 : vector<1000x2xf32>
    %broadcast_in_dim3A = arith.constant 0.000000e+00 : f32
    %broadcast_in_dim3A_40 = vector.broadcast %broadcast_in_dim3A : f32 to vector<1000x126xf32>
    %concatenate3A = tpu.concatenate %add3A_9, %broadcast_in_dim3A_40 in 1 : vector<1000x2xf32>, vector<1000x126xf32> -> vector<1000x128xf32>
    %swap3A = arith.constant 0 : index
    %swap3A_41 = arith.constant 0 : index
    %swap3A_42 = vector.load %arg10[%swap3A, %swap3A_41] : memref<1000x128xf32, #tpu.memory_space<vmem>>, vector<1000x128xf32>
    tpu.vector_store %arg10[%swap3A, %swap3A_41], %concatenate3A {strides = array<i32>} : memref<1000x128xf32, #tpu.memory_space<vmem>>, vector<1000x128xf32>,
    %broadcast_in_dim3A_43 = arith.constant 0.000000e+00 : f32
    %broadcast_in_dim3A_44 = vector.broadcast %broadcast_in_dim3A_43 : f32 to vector<1000x30xf32>
    %broadcast_in_dim3A_45 = arith.constant 0.000000e+00 : f32
    %broadcast_in_dim3A_46 = vector.broadcast %broadcast_in_dim3A_45 : f32 to vector<1000x94xf32>
    %concatenate3A_47 = tpu.concatenate %add3A_19, %broadcast_in_dim3A_44, %add3A_29, %broadcast_in_dim3A_46 in 1 : vector<1000x2xf32>, vector<1000x30xf32>, vector<1000x2xf32>, vector<1000x94xf32> -> vector<1000x128xf32>
    %swap3A_48 = arith.constant 0 : index
    %swap3A_49 = arith.constant 0 : index
    %swap3A_50 = vector.load %arg11[%swap3A_48, %swap3A_49] : memref<1000x128xf32, #tpu.memory_space<vmem>>, vector<1000x128xf32>
    tpu.vector_store %arg11[%swap3A_48, %swap3A_49], %concatenate3A_47 {strides = array<i32>} : memref<1000x128xf32, #tpu.memory_space<vmem>>, vector<1000x128xf32>,
    %swap3A_51 = arith.constant 0 : index
    %swap3A_52 = arith.constant 0 : index
    %swap3A_53 = vector.load %arg12[%swap3A_51, %swap3A_52] : memref<1000x2xf32, #tpu.memory_space<vmem>>, vector<1000x2xf32>
    tpu.vector_store %arg12[%swap3A_51, %swap3A_52], %add3A_39 {strides = array<i32>} : memref<1000x2xf32, #tpu.memory_space<vmem>>, vector<1000x2xf32>,
    return
  }
  func.func @transform_0(%arg0: i32) -> (i32, i32) {
    %c0_i32 = arith.constant 0 : i32
    %c0_i32_0 = arith.constant 0 : i32
    return %arg0, %c0_i32 : i32, i32
  }
  func.func @transform_1(%arg0: i32) -> (i32, i32) {
    %c0_i32 = arith.constant 0 : i32
    %c0_i32_0 = arith.constant 0 : i32
    %c0_i32_1 = arith.constant 0 : i32
    return %c0_i32, %c0_i32_0 : i32, i32
  }
  func.func @transform_2(%arg0: i32) -> (i32, i32) {
    %c0_i32 = arith.constant 0 : i32
    %c0_i32_0 = arith.constant 0 : i32
    %c0_i32_1 = arith.constant 0 : i32
    return %c0_i32, %c0_i32_0 : i32, i32
  }
  func.func @transform_3(%arg0: i32) -> (i32, i32) {
    %c0_i32 = arith.constant 0 : i32
    %c0_i32_0 = arith.constant 0 : i32
    %c0_i32_1 = arith.constant 0 : i32
    return %c0_i32, %c0_i32_0 : i32, i32
  }
  func.func @transform_4(%arg0: i32) -> (i32, i32) {
    %c0_i32 = arith.constant 0 : i32
    %c0_i32_0 = arith.constant 0 : i32
    %c0_i32_1 = arith.constant 0 : i32
    return %c0_i32, %c0_i32_0 : i32, i32
  }
  func.func @transform_5(%arg0: i32) -> (i32, i32) {
    %c0_i32 = arith.constant 0 : i32
    %c0_i32_0 = arith.constant 0 : i32
    %c0_i32_1 = arith.constant 0 : i32
    return %c0_i32, %c0_i32_0 : i32, i32
  }
  func.func @transform_6(%arg0: i32) -> (i32, i32) {
    %c0_i32 = arith.constant 0 : i32
    %c0_i32_0 = arith.constant 0 : i32
    %c0_i32_1 = arith.constant 0 : i32
    return %c0_i32, %c0_i32_0 : i32, i32
  }
  func.func @transform_7(%arg0: i32) -> (i32, i32) {
    %c0_i32 = arith.constant 0 : i32
    %c0_i32_0 = arith.constant 0 : i32
    %c0_i32_1 = arith.constant 0 : i32
    return %c0_i32, %c0_i32_0 : i32, i32
  }
  func.func @transform_8(%arg0: i32) -> (i32, i32) {
    %c0_i32 = arith.constant 0 : i32
    %c0_i32_0 = arith.constant 0 : i32
    %c0_i32_1 = arith.constant 0 : i32
    return %c0_i32, %c0_i32_0 : i32, i32
  }
  func.func @transform_9(%arg0: i32) -> (i32, i32) {
    %c0_i32 = arith.constant 0 : i32
    %c0_i32_0 = arith.constant 0 : i32
    return %arg0, %c0_i32 : i32, i32
  }
  func.func @transform_10(%arg0: i32) -> (i32, i32) {
    %c0_i32 = arith.constant 0 : i32
    %c0_i32_0 = arith.constant 0 : i32
    return %arg0, %c0_i32 : i32, i32
  }
  func.func @transform_11(%arg0: i32) -> (i32, i32) {
    %c0_i32 = arith.constant 0 : i32
    %c0_i32_0 = arith.constant 0 : i32
    return %arg0, %c0_i32 : i32, i32
  }
}

module attributes {stable_mosaic.version = 14 : i64} {
  func.func @_combine_softmax_body(%arg0: memref<10496x128xf32, #tpu.memory_space<vmem>>, %arg1: memref<10000x2xf32, #tpu.memory_space<vmem>>, %arg2: memref<10000x2xf32, #tpu.memory_space<vmem>>) attributes {dimension_semantics = [], scalar_prefetch = 0 : i64, scratch_operands = 0 : i64, tpu.core_type = #tpu.core_type<tc>} {
    %get3A = arith.constant 0 : index
    %get3A_0 = arith.constant 0 : index
    %get3A_1 = vector.load %arg0[%get3A, %get3A_0] : memref<10496x128xf32, #tpu.memory_space<vmem>>, vector<10496x128xf32>
    %slice3A = vector.extract_strided_slice %get3A_1 {offsets = [0, 0], sizes = [5120, 128], strides = [1, 1]} : vector<10496x128xf32> to vector<5120x128xf32>
    %slice3A_2 = vector.extract_strided_slice %get3A_1 {offsets = [5248, 0], sizes = [4880, 128], strides = [1, 1]} : vector<10496x128xf32> to vector<4880x128xf32>
    %concatenate3A = tpu.concatenate %slice3A, %slice3A_2 in 0 : vector<5120x128xf32>, vector<4880x128xf32> -> vector<10000x128xf32>
    %slice3A_3 = vector.extract_strided_slice %concatenate3A {offsets = [0, 0], sizes = [10000, 2], strides = [1, 1]} : vector<10000x128xf32> to vector<10000x2xf32>
    %slice3A_4 = vector.extract_strided_slice %concatenate3A {offsets = [0, 2], sizes = [10000, 1], strides = [1, 1]} : vector<10000x128xf32> to vector<10000x1xf32>
    %add3A = arith.constant 1.000000e-16 : f32
    %add3A_5 = vector.broadcast %add3A : f32 to vector<10000x1xf32>
    %add3A_6 = arith.addf %slice3A_4, %add3A_5 : vector<10000x1xf32>
    %div3A = vector.broadcast %add3A_6 : vector<10000x1xf32> to vector<10000x2xf32>
    %div3A_7 = arith.divf %slice3A_3, %div3A : vector<10000x2xf32>
    %get3A_8 = arith.constant 0 : index
    %get3A_9 = arith.constant 0 : index
    %get3A_10 = vector.load %arg1[%get3A_8, %get3A_9] : memref<10000x2xf32, #tpu.memory_space<vmem>>, vector<10000x2xf32>
    %add3A_11 = arith.addf %div3A_7, %get3A_10 : vector<10000x2xf32>
    %reduce_max3A = arith.constant dense<0xFF800000> : vector<10000xf32>
    %reduce_max3A_12 = vector.multi_reduction <maximumf>, %add3A_11, %reduce_max3A [1] : vector<10000x2xf32> to vector<10000xf32>
    %broadcast_in_dim3A = vector.shape_cast %reduce_max3A_12 : vector<10000xf32> to vector<10000x1xf32>
    %sub3A = vector.broadcast %broadcast_in_dim3A : vector<10000x1xf32> to vector<10000x2xf32>
    %sub3A_13 = arith.subf %add3A_11, %sub3A : vector<10000x2xf32>
    %exp3A = math.exp %sub3A_13 : vector<10000x2xf32>
    %reduce_sum3A = arith.constant dense<0.000000e+00> : vector<10000xf32>
    %reduce_sum3A_14 = vector.multi_reduction <add>, %exp3A, %reduce_sum3A [1] : vector<10000x2xf32> to vector<10000xf32>
    %broadcast_in_dim3A_15 = vector.shape_cast %reduce_sum3A_14 : vector<10000xf32> to vector<10000x1xf32>
    %div3A_16 = vector.broadcast %broadcast_in_dim3A_15 : vector<10000x1xf32> to vector<10000x2xf32>
    %div3A_17 = arith.divf %exp3A, %div3A_16 : vector<10000x2xf32>
    %swap3A = arith.constant 0 : index
    %swap3A_18 = arith.constant 0 : index
    %swap3A_19 = vector.load %arg2[%swap3A, %swap3A_18] : memref<10000x2xf32, #tpu.memory_space<vmem>>, vector<10000x2xf32>
    tpu.vector_store %arg2[%swap3A, %swap3A_18], %div3A_17 {strides = array<i32>} : memref<10000x2xf32, #tpu.memory_space<vmem>>, vector<10000x2xf32>,
    return
  }
}

</mosaic_0001>

<sc_bundles>
// kernel: kernel.18.cloned.1.call-start
scs
__scs_entry_jumppad:
0x0: {  	(pc) =	sbr.rel $0x88, $3  }
0x1: {  	(tag) =	ssettag $0x0;
	lr =	simm.s32 $0x1  }
0x2: {  	[smem:$0x3F6D] =	sst lr;
	_ =	strace $0xD0000000  }
0x3: {  	_ = 	snop  }
0x4: {  	_ = 	snop  }
0x5: {  	_ = 	snop  }
0x6: {  	_ = 	snop  }
0x7: {  	_ = 	snop  }
__scs_overlays_trampoline_lowered:
0x8: {  	[smem:$0x3F7C] =	sst s0  }
0x9: {  	[smem:$0x3F7D] =	sst s1  }
0xa: {  	[smem:$0x3F7E] =	sst s2  }
0xb: {  	[smem:$0x3F7F] =	sst s3  }
0xc: {  	[smem:$0x3F80] =	sst s4  }
0xd: {  	[smem:$0x3F81] =	sst s5  }
0xe: {  	[smem:$0x3F82] =	sst s6  }
0xf: {  	[smem:$0x3F83] =	sst s7  }
0x10: {  	[smem:$0x3F84] =	sst s8  }
0x11: {  	[smem:$0x3F85] =	sst s9;
	s0 =	simm.s32 @!p0 $0x0  }
0x12: {  	s1 =	sld [smem:$0x3F6B];
	s0 =	simm.s32 @p0 $0x1  }
0x13: {  	[smem:$0x3F86] =	sst s0;
	s0 =	simm.s32 @!p1 $0x0  }
0x14: {  	s2 =	sld [smem:$0x3F6A];
	s0 =	simm.s32 @p1 $0x1  }
0x15: {  	[smem:$0x3F87] =	sst s0;
	s0 =	simm.s32 @!p2 $0x0  }
0x16: {  	s3 =	sld [smem:$0x3FDB];
	s0 =	simm.s32 @p2 $0x1  }
0x17: {  	s4 =	simm.s32 $0x1BF5;
	[smem:$0x3F89] =	sst s0  }
0x18: {  	s0 =	sld [smem:$0x3F6C];
	_ =	swait.ge [sflag:s4], $0x0  }
0x19: {  	s7 =	sld [smem:$0x3F6D]  }
0x1a: {  	s8 =	sadd.s32 $0xFFFFE003, lr  }
0x1b: {  	s9 =	sadd.s32 $0xFFFFFEF7, lr;
	s5 =	simm.s32 $0xFFFFFFFF;
	p2 =	slt.u32 s8, $0xFFFFF086  }
0x1c: {  	p1 =	slt.u32 s9, $0xF7A;
	s5 =	simm.s32 @!p2 $0x0  }
0x1d: {  	s5 =	simm.s32 @p1 $0x1;
	p0 =	seq.s32 s7, s2  }
0x1e: {  	s7 =	smul.u32 @!p0 $0xF7A, s2;
	p2 =	seq.s32 @!p0 s5, $0x0  }
0x1f: {  	s9 =	smul.u32 $0xF7A, s1;
	s8 =	simm.s32 @!p0 $0x1BF5;
	p2 =	por !p2, p0  }
0x20: {  	[sflag:s8] =	ssyncset.s32 @!p0 $0xFFFFF086;
	s6 =	sadd.s32 @!p0 s3, s7;
	s7 =	simm.s32 @!p0 $0x108  }
0x21: {  	s3 =	sadd.s32 s3, s9;
	s6 =	sadd.s32 @!p0 $0x88, s6;
	s7 =	simm.s32 @p2 $0x1082  }
0x22: {  	[simem:s7], [sflag:s8] =	dma.local @!p0 [hbm:s6], $0xF7A  }
0x23: {  	s9 =	sor.u32 $0xD0000000, s2;
	s6 =	simm.s32 $0x108;
	_ =	swait.ge @!p0 [sflag:s8], $0x0  }
0x24: {  	s3 =	sadd.s32 $0x88, s3;
	s6 =	simm.s32 @!p1 $0x1082;
	[sflag:s4] =	ssyncset.s32 $0xFFFFF086  }
0x25: {  	[simem:s6], [sflag:s4] =	dma.local [hbm:s3], $0xF7A  }
0x26: {  	[smem:$0x3F6D] =	sst s1;
	(tag) =	ssettag s2;
	_ =	strace s9  }
0x27: {  	s1 =	sld [smem:$0x3F7D]  }
0x28: {  	s2 =	sld [smem:$0x3F7E]  }
0x29: {  	s4 =	sld [smem:$0x3F80]  }
0x2a: {  	p0 =	seq.s32 s5, $0x0;
	s5 =	sld [smem:$0x3F81]  }
0x2b: {  	s6 =	sld [smem:$0x3F82]  }
0x2c: {  	s7 =	sld [smem:$0x3F83]  }
0x2d: {  	s3 =	simm.s32 $0x108;
	s8 =	sld [smem:$0x3F84]  }
0x2e: {  	s3 =	simm.s32 @!p0 $0x1082;
	s9 =	sld [smem:$0x3F85]  }
0x2f: {  	lr =	sadd.s32 s0, s3;
	s0 =	sld [smem:$0x3F7C]  }
0x30: {  	s3 =	sld [smem:$0x3F7F]  }
0x31: {  	[smem:$0x3F88] =	sst s10  }
0x32: {  	s10 =	sld [smem:$0x3F86];
	_ =	sdelay $0x3  }
0x33: {  	p0 =	seq.s32 s10, $0x1;
	s10 =	sld [smem:$0x3F88];
	_ =	sdelay $0x3  }
0x34: {  	[smem:$0x3F88] =	sst s10  }
0x35: {  	s10 =	sld [smem:$0x3F87];
	_ =	sdelay $0x3  }
0x36: {  	p1 =	seq.s32 s10, $0x1;
	s10 =	sld [smem:$0x3F88];
	_ =	sdelay $0x3  }
0x37: {  	[smem:$0x3F88] =	sst s10  }
0x38: {  	s10 =	sld [smem:$0x3F89]  }
0x39: {  	_ = 	snop;
	(pc) =	sbr.ind lr, $3  }
0x3a: {  	_ = 	snop  }
0x3b: {  	_ = 	snop  }
0x3c: {  	p2 =	seq.s32 s10, $0x1;
	s10 =	sld [smem:$0x3F88]  }
0x3d: {  	_ =	shalt  }
0x3e: {  	_ =	shalt  }
0x3f: {  	_ =	shalt  }
0x40: {  	_ =	shalt  }
0x41: {  	_ =	shalt  }
0x42: {  	_ =	shalt  }
0x43: {  	_ =	shalt  }
0x44: {  	_ =	shalt  }
0x45: {  	_ =	shalt  }
0x46: {  	_ =	shalt  }
0x47: {  	_ =	shalt  }
0x48: {  	_ =	shalt  }
0x49: {  	_ =	shalt  }
0x4a: {  	_ =	shalt  }
0x4b: {  	_ =	shalt  }
0x4c: {  	_ =	shalt  }
0x4d: {  	_ =	shalt  }
0x4e: {  	_ =	shalt  }
0x4f: {  	_ =	shalt  }
0x50: {  	_ =	shalt  }
0x51: {  	_ =	shalt  }
0x52: {  	_ =	shalt  }
0x53: {  	_ =	shalt  }
0x54: {  	_ =	shalt  }
0x55: {  	_ =	shalt  }
0x56: {  	_ =	shalt  }
0x57: {  	_ =	shalt  }
0x58: {  	_ =	shalt  }
0x59: {  	_ =	shalt  }
0x5a: {  	_ =	shalt  }
0x5b: {  	_ =	shalt  }
0x5c: {  	_ =	shalt  }
0x5d: {  	_ =	shalt  }
0x5e: {  	_ =	shalt  }
0x5f: {  	_ =	shalt  }
0x60: {  	_ =	shalt  }
0x61: {  	_ =	shalt  }
0x62: {  	_ =	shalt  }
0x63: {  	_ =	shalt  }
0x64: {  	_ =	shalt  }
0x65: {  	_ =	shalt  }
0x66: {  	_ =	shalt  }
0x67: {  	_ =	shalt  }
0x68: {  	_ =	shalt  }
0x69: {  	_ =	shalt  }
0x6a: {  	_ =	shalt  }
0x6b: {  	_ =	shalt  }
0x6c: {  	_ =	shalt  }
0x6d: {  	_ =	shalt  }
0x6e: {  	_ =	shalt  }
0x6f: {  	_ =	shalt  }
0x70: {  	_ =	shalt  }
0x71: {  	_ =	shalt  }
0x72: {  	_ =	shalt  }
0x73: {  	_ =	shalt  }
0x74: {  	_ =	shalt  }
0x75: {  	_ =	shalt  }
0x76: {  	_ =	shalt  }
0x77: {  	_ =	shalt  }
0x78: {  	_ =	shalt  }
0x79: {  	_ =	shalt  }
0x7a: {  	_ =	shalt  }
0x7b: {  	_ =	shalt  }
0x7c: {  	_ =	shalt  }
0x7d: {  	_ =	shalt  }
0x7e: {  	_ =	shalt  }
0x7f: {  	_ =	shalt  }
0x80: {  	_ =	shalt  }
0x81: {  	_ =	shalt  }
0x82: {  	_ =	shalt  }
0x83: {  	_ =	shalt  }
0x84: {  	_ =	shalt  }
0x85: {  	_ =	shalt  }
0x86: {  	_ =	shalt  }
0x87: {  	_ =	shalt  }
.Lfunc_end0:
.L_simem_size_0:
called_computation_lowered:
.L_overlay_start_0:
0x88: {  	s2 =	sld [smem:$0x3FD9]  }
0x89: {  	s3 =	sld [smem:$0x3FFE];
	_ =	sdelay $0x1  }
0x8a: {  	s1 =	srdreg.scid  }
0x8b: {  	s0 =	sand.u32 $0x1, s1  }
0x8c: {  	s16 =	sshll.u32 s0, $0xA;
	s2 =	sadd.s32 s3, s2  }
0x8d: {  	s2 =	sadd.s32 s2, s16  }
0x8e: {  	[smem:$0x3F94] =	sst s2  }
0x8f: {  	_ = 	snop  }
0x90: {  	(tm) =	ssettm $0x1  }
0x91: {  	s17 =	sld [smem:$0x3FFB];
	_ =	sdelay $0x3  }
0x92: {  	_ =	strace s17  }
0x93: {  	s2 =	sld [smem:$0x3FFC];
	_ =	sdelay $0x3  }
0x94: {  	_ =	strace s2  }
0x95: {  	s2 =	sld [smem:$0x3FFD];
	_ =	sdelay $0x3  }
0x96: {  	_ =	strace s2  }
0x97: {  	_ =	strace $0x8FFFFFFF  }
0x98: {  	s18 =	sld [smem:$0x3FDB];
	_ =	sdelay $0x1  }
0x99: {  	s19 =	simm.s32 $_scs_section_size  }
0x9a: {  	s4 =	simm.s32 $_size__tile_overlayer_lowered;
	s5 =	simm.s32 $_tile_overlayer_lowered  }
0x9b: {  	s22 =	simm.s32 $0x1BFF;
	s21 =	sshll.u32 s5, $0x1;
	s2 =	sadd.s32 s19, s18  }
0x9c: {  	s6 =	simm.s32 $0x0;
	s20 =	sshll.u32 s4, $0x1;
	s4 =	sadd.s32 s21, s2  }
0x9d: {  	[timem:s6], [sflag:s22] =	dma.local [hbm:s4], s20  }
0x9e: {  	_ =	swait.ge [sflag:s22], s20  }
0x9f: {  	s3 =	ssub.s32 $0x0, s20;
	[sflag:s22] =	ssyncset.done $0x0  }
0xa0: {  	[sflag:s22] =	ssyncadd.s32 s3;
	_ =	sdelay $0x1  }
0xa1: {  	s23 =	simm.s32 $0x1B8B  }
0xa2: {  	_ =	swait.ge [sflag:s23], $0x1  }
0xa3: {  	[sflag:s23] =	ssyncset.done $0x0  }
0xa4: {  	s25 =	simm.s32 $0x1B8E;
	s24 =	sld [smem:$0x3FFE];
	[sflag:s23] =	ssyncadd.s32 $0xFFFFFFFF  }
0xa5: {  	s26 =	simm.s32 $execute0_lowered;
	[smem:$0x3FD2] =	sst s25  }
0xa6: {  	s4 =	sshll.u32 s26, $0x1;
	_ =	strace $0x80000046;
	[dreg:$0x1] =	wrdreg $0xFFFFFFFF  }
0xa7: {  	s28 =	simm.s32 $_size_execute0_lowered;
	s2 =	sadd.s32 s2, s4;
	[dreg:$0x0] =	wrdreg $0x0  }
0xa8: {  	s4 =	sshll.u32 s28, $0x1;
	[dreg:$0x2] =	wrdreg s2  }
0xa9: {  	[dreg:$0x3] =	wrdreg s4  }
0xaa: {  	[dreg:$0x4] =	wrdreg $0xC0  }
0xab: {  	_ =	task [dreg:s6], $0x5FFFF  }
0xac: {  	[dreg:$0x1] =	wrdreg $0xFFFFFFFF  }
0xad: {  	[dreg:$0x0] =	wrdreg $0x60  }
0xae: {  	[dreg:$0x2] =	wrdreg s24  }
0xaf: {  	[dreg:$0x3] =	wrdreg $0x133000  }
0xb0: {  	[dreg:$0x4] =	wrdreg $0x9  }
0xb1: {  	_ =	task.clear_ibuf [dreg:s6], $0x5FFFF;
	_ =	strace $0x90000046  }
0xb2: {  	s29 =	simm.s32 $0x9;
	_ =	strace $0x80000048  }
0xb3: {  	_ =	swait.ge [sflag:s29], $0x1  }
0xb4: {  	[sflag:s29] =	ssyncadd.s32 $0xFFFFFFFF  }
0xb5: {  	_ =	strace $0x90000048  }
0xb6: {  	_ =	sfence  }
0xb7: {  	s30 =	sld [smem:$0x0];
	_ =	sdelay $0x2  }
0xb8: {  	s31 =	sshll.u32 s1, $0xD;
	s1 =	sshrl.u32 s1, $0x2  }
0xb9: {  	s3 =	sand.u32 $0x4000, s31;
	s1 =	sadd.s32 s1, s30  }
0xba: {  	s0 =	sor.u32 s3, s0;
	s1 =	sshll.u32 s1, $0x11  }
0xbb: {  	s0 =	sor.u32 s1, s0  }
0xbc: {  	s0 =	sadd.s32 $0x8F2B, s0  }
0xbd: {  	[sflag:s0] =	ssyncadd.remote.s32 $0x1  }
0xbe: {  	_ =	sfence.sel $0xFFFF  }
0xbf: {  	[dreg:$0x0] =	wrdreg $0xFFFFFFFF;
	(pc) =	sbr.abs _section_cstart, $3  }
0xc0: {  	[dreg:$0x1] =	wrdreg $0xFFFFFFFF  }
0xc1: {  	_ =	task.clear_ibuf [dreg:s6], $0x2FFFF;
	_ =	strace $0x9FFFFFFF  }
0xc2: {  	(tm) =	ssettm $0x7FFFFFFF  }
0xc3: {  	_ =	shalt  }
tec
execute0_lowered:
.L_overlay_start_1:
0x0: {  	(tag) =	ssettag $0x1  }
0x1: {  	s8 =	rddreg [dreg:$0x0]  }
0x2: {  	s2 =	rddreg [dreg:$0x1]  }
0x3: {  	s0 =	rddreg [dreg:$0x2];
	s3 =	simm.s32 $0x0;
	s4 =	srdreg.scid  }
0x4: {  	s1 =	stileid.u32;
	s17 =	simm.s32 $0x100;
	s18 =	simm.s32 $0xC8  }
0x5: {  	s19 =	simm.s32 $0x300;
	s20 =	simm.s32 $0x1;
	s21 =	simm.s32 $0x6700  }
0x6: {  	s22 =	simm.s32 $0x200;
	[smem:$0x7FF] =	sst s3;
	s9 =	smul.u32 $0x1480, s1  }
0x7: {  	s11 =	sand.u32 $0x1, s4;
	s4 =	sadd.s32 $0x1DA00, s8;
	s12 =	smul.u32 $0x29000, s1  }
0x8: {  	s5 =	sadd.s32 $0x44C00, s8;
	s6 =	sadd.s32 $0x13C00, s8;
	s10 =	smul.u32 $0x14800, s11  }
0x9: {  	s7 =	sadd.s32 $0x9E00, s8;
	s13 =	ssub.s32 $0x2, s11;
	s16 =	smul.u32 $0xFFFFEC00, s11  }
0xa: {  	_ =	strace $0x80000047;
	s31 =	sshrl.u32 s13, $0x1;
	s12 =	sshrl.u32 s12, $0x2  }
0xb: {  	s9 =	sadd.s32 s9, s10;
	s15 =	ssub.s32 s13, s31;
	v0 =	vmov s16;
	s16 =	simm.s32 $0x2  }
0xc: {  	s14 =	sadd.s32 s9, s8;
	s8 =	sadd.s32 s12, s2;
	s12 =	smul.u32 $0x4E20, s1  }
0xd: {  	v1 =	vimm.f32 $0.0e+00;
	vm0 =	vmmov $0xff;
	vm1 =	vcmask $0xF0C;
	s9 =	sadd.s32 $0x3000, s8;
	s10 =	sadd.s32 $0x6000, s8;
	s11 =	sadd.s32 $0x9000, s8  }
0xe: {  	vm2 =	vcmask $0x3F0C;
	vm3 =	vcmask $0x3F08;
	vm4 =	vmmov $0x1;
	s13 =	sadd.s32 $0x6BE00, s14;
	s14 =	smax.u32 s15, $0x1;
	s15 =	simm.s32 $0xCB00  }
.LBB2_1:
0xf: {  	s23 =	simm.s32 $0x0;
	s24 =	simm.s32 $0x200  }
.LBB2_2:
0x10: {  	p0 =	sne.s32 s24, $0x18E00;
	[tilespmem:s23+$0xCB70] =	vst v1  }
0x11: {  	[tilespmem:s23+$0xCB00] =	vst v1  }
0x12: {  	[tilespmem:s23+$0xCB10] =	vst v1  }
.Ltmp0:
0x13: {  	[tilespmem:s23+$0xCB20] =	vst v1;
	(pc) =	sbr.rel @p0 .LBB2_2-.Ltmp0, $4  }
0x14: {  	[tilespmem:s23+$0xCB30] =	vst v1  }
0x15: {  	[tilespmem:s23+$0xCB40] =	vst v1  }
0x16: {  	[tilespmem:s23+$0xCB50] =	vst v1  }
0x17: {  	[tilespmem:s23+$0xCB60] =	vst v1;
	s23 =	sshra.s32 s24, $0x2;
	s24 =	sadd.s32 $0x200, s24  }
0x18: {  	[tilespmem:s23+$0xCB70] =	vst v1  }
0x19: {  	[tilespmem:s23+$0xCB00] =	vst v1  }
0x1a: {  	[tilespmem:s23+$0xCB10] =	vst v1  }
0x1b: {  	[tilespmem:s23+$0xCB20] =	vst v1  }
0x1c: {  	[tilespmem:s23+$0xCB30] =	vst v1  }
0x1d: {  	[tilespmem:s23+$0xCB40] =	vst v1  }
0x1e: {  	[tilespmem:s23+$0xCB50] =	vst v1  }
0x1f: {  	[tilespmem:s23+$0xCB60] =	vst v1  }
0x20: {  	[tilespmem:$0x12F00] =	vst v1  }
0x21: {  	[tilespmem:$0x12F10] =	vst v1  }
0x22: {  	[tilespmem:$0x13100] =	vst v1  }
0x23: {  	[tilespmem:$0x13110] =	vst v1  }
0x24: {  	[spmem:s8] =	stream.linear.scatter [tilespmem:s15], [sflag:$0x2], $0x3000, $0x38;
	[tilespmem:$0x1D700] =	vst v63  }
0x25: {  	_ =	swait.ge [sflag:s16], $0x3000  }
0x26: {  	[sflag:s16] =	ssyncset.done $0x0  }
0x27: {  	[sflag:s16] =	ssyncadd.s32 $0xFFFFD000  }
0x28: {  	[spmem:s9] =	stream.linear.scatter [tilespmem:s15], [sflag:$0x2], $0x3000, $0x38;
	[tilespmem:$0x1D700] =	vst v63  }
0x29: {  	_ =	swait.ge [sflag:s16], $0x3000  }
0x2a: {  	[sflag:s16] =	ssyncset.done $0x0  }
0x2b: {  	[sflag:s16] =	ssyncadd.s32 $0xFFFFD000  }
0x2c: {  	[spmem:s10] =	stream.linear.scatter [tilespmem:s15], [sflag:$0x2], $0x3000, $0x38;
	[tilespmem:$0x1D700] =	vst v63  }
0x2d: {  	_ =	swait.ge [sflag:s16], $0x3000  }
0x2e: {  	[sflag:s16] =	ssyncset.done $0x0  }
0x2f: {  	[sflag:s16] =	ssyncadd.s32 $0xFFFFD000  }
0x30: {  	[spmem:s11] =	stream.linear.scatter [tilespmem:s15], [sflag:$0x2], $0x1400, $0x38;
	[tilespmem:$0x1D700] =	vst v63  }
0x31: {  	_ =	swait.ge [sflag:s16], $0x1400  }
0x32: {  	[sflag:s16] =	ssyncset.done $0x0  }
0x33: {  	[sflag:s16] =	ssyncadd.s32 $0xFFFFEC00  }
0x34: {  	s23 =	simm.s32 $0x0;
	s24 =	simm.s32 $0x0;
	[bflag:$0x0] =	sbarrier.arrive $0xFFFF  }
.LBB2_4:
0x35: {  	s25 =	smul.u32 $0xC8, s24;
	_ =	sdelay $0x1  }
0x36: {  	s25 =	sadd.s32 s12, s25  }
0x37: {  	s25 =	sshrl.u32 s25, $0x3  }
0x38: {  	s26 =	sadd.s32 s6, s25  }
0x39: {  	[tilespmem:s23], [sflag:$0x2] =	stream.linear.gather [hbm4b:s26+s23], $0xC8, $0x38;
	[tilespmem:$0x1D700] =	vst v63  }
0x3a: {  	_ =	swait.ge [sflag:s16], $0xC8  }
0x3b: {  	[sflag:s16] =	ssyncset.done $0x0  }
0x3c: {  	s25 =	sadd.s32 s7, s25;
	[sflag:s16] =	ssyncadd.s32 $0xFFFFFF38  }
0x3d: {  	[tilespmem:s17], [sflag:$0x2] =	stream.linear.gather [hbm4b:s25+s23], $0xC8, $0x38;
	[tilespmem:$0x1D700] =	vst v63  }
0x3e: {  	_ =	swait.ge [sflag:s16], $0xC8  }
0x3f: {  	[sflag:s16] =	ssyncset.done $0x0  }
0x40: {  	[sflag:s16] =	ssyncadd.s32 $0xFFFFFF38  }
0x41: {  	v2 =	vld [tilespmem:$0x100]  }
0x42: {  	v3 =	vld [tilespmem:$0x110]  }
0x43: {  	v4 =	vld [tilespmem:$0x120]  }
0x44: {  	v5 =	vld [tilespmem:$0x130]  }
0x45: {  	v6 =	vld [tilespmem:$0x140]  }
0x46: {  	v7 =	vld [tilespmem:$0x150];
	v2 =	vadd.s32 v0, v2  }
0x47: {  	v8 =	vld [tilespmem:$0x160];
	v3 =	vadd.s32 v0, v3;
	vm5 =	vlt.u32 v2, $0x1400  }
0x48: {  	v9 =	vld [tilespmem:$0x170];
	v4 =	vadd.s32 v0, v4;
	v2 =	vnsel vm5, $0x147F, v2;
	vm5 =	vlt.u32 v3, $0x1400  }
0x49: {  	[tilespmem:$0x200] =	vst v2;
	v2 =	vnsel vm5, $0x147F, v3;
	vm5 =	vlt.u32 v4, $0x1400;
	v3 =	vadd.s32 v0, v5;
	v5 =	vld [tilespmem:$0x180]  }
0x4a: {  	[tilespmem:$0x210] =	vst v2;
	v2 =	vnsel vm5, $0x147F, v4;
	vm5 =	vlt.u32 v3, $0x1400;
	v4 =	vadd.s32 v0, v6;
	v6 =	vld [tilespmem:$0x190]  }
0x4b: {  	[tilespmem:$0x220] =	vst v2;
	v2 =	vnsel vm5, $0x147F, v3;
	vm5 =	vlt.u32 v4, $0x1400;
	v3 =	vadd.s32 v0, v7;
	v7 =	vld [tilespmem:$0x1A0]  }
0x4c: {  	[tilespmem:$0x230] =	vst v2;
	v2 =	vnsel vm5, $0x147F, v4;
	vm5 =	vlt.u32 v3, $0x1400;
	v4 =	vadd.s32 v0, v8;
	v8 =	vld [tilespmem:$0x1B0]  }
0x4d: {  	[tilespmem:$0x240] =	vst v2;
	v2 =	vnsel vm5, $0x147F, v3;
	vm5 =	vlt.u32 v4, $0x1400;
	v3 =	vadd.s32 v0, v9;
	v9 =	vld [tilespmem:$0x1B8]  }
0x4e: {  	[tilespmem:$0x250] =	vst v2;
	v2 =	vnsel vm5, $0x147F, v4;
	vm5 =	vlt.u32 v3, $0x1400;
	v4 =	vadd.s32 v0, v5  }
0x4f: {  	[tilespmem:$0x260] =	vst v2;
	v2 =	vnsel vm5, $0x147F, v3;
	vm5 =	vlt.u32 v4, $0x1400;
	v3 =	vadd.s32 v0, v6  }
0x50: {  	[tilespmem:$0x270] =	vst v2;
	v2 =	vnsel vm5, $0x147F, v4;
	vm5 =	vlt.u32 v3, $0x1400;
	v4 =	vadd.s32 v0, v7  }
0x51: {  	[tilespmem:$0x280] =	vst v2;
	v2 =	vnsel vm5, $0x147F, v3;
	vm5 =	vlt.u32 v4, $0x1400;
	v3 =	vadd.s32 v0, v8  }
0x52: {  	[tilespmem:$0x290] =	vst v2;
	v2 =	vnsel vm5, $0x147F, v4;
	vm5 =	vlt.u32 v3, $0x1400;
	v4 =	vadd.s32 v0, v9  }
0x53: {  	[tilespmem:$0x2A0] =	vst v2;
	v2 =	vnsel vm5, $0x147F, v3;
	vm5 =	vlt.u32 v4, $0x1400  }
0x54: {  	[tilespmem:$0x2B0] =	vst v2;
	v2 =	vnsel vm5, $0x147F, v4  }
0x55: {  	[tilespmem:$0x2B8] =	vst v2  }
0x56: {  	[tilespmem:s19], [sflag:$0x1] =	stream.indirect.gather [hbm4b:s4+s18], $0x80, s17, s18, $0xb8;
	[tilespmem:$0x1D700] =	vst v63  }
0x57: {  	_ =	swait.ge [sflag:s20], $0x6400  }
0x58: {  	[sflag:s20] =	ssyncset.done $0x0  }
0x59: {  	[sflag:s20] =	ssyncadd.s32 $0xFFFF9C00  }
0x5a: {  	[tilespmem:s21], [sflag:$0x1] =	stream.indirect.gather [hbm4b:s5+s18], $0x80, s23, s18, $0xb8;
	[tilespmem:$0x1D700] =	vst v63  }
0x5b: {  	_ =	swait.ge [sflag:s20], $0x6400  }
0x5c: {  	[sflag:s20] =	ssyncset.done $0x0  }
0x5d: {  	s25 =	simm.s32 $0x0;
	[sflag:s20] =	ssyncadd.s32 $0xFFFF9C00  }
0x5e: {  	v2 =	vld [tilespmem:s25+$0x300]  }
0x5f: {  	v3 =	vld [tilespmem:s25+$0x6700];
	_ =	sdelay $0x3  }
0x60: {  	v4 =	vld [tilespmem:s25+$0x6720]  }
0x61: {  	v5 =	vld [tilespmem:s25+$0x310];
	v2 =	vmul.f32 v3, v2  }
0x62: {  	v6 =	vld [tilespmem:s25+$0x6710]  }
0x63: {  	v3 =	vld [tilespmem:s25+$0x6730];
	[tilespmem:$0x12F00] =	vst v2  }
0x64: {  	v7 =	vld [tilespmem:$0x12F04];
	_ =	sdelay $0x4  }
0x65: {  	v2 =	vadd.f32 v7, v2;
	_ =	sdelay $0x1  }
0x66: {  	[tilespmem:$0x12F00] =	vst v2  }
0x67: {  	v7 =	vld [tilespmem:$0x12F02];
	_ =	sdelay $0x4  }
0x68: {  	v2 =	vadd.f32 v7, v2  }
0x69: {  	v5 =	vmul.f32 v6, v5  }
0x6a: {  	[tilespmem:$0x12F00] =	vst v2  }
0x6b: {  	v6 =	vld [tilespmem:$0x12F01];
	[tilespmem:$0x12F00] =	vst v5  }
0x6c: {  	v7 =	vld [tilespmem:$0x12F04];
	_ =	sdelay $0x4  }
0x6d: {  	v5 =	vadd.f32 v7, v5;
	_ =	sdelay $0x1  }
0x6e: {  	[tilespmem:$0x12F00] =	vst v5  }
0x6f: {  	v7 =	vld [tilespmem:$0x12F02];
	_ =	sdelay $0x4  }
0x70: {  	v5 =	vadd.f32 v7, v5;
	_ =	sdelay $0x1  }
0x71: {  	[tilespmem:$0x12F00] =	vst v5  }
0x72: {  	v7 =	vld [tilespmem:$0x12F01];
	_ =	sdelay $0x2  }
0x73: {  	v2 =	vadd.f32 v6, v2;
	_ =	sdelay $0x1  }
0x74: {  	(v2sf) =	vpush v2, $0x8;
	v5 =	vadd.f32 v7, v5  }
0x75: {  	(v2sf) =	vpush v2, $0x0  }
0x76: {  	(v2sf) =	vpush v5, $0x8  }
0x77: {  	(v2sf) =	vpush v5, $0x0;
	_ =	sdelay $0xb  }
0x78: {  	s30 =	spop (v2sf)  }
0x79: {  	s28 =	spop (v2sf)  }
0x7a: {  	s26 =	smul.f32 $3.535533850e-01, s30;
	s29 =	spop (v2sf)  }
0x7b: {  	s29 =	smul.f32 $3.535533850e-01, s29;
	s30 =	spop (v2sf)  }
0x7c: {  	s30 =	smul.f32 $3.535533850e-01, s30  }
0x7d: {  	v2 =	vmov s29  }
0x7e: {  	s28 =	smul.f32 $3.535533850e-01, s28;
	v2 =	vsel vm0, s30, v2  }
0x7f: {  	v5 =	vmov s26;
	v2 =	vmul.f32 $1.442695020e+00, v2  }
0x80: {  	v5 =	vsel vm0, s28, v5  }
0x81: {  	v5 =	vmul.f32 $1.442695020e+00, v5;
	(erf) = vpow2.f32 v2;
	_ =	sdelay $0x1  }
0x82: {  	(erf) = vpow2.f32 v5;
	_ =	sdelay $0x6  }
0x83: {  	v2 =	vld [tilespmem:s25+$0x380];
	v6 =	vpop (erf)  }
0x84: {  	v5 =	vld [tilespmem:s25+$0x6780];
	v8 =	vbroadcast v6, $0x8  }
0x85: {  	v9 =	vpop (erf);
	v3 =	vmul.f32 v6, v3;
	v6 =	vbroadcast v6, $0x0  }
0x86: {  	v11 =	vbroadcast v9, $0x8;
	v8 =	vnsel vm1, $0x0, v8  }
0x87: {  	v4 =	vmul.f32 v9, v4;
	[tilespmem:s25+$0xCB10] =	vst v3;
	v3 =	vsel vm2, v8, v6  }
0x88: {  	v10 =	vld [tilespmem:s25+$0x6790];
	v3 =	vsel vm3, v3, v11  }
0x89: {  	v7 =	vld [tilespmem:s25+$0x390];
	v2 =	vmul.f32 v5, v2;
	[tilespmem:s25+$0xCB00] =	vst v4;
	v3 =	vsel vm4, v9, v3  }
0x8a: {  	v4 =	vld [tilespmem:s25+$0x67B0];
	[tilespmem:s25+$0xCB20] =	vst v3  }
0x8b: {  	v9 =	vld [tilespmem:s25+$0x67A0];
	[tilespmem:$0x13100] =	vst v2  }
0x8c: {  	v3 =	vld [tilespmem:$0x13104];
	_ =	sdelay $0x4  }
0x8d: {  	v2 =	vadd.f32 v3, v2;
	_ =	sdelay $0x1  }
0x8e: {  	[tilespmem:$0x13100] =	vst v2  }
0x8f: {  	v3 =	vld [tilespmem:$0x13102];
	_ =	sdelay $0x4  }
0x90: {  	v2 =	vadd.f32 v3, v2  }
0x91: {  	v3 =	vmul.f32 v10, v7  }
0x92: {  	[tilespmem:$0x13100] =	vst v2  }
0x93: {  	v5 =	vld [tilespmem:$0x13101];
	[tilespmem:$0x13100] =	vst v3  }
0x94: {  	v6 =	vld [tilespmem:$0x13104];
	_ =	sdelay $0x4  }
0x95: {  	v3 =	vadd.f32 v6, v3;
	_ =	sdelay $0x1  }
0x96: {  	[tilespmem:$0x13100] =	vst v3  }
0x97: {  	v6 =	vld [tilespmem:$0x13102];
	_ =	sdelay $0x4  }
0x98: {  	v3 =	vadd.f32 v6, v3;
	_ =	sdelay $0x1  }
0x99: {  	[tilespmem:$0x13100] =	vst v3  }
0x9a: {  	v6 =	vld [tilespmem:$0x13101];
	_ =	sdelay $0x2  }
0x9b: {  	v2 =	vadd.f32 v5, v2;
	_ =	sdelay $0x1  }
0x9c: {  	(v2sf) =	vpush v2, $0x8;
	v3 =	vadd.f32 v6, v3  }
0x9d: {  	(v2sf) =	vpush v2, $0x0  }
0x9e: {  	(v2sf) =	vpush v3, $0x8  }
0x9f: {  	(v2sf) =	vpush v3, $0x0;
	_ =	sdelay $0xb  }
0xa0: {  	s26 =	spop (v2sf)  }
0xa1: {  	s28 =	spop (v2sf)  }
0xa2: {  	s29 =	spop (v2sf)  }
0xa3: {  	s29 =	smul.f32 $3.535533850e-01, s29;
	s31 =	spop (v2sf)  }
0xa4: {  	s30 =	smul.f32 $3.535533850e-01, s31  }
0xa5: {  	s26 =	smul.f32 $3.535533850e-01, s26;
	v2 =	vmov s29  }
0xa6: {  	s28 =	smul.f32 $3.535533850e-01, s28;
	v2 =	vsel vm0, s30, v2  }
0xa7: {  	v3 =	vmov s26;
	v2 =	vmul.f32 $1.442695020e+00, v2  }
0xa8: {  	v3 =	vsel vm0, s28, v3  }
0xa9: {  	v3 =	vmul.f32 $1.442695020e+00, v3;
	(erf) = vpow2.f32 v2;
	_ =	sdelay $0x1  }
0xaa: {  	(erf) = vpow2.f32 v3;
	_ =	sdelay $0x5  }
0xab: {  	s29 =	simm.s32 $0x100  }
0xac: {  	v6 =	vld [tilespmem:s29+$0x300];
	v3 =	vpop (erf)  }
0xad: {  	v7 =	vld [tilespmem:s29+$0x6700];
	v10 =	vbroadcast v3, $0x8  }
0xae: {  	v5 =	vld [tilespmem:s29+$0x6710];
	v11 =	vmul.f32 v3, v4;
	v3 =	vbroadcast v3, $0x0;
	v8 =	vpop (erf)  }
0xaf: {  	v2 =	vld [tilespmem:s29+$0x6720];
	v12 =	vbroadcast v8, $0x8;
	v9 =	vmul.f32 v8, v9;
	v10 =	vnsel vm1, $0x0, v10  }
0xb0: {  	v4 =	vld [tilespmem:s29+$0x310];
	[tilespmem:s25+$0xCB90] =	vst v11;
	v10 =	vsel vm2, v10, v3  }
0xb1: {  	s26 =	simm.s32 $0x800;
	v3 =	vld [tilespmem:s29+$0x6730];
	[tilespmem:s25+$0xCB80] =	vst v9;
	v9 =	vsel vm3, v10, v12  }
.LBB2_5:
0xb2: {  	p0 =	sne.s32 s26, $0x18C00;
	v6 =	vmul.f32 v7, v6;
	v7 =	vsel vm4, v8, v9;
	s28 =	smov.u32 s26;
	s26 =	sadd.s32 $0x400, s26  }
0xb3: {  	[tilespmem:s25+$0xCBA0] =	vst v7;
	s25 =	smov.u32 s29  }
0xb4: {  	[tilespmem:$0x12F00] =	vst v6  }
0xb5: {  	v7 =	vld [tilespmem:$0x12F04];
	_ =	sdelay $0x4  }
0xb6: {  	v6 =	vadd.f32 v7, v6;
	_ =	sdelay $0x1  }
0xb7: {  	[tilespmem:$0x12F00] =	vst v6  }
0xb8: {  	v7 =	vld [tilespmem:$0x12F02];
	_ =	sdelay $0x4  }
0xb9: {  	v6 =	vadd.f32 v7, v6  }
0xba: {  	v4 =	vmul.f32 v5, v4  }
0xbb: {  	[tilespmem:$0x12F00] =	vst v6  }
0xbc: {  	v5 =	vld [tilespmem:$0x12F01]  }
0xbd: {  	[tilespmem:$0x12F00] =	vst v4  }
0xbe: {  	v7 =	vld [tilespmem:$0x12F04];
	_ =	sdelay $0x2  }
0xbf: {  	v5 =	vadd.f32 v5, v6;
	_ =	sdelay $0x1  }
0xc0: {  	v4 =	vadd.f32 v7, v4;
	(v2sf) =	vpush v5, $0x8  }
0xc1: {  	(v2sf) =	vpush v5, $0x0  }
0xc2: {  	[tilespmem:$0x12F00] =	vst v4  }
0xc3: {  	v5 =	vld [tilespmem:$0x12F02];
	_ =	sdelay $0x4  }
0xc4: {  	v4 =	vadd.f32 v5, v4;
	_ =	sdelay $0x1  }
0xc5: {  	[tilespmem:$0x12F00] =	vst v4  }
0xc6: {  	v5 =	vld [tilespmem:$0x12F01]  }
0xc7: {  	v6 =	vld [tilespmem:s25+$0x380]  }
0xc8: {  	v7 =	vld [tilespmem:s25+$0x6780]  }
0xc9: {  	v8 =	vld [tilespmem:s25+$0x390]  }
0xca: {  	v9 =	vld [tilespmem:s25+$0x6790];
	s29 =	spop (v2sf)  }
0xcb: {  	v4 =	vadd.f32 v5, v4;
	s29 =	smul.f32 $3.535533850e-01, s29;
	s30 =	spop (v2sf)  }
0xcc: {  	s30 =	smul.f32 $3.535533850e-01, s30  }
0xcd: {  	v5 =	vmov s29;
	(v2sf) =	vpush v4, $0x8  }
0xce: {  	v5 =	vsel vm0, s30, v5;
	(v2sf) =	vpush v4, $0x0  }
0xcf: {  	v4 =	vmul.f32 $1.442695020e+00, v5;
	_ =	sdelay $0xc  }
0xd0: {  	s29 =	spop (v2sf)  }
0xd1: {  	s29 =	smul.f32 $3.535533850e-01, s29;
	s30 =	spop (v2sf)  }
0xd2: {  	s30 =	smul.f32 $3.535533850e-01, s30  }
0xd3: {  	v5 =	vmov s29  }
0xd4: {  	v5 =	vsel vm0, s30, v5  }
0xd5: {  	v5 =	vmul.f32 $1.442695020e+00, v5;
	_ =	sdelay $0x1  }
0xd6: {  	(erf) = vpow2.f32 v5  }
0xd7: {  	(erf) = vpow2.f32 v4;
	_ =	sdelay $0x7  }
0xd8: {  	v4 =	vpop (erf)  }
0xd9: {  	v5 =	vbroadcast v4, $0x0;
	v10 =	vbroadcast v4, $0x8;
	v11 =	vpop (erf)  }
0xda: {  	v3 =	vmul.f32 v4, v3;
	v4 =	vbroadcast v11, $0x8  }
0xdb: {  	v2 =	vmul.f32 v11, v2;
	v10 =	vnsel vm1, $0x0, v10  }
0xdc: {  	[tilespmem:s25+$0xCB10] =	vst v3;
	v3 =	vsel vm2, v10, v5  }
0xdd: {  	v5 =	vmul.f32 v7, v6;
	[tilespmem:s25+$0xCB00] =	vst v2;
	v2 =	vsel vm3, v3, v4;
	v4 =	vld [tilespmem:s25+$0x67B0]  }
0xde: {  	v2 =	vsel vm4, v11, v2;
	v3 =	vld [tilespmem:s25+$0x67A0]  }
0xdf: {  	[tilespmem:s25+$0xCB20] =	vst v2  }
0xe0: {  	[tilespmem:$0x13100] =	vst v5  }
0xe1: {  	v2 =	vld [tilespmem:$0x13104];
	_ =	sdelay $0x4  }
0xe2: {  	v2 =	vadd.f32 v2, v5;
	_ =	sdelay $0x1  }
0xe3: {  	[tilespmem:$0x13100] =	vst v2  }
0xe4: {  	v5 =	vld [tilespmem:$0x13102];
	_ =	sdelay $0x4  }
0xe5: {  	v2 =	vadd.f32 v5, v2  }
0xe6: {  	v5 =	vmul.f32 v9, v8  }
0xe7: {  	[tilespmem:$0x13100] =	vst v2  }
0xe8: {  	v6 =	vld [tilespmem:$0x13101]  }
0xe9: {  	[tilespmem:$0x13100] =	vst v5  }
0xea: {  	v7 =	vld [tilespmem:$0x13104];
	_ =	sdelay $0x2  }
0xeb: {  	v2 =	vadd.f32 v6, v2;
	_ =	sdelay $0x1  }
0xec: {  	v5 =	vadd.f32 v7, v5;
	(v2sf) =	vpush v2, $0x8  }
0xed: {  	(v2sf) =	vpush v2, $0x0  }
0xee: {  	[tilespmem:$0x13100] =	vst v5  }
0xef: {  	v2 =	vld [tilespmem:$0x13102];
	_ =	sdelay $0x4  }
0xf0: {  	v2 =	vadd.f32 v2, v5;
	_ =	sdelay $0x1  }
0xf1: {  	[tilespmem:$0x13100] =	vst v2  }
0xf2: {  	v5 =	vld [tilespmem:$0x13101];
	_ =	sdelay $0x3  }
0xf3: {  	s29 =	spop (v2sf)  }
0xf4: {  	v2 =	vadd.f32 v5, v2;
	s29 =	smul.f32 $3.535533850e-01, s29;
	s30 =	spop (v2sf)  }
0xf5: {  	s30 =	smul.f32 $3.535533850e-01, s30  }
0xf6: {  	v5 =	vmov s29;
	(v2sf) =	vpush v2, $0x8  }
0xf7: {  	v5 =	vsel vm0, s30, v5;
	(v2sf) =	vpush v2, $0x0  }
0xf8: {  	v2 =	vmul.f32 $1.442695020e+00, v5;
	_ =	sdelay $0xc  }
0xf9: {  	s29 =	spop (v2sf)  }
0xfa: {  	s29 =	smul.f32 $3.535533850e-01, s29;
	s30 =	spop (v2sf)  }
0xfb: {  	s30 =	smul.f32 $3.535533850e-01, s30  }
0xfc: {  	v5 =	vmov s29  }
0xfd: {  	v5 =	vsel vm0, s30, v5  }
0xfe: {  	v5 =	vmul.f32 $1.442695020e+00, v5;
	_ =	sdelay $0x1  }
0xff: {  	(erf) = vpow2.f32 v5  }
0x100: {  	(erf) = vpow2.f32 v2;
	_ =	sdelay $0x6  }
0x101: {  	s29 =	sshra.s32 s28, $0x2  }
0x102: {  	v6 =	vld [tilespmem:s29+$0x300];
	v5 =	vpop (erf)  }
.Ltmp1:
0x103: {  	v7 =	vld [tilespmem:s29+$0x6700];
	v9 =	vbroadcast v5, $0x0;
	v10 =	vbroadcast v5, $0x8;
	v8 =	vpop (erf);
	(pc) =	sbr.rel @p0 .LBB2_5-.Ltmp1, $4  }
0x104: {  	v11 =	vmul.f32 v5, v4;
	v2 =	vld [tilespmem:s29+$0x6720];
	v12 =	vbroadcast v8, $0x8  }
0x105: {  	v13 =	vmul.f32 v8, v3;
	v4 =	vld [tilespmem:s29+$0x310];
	v3 =	vnsel vm1, $0x0, v10  }
0x106: {  	v5 =	vld [tilespmem:s29+$0x6710];
	[tilespmem:s25+$0xCB90] =	vst v11;
	v9 =	vsel vm2, v3, v9  }
0x107: {  	v3 =	vld [tilespmem:s29+$0x6730];
	[tilespmem:s25+$0xCB80] =	vst v13;
	v9 =	vsel vm3, v9, v12  }
0x108: {  	v6 =	vmul.f32 v7, v6;
	v39 =	vsel vm4, v8, v9  }
0x109: {  	[tilespmem:s25+$0xCBA0] =	vst v39  }
0x10a: {  	[tilespmem:$0x12F00] =	vst v6  }
0x10b: {  	v7 =	vld [tilespmem:$0x12F04];
	_ =	sdelay $0x4  }
0x10c: {  	v6 =	vadd.f32 v7, v6;
	_ =	sdelay $0x1  }
0x10d: {  	[tilespmem:$0x12F00] =	vst v6  }
0x10e: {  	v40 =	vld [tilespmem:$0x12F02];
	_ =	sdelay $0x4  }
0x10f: {  	v6 =	vadd.f32 v40, v6  }
0x110: {  	v4 =	vmul.f32 v5, v4  }
0x111: {  	[tilespmem:$0x12F00] =	vst v6  }
0x112: {  	v41 =	vld [tilespmem:$0x12F01];
	[tilespmem:$0x12F00] =	vst v4  }
0x113: {  	v42 =	vld [tilespmem:$0x12F04];
	_ =	sdelay $0x4  }
0x114: {  	v4 =	vadd.f32 v42, v4;
	_ =	sdelay $0x1  }
0x115: {  	[tilespmem:$0x12F00] =	vst v4  }
0x116: {  	v43 =	vld [tilespmem:$0x12F02];
	_ =	sdelay $0x4  }
0x117: {  	v4 =	vadd.f32 v43, v4;
	_ =	sdelay $0x1  }
0x118: {  	[tilespmem:$0x12F00] =	vst v4  }
0x119: {  	v44 =	vld [tilespmem:$0x12F01];
	_ =	sdelay $0x2  }
0x11a: {  	v5 =	vadd.f32 v41, v6;
	_ =	sdelay $0x1  }
0x11b: {  	(v2sf) =	vpush v5, $0x8;
	v4 =	vadd.f32 v44, v4  }
0x11c: {  	(v2sf) =	vpush v5, $0x0  }
0x11d: {  	(v2sf) =	vpush v4, $0x8  }
0x11e: {  	(v2sf) =	vpush v4, $0x0;
	_ =	sdelay $0xb  }
0x11f: {  	s28 =	spop (v2sf)  }
0x120: {  	s26 =	spop (v2sf)  }
0x121: {  	s25 =	smul.f32 $3.535533850e-01, s28;
	s28 =	spop (v2sf)  }
0x122: {  	s28 =	smul.f32 $3.535533850e-01, s28;
	s30 =	spop (v2sf)  }
0x123: {  	s30 =	smul.f32 $3.535533850e-01, s30  }
0x124: {  	v45 =	vmov s28  }
0x125: {  	s26 =	smul.f32 $3.535533850e-01, s26;
	v4 =	vsel vm0, s30, v45  }
0x126: {  	v46 =	vmov s25;
	v4 =	vmul.f32 $1.442695020e+00, v4  }
0x127: {  	v5 =	vsel vm0, s26, v46  }
0x128: {  	v5 =	vmul.f32 $1.442695020e+00, v5;
	(erf) = vpow2.f32 v4;
	_ =	sdelay $0x1  }
0x129: {  	(erf) = vpow2.f32 v5;
	_ =	sdelay $0x6  }
0x12a: {  	v47 =	vld [tilespmem:s29+$0x380];
	v49 =	vpop (erf)  }
0x12b: {  	v48 =	vld [tilespmem:s29+$0x6780];
	v51 =	vbroadcast v49, $0x8  }
0x12c: {  	v52 =	vpop (erf);
	v3 =	vmul.f32 v49, v3;
	v6 =	vbroadcast v49, $0x0  }
0x12d: {  	v2 =	vmul.f32 v52, v2;
	v11 =	vbroadcast v52, $0x8;
	v8 =	vnsel vm1, $0x0, v51  }
0x12e: {  	[tilespmem:s29+$0xCB10] =	vst v3;
	v3 =	vsel vm2, v8, v6  }
0x12f: {  	v50 =	vld [tilespmem:s29+$0x390];
	[tilespmem:s29+$0xCB00] =	vst v2;
	v2 =	vsel vm3, v3, v11  }
0x130: {  	v10 =	vld [tilespmem:s29+$0x6790];
	v4 =	vmul.f32 v48, v47;
	v2 =	vsel vm4, v52, v2  }
0x131: {  	v53 =	vld [tilespmem:s29+$0x67A0];
	[tilespmem:s29+$0xCB20] =	vst v2  }
0x132: {  	v3 =	vld [tilespmem:s29+$0x67B0];
	[tilespmem:$0x13100] =	vst v4  }
0x133: {  	v2 =	vld [tilespmem:$0x13104];
	_ =	sdelay $0x4  }
0x134: {  	v2 =	vadd.f32 v2, v4;
	_ =	sdelay $0x1  }
0x135: {  	[tilespmem:$0x13100] =	vst v2  }
0x136: {  	v54 =	vld [tilespmem:$0x13102];
	_ =	sdelay $0x4  }
0x137: {  	v2 =	vadd.f32 v54, v2  }
0x138: {  	v55 =	vmul.f32 v10, v50  }
0x139: {  	[tilespmem:$0x13100] =	vst v2  }
0x13a: {  	v56 =	vld [tilespmem:$0x13101];
	[tilespmem:$0x13100] =	vst v55  }
0x13b: {  	v57 =	vld [tilespmem:$0x13104];
	_ =	sdelay $0x4  }
0x13c: {  	v4 =	vadd.f32 v57, v55;
	_ =	sdelay $0x1  }
0x13d: {  	[tilespmem:$0x13100] =	vst v4  }
0x13e: {  	v58 =	vld [tilespmem:$0x13102];
	_ =	sdelay $0x4  }
0x13f: {  	v4 =	vadd.f32 v58, v4;
	_ =	sdelay $0x1  }
0x140: {  	[tilespmem:$0x13100] =	vst v4  }
0x141: {  	v59 =	vld [tilespmem:$0x13101];
	_ =	sdelay $0x2  }
0x142: {  	v2 =	vadd.f32 v56, v2;
	_ =	sdelay $0x1  }
0x143: {  	(v2sf) =	vpush v2, $0x8;
	v4 =	vadd.f32 v59, v4  }
0x144: {  	(v2sf) =	vpush v2, $0x0  }
0x145: {  	(v2sf) =	vpush v4, $0x8  }
0x146: {  	(v2sf) =	vpush v4, $0x0;
	_ =	sdelay $0xb  }
0x147: {  	s25 =	spop (v2sf)  }
0x148: {  	s26 =	spop (v2sf)  }
0x149: {  	s30 =	spop (v2sf)  }
0x14a: {  	s28 =	smul.f32 $3.535533850e-01, s30;
	s31 =	spop (v2sf)  }
0x14b: {  	s30 =	smul.f32 $3.535533850e-01, s31  }
0x14c: {  	s25 =	smul.f32 $3.535533850e-01, s25;
	v2 =	vmov s28  }
0x14d: {  	s26 =	smul.f32 $3.535533850e-01, s26;
	v2 =	vsel vm0, s30, v2  }
0x14e: {  	v60 =	vmov s25;
	v2 =	vmul.f32 $1.442695020e+00, v2  }
0x14f: {  	v4 =	vsel vm0, s26, v60  }
0x150: {  	v4 =	vmul.f32 $1.442695020e+00, v4;
	(erf) = vpow2.f32 v2;
	_ =	sdelay $0x1  }
0x151: {  	(erf) = vpow2.f32 v4;
	_ =	sdelay $0x6  }
0x152: {  	v2 =	vpop (erf)  }
0x153: {  	v61 =	vbroadcast v2, $0x8  }
0x154: {  	v62 =	vbroadcast v2, $0x0;
	v63 =	vpop (erf)  }
0x155: {  	v2 =	vmul.f32 v2, v3;
	v3 =	vbroadcast v63, $0x8;
	v4 =	vnsel vm1, $0x0, v61  }
0x156: {  	v5 =	vmul.f32 v63, v53;
	v4 =	vsel vm2, v4, v62  }
0x157: {  	s24 =	sadd.s32 $0x1, s24;
	[tilespmem:s29+$0xCB90] =	vst v2;
	v2 =	vsel vm3, v4, v3  }
0x158: {  	p0 =	sne.s32 s24, $0x64;
	[tilespmem:s29+$0xCB80] =	vst v5;
	v2 =	vsel vm4, v63, v2  }
.Ltmp2:
0x159: {  	[tilespmem:s29+$0xCBA0] =	vst v2;
	(pc) =	sbr.rel @p0 .LBB2_4-.Ltmp2, $4  }
0x15a: {  	[spmem:s2] =	stream.indirect.scatter.add.f32 [tilespmem:s15], [sflag:$0x2], $0x80, s22, s18, $0xb8;
	[tilespmem:$0x1D700] =	vst v63  }
0x15b: {  	_ =	swait.ge [sflag:s16], $0x6400  }
0x15c: {  	[sflag:s16] =	ssyncset.done $0x0  }
0x15d: {  	[sflag:s16] =	ssyncadd.s32 $0xFFFF9C00  }
0x15e: {  	s3 =	sadd.s32 $0x1, s3  }
0x15f: {  	s23 =	sshll.u32 s1, $0x6;
	[bflag:$0x0] =	sbarrier.arrive $0xFFFF;
	p0 =	sne.s32 s3, s14  }
.Ltmp3:
0x160: {  	s24 =	sshrl.u32 s8, $0x3;
	s23 =	sor.u32 $0x1C02, s23;
	(pc) =	sbr.rel @p0 .LBB2_1-.Ltmp3, $4  }
0x161: {  	[hbm:s13], [sflag:s23] =	dma.local [spmem:s24], $0x1480  }
0x162: {  	_ =	swait.ge [sflag:s16], $0x1480  }
0x163: {  	[sflag:s16] =	ssyncset.done $0x0  }
0x164: {  	[sflag:s16] =	ssyncadd.s32 $0xFFFFEB80  }
0x165: {  	_ =	sfence.sel $0x180000  }
0x166: {  	[bflag:$0x0] =	sbarrier.arrive $0xFFFF  }
0x167: {  	p0 =	sne.s32 s1, $0x0;
	_ =	strace $0x90000047  }
0x168: {  	s0 =	sadd.s32 @!p0 $0x100000, s0;
	[bflag:$0x2] =	sbarrier.arrive $0xFFFF  }
0x169: {  	[sflag:s0] =	ssyncadd.tile.s32 @!p0 $0x1;
	_ =	shalt  }
.Lfunc_end2:
_tile_overlayer_lowered:
.L_overlay_start_2:
0x16a: {  	(tag) =	ssettag $0x2  }
0x16b: {  	s0 =	rddreg [dreg:$0x0];
	s2 =	stileid.u32  }
0x16c: {  	s1 =	rddreg [dreg:$0x1];
	p0 =	sne.s32 s2, $0x0  }
0x16d: {  	s3 =	rddreg [dreg:$0x2];
	[bflag:$0x3] =	sbarrier.arrive $0xFFFF;
	s2 =	simm.s32 @!p0 $0x1C02  }
0x16e: {  	[timem:s3], [sflag:s2] =	dma.local @!p0 [hbm:s0], s1  }
0x16f: {  	s0 =	simm.s32 @!p0 $0x2  }
0x170: {  	_ =	swait.ge @!p0 [sflag:s0], s1  }
0x171: {  	s1 =	ssub.s32 @!p0 $0x0, s1;
	[sflag:s0] =	ssyncset.done @!p0 $0x0  }
0x172: {  	[sflag:s0] =	ssyncadd.s32 @!p0 s1  }
0x173: {  	[bflag:$0x3] =	sbarrier.arrive $0xFFFF  }
0x174: {  	_ =	shalt  }

// kernel: kernel.21.cloned.1.call-start
scs
__scs_entry_jumppad:
0x0: {  	(pc) =	sbr.rel $0x88, $3  }
0x1: {  	(tag) =	ssettag $0x0;
	lr =	simm.s32 $0x1  }
0x2: {  	[smem:$0x3F6D] =	sst lr;
	_ =	strace $0xD0000000  }
0x3: {  	_ = 	snop  }
0x4: {  	_ = 	snop  }
0x5: {  	_ = 	snop  }
0x6: {  	_ = 	snop  }
0x7: {  	_ = 	snop  }
__scs_overlays_trampoline_lowered:
0x8: {  	[smem:$0x3F7C] =	sst s0  }
0x9: {  	[smem:$0x3F7D] =	sst s1  }
0xa: {  	[smem:$0x3F7E] =	sst s2  }
0xb: {  	[smem:$0x3F7F] =	sst s3  }
0xc: {  	[smem:$0x3F80] =	sst s4  }
0xd: {  	[smem:$0x3F81] =	sst s5  }
0xe: {  	[smem:$0x3F82] =	sst s6  }
0xf: {  	[smem:$0x3F83] =	sst s7  }
0x10: {  	[smem:$0x3F84] =	sst s8  }
0x11: {  	[smem:$0x3F85] =	sst s9;
	s0 =	simm.s32 @!p0 $0x0  }
0x12: {  	s1 =	sld [smem:$0x3F6B];
	s0 =	simm.s32 @p0 $0x1  }
0x13: {  	[smem:$0x3F86] =	sst s0;
	s0 =	simm.s32 @!p1 $0x0  }
0x14: {  	s2 =	sld [smem:$0x3F6A];
	s0 =	simm.s32 @p1 $0x1  }
0x15: {  	[smem:$0x3F87] =	sst s0;
	s0 =	simm.s32 @!p2 $0x0  }
0x16: {  	s3 =	sld [smem:$0x3FDB];
	s0 =	simm.s32 @p2 $0x1  }
0x17: {  	s4 =	simm.s32 $0x1BF5;
	[smem:$0x3F89] =	sst s0  }
0x18: {  	s0 =	sld [smem:$0x3F6C];
	_ =	swait.ge [sflag:s4], $0x0  }
0x19: {  	s7 =	sld [smem:$0x3F6D]  }
0x1a: {  	s8 =	sadd.s32 $0xFFFFE003, lr  }
0x1b: {  	s9 =	sadd.s32 $0xFFFFFEF7, lr;
	s5 =	simm.s32 $0xFFFFFFFF;
	p2 =	slt.u32 s8, $0xFFFFF086  }
0x1c: {  	p1 =	slt.u32 s9, $0xF7A;
	s5 =	simm.s32 @!p2 $0x0  }
0x1d: {  	s5 =	simm.s32 @p1 $0x1;
	p0 =	seq.s32 s7, s2  }
0x1e: {  	s7 =	smul.u32 @!p0 $0xF7A, s2;
	p2 =	seq.s32 @!p0 s5, $0x0  }
0x1f: {  	s9 =	smul.u32 $0xF7A, s1;
	s8 =	simm.s32 @!p0 $0x1BF5;
	p2 =	por !p2, p0  }
0x20: {  	[sflag:s8] =	ssyncset.s32 @!p0 $0xFFFFF086;
	s6 =	sadd.s32 @!p0 s3, s7;
	s7 =	simm.s32 @!p0 $0x108  }
0x21: {  	s3 =	sadd.s32 s3, s9;
	s6 =	sadd.s32 @!p0 $0x88, s6;
	s7 =	simm.s32 @p2 $0x1082  }
0x22: {  	[simem:s7], [sflag:s8] =	dma.local @!p0 [hbm:s6], $0xF7A  }
0x23: {  	s9 =	sor.u32 $0xD0000000, s2;
	s6 =	simm.s32 $0x108;
	_ =	swait.ge @!p0 [sflag:s8], $0x0  }
0x24: {  	s3 =	sadd.s32 $0x88, s3;
	s6 =	simm.s32 @!p1 $0x1082;
	[sflag:s4] =	ssyncset.s32 $0xFFFFF086  }
0x25: {  	[simem:s6], [sflag:s4] =	dma.local [hbm:s3], $0xF7A  }
0x26: {  	[smem:$0x3F6D] =	sst s1;
	(tag) =	ssettag s2;
	_ =	strace s9  }
0x27: {  	s1 =	sld [smem:$0x3F7D]  }
0x28: {  	s2 =	sld [smem:$0x3F7E]  }
0x29: {  	s4 =	sld [smem:$0x3F80]  }
0x2a: {  	p0 =	seq.s32 s5, $0x0;
	s5 =	sld [smem:$0x3F81]  }
0x2b: {  	s6 =	sld [smem:$0x3F82]  }
0x2c: {  	s7 =	sld [smem:$0x3F83]  }
0x2d: {  	s3 =	simm.s32 $0x108;
	s8 =	sld [smem:$0x3F84]  }
0x2e: {  	s3 =	simm.s32 @!p0 $0x1082;
	s9 =	sld [smem:$0x3F85]  }
0x2f: {  	lr =	sadd.s32 s0, s3;
	s0 =	sld [smem:$0x3F7C]  }
0x30: {  	s3 =	sld [smem:$0x3F7F]  }
0x31: {  	[smem:$0x3F88] =	sst s10  }
0x32: {  	s10 =	sld [smem:$0x3F86];
	_ =	sdelay $0x3  }
0x33: {  	p0 =	seq.s32 s10, $0x1;
	s10 =	sld [smem:$0x3F88];
	_ =	sdelay $0x3  }
0x34: {  	[smem:$0x3F88] =	sst s10  }
0x35: {  	s10 =	sld [smem:$0x3F87];
	_ =	sdelay $0x3  }
0x36: {  	p1 =	seq.s32 s10, $0x1;
	s10 =	sld [smem:$0x3F88];
	_ =	sdelay $0x3  }
0x37: {  	[smem:$0x3F88] =	sst s10  }
0x38: {  	s10 =	sld [smem:$0x3F89]  }
0x39: {  	_ = 	snop;
	(pc) =	sbr.ind lr, $3  }
0x3a: {  	_ = 	snop  }
0x3b: {  	_ = 	snop  }
0x3c: {  	p2 =	seq.s32 s10, $0x1;
	s10 =	sld [smem:$0x3F88]  }
0x3d: {  	_ =	shalt  }
0x3e: {  	_ =	shalt  }
0x3f: {  	_ =	shalt  }
0x40: {  	_ =	shalt  }
0x41: {  	_ =	shalt  }
0x42: {  	_ =	shalt  }
0x43: {  	_ =	shalt  }
0x44: {  	_ =	shalt  }
0x45: {  	_ =	shalt  }
0x46: {  	_ =	shalt  }
0x47: {  	_ =	shalt  }
0x48: {  	_ =	shalt  }
0x49: {  	_ =	shalt  }
0x4a: {  	_ =	shalt  }
0x4b: {  	_ =	shalt  }
0x4c: {  	_ =	shalt  }
0x4d: {  	_ =	shalt  }
0x4e: {  	_ =	shalt  }
0x4f: {  	_ =	shalt  }
0x50: {  	_ =	shalt  }
0x51: {  	_ =	shalt  }
0x52: {  	_ =	shalt  }
0x53: {  	_ =	shalt  }
0x54: {  	_ =	shalt  }
0x55: {  	_ =	shalt  }
0x56: {  	_ =	shalt  }
0x57: {  	_ =	shalt  }
0x58: {  	_ =	shalt  }
0x59: {  	_ =	shalt  }
0x5a: {  	_ =	shalt  }
0x5b: {  	_ =	shalt  }
0x5c: {  	_ =	shalt  }
0x5d: {  	_ =	shalt  }
0x5e: {  	_ =	shalt  }
0x5f: {  	_ =	shalt  }
0x60: {  	_ =	shalt  }
0x61: {  	_ =	shalt  }
0x62: {  	_ =	shalt  }
0x63: {  	_ =	shalt  }
0x64: {  	_ =	shalt  }
0x65: {  	_ =	shalt  }
0x66: {  	_ =	shalt  }
0x67: {  	_ =	shalt  }
0x68: {  	_ =	shalt  }
0x69: {  	_ =	shalt  }
0x6a: {  	_ =	shalt  }
0x6b: {  	_ =	shalt  }
0x6c: {  	_ =	shalt  }
0x6d: {  	_ =	shalt  }
0x6e: {  	_ =	shalt  }
0x6f: {  	_ =	shalt  }
0x70: {  	_ =	shalt  }
0x71: {  	_ =	shalt  }
0x72: {  	_ =	shalt  }
0x73: {  	_ =	shalt  }
0x74: {  	_ =	shalt  }
0x75: {  	_ =	shalt  }
0x76: {  	_ =	shalt  }
0x77: {  	_ =	shalt  }
0x78: {  	_ =	shalt  }
0x79: {  	_ =	shalt  }
0x7a: {  	_ =	shalt  }
0x7b: {  	_ =	shalt  }
0x7c: {  	_ =	shalt  }
0x7d: {  	_ =	shalt  }
0x7e: {  	_ =	shalt  }
0x7f: {  	_ =	shalt  }
0x80: {  	_ =	shalt  }
0x81: {  	_ =	shalt  }
0x82: {  	_ =	shalt  }
0x83: {  	_ =	shalt  }
0x84: {  	_ =	shalt  }
0x85: {  	_ =	shalt  }
0x86: {  	_ =	shalt  }
0x87: {  	_ =	shalt  }
.Lfunc_end0:
.L_simem_size_0:
called_computation.1_lowered:
.L_overlay_start_0:
0x88: {  	s2 =	sld [smem:$0x3FD9]  }
0x89: {  	s3 =	sld [smem:$0x3FFE];
	_ =	sdelay $0x1  }
0x8a: {  	s1 =	srdreg.scid  }
0x8b: {  	s0 =	sand.u32 $0x1, s1  }
0x8c: {  	s16 =	sshll.u32 s0, $0xA;
	s2 =	sadd.s32 s3, s2  }
0x8d: {  	s2 =	sadd.s32 s2, s16  }
0x8e: {  	[smem:$0x3F94] =	sst s2  }
0x8f: {  	_ = 	snop  }
0x90: {  	(tm) =	ssettm $0x1  }
0x91: {  	s17 =	sld [smem:$0x3FFB];
	_ =	sdelay $0x3  }
0x92: {  	_ =	strace s17  }
0x93: {  	s2 =	sld [smem:$0x3FFC];
	_ =	sdelay $0x3  }
0x94: {  	_ =	strace s2  }
0x95: {  	s2 =	sld [smem:$0x3FFD];
	_ =	sdelay $0x3  }
0x96: {  	_ =	strace s2  }
0x97: {  	_ =	strace $0x8FFFFFFF  }
0x98: {  	s18 =	sld [smem:$0x3FDB];
	_ =	sdelay $0x1  }
0x99: {  	s19 =	simm.s32 $_scs_section_size  }
0x9a: {  	s4 =	simm.s32 $_size__tile_overlayer_lowered;
	s5 =	simm.s32 $_tile_overlayer_lowered  }
0x9b: {  	s22 =	simm.s32 $0x1BFF;
	s21 =	sshll.u32 s5, $0x1;
	s2 =	sadd.s32 s19, s18  }
0x9c: {  	s6 =	simm.s32 $0x0;
	s20 =	sshll.u32 s4, $0x1;
	s4 =	sadd.s32 s21, s2  }
0x9d: {  	[timem:s6], [sflag:s22] =	dma.local [hbm:s4], s20  }
0x9e: {  	_ =	swait.ge [sflag:s22], s20  }
0x9f: {  	s3 =	ssub.s32 $0x0, s20;
	[sflag:s22] =	ssyncset.done $0x0  }
0xa0: {  	[sflag:s22] =	ssyncadd.s32 s3;
	_ =	sdelay $0x1  }
0xa1: {  	s23 =	simm.s32 $0x1B8B  }
0xa2: {  	_ =	swait.ge [sflag:s23], $0x1  }
0xa3: {  	[sflag:s23] =	ssyncset.done $0x0  }
0xa4: {  	s25 =	simm.s32 $0x1B8E;
	s24 =	sld [smem:$0x3FFE];
	[sflag:s23] =	ssyncadd.s32 $0xFFFFFFFF  }
0xa5: {  	s26 =	simm.s32 $execute0_lowered;
	[smem:$0x3FD2] =	sst s25  }
0xa6: {  	s4 =	sshll.u32 s26, $0x1;
	_ =	strace $0x80000049;
	[dreg:$0x1] =	wrdreg $0xFFFFFFFF  }
0xa7: {  	s28 =	simm.s32 $_size_execute0_lowered;
	s2 =	sadd.s32 s2, s4;
	[dreg:$0x0] =	wrdreg $0x0  }
0xa8: {  	s4 =	sshll.u32 s28, $0x1;
	[dreg:$0x2] =	wrdreg s2  }
0xa9: {  	[dreg:$0x3] =	wrdreg s4  }
0xaa: {  	[dreg:$0x4] =	wrdreg $0xC0  }
0xab: {  	_ =	task [dreg:s6], $0x5FFFF  }
0xac: {  	[dreg:$0x1] =	wrdreg $0xFFFFFFFF  }
0xad: {  	[dreg:$0x0] =	wrdreg $0x60  }
0xae: {  	[dreg:$0x2] =	wrdreg s24  }
0xaf: {  	[dreg:$0x3] =	wrdreg $0x133000  }
0xb0: {  	[dreg:$0x4] =	wrdreg $0x9  }
0xb1: {  	_ =	task.clear_ibuf [dreg:s6], $0x5FFFF;
	_ =	strace $0x90000049  }
0xb2: {  	s29 =	simm.s32 $0x9;
	_ =	strace $0x8000004B  }
0xb3: {  	_ =	swait.ge [sflag:s29], $0x1  }
0xb4: {  	[sflag:s29] =	ssyncadd.s32 $0xFFFFFFFF  }
0xb5: {  	_ =	strace $0x9000004B  }
0xb6: {  	_ =	sfence  }
0xb7: {  	s30 =	sld [smem:$0x0];
	_ =	sdelay $0x2  }
0xb8: {  	s31 =	sshll.u32 s1, $0xD;
	s1 =	sshrl.u32 s1, $0x2  }
0xb9: {  	s3 =	sand.u32 $0x4000, s31;
	s1 =	sadd.s32 s1, s30  }
0xba: {  	s0 =	sor.u32 s3, s0;
	s1 =	sshll.u32 s1, $0x11  }
0xbb: {  	s0 =	sor.u32 s1, s0  }
0xbc: {  	s0 =	sadd.s32 $0x8F2B, s0  }
0xbd: {  	[sflag:s0] =	ssyncadd.remote.s32 $0x1  }
0xbe: {  	_ =	sfence.sel $0xFFFF  }
0xbf: {  	[dreg:$0x0] =	wrdreg $0xFFFFFFFF;
	(pc) =	sbr.abs _section_cstart, $3  }
0xc0: {  	[dreg:$0x1] =	wrdreg $0xFFFFFFFF  }
0xc1: {  	_ =	task.clear_ibuf [dreg:s6], $0x2FFFF;
	_ =	strace $0x9FFFFFFF  }
0xc2: {  	(tm) =	ssettm $0x7FFFFFFF  }
0xc3: {  	_ =	shalt  }
tec
execute0_lowered:
.L_overlay_start_1:
0x0: {  	(tag) =	ssettag $0x1  }
0x1: {  	s8 =	rddreg [dreg:$0x0]  }
0x2: {  	s2 =	rddreg [dreg:$0x1]  }
0x3: {  	s0 =	rddreg [dreg:$0x2];
	s3 =	simm.s32 $0x0;
	s4 =	srdreg.scid  }
0x4: {  	s1 =	stileid.u32;
	s17 =	simm.s32 $0x100;
	s18 =	simm.s32 $0xC8  }
0x5: {  	s19 =	simm.s32 $0x300;
	s20 =	simm.s32 $0x1;
	s21 =	simm.s32 $0x6700  }
0x6: {  	s22 =	simm.s32 $0x200;
	[smem:$0x7FF] =	sst s3;
	s9 =	smul.u32 $0x1480, s1  }
0x7: {  	s11 =	sand.u32 $0x1, s4;
	s4 =	sadd.s32 $0x1DA00, s8;
	s12 =	smul.u32 $0x29000, s1  }
0x8: {  	s5 =	sadd.s32 $0x44C00, s8;
	s6 =	sadd.s32 $0x13C00, s8;
	s10 =	smul.u32 $0x14800, s11  }
0x9: {  	s7 =	sadd.s32 $0x9E00, s8;
	s13 =	ssub.s32 $0x2, s11;
	s16 =	smul.u32 $0xFFFFEC00, s11  }
0xa: {  	_ =	strace $0x8000004A;
	s31 =	sshrl.u32 s13, $0x1;
	s12 =	sshrl.u32 s12, $0x2  }
0xb: {  	s9 =	sadd.s32 s9, s10;
	s15 =	ssub.s32 s13, s31;
	v0 =	vmov s16;
	s16 =	simm.s32 $0x2  }
0xc: {  	s14 =	sadd.s32 s9, s8;
	s8 =	sadd.s32 s12, s2;
	s12 =	smul.u32 $0x4E20, s1  }
0xd: {  	v1 =	vimm.f32 $0.0e+00;
	vm0 =	vmmov $0xff;
	vm1 =	vcmask $0xF0C;
	s9 =	sadd.s32 $0x3000, s8;
	s10 =	sadd.s32 $0x6000, s8;
	s11 =	sadd.s32 $0x9000, s8  }
0xe: {  	vm2 =	vcmask $0x3F0C;
	vm3 =	vcmask $0x3F08;
	vm4 =	vmmov $0x1;
	s13 =	sadd.s32 $0x6BE00, s14;
	s14 =	smax.u32 s15, $0x1;
	s15 =	simm.s32 $0xCB00  }
.LBB2_1:
0xf: {  	s23 =	simm.s32 $0x0;
	s24 =	simm.s32 $0x200  }
.LBB2_2:
0x10: {  	p0 =	sne.s32 s24, $0x18E00;
	[tilespmem:s23+$0xCB70] =	vst v1  }
0x11: {  	[tilespmem:s23+$0xCB00] =	vst v1  }
0x12: {  	[tilespmem:s23+$0xCB10] =	vst v1  }
.Ltmp0:
0x13: {  	[tilespmem:s23+$0xCB20] =	vst v1;
	(pc) =	sbr.rel @p0 .LBB2_2-.Ltmp0, $4  }
0x14: {  	[tilespmem:s23+$0xCB30] =	vst v1  }
0x15: {  	[tilespmem:s23+$0xCB40] =	vst v1  }
0x16: {  	[tilespmem:s23+$0xCB50] =	vst v1  }
0x17: {  	[tilespmem:s23+$0xCB60] =	vst v1;
	s23 =	sshra.s32 s24, $0x2;
	s24 =	sadd.s32 $0x200, s24  }
0x18: {  	[tilespmem:s23+$0xCB70] =	vst v1  }
0x19: {  	[tilespmem:s23+$0xCB00] =	vst v1  }
0x1a: {  	[tilespmem:s23+$0xCB10] =	vst v1  }
0x1b: {  	[tilespmem:s23+$0xCB20] =	vst v1  }
0x1c: {  	[tilespmem:s23+$0xCB30] =	vst v1  }
0x1d: {  	[tilespmem:s23+$0xCB40] =	vst v1  }
0x1e: {  	[tilespmem:s23+$0xCB50] =	vst v1  }
0x1f: {  	[tilespmem:s23+$0xCB60] =	vst v1  }
0x20: {  	[tilespmem:$0x12F00] =	vst v1  }
0x21: {  	[tilespmem:$0x12F10] =	vst v1  }
0x22: {  	[tilespmem:$0x13100] =	vst v1  }
0x23: {  	[tilespmem:$0x13110] =	vst v1  }
0x24: {  	[spmem:s8] =	stream.linear.scatter [tilespmem:s15], [sflag:$0x2], $0x3000, $0x38;
	[tilespmem:$0x1D700] =	vst v63  }
0x25: {  	_ =	swait.ge [sflag:s16], $0x3000  }
0x26: {  	[sflag:s16] =	ssyncset.done $0x0  }
0x27: {  	[sflag:s16] =	ssyncadd.s32 $0xFFFFD000  }
0x28: {  	[spmem:s9] =	stream.linear.scatter [tilespmem:s15], [sflag:$0x2], $0x3000, $0x38;
	[tilespmem:$0x1D700] =	vst v63  }
0x29: {  	_ =	swait.ge [sflag:s16], $0x3000  }
0x2a: {  	[sflag:s16] =	ssyncset.done $0x0  }
0x2b: {  	[sflag:s16] =	ssyncadd.s32 $0xFFFFD000  }
0x2c: {  	[spmem:s10] =	stream.linear.scatter [tilespmem:s15], [sflag:$0x2], $0x3000, $0x38;
	[tilespmem:$0x1D700] =	vst v63  }
0x2d: {  	_ =	swait.ge [sflag:s16], $0x3000  }
0x2e: {  	[sflag:s16] =	ssyncset.done $0x0  }
0x2f: {  	[sflag:s16] =	ssyncadd.s32 $0xFFFFD000  }
0x30: {  	[spmem:s11] =	stream.linear.scatter [tilespmem:s15], [sflag:$0x2], $0x1400, $0x38;
	[tilespmem:$0x1D700] =	vst v63  }
0x31: {  	_ =	swait.ge [sflag:s16], $0x1400  }
0x32: {  	[sflag:s16] =	ssyncset.done $0x0  }
0x33: {  	[sflag:s16] =	ssyncadd.s32 $0xFFFFEC00  }
0x34: {  	s23 =	simm.s32 $0x0;
	s24 =	simm.s32 $0x0;
	[bflag:$0x0] =	sbarrier.arrive $0xFFFF  }
.LBB2_4:
0x35: {  	s25 =	smul.u32 $0xC8, s24;
	_ =	sdelay $0x1  }
0x36: {  	s25 =	sadd.s32 s12, s25  }
0x37: {  	s25 =	sshrl.u32 s25, $0x3  }
0x38: {  	s26 =	sadd.s32 s6, s25  }
0x39: {  	[tilespmem:s23], [sflag:$0x2] =	stream.linear.gather [hbm4b:s26+s23], $0xC8, $0x38;
	[tilespmem:$0x1D700] =	vst v63  }
0x3a: {  	_ =	swait.ge [sflag:s16], $0xC8  }
0x3b: {  	[sflag:s16] =	ssyncset.done $0x0  }
0x3c: {  	s25 =	sadd.s32 s7, s25;
	[sflag:s16] =	ssyncadd.s32 $0xFFFFFF38  }
0x3d: {  	[tilespmem:s17], [sflag:$0x2] =	stream.linear.gather [hbm4b:s25+s23], $0xC8, $0x38;
	[tilespmem:$0x1D700] =	vst v63  }
0x3e: {  	_ =	swait.ge [sflag:s16], $0xC8  }
0x3f: {  	[sflag:s16] =	ssyncset.done $0x0  }
0x40: {  	[sflag:s16] =	ssyncadd.s32 $0xFFFFFF38  }
0x41: {  	v2 =	vld [tilespmem:$0x100]  }
0x42: {  	v3 =	vld [tilespmem:$0x110]  }
0x43: {  	v4 =	vld [tilespmem:$0x120]  }
0x44: {  	v5 =	vld [tilespmem:$0x130]  }
0x45: {  	v6 =	vld [tilespmem:$0x140]  }
0x46: {  	v7 =	vld [tilespmem:$0x150];
	v2 =	vadd.s32 v0, v2  }
0x47: {  	v8 =	vld [tilespmem:$0x160];
	v3 =	vadd.s32 v0, v3;
	vm5 =	vlt.u32 v2, $0x1400  }
0x48: {  	v9 =	vld [tilespmem:$0x170];
	v4 =	vadd.s32 v0, v4;
	v2 =	vnsel vm5, $0x147F, v2;
	vm5 =	vlt.u32 v3, $0x1400  }
0x49: {  	[tilespmem:$0x200] =	vst v2;
	v2 =	vnsel vm5, $0x147F, v3;
	vm5 =	vlt.u32 v4, $0x1400;
	v3 =	vadd.s32 v0, v5;
	v5 =	vld [tilespmem:$0x180]  }
0x4a: {  	[tilespmem:$0x210] =	vst v2;
	v2 =	vnsel vm5, $0x147F, v4;
	vm5 =	vlt.u32 v3, $0x1400;
	v4 =	vadd.s32 v0, v6;
	v6 =	vld [tilespmem:$0x190]  }
0x4b: {  	[tilespmem:$0x220] =	vst v2;
	v2 =	vnsel vm5, $0x147F, v3;
	vm5 =	vlt.u32 v4, $0x1400;
	v3 =	vadd.s32 v0, v7;
	v7 =	vld [tilespmem:$0x1A0]  }
0x4c: {  	[tilespmem:$0x230] =	vst v2;
	v2 =	vnsel vm5, $0x147F, v4;
	vm5 =	vlt.u32 v3, $0x1400;
	v4 =	vadd.s32 v0, v8;
	v8 =	vld [tilespmem:$0x1B0]  }
0x4d: {  	[tilespmem:$0x240] =	vst v2;
	v2 =	vnsel vm5, $0x147F, v3;
	vm5 =	vlt.u32 v4, $0x1400;
	v3 =	vadd.s32 v0, v9;
	v9 =	vld [tilespmem:$0x1B8]  }
0x4e: {  	[tilespmem:$0x250] =	vst v2;
	v2 =	vnsel vm5, $0x147F, v4;
	vm5 =	vlt.u32 v3, $0x1400;
	v4 =	vadd.s32 v0, v5  }
0x4f: {  	[tilespmem:$0x260] =	vst v2;
	v2 =	vnsel vm5, $0x147F, v3;
	vm5 =	vlt.u32 v4, $0x1400;
	v3 =	vadd.s32 v0, v6  }
0x50: {  	[tilespmem:$0x270] =	vst v2;
	v2 =	vnsel vm5, $0x147F, v4;
	vm5 =	vlt.u32 v3, $0x1400;
	v4 =	vadd.s32 v0, v7  }
0x51: {  	[tilespmem:$0x280] =	vst v2;
	v2 =	vnsel vm5, $0x147F, v3;
	vm5 =	vlt.u32 v4, $0x1400;
	v3 =	vadd.s32 v0, v8  }
0x52: {  	[tilespmem:$0x290] =	vst v2;
	v2 =	vnsel vm5, $0x147F, v4;
	vm5 =	vlt.u32 v3, $0x1400;
	v4 =	vadd.s32 v0, v9  }
0x53: {  	[tilespmem:$0x2A0] =	vst v2;
	v2 =	vnsel vm5, $0x147F, v3;
	vm5 =	vlt.u32 v4, $0x1400  }
0x54: {  	[tilespmem:$0x2B0] =	vst v2;
	v2 =	vnsel vm5, $0x147F, v4  }
0x55: {  	[tilespmem:$0x2B8] =	vst v2  }
0x56: {  	[tilespmem:s19], [sflag:$0x1] =	stream.indirect.gather [hbm4b:s4+s18], $0x80, s17, s18, $0xb8;
	[tilespmem:$0x1D700] =	vst v63  }
0x57: {  	_ =	swait.ge [sflag:s20], $0x6400  }
0x58: {  	[sflag:s20] =	ssyncset.done $0x0  }
0x59: {  	[sflag:s20] =	ssyncadd.s32 $0xFFFF9C00  }
0x5a: {  	[tilespmem:s21], [sflag:$0x1] =	stream.indirect.gather [hbm4b:s5+s18], $0x80, s23, s18, $0xb8;
	[tilespmem:$0x1D700] =	vst v63  }
0x5b: {  	_ =	swait.ge [sflag:s20], $0x6400  }
0x5c: {  	[sflag:s20] =	ssyncset.done $0x0  }
0x5d: {  	s25 =	simm.s32 $0x0;
	[sflag:s20] =	ssyncadd.s32 $0xFFFF9C00  }
0x5e: {  	v2 =	vld [tilespmem:s25+$0x300]  }
0x5f: {  	v3 =	vld [tilespmem:s25+$0x6700];
	_ =	sdelay $0x3  }
0x60: {  	v4 =	vld [tilespmem:s25+$0x6720]  }
0x61: {  	v5 =	vld [tilespmem:s25+$0x310];
	v2 =	vmul.f32 v3, v2  }
0x62: {  	v6 =	vld [tilespmem:s25+$0x6710]  }
0x63: {  	v3 =	vld [tilespmem:s25+$0x6730];
	[tilespmem:$0x12F00] =	vst v2  }
0x64: {  	v7 =	vld [tilespmem:$0x12F04];
	_ =	sdelay $0x4  }
0x65: {  	v2 =	vadd.f32 v7, v2;
	_ =	sdelay $0x1  }
0x66: {  	[tilespmem:$0x12F00] =	vst v2  }
0x67: {  	v7 =	vld [tilespmem:$0x12F02];
	_ =	sdelay $0x4  }
0x68: {  	v2 =	vadd.f32 v7, v2  }
0x69: {  	v5 =	vmul.f32 v6, v5  }
0x6a: {  	[tilespmem:$0x12F00] =	vst v2  }
0x6b: {  	v6 =	vld [tilespmem:$0x12F01];
	[tilespmem:$0x12F00] =	vst v5  }
0x6c: {  	v7 =	vld [tilespmem:$0x12F04];
	_ =	sdelay $0x4  }
0x6d: {  	v5 =	vadd.f32 v7, v5;
	_ =	sdelay $0x1  }
0x6e: {  	[tilespmem:$0x12F00] =	vst v5  }
0x6f: {  	v7 =	vld [tilespmem:$0x12F02];
	_ =	sdelay $0x4  }
0x70: {  	v5 =	vadd.f32 v7, v5;
	_ =	sdelay $0x1  }
0x71: {  	[tilespmem:$0x12F00] =	vst v5  }
0x72: {  	v7 =	vld [tilespmem:$0x12F01];
	_ =	sdelay $0x2  }
0x73: {  	v2 =	vadd.f32 v6, v2;
	_ =	sdelay $0x1  }
0x74: {  	(v2sf) =	vpush v2, $0x8;
	v5 =	vadd.f32 v7, v5  }
0x75: {  	(v2sf) =	vpush v2, $0x0  }
0x76: {  	(v2sf) =	vpush v5, $0x8  }
0x77: {  	(v2sf) =	vpush v5, $0x0;
	_ =	sdelay $0xb  }
0x78: {  	s30 =	spop (v2sf)  }
0x79: {  	s28 =	spop (v2sf)  }
0x7a: {  	s26 =	smul.f32 $3.535533850e-01, s30;
	s29 =	spop (v2sf)  }
0x7b: {  	s29 =	smul.f32 $3.535533850e-01, s29;
	s30 =	spop (v2sf)  }
0x7c: {  	s30 =	smul.f32 $3.535533850e-01, s30  }
0x7d: {  	v2 =	vmov s29  }
0x7e: {  	s28 =	smul.f32 $3.535533850e-01, s28;
	v2 =	vsel vm0, s30, v2  }
0x7f: {  	v5 =	vmov s26;
	v2 =	vmul.f32 $1.442695020e+00, v2  }
0x80: {  	v5 =	vsel vm0, s28, v5  }
0x81: {  	v5 =	vmul.f32 $1.442695020e+00, v5;
	(erf) = vpow2.f32 v2;
	_ =	sdelay $0x1  }
0x82: {  	(erf) = vpow2.f32 v5;
	_ =	sdelay $0x6  }
0x83: {  	v2 =	vld [tilespmem:s25+$0x380];
	v6 =	vpop (erf)  }
0x84: {  	v5 =	vld [tilespmem:s25+$0x6780];
	v8 =	vbroadcast v6, $0x8  }
0x85: {  	v9 =	vpop (erf);
	v3 =	vmul.f32 v6, v3;
	v6 =	vbroadcast v6, $0x0  }
0x86: {  	v11 =	vbroadcast v9, $0x8;
	v8 =	vnsel vm1, $0x0, v8  }
0x87: {  	v4 =	vmul.f32 v9, v4;
	[tilespmem:s25+$0xCB10] =	vst v3;
	v3 =	vsel vm2, v8, v6  }
0x88: {  	v10 =	vld [tilespmem:s25+$0x6790];
	v3 =	vsel vm3, v3, v11  }
0x89: {  	v7 =	vld [tilespmem:s25+$0x390];
	v2 =	vmul.f32 v5, v2;
	[tilespmem:s25+$0xCB00] =	vst v4;
	v3 =	vsel vm4, v9, v3  }
0x8a: {  	v4 =	vld [tilespmem:s25+$0x67B0];
	[tilespmem:s25+$0xCB20] =	vst v3  }
0x8b: {  	v9 =	vld [tilespmem:s25+$0x67A0];
	[tilespmem:$0x13100] =	vst v2  }
0x8c: {  	v3 =	vld [tilespmem:$0x13104];
	_ =	sdelay $0x4  }
0x8d: {  	v2 =	vadd.f32 v3, v2;
	_ =	sdelay $0x1  }
0x8e: {  	[tilespmem:$0x13100] =	vst v2  }
0x8f: {  	v3 =	vld [tilespmem:$0x13102];
	_ =	sdelay $0x4  }
0x90: {  	v2 =	vadd.f32 v3, v2  }
0x91: {  	v3 =	vmul.f32 v10, v7  }
0x92: {  	[tilespmem:$0x13100] =	vst v2  }
0x93: {  	v5 =	vld [tilespmem:$0x13101];
	[tilespmem:$0x13100] =	vst v3  }
0x94: {  	v6 =	vld [tilespmem:$0x13104];
	_ =	sdelay $0x4  }
0x95: {  	v3 =	vadd.f32 v6, v3;
	_ =	sdelay $0x1  }
0x96: {  	[tilespmem:$0x13100] =	vst v3  }
0x97: {  	v6 =	vld [tilespmem:$0x13102];
	_ =	sdelay $0x4  }
0x98: {  	v3 =	vadd.f32 v6, v3;
	_ =	sdelay $0x1  }
0x99: {  	[tilespmem:$0x13100] =	vst v3  }
0x9a: {  	v6 =	vld [tilespmem:$0x13101];
	_ =	sdelay $0x2  }
0x9b: {  	v2 =	vadd.f32 v5, v2;
	_ =	sdelay $0x1  }
0x9c: {  	(v2sf) =	vpush v2, $0x8;
	v3 =	vadd.f32 v6, v3  }
0x9d: {  	(v2sf) =	vpush v2, $0x0  }
0x9e: {  	(v2sf) =	vpush v3, $0x8  }
0x9f: {  	(v2sf) =	vpush v3, $0x0;
	_ =	sdelay $0xb  }
0xa0: {  	s26 =	spop (v2sf)  }
0xa1: {  	s28 =	spop (v2sf)  }
0xa2: {  	s29 =	spop (v2sf)  }
0xa3: {  	s29 =	smul.f32 $3.535533850e-01, s29;
	s31 =	spop (v2sf)  }
0xa4: {  	s30 =	smul.f32 $3.535533850e-01, s31  }
0xa5: {  	s26 =	smul.f32 $3.535533850e-01, s26;
	v2 =	vmov s29  }
0xa6: {  	s28 =	smul.f32 $3.535533850e-01, s28;
	v2 =	vsel vm0, s30, v2  }
0xa7: {  	v3 =	vmov s26;
	v2 =	vmul.f32 $1.442695020e+00, v2  }
0xa8: {  	v3 =	vsel vm0, s28, v3  }
0xa9: {  	v3 =	vmul.f32 $1.442695020e+00, v3;
	(erf) = vpow2.f32 v2;
	_ =	sdelay $0x1  }
0xaa: {  	(erf) = vpow2.f32 v3;
	_ =	sdelay $0x5  }
0xab: {  	s29 =	simm.s32 $0x100  }
0xac: {  	v6 =	vld [tilespmem:s29+$0x300];
	v3 =	vpop (erf)  }
0xad: {  	v7 =	vld [tilespmem:s29+$0x6700];
	v10 =	vbroadcast v3, $0x8  }
0xae: {  	v5 =	vld [tilespmem:s29+$0x6710];
	v11 =	vmul.f32 v3, v4;
	v3 =	vbroadcast v3, $0x0;
	v8 =	vpop (erf)  }
0xaf: {  	v2 =	vld [tilespmem:s29+$0x6720];
	v12 =	vbroadcast v8, $0x8;
	v9 =	vmul.f32 v8, v9;
	v10 =	vnsel vm1, $0x0, v10  }
0xb0: {  	v4 =	vld [tilespmem:s29+$0x310];
	[tilespmem:s25+$0xCB90] =	vst v11;
	v10 =	vsel vm2, v10, v3  }
0xb1: {  	s26 =	simm.s32 $0x800;
	v3 =	vld [tilespmem:s29+$0x6730];
	[tilespmem:s25+$0xCB80] =	vst v9;
	v9 =	vsel vm3, v10, v12  }
.LBB2_5:
0xb2: {  	p0 =	sne.s32 s26, $0x18C00;
	v6 =	vmul.f32 v7, v6;
	v7 =	vsel vm4, v8, v9;
	s28 =	smov.u32 s26;
	s26 =	sadd.s32 $0x400, s26  }
0xb3: {  	[tilespmem:s25+$0xCBA0] =	vst v7;
	s25 =	smov.u32 s29  }
0xb4: {  	[tilespmem:$0x12F00] =	vst v6  }
0xb5: {  	v7 =	vld [tilespmem:$0x12F04];
	_ =	sdelay $0x4  }
0xb6: {  	v6 =	vadd.f32 v7, v6;
	_ =	sdelay $0x1  }
0xb7: {  	[tilespmem:$0x12F00] =	vst v6  }
0xb8: {  	v7 =	vld [tilespmem:$0x12F02];
	_ =	sdelay $0x4  }
0xb9: {  	v6 =	vadd.f32 v7, v6  }
0xba: {  	v4 =	vmul.f32 v5, v4  }
0xbb: {  	[tilespmem:$0x12F00] =	vst v6  }
0xbc: {  	v5 =	vld [tilespmem:$0x12F01]  }
0xbd: {  	[tilespmem:$0x12F00] =	vst v4  }
0xbe: {  	v7 =	vld [tilespmem:$0x12F04];
	_ =	sdelay $0x2  }
0xbf: {  	v5 =	vadd.f32 v5, v6;
	_ =	sdelay $0x1  }
0xc0: {  	v4 =	vadd.f32 v7, v4;
	(v2sf) =	vpush v5, $0x8  }
0xc1: {  	(v2sf) =	vpush v5, $0x0  }
0xc2: {  	[tilespmem:$0x12F00] =	vst v4  }
0xc3: {  	v5 =	vld [tilespmem:$0x12F02];
	_ =	sdelay $0x4  }
0xc4: {  	v4 =	vadd.f32 v5, v4;
	_ =	sdelay $0x1  }
0xc5: {  	[tilespmem:$0x12F00] =	vst v4  }
0xc6: {  	v5 =	vld [tilespmem:$0x12F01]  }
0xc7: {  	v6 =	vld [tilespmem:s25+$0x380]  }
0xc8: {  	v7 =	vld [tilespmem:s25+$0x6780]  }
0xc9: {  	v8 =	vld [tilespmem:s25+$0x390]  }
0xca: {  	v9 =	vld [tilespmem:s25+$0x6790];
	s29 =	spop (v2sf)  }
0xcb: {  	v4 =	vadd.f32 v5, v4;
	s29 =	smul.f32 $3.535533850e-01, s29;
	s30 =	spop (v2sf)  }
0xcc: {  	s30 =	smul.f32 $3.535533850e-01, s30  }
0xcd: {  	v5 =	vmov s29;
	(v2sf) =	vpush v4, $0x8  }
0xce: {  	v5 =	vsel vm0, s30, v5;
	(v2sf) =	vpush v4, $0x0  }
0xcf: {  	v4 =	vmul.f32 $1.442695020e+00, v5;
	_ =	sdelay $0xc  }
0xd0: {  	s29 =	spop (v2sf)  }
0xd1: {  	s29 =	smul.f32 $3.535533850e-01, s29;
	s30 =	spop (v2sf)  }
0xd2: {  	s30 =	smul.f32 $3.535533850e-01, s30  }
0xd3: {  	v5 =	vmov s29  }
0xd4: {  	v5 =	vsel vm0, s30, v5  }
0xd5: {  	v5 =	vmul.f32 $1.442695020e+00, v5;
	_ =	sdelay $0x1  }
0xd6: {  	(erf) = vpow2.f32 v5  }
0xd7: {  	(erf) = vpow2.f32 v4;
	_ =	sdelay $0x7  }
0xd8: {  	v4 =	vpop (erf)  }
0xd9: {  	v5 =	vbroadcast v4, $0x0;
	v10 =	vbroadcast v4, $0x8;
	v11 =	vpop (erf)  }
0xda: {  	v3 =	vmul.f32 v4, v3;
	v4 =	vbroadcast v11, $0x8  }
0xdb: {  	v2 =	vmul.f32 v11, v2;
	v10 =	vnsel vm1, $0x0, v10  }
0xdc: {  	[tilespmem:s25+$0xCB10] =	vst v3;
	v3 =	vsel vm2, v10, v5  }
0xdd: {  	v5 =	vmul.f32 v7, v6;
	[tilespmem:s25+$0xCB00] =	vst v2;
	v2 =	vsel vm3, v3, v4;
	v4 =	vld [tilespmem:s25+$0x67B0]  }
0xde: {  	v2 =	vsel vm4, v11, v2;
	v3 =	vld [tilespmem:s25+$0x67A0]  }
0xdf: {  	[tilespmem:s25+$0xCB20] =	vst v2  }
0xe0: {  	[tilespmem:$0x13100] =	vst v5  }
0xe1: {  	v2 =	vld [tilespmem:$0x13104];
	_ =	sdelay $0x4  }
0xe2: {  	v2 =	vadd.f32 v2, v5;
	_ =	sdelay $0x1  }
0xe3: {  	[tilespmem:$0x13100] =	vst v2  }
0xe4: {  	v5 =	vld [tilespmem:$0x13102];
	_ =	sdelay $0x4  }
0xe5: {  	v2 =	vadd.f32 v5, v2  }
0xe6: {  	v5 =	vmul.f32 v9, v8  }
0xe7: {  	[tilespmem:$0x13100] =	vst v2  }
0xe8: {  	v6 =	vld [tilespmem:$0x13101]  }
0xe9: {  	[tilespmem:$0x13100] =	vst v5  }
0xea: {  	v7 =	vld [tilespmem:$0x13104];
	_ =	sdelay $0x2  }
0xeb: {  	v2 =	vadd.f32 v6, v2;
	_ =	sdelay $0x1  }
0xec: {  	v5 =	vadd.f32 v7, v5;
	(v2sf) =	vpush v2, $0x8  }
0xed: {  	(v2sf) =	vpush v2, $0x0  }
0xee: {  	[tilespmem:$0x13100] =	vst v5  }
0xef: {  	v2 =	vld [tilespmem:$0x13102];
	_ =	sdelay $0x4  }
0xf0: {  	v2 =	vadd.f32 v2, v5;
	_ =	sdelay $0x1  }
0xf1: {  	[tilespmem:$0x13100] =	vst v2  }
0xf2: {  	v5 =	vld [tilespmem:$0x13101];
	_ =	sdelay $0x3  }
0xf3: {  	s29 =	spop (v2sf)  }
0xf4: {  	v2 =	vadd.f32 v5, v2;
	s29 =	smul.f32 $3.535533850e-01, s29;
	s30 =	spop (v2sf)  }
0xf5: {  	s30 =	smul.f32 $3.535533850e-01, s30  }
0xf6: {  	v5 =	vmov s29;
	(v2sf) =	vpush v2, $0x8  }
0xf7: {  	v5 =	vsel vm0, s30, v5;
	(v2sf) =	vpush v2, $0x0  }
0xf8: {  	v2 =	vmul.f32 $1.442695020e+00, v5;
	_ =	sdelay $0xc  }
0xf9: {  	s29 =	spop (v2sf)  }
0xfa: {  	s29 =	smul.f32 $3.535533850e-01, s29;
	s30 =	spop (v2sf)  }
0xfb: {  	s30 =	smul.f32 $3.535533850e-01, s30  }
0xfc: {  	v5 =	vmov s29  }
0xfd: {  	v5 =	vsel vm0, s30, v5  }
0xfe: {  	v5 =	vmul.f32 $1.442695020e+00, v5;
	_ =	sdelay $0x1  }
0xff: {  	(erf) = vpow2.f32 v5  }
0x100: {  	(erf) = vpow2.f32 v2;
	_ =	sdelay $0x6  }
0x101: {  	s29 =	sshra.s32 s28, $0x2  }
0x102: {  	v6 =	vld [tilespmem:s29+$0x300];
	v5 =	vpop (erf)  }
.Ltmp1:
0x103: {  	v7 =	vld [tilespmem:s29+$0x6700];
	v9 =	vbroadcast v5, $0x0;
	v10 =	vbroadcast v5, $0x8;
	v8 =	vpop (erf);
	(pc) =	sbr.rel @p0 .LBB2_5-.Ltmp1, $4  }
0x104: {  	v11 =	vmul.f32 v5, v4;
	v2 =	vld [tilespmem:s29+$0x6720];
	v12 =	vbroadcast v8, $0x8  }
0x105: {  	v13 =	vmul.f32 v8, v3;
	v4 =	vld [tilespmem:s29+$0x310];
	v3 =	vnsel vm1, $0x0, v10  }
0x106: {  	v5 =	vld [tilespmem:s29+$0x6710];
	[tilespmem:s25+$0xCB90] =	vst v11;
	v9 =	vsel vm2, v3, v9  }
0x107: {  	v3 =	vld [tilespmem:s29+$0x6730];
	[tilespmem:s25+$0xCB80] =	vst v13;
	v9 =	vsel vm3, v9, v12  }
0x108: {  	v6 =	vmul.f32 v7, v6;
	v39 =	vsel vm4, v8, v9  }
0x109: {  	[tilespmem:s25+$0xCBA0] =	vst v39  }
0x10a: {  	[tilespmem:$0x12F00] =	vst v6  }
0x10b: {  	v7 =	vld [tilespmem:$0x12F04];
	_ =	sdelay $0x4  }
0x10c: {  	v6 =	vadd.f32 v7, v6;
	_ =	sdelay $0x1  }
0x10d: {  	[tilespmem:$0x12F00] =	vst v6  }
0x10e: {  	v40 =	vld [tilespmem:$0x12F02];
	_ =	sdelay $0x4  }
0x10f: {  	v6 =	vadd.f32 v40, v6  }
0x110: {  	v4 =	vmul.f32 v5, v4  }
0x111: {  	[tilespmem:$0x12F00] =	vst v6  }
0x112: {  	v41 =	vld [tilespmem:$0x12F01];
	[tilespmem:$0x12F00] =	vst v4  }
0x113: {  	v42 =	vld [tilespmem:$0x12F04];
	_ =	sdelay $0x4  }
0x114: {  	v4 =	vadd.f32 v42, v4;
	_ =	sdelay $0x1  }
0x115: {  	[tilespmem:$0x12F00] =	vst v4  }
0x116: {  	v43 =	vld [tilespmem:$0x12F02];
	_ =	sdelay $0x4  }
0x117: {  	v4 =	vadd.f32 v43, v4;
	_ =	sdelay $0x1  }
0x118: {  	[tilespmem:$0x12F00] =	vst v4  }
0x119: {  	v44 =	vld [tilespmem:$0x12F01];
	_ =	sdelay $0x2  }
0x11a: {  	v5 =	vadd.f32 v41, v6;
	_ =	sdelay $0x1  }
0x11b: {  	(v2sf) =	vpush v5, $0x8;
	v4 =	vadd.f32 v44, v4  }
0x11c: {  	(v2sf) =	vpush v5, $0x0  }
0x11d: {  	(v2sf) =	vpush v4, $0x8  }
0x11e: {  	(v2sf) =	vpush v4, $0x0;
	_ =	sdelay $0xb  }
0x11f: {  	s28 =	spop (v2sf)  }
0x120: {  	s26 =	spop (v2sf)  }
0x121: {  	s25 =	smul.f32 $3.535533850e-01, s28;
	s28 =	spop (v2sf)  }
0x122: {  	s28 =	smul.f32 $3.535533850e-01, s28;
	s30 =	spop (v2sf)  }
0x123: {  	s30 =	smul.f32 $3.535533850e-01, s30  }
0x124: {  	v45 =	vmov s28  }
0x125: {  	s26 =	smul.f32 $3.535533850e-01, s26;
	v4 =	vsel vm0, s30, v45  }
0x126: {  	v46 =	vmov s25;
	v4 =	vmul.f32 $1.442695020e+00, v4  }
0x127: {  	v5 =	vsel vm0, s26, v46  }
0x128: {  	v5 =	vmul.f32 $1.442695020e+00, v5;
	(erf) = vpow2.f32 v4;
	_ =	sdelay $0x1  }
0x129: {  	(erf) = vpow2.f32 v5;
	_ =	sdelay $0x6  }
0x12a: {  	v47 =	vld [tilespmem:s29+$0x380];
	v49 =	vpop (erf)  }
0x12b: {  	v48 =	vld [tilespmem:s29+$0x6780];
	v51 =	vbroadcast v49, $0x8  }
0x12c: {  	v52 =	vpop (erf);
	v3 =	vmul.f32 v49, v3;
	v6 =	vbroadcast v49, $0x0  }
0x12d: {  	v2 =	vmul.f32 v52, v2;
	v11 =	vbroadcast v52, $0x8;
	v8 =	vnsel vm1, $0x0, v51  }
0x12e: {  	[tilespmem:s29+$0xCB10] =	vst v3;
	v3 =	vsel vm2, v8, v6  }
0x12f: {  	v50 =	vld [tilespmem:s29+$0x390];
	[tilespmem:s29+$0xCB00] =	vst v2;
	v2 =	vsel vm3, v3, v11  }
0x130: {  	v10 =	vld [tilespmem:s29+$0x6790];
	v4 =	vmul.f32 v48, v47;
	v2 =	vsel vm4, v52, v2  }
0x131: {  	v53 =	vld [tilespmem:s29+$0x67A0];
	[tilespmem:s29+$0xCB20] =	vst v2  }
0x132: {  	v3 =	vld [tilespmem:s29+$0x67B0];
	[tilespmem:$0x13100] =	vst v4  }
0x133: {  	v2 =	vld [tilespmem:$0x13104];
	_ =	sdelay $0x4  }
0x134: {  	v2 =	vadd.f32 v2, v4;
	_ =	sdelay $0x1  }
0x135: {  	[tilespmem:$0x13100] =	vst v2  }
0x136: {  	v54 =	vld [tilespmem:$0x13102];
	_ =	sdelay $0x4  }
0x137: {  	v2 =	vadd.f32 v54, v2  }
0x138: {  	v55 =	vmul.f32 v10, v50  }
0x139: {  	[tilespmem:$0x13100] =	vst v2  }
0x13a: {  	v56 =	vld [tilespmem:$0x13101];
	[tilespmem:$0x13100] =	vst v55  }
0x13b: {  	v57 =	vld [tilespmem:$0x13104];
	_ =	sdelay $0x4  }
0x13c: {  	v4 =	vadd.f32 v57, v55;
	_ =	sdelay $0x1  }
0x13d: {  	[tilespmem:$0x13100] =	vst v4  }
0x13e: {  	v58 =	vld [tilespmem:$0x13102];
	_ =	sdelay $0x4  }
0x13f: {  	v4 =	vadd.f32 v58, v4;
	_ =	sdelay $0x1  }
0x140: {  	[tilespmem:$0x13100] =	vst v4  }
0x141: {  	v59 =	vld [tilespmem:$0x13101];
	_ =	sdelay $0x2  }
0x142: {  	v2 =	vadd.f32 v56, v2;
	_ =	sdelay $0x1  }
0x143: {  	(v2sf) =	vpush v2, $0x8;
	v4 =	vadd.f32 v59, v4  }
0x144: {  	(v2sf) =	vpush v2, $0x0  }
0x145: {  	(v2sf) =	vpush v4, $0x8  }
0x146: {  	(v2sf) =	vpush v4, $0x0;
	_ =	sdelay $0xb  }
0x147: {  	s25 =	spop (v2sf)  }
0x148: {  	s26 =	spop (v2sf)  }
0x149: {  	s30 =	spop (v2sf)  }
0x14a: {  	s28 =	smul.f32 $3.535533850e-01, s30;
	s31 =	spop (v2sf)  }
0x14b: {  	s30 =	smul.f32 $3.535533850e-01, s31  }
0x14c: {  	s25 =	smul.f32 $3.535533850e-01, s25;
	v2 =	vmov s28  }
0x14d: {  	s26 =	smul.f32 $3.535533850e-01, s26;
	v2 =	vsel vm0, s30, v2  }
0x14e: {  	v60 =	vmov s25;
	v2 =	vmul.f32 $1.442695020e+00, v2  }
0x14f: {  	v4 =	vsel vm0, s26, v60  }
0x150: {  	v4 =	vmul.f32 $1.442695020e+00, v4;
	(erf) = vpow2.f32 v2;
	_ =	sdelay $0x1  }
0x151: {  	(erf) = vpow2.f32 v4;
	_ =	sdelay $0x6  }
0x152: {  	v2 =	vpop (erf)  }
0x153: {  	v61 =	vbroadcast v2, $0x8  }
0x154: {  	v62 =	vbroadcast v2, $0x0;
	v63 =	vpop (erf)  }
0x155: {  	v2 =	vmul.f32 v2, v3;
	v3 =	vbroadcast v63, $0x8;
	v4 =	vnsel vm1, $0x0, v61  }
0x156: {  	v5 =	vmul.f32 v63, v53;
	v4 =	vsel vm2, v4, v62  }
0x157: {  	s24 =	sadd.s32 $0x1, s24;
	[tilespmem:s29+$0xCB90] =	vst v2;
	v2 =	vsel vm3, v4, v3  }
0x158: {  	p0 =	sne.s32 s24, $0x64;
	[tilespmem:s29+$0xCB80] =	vst v5;
	v2 =	vsel vm4, v63, v2  }
.Ltmp2:
0x159: {  	[tilespmem:s29+$0xCBA0] =	vst v2;
	(pc) =	sbr.rel @p0 .LBB2_4-.Ltmp2, $4  }
0x15a: {  	[spmem:s2] =	stream.indirect.scatter.add.f32 [tilespmem:s15], [sflag:$0x2], $0x80, s22, s18, $0xb8;
	[tilespmem:$0x1D700] =	vst v63  }
0x15b: {  	_ =	swait.ge [sflag:s16], $0x6400  }
0x15c: {  	[sflag:s16] =	ssyncset.done $0x0  }
0x15d: {  	[sflag:s16] =	ssyncadd.s32 $0xFFFF9C00  }
0x15e: {  	s3 =	sadd.s32 $0x1, s3  }
0x15f: {  	s23 =	sshll.u32 s1, $0x6;
	[bflag:$0x0] =	sbarrier.arrive $0xFFFF;
	p0 =	sne.s32 s3, s14  }
.Ltmp3:
0x160: {  	s24 =	sshrl.u32 s8, $0x3;
	s23 =	sor.u32 $0x1C02, s23;
	(pc) =	sbr.rel @p0 .LBB2_1-.Ltmp3, $4  }
0x161: {  	[hbm:s13], [sflag:s23] =	dma.local [spmem:s24], $0x1480  }
0x162: {  	_ =	swait.ge [sflag:s16], $0x1480  }
0x163: {  	[sflag:s16] =	ssyncset.done $0x0  }
0x164: {  	[sflag:s16] =	ssyncadd.s32 $0xFFFFEB80  }
0x165: {  	_ =	sfence.sel $0x180000  }
0x166: {  	[bflag:$0x0] =	sbarrier.arrive $0xFFFF  }
0x167: {  	p0 =	sne.s32 s1, $0x0;
	_ =	strace $0x9000004A  }
0x168: {  	s0 =	sadd.s32 @!p0 $0x100000, s0;
	[bflag:$0x2] =	sbarrier.arrive $0xFFFF  }
0x169: {  	[sflag:s0] =	ssyncadd.tile.s32 @!p0 $0x1;
	_ =	shalt  }
.Lfunc_end2:
_tile_overlayer_lowered:
.L_overlay_start_2:
0x16a: {  	(tag) =	ssettag $0x2  }
0x16b: {  	s0 =	rddreg [dreg:$0x0];
	s2 =	stileid.u32  }
0x16c: {  	s1 =	rddreg [dreg:$0x1];
	p0 =	sne.s32 s2, $0x0  }
0x16d: {  	s3 =	rddreg [dreg:$0x2];
	[bflag:$0x3] =	sbarrier.arrive $0xFFFF;
	s2 =	simm.s32 @!p0 $0x1C02  }
0x16e: {  	[timem:s3], [sflag:s2] =	dma.local @!p0 [hbm:s0], s1  }
0x16f: {  	s0 =	simm.s32 @!p0 $0x2  }
0x170: {  	_ =	swait.ge @!p0 [sflag:s0], s1  }
0x171: {  	s1 =	ssub.s32 @!p0 $0x0, s1;
	[sflag:s0] =	ssyncset.done @!p0 $0x0  }
0x172: {  	[sflag:s0] =	ssyncadd.s32 @!p0 s1  }
0x173: {  	[bflag:$0x3] =	sbarrier.arrive $0xFFFF  }
0x174: {  	_ =	shalt  }

// kernel: kernel.24.cloned.1.call-start
scs
__scs_entry_jumppad:
0x0: {  	(pc) =	sbr.rel $0x88, $3  }
0x1: {  	(tag) =	ssettag $0x0;
	lr =	simm.s32 $0x1  }
0x2: {  	[smem:$0x3F6D] =	sst lr;
	_ =	strace $0xD0000000  }
0x3: {  	_ = 	snop  }
0x4: {  	_ = 	snop  }
0x5: {  	_ = 	snop  }
0x6: {  	_ = 	snop  }
0x7: {  	_ = 	snop  }
__scs_overlays_trampoline_lowered:
0x8: {  	[smem:$0x3F7C] =	sst s0  }
0x9: {  	[smem:$0x3F7D] =	sst s1  }
0xa: {  	[smem:$0x3F7E] =	sst s2  }
0xb: {  	[smem:$0x3F7F] =	sst s3  }
0xc: {  	[smem:$0x3F80] =	sst s4  }
0xd: {  	[smem:$0x3F81] =	sst s5  }
0xe: {  	[smem:$0x3F82] =	sst s6  }
0xf: {  	[smem:$0x3F83] =	sst s7  }
0x10: {  	[smem:$0x3F84] =	sst s8  }
0x11: {  	[smem:$0x3F85] =	sst s9;
	s0 =	simm.s32 @!p0 $0x0  }
0x12: {  	s1 =	sld [smem:$0x3F6B];
	s0 =	simm.s32 @p0 $0x1  }
0x13: {  	[smem:$0x3F86] =	sst s0;
	s0 =	simm.s32 @!p1 $0x0  }
0x14: {  	s2 =	sld [smem:$0x3F6A];
	s0 =	simm.s32 @p1 $0x1  }
0x15: {  	[smem:$0x3F87] =	sst s0;
	s0 =	simm.s32 @!p2 $0x0  }
0x16: {  	s3 =	sld [smem:$0x3FDB];
	s0 =	simm.s32 @p2 $0x1  }
0x17: {  	s4 =	simm.s32 $0x1BF5;
	[smem:$0x3F89] =	sst s0  }
0x18: {  	s0 =	sld [smem:$0x3F6C];
	_ =	swait.ge [sflag:s4], $0x0  }
0x19: {  	s7 =	sld [smem:$0x3F6D]  }
0x1a: {  	s8 =	sadd.s32 $0xFFFFE003, lr  }
0x1b: {  	s9 =	sadd.s32 $0xFFFFFEF7, lr;
	s5 =	simm.s32 $0xFFFFFFFF;
	p2 =	slt.u32 s8, $0xFFFFF086  }
0x1c: {  	p1 =	slt.u32 s9, $0xF7A;
	s5 =	simm.s32 @!p2 $0x0  }
0x1d: {  	s5 =	simm.s32 @p1 $0x1;
	p0 =	seq.s32 s7, s2  }
0x1e: {  	s7 =	smul.u32 @!p0 $0xF7A, s2;
	p2 =	seq.s32 @!p0 s5, $0x0  }
0x1f: {  	s9 =	smul.u32 $0xF7A, s1;
	s8 =	simm.s32 @!p0 $0x1BF5;
	p2 =	por !p2, p0  }
0x20: {  	[sflag:s8] =	ssyncset.s32 @!p0 $0xFFFFF086;
	s6 =	sadd.s32 @!p0 s3, s7;
	s7 =	simm.s32 @!p0 $0x108  }
0x21: {  	s3 =	sadd.s32 s3, s9;
	s6 =	sadd.s32 @!p0 $0x88, s6;
	s7 =	simm.s32 @p2 $0x1082  }
0x22: {  	[simem:s7], [sflag:s8] =	dma.local @!p0 [hbm:s6], $0xF7A  }
0x23: {  	s9 =	sor.u32 $0xD0000000, s2;
	s6 =	simm.s32 $0x108;
	_ =	swait.ge @!p0 [sflag:s8], $0x0  }
0x24: {  	s3 =	sadd.s32 $0x88, s3;
	s6 =	simm.s32 @!p1 $0x1082;
	[sflag:s4] =	ssyncset.s32 $0xFFFFF086  }
0x25: {  	[simem:s6], [sflag:s4] =	dma.local [hbm:s3], $0xF7A  }
0x26: {  	[smem:$0x3F6D] =	sst s1;
	(tag) =	ssettag s2;
	_ =	strace s9  }
0x27: {  	s1 =	sld [smem:$0x3F7D]  }
0x28: {  	s2 =	sld [smem:$0x3F7E]  }
0x29: {  	s4 =	sld [smem:$0x3F80]  }
0x2a: {  	p0 =	seq.s32 s5, $0x0;
	s5 =	sld [smem:$0x3F81]  }
0x2b: {  	s6 =	sld [smem:$0x3F82]  }
0x2c: {  	s7 =	sld [smem:$0x3F83]  }
0x2d: {  	s3 =	simm.s32 $0x108;
	s8 =	sld [smem:$0x3F84]  }
0x2e: {  	s3 =	simm.s32 @!p0 $0x1082;
	s9 =	sld [smem:$0x3F85]  }
0x2f: {  	lr =	sadd.s32 s0, s3;
	s0 =	sld [smem:$0x3F7C]  }
0x30: {  	s3 =	sld [smem:$0x3F7F]  }
0x31: {  	[smem:$0x3F88] =	sst s10  }
0x32: {  	s10 =	sld [smem:$0x3F86];
	_ =	sdelay $0x3  }
0x33: {  	p0 =	seq.s32 s10, $0x1;
	s10 =	sld [smem:$0x3F88];
	_ =	sdelay $0x3  }
0x34: {  	[smem:$0x3F88] =	sst s10  }
0x35: {  	s10 =	sld [smem:$0x3F87];
	_ =	sdelay $0x3  }
0x36: {  	p1 =	seq.s32 s10, $0x1;
	s10 =	sld [smem:$0x3F88];
	_ =	sdelay $0x3  }
0x37: {  	[smem:$0x3F88] =	sst s10  }
0x38: {  	s10 =	sld [smem:$0x3F89]  }
0x39: {  	_ = 	snop;
	(pc) =	sbr.ind lr, $3  }
0x3a: {  	_ = 	snop  }
0x3b: {  	_ = 	snop  }
0x3c: {  	p2 =	seq.s32 s10, $0x1;
	s10 =	sld [smem:$0x3F88]  }
0x3d: {  	_ =	shalt  }
0x3e: {  	_ =	shalt  }
0x3f: {  	_ =	shalt  }
0x40: {  	_ =	shalt  }
0x41: {  	_ =	shalt  }
0x42: {  	_ =	shalt  }
0x43: {  	_ =	shalt  }
0x44: {  	_ =	shalt  }
0x45: {  	_ =	shalt  }
0x46: {  	_ =	shalt  }
0x47: {  	_ =	shalt  }
0x48: {  	_ =	shalt  }
0x49: {  	_ =	shalt  }
0x4a: {  	_ =	shalt  }
0x4b: {  	_ =	shalt  }
0x4c: {  	_ =	shalt  }
0x4d: {  	_ =	shalt  }
0x4e: {  	_ =	shalt  }
0x4f: {  	_ =	shalt  }
0x50: {  	_ =	shalt  }
0x51: {  	_ =	shalt  }
0x52: {  	_ =	shalt  }
0x53: {  	_ =	shalt  }
0x54: {  	_ =	shalt  }
0x55: {  	_ =	shalt  }
0x56: {  	_ =	shalt  }
0x57: {  	_ =	shalt  }
0x58: {  	_ =	shalt  }
0x59: {  	_ =	shalt  }
0x5a: {  	_ =	shalt  }
0x5b: {  	_ =	shalt  }
0x5c: {  	_ =	shalt  }
0x5d: {  	_ =	shalt  }
0x5e: {  	_ =	shalt  }
0x5f: {  	_ =	shalt  }
0x60: {  	_ =	shalt  }
0x61: {  	_ =	shalt  }
0x62: {  	_ =	shalt  }
0x63: {  	_ =	shalt  }
0x64: {  	_ =	shalt  }
0x65: {  	_ =	shalt  }
0x66: {  	_ =	shalt  }
0x67: {  	_ =	shalt  }
0x68: {  	_ =	shalt  }
0x69: {  	_ =	shalt  }
0x6a: {  	_ =	shalt  }
0x6b: {  	_ =	shalt  }
0x6c: {  	_ =	shalt  }
0x6d: {  	_ =	shalt  }
0x6e: {  	_ =	shalt  }
0x6f: {  	_ =	shalt  }
0x70: {  	_ =	shalt  }
0x71: {  	_ =	shalt  }
0x72: {  	_ =	shalt  }
0x73: {  	_ =	shalt  }
0x74: {  	_ =	shalt  }
0x75: {  	_ =	shalt  }
0x76: {  	_ =	shalt  }
0x77: {  	_ =	shalt  }
0x78: {  	_ =	shalt  }
0x79: {  	_ =	shalt  }
0x7a: {  	_ =	shalt  }
0x7b: {  	_ =	shalt  }
0x7c: {  	_ =	shalt  }
0x7d: {  	_ =	shalt  }
0x7e: {  	_ =	shalt  }
0x7f: {  	_ =	shalt  }
0x80: {  	_ =	shalt  }
0x81: {  	_ =	shalt  }
0x82: {  	_ =	shalt  }
0x83: {  	_ =	shalt  }
0x84: {  	_ =	shalt  }
0x85: {  	_ =	shalt  }
0x86: {  	_ =	shalt  }
0x87: {  	_ =	shalt  }
.Lfunc_end0:
.L_simem_size_0:
called_computation.2_lowered:
.L_overlay_start_0:
0x88: {  	s2 =	sld [smem:$0x3FD9]  }
0x89: {  	s3 =	sld [smem:$0x3FFE];
	_ =	sdelay $0x1  }
0x8a: {  	s1 =	srdreg.scid  }
0x8b: {  	s0 =	sand.u32 $0x1, s1  }
0x8c: {  	s16 =	sshll.u32 s0, $0xA;
	s2 =	sadd.s32 s3, s2  }
0x8d: {  	s2 =	sadd.s32 s2, s16  }
0x8e: {  	[smem:$0x3F94] =	sst s2  }
0x8f: {  	_ = 	snop  }
0x90: {  	(tm) =	ssettm $0x1  }
0x91: {  	s17 =	sld [smem:$0x3FFB];
	_ =	sdelay $0x3  }
0x92: {  	_ =	strace s17  }
0x93: {  	s2 =	sld [smem:$0x3FFC];
	_ =	sdelay $0x3  }
0x94: {  	_ =	strace s2  }
0x95: {  	s2 =	sld [smem:$0x3FFD];
	_ =	sdelay $0x3  }
0x96: {  	_ =	strace s2  }
0x97: {  	_ =	strace $0x8FFFFFFF  }
0x98: {  	s18 =	sld [smem:$0x3FDB];
	_ =	sdelay $0x1  }
0x99: {  	s19 =	simm.s32 $_scs_section_size  }
0x9a: {  	s4 =	simm.s32 $_size__tile_overlayer_lowered;
	s5 =	simm.s32 $_tile_overlayer_lowered  }
0x9b: {  	s22 =	simm.s32 $0x1BFF;
	s21 =	sshll.u32 s5, $0x1;
	s2 =	sadd.s32 s19, s18  }
0x9c: {  	s6 =	simm.s32 $0x0;
	s20 =	sshll.u32 s4, $0x1;
	s4 =	sadd.s32 s21, s2  }
0x9d: {  	[timem:s6], [sflag:s22] =	dma.local [hbm:s4], s20  }
0x9e: {  	_ =	swait.ge [sflag:s22], s20  }
0x9f: {  	s3 =	ssub.s32 $0x0, s20;
	[sflag:s22] =	ssyncset.done $0x0  }
0xa0: {  	[sflag:s22] =	ssyncadd.s32 s3;
	_ =	sdelay $0x1  }
0xa1: {  	s23 =	simm.s32 $0x1B8B  }
0xa2: {  	_ =	swait.ge [sflag:s23], $0x1  }
0xa3: {  	[sflag:s23] =	ssyncset.done $0x0  }
0xa4: {  	s25 =	simm.s32 $0x1B8E;
	s24 =	sld [smem:$0x3FFE];
	[sflag:s23] =	ssyncadd.s32 $0xFFFFFFFF  }
0xa5: {  	s26 =	simm.s32 $execute0_lowered;
	[smem:$0x3FD2] =	sst s25  }
0xa6: {  	s4 =	sshll.u32 s26, $0x1;
	_ =	strace $0x8000004C;
	[dreg:$0x1] =	wrdreg $0xFFFFFFFF  }
0xa7: {  	s28 =	simm.s32 $_size_execute0_lowered;
	s2 =	sadd.s32 s2, s4;
	[dreg:$0x0] =	wrdreg $0x0  }
0xa8: {  	s4 =	sshll.u32 s28, $0x1;
	[dreg:$0x2] =	wrdreg s2  }
0xa9: {  	[dreg:$0x3] =	wrdreg s4  }
0xaa: {  	[dreg:$0x4] =	wrdreg $0xC0  }
0xab: {  	_ =	task [dreg:s6], $0x5FFFF  }
0xac: {  	[dreg:$0x1] =	wrdreg $0xFFFFFFFF  }
0xad: {  	[dreg:$0x0] =	wrdreg $0x60  }
0xae: {  	[dreg:$0x2] =	wrdreg s24  }
0xaf: {  	[dreg:$0x3] =	wrdreg $0x133000  }
0xb0: {  	[dreg:$0x4] =	wrdreg $0x9  }
0xb1: {  	_ =	task.clear_ibuf [dreg:s6], $0x5FFFF;
	_ =	strace $0x9000004C  }
0xb2: {  	s29 =	simm.s32 $0x9;
	_ =	strace $0x8000004E  }
0xb3: {  	_ =	swait.ge [sflag:s29], $0x1  }
0xb4: {  	[sflag:s29] =	ssyncadd.s32 $0xFFFFFFFF  }
0xb5: {  	_ =	strace $0x9000004E  }
0xb6: {  	_ =	sfence  }
0xb7: {  	s30 =	sld [smem:$0x0];
	_ =	sdelay $0x2  }
0xb8: {  	s31 =	sshll.u32 s1, $0xD;
	s1 =	sshrl.u32 s1, $0x2  }
0xb9: {  	s3 =	sand.u32 $0x4000, s31;
	s1 =	sadd.s32 s1, s30  }
0xba: {  	s0 =	sor.u32 s3, s0;
	s1 =	sshll.u32 s1, $0x11  }
0xbb: {  	s0 =	sor.u32 s1, s0  }
0xbc: {  	s0 =	sadd.s32 $0x8F2B, s0  }
0xbd: {  	[sflag:s0] =	ssyncadd.remote.s32 $0x1  }
0xbe: {  	_ =	sfence.sel $0xFFFF  }
0xbf: {  	[dreg:$0x0] =	wrdreg $0xFFFFFFFF;
	(pc) =	sbr.abs _section_cstart, $3  }
0xc0: {  	[dreg:$0x1] =	wrdreg $0xFFFFFFFF  }
0xc1: {  	_ =	task.clear_ibuf [dreg:s6], $0x2FFFF;
	_ =	strace $0x9FFFFFFF  }
0xc2: {  	(tm) =	ssettm $0x7FFFFFFF  }
0xc3: {  	_ =	shalt  }
tec
execute0_lowered:
.L_overlay_start_1:
0x0: {  	(tag) =	ssettag $0x1  }
0x1: {  	s8 =	rddreg [dreg:$0x0]  }
0x2: {  	s2 =	rddreg [dreg:$0x1]  }
0x3: {  	s0 =	rddreg [dreg:$0x2];
	s3 =	simm.s32 $0x0;
	s4 =	srdreg.scid  }
0x4: {  	s1 =	stileid.u32;
	s16 =	simm.s32 $0x2;
	s17 =	simm.s32 $0x100  }
0x5: {  	s18 =	simm.s32 $0xC8;
	s19 =	simm.s32 $0x300;
	s21 =	simm.s32 $0x6700  }
0x6: {  	s22 =	simm.s32 $0x200;
	[smem:$0x7FF] =	sst s3;
	s9 =	smul.u32 $0x1480, s1  }
0x7: {  	s13 =	sand.u32 $0x1, s4;
	s4 =	sadd.s32 $0x1DA00, s8;
	s11 =	smul.u32 $0x29000, s1  }
0x8: {  	s5 =	sadd.s32 $0x44C00, s8;
	s6 =	sadd.s32 $0x13C00, s8;
	s10 =	smul.u32 $0x14800, s13  }
0x9: {  	s7 =	sadd.s32 $0x9E00, s8;
	s12 =	ssub.s32 $0x2, s13;
	s20 =	smul.u32 $0xFFFFEC00, s13  }
0xa: {  	_ =	strace $0x8000004D;
	s31 =	sshrl.u32 s12, $0x1;
	s11 =	sshrl.u32 s11, $0x2  }
0xb: {  	s9 =	sadd.s32 s9, s10;
	s15 =	ssub.s32 s12, s31;
	v0 =	vmov s20;
	s20 =	simm.s32 $0x1  }
0xc: {  	s14 =	sadd.s32 s9, s8;
	s8 =	sadd.s32 s11, s2;
	s11 =	smul.u32 $0x4E20, s1  }
0xd: {  	s9 =	sadd.s32 $0x3000, s8;
	s10 =	sadd.s32 $0x6000, s8;
	s12 =	sadd.s32 $0x9000, s8  }
0xe: {  	v1 =	vimm.f32 $0.0e+00;
	vm0 =	vmmov $0x1;
	s13 =	sadd.s32 $0x93000, s14;
	s14 =	smax.u32 s15, $0x1;
	s15 =	simm.s32 $0xCB00  }
.LBB2_1:
0xf: {  	s23 =	simm.s32 $0x0;
	s24 =	simm.s32 $0x200  }
.LBB2_2:
0x10: {  	p0 =	sne.s32 s24, $0x18E00;
	[tilespmem:s23+$0xCB70] =	vst v1  }
0x11: {  	[tilespmem:s23+$0xCB00] =	vst v1  }
0x12: {  	[tilespmem:s23+$0xCB10] =	vst v1  }
.Ltmp0:
0x13: {  	[tilespmem:s23+$0xCB20] =	vst v1;
	(pc) =	sbr.rel @p0 .LBB2_2-.Ltmp0, $4  }
0x14: {  	[tilespmem:s23+$0xCB30] =	vst v1  }
0x15: {  	[tilespmem:s23+$0xCB40] =	vst v1  }
0x16: {  	[tilespmem:s23+$0xCB50] =	vst v1  }
0x17: {  	[tilespmem:s23+$0xCB60] =	vst v1;
	s23 =	sshra.s32 s24, $0x2;
	s24 =	sadd.s32 $0x200, s24  }
0x18: {  	[tilespmem:s23+$0xCB70] =	vst v1  }
0x19: {  	[tilespmem:s23+$0xCB00] =	vst v1  }
0x1a: {  	[tilespmem:s23+$0xCB10] =	vst v1  }
0x1b: {  	[tilespmem:s23+$0xCB20] =	vst v1  }
0x1c: {  	[tilespmem:s23+$0xCB30] =	vst v1  }
0x1d: {  	[tilespmem:s23+$0xCB40] =	vst v1  }
0x1e: {  	[tilespmem:s23+$0xCB50] =	vst v1  }
0x1f: {  	[tilespmem:s23+$0xCB60] =	vst v1  }
0x20: {  	[tilespmem:$0x12F00] =	vst v1  }
0x21: {  	[tilespmem:$0x12F10] =	vst v1  }
0x22: {  	[tilespmem:$0x13100] =	vst v1  }
0x23: {  	[tilespmem:$0x13110] =	vst v1  }
0x24: {  	[spmem:s8] =	stream.linear.scatter [tilespmem:s15], [sflag:$0x2], $0x3000, $0x38;
	[tilespmem:$0x1D700] =	vst v63  }
0x25: {  	_ =	swait.ge [sflag:s16], $0x3000  }
0x26: {  	[sflag:s16] =	ssyncset.done $0x0  }
0x27: {  	[sflag:s16] =	ssyncadd.s32 $0xFFFFD000  }
0x28: {  	[spmem:s9] =	stream.linear.scatter [tilespmem:s15], [sflag:$0x2], $0x3000, $0x38;
	[tilespmem:$0x1D700] =	vst v63  }
0x29: {  	_ =	swait.ge [sflag:s16], $0x3000  }
0x2a: {  	[sflag:s16] =	ssyncset.done $0x0  }
0x2b: {  	[sflag:s16] =	ssyncadd.s32 $0xFFFFD000  }
0x2c: {  	[spmem:s10] =	stream.linear.scatter [tilespmem:s15], [sflag:$0x2], $0x3000, $0x38;
	[tilespmem:$0x1D700] =	vst v63  }
0x2d: {  	_ =	swait.ge [sflag:s16], $0x3000  }
0x2e: {  	[sflag:s16] =	ssyncset.done $0x0  }
0x2f: {  	[sflag:s16] =	ssyncadd.s32 $0xFFFFD000  }
0x30: {  	[spmem:s12] =	stream.linear.scatter [tilespmem:s15], [sflag:$0x2], $0x1400, $0x38;
	[tilespmem:$0x1D700] =	vst v63  }
0x31: {  	_ =	swait.ge [sflag:s16], $0x1400  }
0x32: {  	[sflag:s16] =	ssyncset.done $0x0  }
0x33: {  	[sflag:s16] =	ssyncadd.s32 $0xFFFFEC00  }
0x34: {  	s23 =	simm.s32 $0x0;
	s24 =	simm.s32 $0x0;
	[bflag:$0x0] =	sbarrier.arrive $0xFFFF  }
.LBB2_4:
0x35: {  	s25 =	smul.u32 $0xC8, s24;
	_ =	sdelay $0x1  }
0x36: {  	s25 =	sadd.s32 s11, s25  }
0x37: {  	s25 =	sshrl.u32 s25, $0x3  }
0x38: {  	s26 =	sadd.s32 s6, s25  }
0x39: {  	[tilespmem:s23], [sflag:$0x2] =	stream.linear.gather [hbm4b:s26+s23], $0xC8, $0x38;
	[tilespmem:$0x1D700] =	vst v63  }
0x3a: {  	_ =	swait.ge [sflag:s16], $0xC8  }
0x3b: {  	[sflag:s16] =	ssyncset.done $0x0  }
0x3c: {  	s25 =	sadd.s32 s7, s25;
	[sflag:s16] =	ssyncadd.s32 $0xFFFFFF38  }
0x3d: {  	[tilespmem:s17], [sflag:$0x2] =	stream.linear.gather [hbm4b:s25+s23], $0xC8, $0x38;
	[tilespmem:$0x1D700] =	vst v63  }
0x3e: {  	_ =	swait.ge [sflag:s16], $0xC8  }
0x3f: {  	[sflag:s16] =	ssyncset.done $0x0  }
0x40: {  	[sflag:s16] =	ssyncadd.s32 $0xFFFFFF38  }
0x41: {  	v2 =	vld [tilespmem:$0x100]  }
0x42: {  	v3 =	vld [tilespmem:$0x110]  }
0x43: {  	v4 =	vld [tilespmem:$0x120]  }
0x44: {  	v5 =	vld [tilespmem:$0x130]  }
0x45: {  	v6 =	vld [tilespmem:$0x140]  }
0x46: {  	v7 =	vld [tilespmem:$0x150];
	v2 =	vadd.s32 v0, v2  }
0x47: {  	v8 =	vld [tilespmem:$0x160];
	v3 =	vadd.s32 v0, v3;
	vm1 =	vlt.u32 v2, $0x1400  }
0x48: {  	v9 =	vld [tilespmem:$0x170];
	v4 =	vadd.s32 v0, v4;
	v2 =	vnsel vm1, $0x147F, v2;
	vm1 =	vlt.u32 v3, $0x1400  }
0x49: {  	[tilespmem:$0x200] =	vst v2;
	v2 =	vnsel vm1, $0x147F, v3;
	vm1 =	vlt.u32 v4, $0x1400;
	v3 =	vadd.s32 v0, v5;
	v5 =	vld [tilespmem:$0x180]  }
0x4a: {  	[tilespmem:$0x210] =	vst v2;
	v2 =	vnsel vm1, $0x147F, v4;
	vm1 =	vlt.u32 v3, $0x1400;
	v4 =	vadd.s32 v0, v6;
	v6 =	vld [tilespmem:$0x190]  }
0x4b: {  	[tilespmem:$0x220] =	vst v2;
	v2 =	vnsel vm1, $0x147F, v3;
	vm1 =	vlt.u32 v4, $0x1400;
	v3 =	vadd.s32 v0, v7;
	v7 =	vld [tilespmem:$0x1A0]  }
0x4c: {  	[tilespmem:$0x230] =	vst v2;
	v2 =	vnsel vm1, $0x147F, v4;
	vm1 =	vlt.u32 v3, $0x1400;
	v4 =	vadd.s32 v0, v8;
	v8 =	vld [tilespmem:$0x1B0]  }
0x4d: {  	v62 =	vld [tilespmem:$0x1B8];
	[tilespmem:$0x240] =	vst v2;
	v2 =	vnsel vm1, $0x147F, v3;
	vm1 =	vlt.u32 v4, $0x1400;
	v3 =	vadd.s32 v0, v9  }
0x4e: {  	[tilespmem:$0x250] =	vst v2;
	v2 =	vnsel vm1, $0x147F, v4;
	vm1 =	vlt.u32 v3, $0x1400;
	v4 =	vadd.s32 v0, v5  }
0x4f: {  	[tilespmem:$0x260] =	vst v2;
	v2 =	vnsel vm1, $0x147F, v3;
	vm1 =	vlt.u32 v4, $0x1400;
	v3 =	vadd.s32 v0, v6  }
0x50: {  	[tilespmem:$0x270] =	vst v2;
	v2 =	vnsel vm1, $0x147F, v4;
	vm1 =	vlt.u32 v3, $0x1400;
	v4 =	vadd.s32 v0, v7  }
0x51: {  	[tilespmem:$0x280] =	vst v2;
	v2 =	vnsel vm1, $0x147F, v3;
	vm1 =	vlt.u32 v4, $0x1400;
	v3 =	vadd.s32 v0, v8  }
0x52: {  	[tilespmem:$0x290] =	vst v2;
	v2 =	vnsel vm1, $0x147F, v4;
	vm1 =	vlt.u32 v3, $0x1400;
	v4 =	vadd.s32 v0, v62  }
0x53: {  	[tilespmem:$0x2A0] =	vst v2;
	v2 =	vnsel vm1, $0x147F, v3;
	vm1 =	vlt.u32 v4, $0x1400  }
0x54: {  	[tilespmem:$0x2B0] =	vst v2;
	v2 =	vnsel vm1, $0x147F, v4  }
0x55: {  	[tilespmem:$0x2B8] =	vst v2  }
0x56: {  	[tilespmem:s19], [sflag:$0x1] =	stream.indirect.gather [hbm4b:s4+s18], $0x80, s17, s18, $0xb8;
	[tilespmem:$0x1D700] =	vst v63  }
0x57: {  	_ =	swait.ge [sflag:s20], $0x6400  }
0x58: {  	[sflag:s20] =	ssyncset.done $0x0  }
0x59: {  	[sflag:s20] =	ssyncadd.s32 $0xFFFF9C00  }
0x5a: {  	[tilespmem:s21], [sflag:$0x1] =	stream.indirect.gather [hbm4b:s5+s18], $0x80, s23, s18, $0xb8;
	[tilespmem:$0x1D700] =	vst v63  }
0x5b: {  	_ =	swait.ge [sflag:s20], $0x6400  }
0x5c: {  	[sflag:s20] =	ssyncset.done $0x0  }
0x5d: {  	s25 =	simm.s32 $0x0;
	[sflag:s20] =	ssyncadd.s32 $0xFFFF9C00  }
0x5e: {  	v2 =	vld [tilespmem:s25+$0x6710]  }
0x5f: {  	v3 =	vld [tilespmem:s25+$0x300]  }
0x60: {  	v4 =	vld [tilespmem:s25+$0x310]  }
0x61: {  	v5 =	vld [tilespmem:s25+$0x6700];
	_ =	sdelay $0x4  }
0x62: {  	v2 =	vmul.f32 v2, v4;
	v3 =	vmul.f32 v5, v3;
	_ =	sdelay $0x1  }
0x63: {  	v2 =	vadd.f32 v2, v3  }
0x64: {  	v4 =	vld [tilespmem:s25+$0x6730]  }
0x65: {  	v3 =	vld [tilespmem:s25+$0x6720];
	[tilespmem:$0x12F00] =	vst v2  }
0x66: {  	v5 =	vld [tilespmem:$0x12F08];
	_ =	sdelay $0x4  }
0x67: {  	v2 =	vadd.f32 v5, v2;
	_ =	sdelay $0x1  }
0x68: {  	[tilespmem:$0x12F00] =	vst v2  }
0x69: {  	v5 =	vld [tilespmem:$0x12F04];
	_ =	sdelay $0x4  }
0x6a: {  	v2 =	vadd.f32 v5, v2;
	_ =	sdelay $0x1  }
0x6b: {  	[tilespmem:$0x12F00] =	vst v2  }
0x6c: {  	v5 =	vld [tilespmem:$0x12F02];
	_ =	sdelay $0x4  }
0x6d: {  	v2 =	vadd.f32 v5, v2;
	_ =	sdelay $0x1  }
0x6e: {  	[tilespmem:$0x12F00] =	vst v2  }
0x6f: {  	v5 =	vld [tilespmem:$0x12F01];
	_ =	sdelay $0x3  }
0x70: {  	(v2sf) =	vpush v2, $0x0  }
0x71: {  	(v2sf) =	vpush v5, $0x0;
	_ =	sdelay $0xd  }
0x72: {  	s31 =	spop (v2sf)  }
0x73: {  	s28 =	spop (v2sf)  }
0x74: {  	s26 =	sadd.f32 s28, s31;
	_ =	sdelay $0x1  }
0x75: {  	s26 =	smul.f32 $1.767766920e-01, s26;
	_ =	sdelay $0x1  }
0x76: {  	v2 =	vmov s26  }
0x77: {  	v2 =	vmul.f32 $1.442695020e+00, v2;
	_ =	sdelay $0x1  }
0x78: {  	v2 =	vbroadcast v2, $0x0;
	_ =	sdelay $0x1  }
0x79: {  	(erf) = vpow2.f32 v2;
	_ =	sdelay $0x1  }
0x7a: {  	v6 =	vld [tilespmem:s25+$0x6780]  }
0x7b: {  	v7 =	vld [tilespmem:s25+$0x380]  }
0x7c: {  	v5 =	vld [tilespmem:s25+$0x390]  }
0x7d: {  	v2 =	vld [tilespmem:s25+$0x6790];
	_ =	sdelay $0x3  }
0x7e: {  	v6 =	vmul.f32 v6, v7;
	v8 =	vpop (erf)  }
0x7f: {  	v5 =	vmul.f32 v2, v5;
	v3 =	vmul.f32 v8, v3;
	v63 =	vnsel vm0, $0x0, v8  }
0x80: {  	v4 =	vmul.f32 v8, v4;
	[tilespmem:s25+$0xCB20] =	vst v63  }
0x81: {  	v5 =	vadd.f32 v5, v6;
	[tilespmem:s25+$0xCB00] =	vst v3  }
0x82: {  	v2 =	vld [tilespmem:s25+$0x67B0];
	[tilespmem:s25+$0xCB10] =	vst v4  }
0x83: {  	v3 =	vld [tilespmem:s25+$0x67A0];
	[tilespmem:$0x13100] =	vst v5  }
0x84: {  	v4 =	vld [tilespmem:$0x13108];
	_ =	sdelay $0x4  }
0x85: {  	v4 =	vadd.f32 v4, v5;
	_ =	sdelay $0x1  }
0x86: {  	[tilespmem:$0x13100] =	vst v4  }
0x87: {  	v5 =	vld [tilespmem:$0x13104];
	_ =	sdelay $0x4  }
0x88: {  	v4 =	vadd.f32 v5, v4;
	_ =	sdelay $0x1  }
0x89: {  	[tilespmem:$0x13100] =	vst v4  }
0x8a: {  	v5 =	vld [tilespmem:$0x13102];
	_ =	sdelay $0x4  }
0x8b: {  	v4 =	vadd.f32 v5, v4;
	_ =	sdelay $0x1  }
0x8c: {  	[tilespmem:$0x13100] =	vst v4  }
0x8d: {  	v5 =	vld [tilespmem:$0x13101];
	_ =	sdelay $0x3  }
0x8e: {  	(v2sf) =	vpush v4, $0x0  }
0x8f: {  	(v2sf) =	vpush v5, $0x0;
	_ =	sdelay $0xd  }
0x90: {  	s30 =	spop (v2sf)  }
0x91: {  	s31 =	spop (v2sf)  }
0x92: {  	s26 =	sadd.f32 s31, s30;
	_ =	sdelay $0x1  }
0x93: {  	s26 =	smul.f32 $1.767766920e-01, s26;
	_ =	sdelay $0x1  }
0x94: {  	v4 =	vmov s26  }
0x95: {  	v4 =	vmul.f32 $1.442695020e+00, v4;
	_ =	sdelay $0x1  }
0x96: {  	v7 =	vbroadcast v4, $0x0;
	_ =	sdelay $0x1  }
0x97: {  	s29 =	simm.s32 $0x100;
	(erf) = vpow2.f32 v7  }
0x98: {  	v6 =	vld [tilespmem:s29+$0x310]  }
0x99: {  	v5 =	vld [tilespmem:s29+$0x6710]  }
0x9a: {  	v4 =	vld [tilespmem:s29+$0x300]  }
0x9b: {  	s26 =	simm.s32 $0x800;
	v7 =	vld [tilespmem:s29+$0x6700]  }
.LBB2_5:
0x9c: {  	_ =	sdelay $0x1  }
0x9d: {  	p0 =	sne.s32 s26, $0x18C00;
	s28 =	smov.u32 s26;
	s26 =	sadd.s32 $0x400, s26  }
0x9e: {  	v5 =	vmul.f32 v5, v6  }
0x9f: {  	v4 =	vmul.f32 v7, v4;
	v6 =	vpop (erf)  }
0xa0: {  	v3 =	vmul.f32 v6, v3;
	v2 =	vmul.f32 v6, v2;
	v6 =	vnsel vm0, $0x0, v6  }
0xa1: {  	v7 =	vld [tilespmem:s29+$0x6730];
	v4 =	vadd.f32 v5, v4;
	[tilespmem:s25+$0xCBA0] =	vst v6  }
0xa2: {  	v5 =	vld [tilespmem:s29+$0x6720];
	[tilespmem:s25+$0xCB90] =	vst v2  }
0xa3: {  	[tilespmem:s25+$0xCB80] =	vst v3;
	s25 =	smov.u32 s29  }
0xa4: {  	[tilespmem:$0x12F00] =	vst v4  }
0xa5: {  	v2 =	vld [tilespmem:$0x12F08];
	_ =	sdelay $0x4  }
0xa6: {  	v2 =	vadd.f32 v2, v4;
	_ =	sdelay $0x1  }
0xa7: {  	[tilespmem:$0x12F00] =	vst v2  }
0xa8: {  	v3 =	vld [tilespmem:$0x12F04];
	_ =	sdelay $0x4  }
0xa9: {  	v2 =	vadd.f32 v3, v2;
	_ =	sdelay $0x1  }
0xaa: {  	[tilespmem:$0x12F00] =	vst v2  }
0xab: {  	v3 =	vld [tilespmem:$0x12F02];
	_ =	sdelay $0x4  }
0xac: {  	v2 =	vadd.f32 v3, v2;
	_ =	sdelay $0x1  }
0xad: {  	[tilespmem:$0x12F00] =	vst v2  }
0xae: {  	v3 =	vld [tilespmem:$0x12F01]  }
0xaf: {  	v4 =	vld [tilespmem:s25+$0x6790]  }
0xb0: {  	v6 =	vld [tilespmem:s25+$0x390]  }
0xb1: {  	(v2sf) =	vpush v2, $0x0;
	_ =	sdelay $0x1  }
0xb2: {  	(v2sf) =	vpush v3, $0x0;
	_ =	sdelay $0x1  }
0xb3: {  	v3 =	vmul.f32 v4, v6;
	_ =	sdelay $0xa  }
0xb4: {  	s29 =	spop (v2sf);
	_ =	sdelay $0x1  }
0xb5: {  	s30 =	spop (v2sf)  }
0xb6: {  	s29 =	sadd.f32 s30, s29;
	_ =	sdelay $0x1  }
0xb7: {  	s29 =	smul.f32 $1.767766920e-01, s29;
	_ =	sdelay $0x1  }
0xb8: {  	v2 =	vmov s29  }
0xb9: {  	v2 =	vmul.f32 $1.442695020e+00, v2;
	_ =	sdelay $0x1  }
0xba: {  	v2 =	vbroadcast v2, $0x0;
	_ =	sdelay $0x1  }
0xbb: {  	(erf) = vpow2.f32 v2;
	_ =	sdelay $0x2  }
0xbc: {  	v2 =	vld [tilespmem:s25+$0x6780]  }
0xbd: {  	v4 =	vld [tilespmem:s25+$0x380];
	_ =	sdelay $0x4  }
0xbe: {  	v4 =	vmul.f32 v2, v4;
	v2 =	vpop (erf)  }
0xbf: {  	v5 =	vmul.f32 v2, v5;
	v6 =	vmul.f32 v2, v7;
	v2 =	vnsel vm0, $0x0, v2  }
0xc0: {  	[tilespmem:s25+$0xCB20] =	vst v2  }
0xc1: {  	v4 =	vadd.f32 v3, v4;
	[tilespmem:s25+$0xCB00] =	vst v5;
	v2 =	vld [tilespmem:s25+$0x67B0]  }
0xc2: {  	[tilespmem:s25+$0xCB10] =	vst v6;
	v3 =	vld [tilespmem:s25+$0x67A0]  }
0xc3: {  	[tilespmem:$0x13100] =	vst v4  }
0xc4: {  	v5 =	vld [tilespmem:$0x13108];
	_ =	sdelay $0x4  }
0xc5: {  	v4 =	vadd.f32 v5, v4;
	_ =	sdelay $0x1  }
0xc6: {  	[tilespmem:$0x13100] =	vst v4  }
0xc7: {  	v5 =	vld [tilespmem:$0x13104];
	_ =	sdelay $0x4  }
0xc8: {  	v4 =	vadd.f32 v5, v4;
	_ =	sdelay $0x1  }
0xc9: {  	[tilespmem:$0x13100] =	vst v4  }
0xca: {  	v5 =	vld [tilespmem:$0x13102];
	_ =	sdelay $0x4  }
0xcb: {  	v4 =	vadd.f32 v5, v4;
	_ =	sdelay $0x1  }
0xcc: {  	[tilespmem:$0x13100] =	vst v4  }
0xcd: {  	v5 =	vld [tilespmem:$0x13101];
	_ =	sdelay $0x3  }
0xce: {  	(v2sf) =	vpush v4, $0x0  }
0xcf: {  	(v2sf) =	vpush v5, $0x0;
	_ =	sdelay $0xd  }
0xd0: {  	s29 =	spop (v2sf)  }
0xd1: {  	s30 =	spop (v2sf)  }
0xd2: {  	s29 =	sadd.f32 s30, s29;
	_ =	sdelay $0x1  }
0xd3: {  	s29 =	smul.f32 $1.767766920e-01, s29;
	_ =	sdelay $0x1  }
0xd4: {  	v4 =	vmov s29  }
0xd5: {  	v4 =	vmul.f32 $1.442695020e+00, v4;
	_ =	sdelay $0x1  }
0xd6: {  	v4 =	vbroadcast v4, $0x0;
	_ =	sdelay $0x1  }
.Ltmp1:
0xd7: {  	s29 =	sshra.s32 s28, $0x2;
	(erf) = vpow2.f32 v4;
	(pc) =	sbr.rel @p0 .LBB2_5-.Ltmp1, $4  }
0xd8: {  	v5 =	vld [tilespmem:s29+$0x6710]  }
0xd9: {  	v4 =	vld [tilespmem:s29+$0x300]  }
0xda: {  	v6 =	vld [tilespmem:s29+$0x310]  }
0xdb: {  	v7 =	vld [tilespmem:s29+$0x6700]  }
0xdc: {  	_ =	sdelay $0x3  }
0xdd: {  	v5 =	vmul.f32 v5, v6;
	v8 =	vpop (erf)  }
0xde: {  	v4 =	vmul.f32 v7, v4;
	v52 =	vnsel vm0, $0x0, v8;
	v2 =	vmul.f32 v8, v2  }
0xdf: {  	v9 =	vld [tilespmem:s29+$0x6730];
	v3 =	vmul.f32 v8, v3;
	[tilespmem:s25+$0xCBA0] =	vst v52  }
0xe0: {  	v4 =	vadd.f32 v5, v4;
	v6 =	vld [tilespmem:s29+$0x6720];
	[tilespmem:s25+$0xCB90] =	vst v2  }
0xe1: {  	[tilespmem:s25+$0xCB80] =	vst v3  }
0xe2: {  	[tilespmem:$0x12F00] =	vst v4  }
0xe3: {  	v2 =	vld [tilespmem:$0x12F08];
	_ =	sdelay $0x4  }
0xe4: {  	v2 =	vadd.f32 v2, v4;
	_ =	sdelay $0x1  }
0xe5: {  	[tilespmem:$0x12F00] =	vst v2  }
0xe6: {  	v3 =	vld [tilespmem:$0x12F04];
	_ =	sdelay $0x4  }
0xe7: {  	v2 =	vadd.f32 v3, v2;
	_ =	sdelay $0x1  }
0xe8: {  	[tilespmem:$0x12F00] =	vst v2  }
0xe9: {  	v3 =	vld [tilespmem:$0x12F02];
	_ =	sdelay $0x4  }
0xea: {  	v2 =	vadd.f32 v3, v2;
	_ =	sdelay $0x1  }
0xeb: {  	[tilespmem:$0x12F00] =	vst v2  }
0xec: {  	v3 =	vld [tilespmem:$0x12F01];
	_ =	sdelay $0x3  }
0xed: {  	(v2sf) =	vpush v2, $0x0  }
0xee: {  	(v2sf) =	vpush v3, $0x0;
	_ =	sdelay $0xd  }
0xef: {  	s28 =	spop (v2sf)  }
0xf0: {  	s26 =	spop (v2sf)  }
0xf1: {  	s25 =	sadd.f32 s26, s28;
	_ =	sdelay $0x1  }
0xf2: {  	s25 =	smul.f32 $1.767766920e-01, s25;
	_ =	sdelay $0x1  }
0xf3: {  	v2 =	vmov s25  }
0xf4: {  	v2 =	vmul.f32 $1.442695020e+00, v2;
	_ =	sdelay $0x1  }
0xf5: {  	v2 =	vbroadcast v2, $0x0;
	_ =	sdelay $0x1  }
0xf6: {  	(erf) = vpow2.f32 v2;
	_ =	sdelay $0x1  }
0xf7: {  	v53 =	vld [tilespmem:s29+$0x6780]  }
0xf8: {  	v3 =	vld [tilespmem:s29+$0x390]  }
0xf9: {  	v2 =	vld [tilespmem:s29+$0x6790]  }
0xfa: {  	v54 =	vld [tilespmem:s29+$0x380];
	_ =	sdelay $0x3  }
0xfb: {  	v2 =	vmul.f32 v2, v3;
	v55 =	vpop (erf)  }
0xfc: {  	v3 =	vmul.f32 v53, v54;
	v6 =	vmul.f32 v55, v6;
	v56 =	vnsel vm0, $0x0, v55  }
0xfd: {  	v57 =	vmul.f32 v55, v9;
	[tilespmem:s29+$0xCB20] =	vst v56  }
0xfe: {  	v2 =	vadd.f32 v2, v3;
	[tilespmem:s29+$0xCB00] =	vst v6  }
0xff: {  	v58 =	vld [tilespmem:s29+$0x67B0];
	[tilespmem:s29+$0xCB10] =	vst v57  }
0x100: {  	v3 =	vld [tilespmem:s29+$0x67A0];
	[tilespmem:$0x13100] =	vst v2  }
0x101: {  	v4 =	vld [tilespmem:$0x13108];
	_ =	sdelay $0x4  }
0x102: {  	v2 =	vadd.f32 v4, v2;
	_ =	sdelay $0x1  }
0x103: {  	[tilespmem:$0x13100] =	vst v2  }
0x104: {  	v59 =	vld [tilespmem:$0x13104];
	_ =	sdelay $0x4  }
0x105: {  	v2 =	vadd.f32 v59, v2;
	_ =	sdelay $0x1  }
0x106: {  	[tilespmem:$0x13100] =	vst v2  }
0x107: {  	v60 =	vld [tilespmem:$0x13102];
	_ =	sdelay $0x4  }
0x108: {  	v2 =	vadd.f32 v60, v2;
	_ =	sdelay $0x1  }
0x109: {  	[tilespmem:$0x13100] =	vst v2  }
0x10a: {  	v61 =	vld [tilespmem:$0x13101];
	_ =	sdelay $0x3  }
0x10b: {  	(v2sf) =	vpush v2, $0x0  }
0x10c: {  	(v2sf) =	vpush v61, $0x0;
	_ =	sdelay $0xd  }
0x10d: {  	s30 =	spop (v2sf)  }
0x10e: {  	s31 =	spop (v2sf)  }
0x10f: {  	s25 =	sadd.f32 s31, s30;
	_ =	sdelay $0x1  }
0x110: {  	s25 =	smul.f32 $1.767766920e-01, s25;
	_ =	sdelay $0x1  }
0x111: {  	v2 =	vmov s25  }
0x112: {  	v2 =	vmul.f32 $1.442695020e+00, v2;
	_ =	sdelay $0x1  }
0x113: {  	v2 =	vbroadcast v2, $0x0;
	_ =	sdelay $0x1  }
0x114: {  	(erf) = vpow2.f32 v2;
	_ =	sdelay $0x8  }
0x115: {  	v2 =	vpop (erf)  }
0x116: {  	v62 =	vmul.f32 v2, v58;
	v63 =	vnsel vm0, $0x0, v2  }
0x117: {  	s24 =	sadd.s32 $0x1, s24;
	v2 =	vmul.f32 v2, v3;
	[tilespmem:s29+$0xCBA0] =	vst v63  }
0x118: {  	p0 =	sne.s32 s24, $0x64;
	[tilespmem:s29+$0xCB90] =	vst v62  }
.Ltmp2:
0x119: {  	[tilespmem:s29+$0xCB80] =	vst v2;
	(pc) =	sbr.rel @p0 .LBB2_4-.Ltmp2, $4  }
0x11a: {  	[spmem:s2] =	stream.indirect.scatter.add.f32 [tilespmem:s15], [sflag:$0x2], $0x80, s22, s18, $0xb8;
	[tilespmem:$0x1D700] =	vst v63  }
0x11b: {  	_ =	swait.ge [sflag:s16], $0x6400  }
0x11c: {  	[sflag:s16] =	ssyncset.done $0x0  }
0x11d: {  	[sflag:s16] =	ssyncadd.s32 $0xFFFF9C00  }
0x11e: {  	s3 =	sadd.s32 $0x1, s3  }
0x11f: {  	s23 =	sshll.u32 s1, $0x6;
	[bflag:$0x0] =	sbarrier.arrive $0xFFFF;
	p0 =	sne.s32 s3, s14  }
.Ltmp3:
0x120: {  	s24 =	sshrl.u32 s8, $0x3;
	s23 =	sor.u32 $0x1C02, s23;
	(pc) =	sbr.rel @p0 .LBB2_1-.Ltmp3, $4  }
0x121: {  	[hbm:s13], [sflag:s23] =	dma.local [spmem:s24], $0x1480  }
0x122: {  	_ =	swait.ge [sflag:s16], $0x1480  }
0x123: {  	[sflag:s16] =	ssyncset.done $0x0  }
0x124: {  	[sflag:s16] =	ssyncadd.s32 $0xFFFFEB80  }
0x125: {  	_ =	sfence.sel $0x180000  }
0x126: {  	[bflag:$0x0] =	sbarrier.arrive $0xFFFF  }
0x127: {  	p0 =	sne.s32 s1, $0x0;
	_ =	strace $0x9000004D  }
0x128: {  	s0 =	sadd.s32 @!p0 $0x100000, s0;
	[bflag:$0x2] =	sbarrier.arrive $0xFFFF  }
0x129: {  	[sflag:s0] =	ssyncadd.tile.s32 @!p0 $0x1;
	_ =	shalt  }
.Lfunc_end2:
_tile_overlayer_lowered:
.L_overlay_start_2:
0x12a: {  	(tag) =	ssettag $0x2  }
0x12b: {  	s0 =	rddreg [dreg:$0x0];
	s2 =	stileid.u32  }
0x12c: {  	s1 =	rddreg [dreg:$0x1];
	p0 =	sne.s32 s2, $0x0  }
0x12d: {  	s3 =	rddreg [dreg:$0x2];
	[bflag:$0x3] =	sbarrier.arrive $0xFFFF;
	s2 =	simm.s32 @!p0 $0x1C02  }
0x12e: {  	[timem:s3], [sflag:s2] =	dma.local @!p0 [hbm:s0], s1  }
0x12f: {  	s0 =	simm.s32 @!p0 $0x2  }
0x130: {  	_ =	swait.ge @!p0 [sflag:s0], s1  }
0x131: {  	s1 =	ssub.s32 @!p0 $0x0, s1;
	[sflag:s0] =	ssyncset.done @!p0 $0x0  }
0x132: {  	[sflag:s0] =	ssyncadd.s32 @!p0 s1  }
0x133: {  	[bflag:$0x3] =	sbarrier.arrive $0xFFFF  }
0x134: {  	_ =	shalt  }

// kernel: kernel.27.cloned.1.call-start
scs
__scs_entry_jumppad:
0x0: {  	(pc) =	sbr.rel $0x88, $3  }
0x1: {  	(tag) =	ssettag $0x0;
	lr =	simm.s32 $0x1  }
0x2: {  	[smem:$0x3F6D] =	sst lr;
	_ =	strace $0xD0000000  }
0x3: {  	_ = 	snop  }
0x4: {  	_ = 	snop  }
0x5: {  	_ = 	snop  }
0x6: {  	_ = 	snop  }
0x7: {  	_ = 	snop  }
__scs_overlays_trampoline_lowered:
0x8: {  	[smem:$0x3F7C] =	sst s0  }
0x9: {  	[smem:$0x3F7D] =	sst s1  }
0xa: {  	[smem:$0x3F7E] =	sst s2  }
0xb: {  	[smem:$0x3F7F] =	sst s3  }
0xc: {  	[smem:$0x3F80] =	sst s4  }
0xd: {  	[smem:$0x3F81] =	sst s5  }
0xe: {  	[smem:$0x3F82] =	sst s6  }
0xf: {  	[smem:$0x3F83] =	sst s7  }
0x10: {  	[smem:$0x3F84] =	sst s8  }
0x11: {  	[smem:$0x3F85] =	sst s9;
	s0 =	simm.s32 @!p0 $0x0  }
0x12: {  	s1 =	sld [smem:$0x3F6B];
	s0 =	simm.s32 @p0 $0x1  }
0x13: {  	[smem:$0x3F86] =	sst s0;
	s0 =	simm.s32 @!p1 $0x0  }
0x14: {  	s2 =	sld [smem:$0x3F6A];
	s0 =	simm.s32 @p1 $0x1  }
0x15: {  	[smem:$0x3F87] =	sst s0;
	s0 =	simm.s32 @!p2 $0x0  }
0x16: {  	s3 =	sld [smem:$0x3FDB];
	s0 =	simm.s32 @p2 $0x1  }
0x17: {  	s4 =	simm.s32 $0x1BF5;
	[smem:$0x3F89] =	sst s0  }
0x18: {  	s0 =	sld [smem:$0x3F6C];
	_ =	swait.ge [sflag:s4], $0x0  }
0x19: {  	s7 =	sld [smem:$0x3F6D]  }
0x1a: {  	s8 =	sadd.s32 $0xFFFFE003, lr  }
0x1b: {  	s9 =	sadd.s32 $0xFFFFFEF7, lr;
	s5 =	simm.s32 $0xFFFFFFFF;
	p2 =	slt.u32 s8, $0xFFFFF086  }
0x1c: {  	p1 =	slt.u32 s9, $0xF7A;
	s5 =	simm.s32 @!p2 $0x0  }
0x1d: {  	s5 =	simm.s32 @p1 $0x1;
	p0 =	seq.s32 s7, s2  }
0x1e: {  	s7 =	smul.u32 @!p0 $0xF7A, s2;
	p2 =	seq.s32 @!p0 s5, $0x0  }
0x1f: {  	s9 =	smul.u32 $0xF7A, s1;
	s8 =	simm.s32 @!p0 $0x1BF5;
	p2 =	por !p2, p0  }
0x20: {  	[sflag:s8] =	ssyncset.s32 @!p0 $0xFFFFF086;
	s6 =	sadd.s32 @!p0 s3, s7;
	s7 =	simm.s32 @!p0 $0x108  }
0x21: {  	s3 =	sadd.s32 s3, s9;
	s6 =	sadd.s32 @!p0 $0x88, s6;
	s7 =	simm.s32 @p2 $0x1082  }
0x22: {  	[simem:s7], [sflag:s8] =	dma.local @!p0 [hbm:s6], $0xF7A  }
0x23: {  	s9 =	sor.u32 $0xD0000000, s2;
	s6 =	simm.s32 $0x108;
	_ =	swait.ge @!p0 [sflag:s8], $0x0  }
0x24: {  	s3 =	sadd.s32 $0x88, s3;
	s6 =	simm.s32 @!p1 $0x1082;
	[sflag:s4] =	ssyncset.s32 $0xFFFFF086  }
0x25: {  	[simem:s6], [sflag:s4] =	dma.local [hbm:s3], $0xF7A  }
0x26: {  	[smem:$0x3F6D] =	sst s1;
	(tag) =	ssettag s2;
	_ =	strace s9  }
0x27: {  	s1 =	sld [smem:$0x3F7D]  }
0x28: {  	s2 =	sld [smem:$0x3F7E]  }
0x29: {  	s4 =	sld [smem:$0x3F80]  }
0x2a: {  	p0 =	seq.s32 s5, $0x0;
	s5 =	sld [smem:$0x3F81]  }
0x2b: {  	s6 =	sld [smem:$0x3F82]  }
0x2c: {  	s7 =	sld [smem:$0x3F83]  }
0x2d: {  	s3 =	simm.s32 $0x108;
	s8 =	sld [smem:$0x3F84]  }
0x2e: {  	s3 =	simm.s32 @!p0 $0x1082;
	s9 =	sld [smem:$0x3F85]  }
0x2f: {  	lr =	sadd.s32 s0, s3;
	s0 =	sld [smem:$0x3F7C]  }
0x30: {  	s3 =	sld [smem:$0x3F7F]  }
0x31: {  	[smem:$0x3F88] =	sst s10  }
0x32: {  	s10 =	sld [smem:$0x3F86];
	_ =	sdelay $0x3  }
0x33: {  	p0 =	seq.s32 s10, $0x1;
	s10 =	sld [smem:$0x3F88];
	_ =	sdelay $0x3  }
0x34: {  	[smem:$0x3F88] =	sst s10  }
0x35: {  	s10 =	sld [smem:$0x3F87];
	_ =	sdelay $0x3  }
0x36: {  	p1 =	seq.s32 s10, $0x1;
	s10 =	sld [smem:$0x3F88];
	_ =	sdelay $0x3  }
0x37: {  	[smem:$0x3F88] =	sst s10  }
0x38: {  	s10 =	sld [smem:$0x3F89]  }
0x39: {  	_ = 	snop;
	(pc) =	sbr.ind lr, $3  }
0x3a: {  	_ = 	snop  }
0x3b: {  	_ = 	snop  }
0x3c: {  	p2 =	seq.s32 s10, $0x1;
	s10 =	sld [smem:$0x3F88]  }
0x3d: {  	_ =	shalt  }
0x3e: {  	_ =	shalt  }
0x3f: {  	_ =	shalt  }
0x40: {  	_ =	shalt  }
0x41: {  	_ =	shalt  }
0x42: {  	_ =	shalt  }
0x43: {  	_ =	shalt  }
0x44: {  	_ =	shalt  }
0x45: {  	_ =	shalt  }
0x46: {  	_ =	shalt  }
0x47: {  	_ =	shalt  }
0x48: {  	_ =	shalt  }
0x49: {  	_ =	shalt  }
0x4a: {  	_ =	shalt  }
0x4b: {  	_ =	shalt  }
0x4c: {  	_ =	shalt  }
0x4d: {  	_ =	shalt  }
0x4e: {  	_ =	shalt  }
0x4f: {  	_ =	shalt  }
0x50: {  	_ =	shalt  }
0x51: {  	_ =	shalt  }
0x52: {  	_ =	shalt  }
0x53: {  	_ =	shalt  }
0x54: {  	_ =	shalt  }
0x55: {  	_ =	shalt  }
0x56: {  	_ =	shalt  }
0x57: {  	_ =	shalt  }
0x58: {  	_ =	shalt  }
0x59: {  	_ =	shalt  }
0x5a: {  	_ =	shalt  }
0x5b: {  	_ =	shalt  }
0x5c: {  	_ =	shalt  }
0x5d: {  	_ =	shalt  }
0x5e: {  	_ =	shalt  }
0x5f: {  	_ =	shalt  }
0x60: {  	_ =	shalt  }
0x61: {  	_ =	shalt  }
0x62: {  	_ =	shalt  }
0x63: {  	_ =	shalt  }
0x64: {  	_ =	shalt  }
0x65: {  	_ =	shalt  }
0x66: {  	_ =	shalt  }
0x67: {  	_ =	shalt  }
0x68: {  	_ =	shalt  }
0x69: {  	_ =	shalt  }
0x6a: {  	_ =	shalt  }
0x6b: {  	_ =	shalt  }
0x6c: {  	_ =	shalt  }
0x6d: {  	_ =	shalt  }
0x6e: {  	_ =	shalt  }
0x6f: {  	_ =	shalt  }
0x70: {  	_ =	shalt  }
0x71: {  	_ =	shalt  }
0x72: {  	_ =	shalt  }
0x73: {  	_ =	shalt  }
0x74: {  	_ =	shalt  }
0x75: {  	_ =	shalt  }
0x76: {  	_ =	shalt  }
0x77: {  	_ =	shalt  }
0x78: {  	_ =	shalt  }
0x79: {  	_ =	shalt  }
0x7a: {  	_ =	shalt  }
0x7b: {  	_ =	shalt  }
0x7c: {  	_ =	shalt  }
0x7d: {  	_ =	shalt  }
0x7e: {  	_ =	shalt  }
0x7f: {  	_ =	shalt  }
0x80: {  	_ =	shalt  }
0x81: {  	_ =	shalt  }
0x82: {  	_ =	shalt  }
0x83: {  	_ =	shalt  }
0x84: {  	_ =	shalt  }
0x85: {  	_ =	shalt  }
0x86: {  	_ =	shalt  }
0x87: {  	_ =	shalt  }
.Lfunc_end0:
.L_simem_size_0:
called_computation.3_lowered:
.L_overlay_start_0:
0x88: {  	s2 =	sld [smem:$0x3FD9]  }
0x89: {  	s3 =	sld [smem:$0x3FFE];
	_ =	sdelay $0x1  }
0x8a: {  	s1 =	srdreg.scid  }
0x8b: {  	s0 =	sand.u32 $0x1, s1  }
0x8c: {  	s16 =	sshll.u32 s0, $0xA;
	s2 =	sadd.s32 s3, s2  }
0x8d: {  	s2 =	sadd.s32 s2, s16  }
0x8e: {  	[smem:$0x3F94] =	sst s2  }
0x8f: {  	_ = 	snop  }
0x90: {  	(tm) =	ssettm $0x1  }
0x91: {  	s17 =	sld [smem:$0x3FFB];
	_ =	sdelay $0x3  }
0x92: {  	_ =	strace s17  }
0x93: {  	s2 =	sld [smem:$0x3FFC];
	_ =	sdelay $0x3  }
0x94: {  	_ =	strace s2  }
0x95: {  	s2 =	sld [smem:$0x3FFD];
	_ =	sdelay $0x3  }
0x96: {  	_ =	strace s2  }
0x97: {  	_ =	strace $0x8FFFFFFF  }
0x98: {  	s18 =	sld [smem:$0x3FDB];
	_ =	sdelay $0x1  }
0x99: {  	s19 =	simm.s32 $_scs_section_size  }
0x9a: {  	s4 =	simm.s32 $_size__tile_overlayer_lowered;
	s5 =	simm.s32 $_tile_overlayer_lowered  }
0x9b: {  	s22 =	simm.s32 $0x1BFF;
	s21 =	sshll.u32 s5, $0x1;
	s2 =	sadd.s32 s19, s18  }
0x9c: {  	s6 =	simm.s32 $0x0;
	s20 =	sshll.u32 s4, $0x1;
	s4 =	sadd.s32 s21, s2  }
0x9d: {  	[timem:s6], [sflag:s22] =	dma.local [hbm:s4], s20  }
0x9e: {  	_ =	swait.ge [sflag:s22], s20  }
0x9f: {  	s3 =	ssub.s32 $0x0, s20;
	[sflag:s22] =	ssyncset.done $0x0  }
0xa0: {  	[sflag:s22] =	ssyncadd.s32 s3;
	_ =	sdelay $0x1  }
0xa1: {  	s23 =	simm.s32 $0x1B8B  }
0xa2: {  	_ =	swait.ge [sflag:s23], $0x1  }
0xa3: {  	[sflag:s23] =	ssyncset.done $0x0  }
0xa4: {  	s25 =	simm.s32 $0x1B8E;
	s24 =	sld [smem:$0x3FFE];
	[sflag:s23] =	ssyncadd.s32 $0xFFFFFFFF  }
0xa5: {  	s26 =	simm.s32 $execute0_lowered;
	[smem:$0x3FD2] =	sst s25  }
0xa6: {  	s4 =	sshll.u32 s26, $0x1;
	_ =	strace $0x8000004F;
	[dreg:$0x1] =	wrdreg $0xFFFFFFFF  }
0xa7: {  	s28 =	simm.s32 $_size_execute0_lowered;
	s2 =	sadd.s32 s2, s4;
	[dreg:$0x0] =	wrdreg $0x0  }
0xa8: {  	s4 =	sshll.u32 s28, $0x1;
	[dreg:$0x2] =	wrdreg s2  }
0xa9: {  	[dreg:$0x3] =	wrdreg s4  }
0xaa: {  	[dreg:$0x4] =	wrdreg $0xC0  }
0xab: {  	_ =	task [dreg:s6], $0x5FFFF  }
0xac: {  	[dreg:$0x1] =	wrdreg $0xFFFFFFFF  }
0xad: {  	[dreg:$0x0] =	wrdreg $0x60  }
0xae: {  	[dreg:$0x2] =	wrdreg s24  }
0xaf: {  	[dreg:$0x3] =	wrdreg $0x133000  }
0xb0: {  	[dreg:$0x4] =	wrdreg $0x9  }
0xb1: {  	_ =	task.clear_ibuf [dreg:s6], $0x5FFFF;
	_ =	strace $0x9000004F  }
0xb2: {  	s29 =	simm.s32 $0x9;
	_ =	strace $0x80000051  }
0xb3: {  	_ =	swait.ge [sflag:s29], $0x1  }
0xb4: {  	[sflag:s29] =	ssyncadd.s32 $0xFFFFFFFF  }
0xb5: {  	_ =	strace $0x90000051  }
0xb6: {  	_ =	sfence  }
0xb7: {  	s30 =	sld [smem:$0x0];
	_ =	sdelay $0x2  }
0xb8: {  	s31 =	sshll.u32 s1, $0xD;
	s1 =	sshrl.u32 s1, $0x2  }
0xb9: {  	s3 =	sand.u32 $0x4000, s31;
	s1 =	sadd.s32 s1, s30  }
0xba: {  	s0 =	sor.u32 s3, s0;
	s1 =	sshll.u32 s1, $0x11  }
0xbb: {  	s0 =	sor.u32 s1, s0  }
0xbc: {  	s0 =	sadd.s32 $0x8F2B, s0  }
0xbd: {  	[sflag:s0] =	ssyncadd.remote.s32 $0x1  }
0xbe: {  	_ =	sfence.sel $0xFFFF  }
0xbf: {  	[dreg:$0x0] =	wrdreg $0xFFFFFFFF;
	(pc) =	sbr.abs _section_cstart, $3  }
0xc0: {  	[dreg:$0x1] =	wrdreg $0xFFFFFFFF  }
0xc1: {  	_ =	task.clear_ibuf [dreg:s6], $0x2FFFF;
	_ =	strace $0x9FFFFFFF  }
0xc2: {  	(tm) =	ssettm $0x7FFFFFFF  }
0xc3: {  	_ =	shalt  }
tec
execute0_lowered:
.L_overlay_start_1:
0x0: {  	(tag) =	ssettag $0x1  }
0x1: {  	s8 =	rddreg [dreg:$0x0]  }
0x2: {  	s2 =	rddreg [dreg:$0x1]  }
0x3: {  	s0 =	rddreg [dreg:$0x2];
	s3 =	simm.s32 $0x0;
	s4 =	srdreg.scid  }
0x4: {  	s1 =	stileid.u32;
	s16 =	simm.s32 $0x2;
	s17 =	simm.s32 $0x100  }
0x5: {  	s18 =	simm.s32 $0xC8;
	s19 =	simm.s32 $0x300;
	s21 =	simm.s32 $0x6700  }
0x6: {  	s22 =	simm.s32 $0x200;
	[smem:$0x7FF] =	sst s3;
	s9 =	smul.u32 $0x1480, s1  }
0x7: {  	s13 =	sand.u32 $0x1, s4;
	s4 =	sadd.s32 $0x1DA00, s8;
	s11 =	smul.u32 $0x29000, s1  }
0x8: {  	s5 =	sadd.s32 $0x44C00, s8;
	s6 =	sadd.s32 $0x13C00, s8;
	s10 =	smul.u32 $0x14800, s13  }
0x9: {  	s7 =	sadd.s32 $0x9E00, s8;
	s12 =	ssub.s32 $0x2, s13;
	s20 =	smul.u32 $0xFFFFEC00, s13  }
0xa: {  	_ =	strace $0x80000050;
	s31 =	sshrl.u32 s12, $0x1;
	s11 =	sshrl.u32 s11, $0x2  }
0xb: {  	s9 =	sadd.s32 s9, s10;
	s15 =	ssub.s32 s12, s31;
	v0 =	vmov s20;
	s20 =	simm.s32 $0x1  }
0xc: {  	s14 =	sadd.s32 s9, s8;
	s8 =	sadd.s32 s11, s2;
	s11 =	smul.u32 $0x4E20, s1  }
0xd: {  	s9 =	sadd.s32 $0x3000, s8;
	s10 =	sadd.s32 $0x6000, s8;
	s12 =	sadd.s32 $0x9000, s8  }
0xe: {  	v1 =	vimm.f32 $0.0e+00;
	vm0 =	vmmov $0x1;
	s13 =	sadd.s32 $0x6BE00, s14;
	s14 =	smax.u32 s15, $0x1;
	s15 =	simm.s32 $0xCB00  }
.LBB2_1:
0xf: {  	s23 =	simm.s32 $0x0;
	s24 =	simm.s32 $0x200  }
.LBB2_2:
0x10: {  	p0 =	sne.s32 s24, $0x18E00;
	[tilespmem:s23+$0xCB70] =	vst v1  }
0x11: {  	[tilespmem:s23+$0xCB00] =	vst v1  }
0x12: {  	[tilespmem:s23+$0xCB10] =	vst v1  }
.Ltmp0:
0x13: {  	[tilespmem:s23+$0xCB20] =	vst v1;
	(pc) =	sbr.rel @p0 .LBB2_2-.Ltmp0, $4  }
0x14: {  	[tilespmem:s23+$0xCB30] =	vst v1  }
0x15: {  	[tilespmem:s23+$0xCB40] =	vst v1  }
0x16: {  	[tilespmem:s23+$0xCB50] =	vst v1  }
0x17: {  	[tilespmem:s23+$0xCB60] =	vst v1;
	s23 =	sshra.s32 s24, $0x2;
	s24 =	sadd.s32 $0x200, s24  }
0x18: {  	[tilespmem:s23+$0xCB70] =	vst v1  }
0x19: {  	[tilespmem:s23+$0xCB00] =	vst v1  }
0x1a: {  	[tilespmem:s23+$0xCB10] =	vst v1  }
0x1b: {  	[tilespmem:s23+$0xCB20] =	vst v1  }
0x1c: {  	[tilespmem:s23+$0xCB30] =	vst v1  }
0x1d: {  	[tilespmem:s23+$0xCB40] =	vst v1  }
0x1e: {  	[tilespmem:s23+$0xCB50] =	vst v1  }
0x1f: {  	[tilespmem:s23+$0xCB60] =	vst v1  }
0x20: {  	[tilespmem:$0x12F00] =	vst v1  }
0x21: {  	[tilespmem:$0x12F10] =	vst v1  }
0x22: {  	[tilespmem:$0x13100] =	vst v1  }
0x23: {  	[tilespmem:$0x13110] =	vst v1  }
0x24: {  	[spmem:s8] =	stream.linear.scatter [tilespmem:s15], [sflag:$0x2], $0x3000, $0x38;
	[tilespmem:$0x1D700] =	vst v63  }
0x25: {  	_ =	swait.ge [sflag:s16], $0x3000  }
0x26: {  	[sflag:s16] =	ssyncset.done $0x0  }
0x27: {  	[sflag:s16] =	ssyncadd.s32 $0xFFFFD000  }
0x28: {  	[spmem:s9] =	stream.linear.scatter [tilespmem:s15], [sflag:$0x2], $0x3000, $0x38;
	[tilespmem:$0x1D700] =	vst v63  }
0x29: {  	_ =	swait.ge [sflag:s16], $0x3000  }
0x2a: {  	[sflag:s16] =	ssyncset.done $0x0  }
0x2b: {  	[sflag:s16] =	ssyncadd.s32 $0xFFFFD000  }
0x2c: {  	[spmem:s10] =	stream.linear.scatter [tilespmem:s15], [sflag:$0x2], $0x3000, $0x38;
	[tilespmem:$0x1D700] =	vst v63  }
0x2d: {  	_ =	swait.ge [sflag:s16], $0x3000  }
0x2e: {  	[sflag:s16] =	ssyncset.done $0x0  }
0x2f: {  	[sflag:s16] =	ssyncadd.s32 $0xFFFFD000  }
0x30: {  	[spmem:s12] =	stream.linear.scatter [tilespmem:s15], [sflag:$0x2], $0x1400, $0x38;
	[tilespmem:$0x1D700] =	vst v63  }
0x31: {  	_ =	swait.ge [sflag:s16], $0x1400  }
0x32: {  	[sflag:s16] =	ssyncset.done $0x0  }
0x33: {  	[sflag:s16] =	ssyncadd.s32 $0xFFFFEC00  }
0x34: {  	s23 =	simm.s32 $0x0;
	s24 =	simm.s32 $0x0;
	[bflag:$0x0] =	sbarrier.arrive $0xFFFF  }
.LBB2_4:
0x35: {  	s25 =	smul.u32 $0xC8, s24;
	_ =	sdelay $0x1  }
0x36: {  	s25 =	sadd.s32 s11, s25  }
0x37: {  	s25 =	sshrl.u32 s25, $0x3  }
0x38: {  	s26 =	sadd.s32 s6, s25  }
0x39: {  	[tilespmem:s23], [sflag:$0x2] =	stream.linear.gather [hbm4b:s26+s23], $0xC8, $0x38;
	[tilespmem:$0x1D700] =	vst v63  }
0x3a: {  	_ =	swait.ge [sflag:s16], $0xC8  }
0x3b: {  	[sflag:s16] =	ssyncset.done $0x0  }
0x3c: {  	s25 =	sadd.s32 s7, s25;
	[sflag:s16] =	ssyncadd.s32 $0xFFFFFF38  }
0x3d: {  	[tilespmem:s17], [sflag:$0x2] =	stream.linear.gather [hbm4b:s25+s23], $0xC8, $0x38;
	[tilespmem:$0x1D700] =	vst v63  }
0x3e: {  	_ =	swait.ge [sflag:s16], $0xC8  }
0x3f: {  	[sflag:s16] =	ssyncset.done $0x0  }
0x40: {  	[sflag:s16] =	ssyncadd.s32 $0xFFFFFF38  }
0x41: {  	v2 =	vld [tilespmem:$0x100]  }
0x42: {  	v3 =	vld [tilespmem:$0x110]  }
0x43: {  	v4 =	vld [tilespmem:$0x120]  }
0x44: {  	v5 =	vld [tilespmem:$0x130]  }
0x45: {  	v6 =	vld [tilespmem:$0x140]  }
0x46: {  	v7 =	vld [tilespmem:$0x150];
	v2 =	vadd.s32 v0, v2  }
0x47: {  	v8 =	vld [tilespmem:$0x160];
	v3 =	vadd.s32 v0, v3;
	vm1 =	vlt.u32 v2, $0x1400  }
0x48: {  	v9 =	vld [tilespmem:$0x170];
	v4 =	vadd.s32 v0, v4;
	v2 =	vnsel vm1, $0x147F, v2;
	vm1 =	vlt.u32 v3, $0x1400  }
0x49: {  	[tilespmem:$0x200] =	vst v2;
	v2 =	vnsel vm1, $0x147F, v3;
	vm1 =	vlt.u32 v4, $0x1400;
	v3 =	vadd.s32 v0, v5;
	v5 =	vld [tilespmem:$0x180]  }
0x4a: {  	[tilespmem:$0x210] =	vst v2;
	v2 =	vnsel vm1, $0x147F, v4;
	vm1 =	vlt.u32 v3, $0x1400;
	v4 =	vadd.s32 v0, v6;
	v6 =	vld [tilespmem:$0x190]  }
0x4b: {  	[tilespmem:$0x220] =	vst v2;
	v2 =	vnsel vm1, $0x147F, v3;
	vm1 =	vlt.u32 v4, $0x1400;
	v3 =	vadd.s32 v0, v7;
	v7 =	vld [tilespmem:$0x1A0]  }
0x4c: {  	[tilespmem:$0x230] =	vst v2;
	v2 =	vnsel vm1, $0x147F, v4;
	vm1 =	vlt.u32 v3, $0x1400;
	v4 =	vadd.s32 v0, v8;
	v8 =	vld [tilespmem:$0x1B0]  }
0x4d: {  	v62 =	vld [tilespmem:$0x1B8];
	[tilespmem:$0x240] =	vst v2;
	v2 =	vnsel vm1, $0x147F, v3;
	vm1 =	vlt.u32 v4, $0x1400;
	v3 =	vadd.s32 v0, v9  }
0x4e: {  	[tilespmem:$0x250] =	vst v2;
	v2 =	vnsel vm1, $0x147F, v4;
	vm1 =	vlt.u32 v3, $0x1400;
	v4 =	vadd.s32 v0, v5  }
0x4f: {  	[tilespmem:$0x260] =	vst v2;
	v2 =	vnsel vm1, $0x147F, v3;
	vm1 =	vlt.u32 v4, $0x1400;
	v3 =	vadd.s32 v0, v6  }
0x50: {  	[tilespmem:$0x270] =	vst v2;
	v2 =	vnsel vm1, $0x147F, v4;
	vm1 =	vlt.u32 v3, $0x1400;
	v4 =	vadd.s32 v0, v7  }
0x51: {  	[tilespmem:$0x280] =	vst v2;
	v2 =	vnsel vm1, $0x147F, v3;
	vm1 =	vlt.u32 v4, $0x1400;
	v3 =	vadd.s32 v0, v8  }
0x52: {  	[tilespmem:$0x290] =	vst v2;
	v2 =	vnsel vm1, $0x147F, v4;
	vm1 =	vlt.u32 v3, $0x1400;
	v4 =	vadd.s32 v0, v62  }
0x53: {  	[tilespmem:$0x2A0] =	vst v2;
	v2 =	vnsel vm1, $0x147F, v3;
	vm1 =	vlt.u32 v4, $0x1400  }
0x54: {  	[tilespmem:$0x2B0] =	vst v2;
	v2 =	vnsel vm1, $0x147F, v4  }
0x55: {  	[tilespmem:$0x2B8] =	vst v2  }
0x56: {  	[tilespmem:s19], [sflag:$0x1] =	stream.indirect.gather [hbm4b:s4+s18], $0x80, s17, s18, $0xb8;
	[tilespmem:$0x1D700] =	vst v63  }
0x57: {  	_ =	swait.ge [sflag:s20], $0x6400  }
0x58: {  	[sflag:s20] =	ssyncset.done $0x0  }
0x59: {  	[sflag:s20] =	ssyncadd.s32 $0xFFFF9C00  }
0x5a: {  	[tilespmem:s21], [sflag:$0x1] =	stream.indirect.gather [hbm4b:s5+s18], $0x80, s23, s18, $0xb8;
	[tilespmem:$0x1D700] =	vst v63  }
0x5b: {  	_ =	swait.ge [sflag:s20], $0x6400  }
0x5c: {  	[sflag:s20] =	ssyncset.done $0x0  }
0x5d: {  	s25 =	simm.s32 $0x0;
	[sflag:s20] =	ssyncadd.s32 $0xFFFF9C00  }
0x5e: {  	v2 =	vld [tilespmem:s25+$0x6710]  }
0x5f: {  	v3 =	vld [tilespmem:s25+$0x300]  }
0x60: {  	v4 =	vld [tilespmem:s25+$0x310]  }
0x61: {  	v5 =	vld [tilespmem:s25+$0x6700];
	_ =	sdelay $0x4  }
0x62: {  	v2 =	vmul.f32 v2, v4;
	v3 =	vmul.f32 v5, v3;
	_ =	sdelay $0x1  }
0x63: {  	v2 =	vadd.f32 v2, v3  }
0x64: {  	v4 =	vld [tilespmem:s25+$0x6730]  }
0x65: {  	v3 =	vld [tilespmem:s25+$0x6720];
	[tilespmem:$0x12F00] =	vst v2  }
0x66: {  	v5 =	vld [tilespmem:$0x12F08];
	_ =	sdelay $0x4  }
0x67: {  	v2 =	vadd.f32 v5, v2;
	_ =	sdelay $0x1  }
0x68: {  	[tilespmem:$0x12F00] =	vst v2  }
0x69: {  	v5 =	vld [tilespmem:$0x12F04];
	_ =	sdelay $0x4  }
0x6a: {  	v2 =	vadd.f32 v5, v2;
	_ =	sdelay $0x1  }
0x6b: {  	[tilespmem:$0x12F00] =	vst v2  }
0x6c: {  	v5 =	vld [tilespmem:$0x12F02];
	_ =	sdelay $0x4  }
0x6d: {  	v2 =	vadd.f32 v5, v2;
	_ =	sdelay $0x1  }
0x6e: {  	[tilespmem:$0x12F00] =	vst v2  }
0x6f: {  	v5 =	vld [tilespmem:$0x12F01];
	_ =	sdelay $0x3  }
0x70: {  	(v2sf) =	vpush v2, $0x0  }
0x71: {  	(v2sf) =	vpush v5, $0x0;
	_ =	sdelay $0xd  }
0x72: {  	s31 =	spop (v2sf)  }
0x73: {  	s28 =	spop (v2sf)  }
0x74: {  	s26 =	sadd.f32 s28, s31;
	_ =	sdelay $0x1  }
0x75: {  	s26 =	smul.f32 $1.767766920e-01, s26;
	_ =	sdelay $0x1  }
0x76: {  	v2 =	vmov s26  }
0x77: {  	v2 =	vmul.f32 $1.442695020e+00, v2;
	_ =	sdelay $0x1  }
0x78: {  	v2 =	vbroadcast v2, $0x0;
	_ =	sdelay $0x1  }
0x79: {  	(erf) = vpow2.f32 v2;
	_ =	sdelay $0x1  }
0x7a: {  	v6 =	vld [tilespmem:s25+$0x6780]  }
0x7b: {  	v7 =	vld [tilespmem:s25+$0x380]  }
0x7c: {  	v5 =	vld [tilespmem:s25+$0x390]  }
0x7d: {  	v2 =	vld [tilespmem:s25+$0x6790];
	_ =	sdelay $0x3  }
0x7e: {  	v6 =	vmul.f32 v6, v7;
	v8 =	vpop (erf)  }
0x7f: {  	v5 =	vmul.f32 v2, v5;
	v3 =	vmul.f32 v8, v3;
	v63 =	vnsel vm0, $0x0, v8  }
0x80: {  	v4 =	vmul.f32 v8, v4;
	[tilespmem:s25+$0xCB20] =	vst v63  }
0x81: {  	v5 =	vadd.f32 v5, v6;
	[tilespmem:s25+$0xCB00] =	vst v3  }
0x82: {  	v2 =	vld [tilespmem:s25+$0x67B0];
	[tilespmem:s25+$0xCB10] =	vst v4  }
0x83: {  	v3 =	vld [tilespmem:s25+$0x67A0];
	[tilespmem:$0x13100] =	vst v5  }
0x84: {  	v4 =	vld [tilespmem:$0x13108];
	_ =	sdelay $0x4  }
0x85: {  	v4 =	vadd.f32 v4, v5;
	_ =	sdelay $0x1  }
0x86: {  	[tilespmem:$0x13100] =	vst v4  }
0x87: {  	v5 =	vld [tilespmem:$0x13104];
	_ =	sdelay $0x4  }
0x88: {  	v4 =	vadd.f32 v5, v4;
	_ =	sdelay $0x1  }
0x89: {  	[tilespmem:$0x13100] =	vst v4  }
0x8a: {  	v5 =	vld [tilespmem:$0x13102];
	_ =	sdelay $0x4  }
0x8b: {  	v4 =	vadd.f32 v5, v4;
	_ =	sdelay $0x1  }
0x8c: {  	[tilespmem:$0x13100] =	vst v4  }
0x8d: {  	v5 =	vld [tilespmem:$0x13101];
	_ =	sdelay $0x3  }
0x8e: {  	(v2sf) =	vpush v4, $0x0  }
0x8f: {  	(v2sf) =	vpush v5, $0x0;
	_ =	sdelay $0xd  }
0x90: {  	s30 =	spop (v2sf)  }
0x91: {  	s31 =	spop (v2sf)  }
0x92: {  	s26 =	sadd.f32 s31, s30;
	_ =	sdelay $0x1  }
0x93: {  	s26 =	smul.f32 $1.767766920e-01, s26;
	_ =	sdelay $0x1  }
0x94: {  	v4 =	vmov s26  }
0x95: {  	v4 =	vmul.f32 $1.442695020e+00, v4;
	_ =	sdelay $0x1  }
0x96: {  	v7 =	vbroadcast v4, $0x0;
	_ =	sdelay $0x1  }
0x97: {  	s29 =	simm.s32 $0x100;
	(erf) = vpow2.f32 v7  }
0x98: {  	v6 =	vld [tilespmem:s29+$0x310]  }
0x99: {  	v5 =	vld [tilespmem:s29+$0x6710]  }
0x9a: {  	v4 =	vld [tilespmem:s29+$0x300]  }
0x9b: {  	s26 =	simm.s32 $0x800;
	v7 =	vld [tilespmem:s29+$0x6700]  }
.LBB2_5:
0x9c: {  	_ =	sdelay $0x1  }
0x9d: {  	p0 =	sne.s32 s26, $0x18C00;
	s28 =	smov.u32 s26;
	s26 =	sadd.s32 $0x400, s26  }
0x9e: {  	v5 =	vmul.f32 v5, v6  }
0x9f: {  	v4 =	vmul.f32 v7, v4;
	v6 =	vpop (erf)  }
0xa0: {  	v3 =	vmul.f32 v6, v3;
	v2 =	vmul.f32 v6, v2;
	v6 =	vnsel vm0, $0x0, v6  }
0xa1: {  	v7 =	vld [tilespmem:s29+$0x6730];
	v4 =	vadd.f32 v5, v4;
	[tilespmem:s25+$0xCBA0] =	vst v6  }
0xa2: {  	v5 =	vld [tilespmem:s29+$0x6720];
	[tilespmem:s25+$0xCB90] =	vst v2  }
0xa3: {  	[tilespmem:s25+$0xCB80] =	vst v3;
	s25 =	smov.u32 s29  }
0xa4: {  	[tilespmem:$0x12F00] =	vst v4  }
0xa5: {  	v2 =	vld [tilespmem:$0x12F08];
	_ =	sdelay $0x4  }
0xa6: {  	v2 =	vadd.f32 v2, v4;
	_ =	sdelay $0x1  }
0xa7: {  	[tilespmem:$0x12F00] =	vst v2  }
0xa8: {  	v3 =	vld [tilespmem:$0x12F04];
	_ =	sdelay $0x4  }
0xa9: {  	v2 =	vadd.f32 v3, v2;
	_ =	sdelay $0x1  }
0xaa: {  	[tilespmem:$0x12F00] =	vst v2  }
0xab: {  	v3 =	vld [tilespmem:$0x12F02];
	_ =	sdelay $0x4  }
0xac: {  	v2 =	vadd.f32 v3, v2;
	_ =	sdelay $0x1  }
0xad: {  	[tilespmem:$0x12F00] =	vst v2  }
0xae: {  	v3 =	vld [tilespmem:$0x12F01]  }
0xaf: {  	v4 =	vld [tilespmem:s25+$0x6790]  }
0xb0: {  	v6 =	vld [tilespmem:s25+$0x390]  }
0xb1: {  	(v2sf) =	vpush v2, $0x0;
	_ =	sdelay $0x1  }
0xb2: {  	(v2sf) =	vpush v3, $0x0;
	_ =	sdelay $0x1  }
0xb3: {  	v3 =	vmul.f32 v4, v6;
	_ =	sdelay $0xa  }
0xb4: {  	s29 =	spop (v2sf);
	_ =	sdelay $0x1  }
0xb5: {  	s30 =	spop (v2sf)  }
0xb6: {  	s29 =	sadd.f32 s30, s29;
	_ =	sdelay $0x1  }
0xb7: {  	s29 =	smul.f32 $1.767766920e-01, s29;
	_ =	sdelay $0x1  }
0xb8: {  	v2 =	vmov s29  }
0xb9: {  	v2 =	vmul.f32 $1.442695020e+00, v2;
	_ =	sdelay $0x1  }
0xba: {  	v2 =	vbroadcast v2, $0x0;
	_ =	sdelay $0x1  }
0xbb: {  	(erf) = vpow2.f32 v2;
	_ =	sdelay $0x2  }
0xbc: {  	v2 =	vld [tilespmem:s25+$0x6780]  }
0xbd: {  	v4 =	vld [tilespmem:s25+$0x380];
	_ =	sdelay $0x4  }
0xbe: {  	v4 =	vmul.f32 v2, v4;
	v2 =	vpop (erf)  }
0xbf: {  	v5 =	vmul.f32 v2, v5;
	v6 =	vmul.f32 v2, v7;
	v2 =	vnsel vm0, $0x0, v2  }
0xc0: {  	[tilespmem:s25+$0xCB20] =	vst v2  }
0xc1: {  	v4 =	vadd.f32 v3, v4;
	[tilespmem:s25+$0xCB00] =	vst v5;
	v2 =	vld [tilespmem:s25+$0x67B0]  }
0xc2: {  	[tilespmem:s25+$0xCB10] =	vst v6;
	v3 =	vld [tilespmem:s25+$0x67A0]  }
0xc3: {  	[tilespmem:$0x13100] =	vst v4  }
0xc4: {  	v5 =	vld [tilespmem:$0x13108];
	_ =	sdelay $0x4  }
0xc5: {  	v4 =	vadd.f32 v5, v4;
	_ =	sdelay $0x1  }
0xc6: {  	[tilespmem:$0x13100] =	vst v4  }
0xc7: {  	v5 =	vld [tilespmem:$0x13104];
	_ =	sdelay $0x4  }
0xc8: {  	v4 =	vadd.f32 v5, v4;
	_ =	sdelay $0x1  }
0xc9: {  	[tilespmem:$0x13100] =	vst v4  }
0xca: {  	v5 =	vld [tilespmem:$0x13102];
	_ =	sdelay $0x4  }
0xcb: {  	v4 =	vadd.f32 v5, v4;
	_ =	sdelay $0x1  }
0xcc: {  	[tilespmem:$0x13100] =	vst v4  }
0xcd: {  	v5 =	vld [tilespmem:$0x13101];
	_ =	sdelay $0x3  }
0xce: {  	(v2sf) =	vpush v4, $0x0  }
0xcf: {  	(v2sf) =	vpush v5, $0x0;
	_ =	sdelay $0xd  }
0xd0: {  	s29 =	spop (v2sf)  }
0xd1: {  	s30 =	spop (v2sf)  }
0xd2: {  	s29 =	sadd.f32 s30, s29;
	_ =	sdelay $0x1  }
0xd3: {  	s29 =	smul.f32 $1.767766920e-01, s29;
	_ =	sdelay $0x1  }
0xd4: {  	v4 =	vmov s29  }
0xd5: {  	v4 =	vmul.f32 $1.442695020e+00, v4;
	_ =	sdelay $0x1  }
0xd6: {  	v4 =	vbroadcast v4, $0x0;
	_ =	sdelay $0x1  }
.Ltmp1:
0xd7: {  	s29 =	sshra.s32 s28, $0x2;
	(erf) = vpow2.f32 v4;
	(pc) =	sbr.rel @p0 .LBB2_5-.Ltmp1, $4  }
0xd8: {  	v5 =	vld [tilespmem:s29+$0x6710]  }
0xd9: {  	v4 =	vld [tilespmem:s29+$0x300]  }
0xda: {  	v6 =	vld [tilespmem:s29+$0x310]  }
0xdb: {  	v7 =	vld [tilespmem:s29+$0x6700]  }
0xdc: {  	_ =	sdelay $0x3  }
0xdd: {  	v5 =	vmul.f32 v5, v6;
	v8 =	vpop (erf)  }
0xde: {  	v4 =	vmul.f32 v7, v4;
	v52 =	vnsel vm0, $0x0, v8;
	v2 =	vmul.f32 v8, v2  }
0xdf: {  	v9 =	vld [tilespmem:s29+$0x6730];
	v3 =	vmul.f32 v8, v3;
	[tilespmem:s25+$0xCBA0] =	vst v52  }
0xe0: {  	v4 =	vadd.f32 v5, v4;
	v6 =	vld [tilespmem:s29+$0x6720];
	[tilespmem:s25+$0xCB90] =	vst v2  }
0xe1: {  	[tilespmem:s25+$0xCB80] =	vst v3  }
0xe2: {  	[tilespmem:$0x12F00] =	vst v4  }
0xe3: {  	v2 =	vld [tilespmem:$0x12F08];
	_ =	sdelay $0x4  }
0xe4: {  	v2 =	vadd.f32 v2, v4;
	_ =	sdelay $0x1  }
0xe5: {  	[tilespmem:$0x12F00] =	vst v2  }
0xe6: {  	v3 =	vld [tilespmem:$0x12F04];
	_ =	sdelay $0x4  }
0xe7: {  	v2 =	vadd.f32 v3, v2;
	_ =	sdelay $0x1  }
0xe8: {  	[tilespmem:$0x12F00] =	vst v2  }
0xe9: {  	v3 =	vld [tilespmem:$0x12F02];
	_ =	sdelay $0x4  }
0xea: {  	v2 =	vadd.f32 v3, v2;
	_ =	sdelay $0x1  }
0xeb: {  	[tilespmem:$0x12F00] =	vst v2  }
0xec: {  	v3 =	vld [tilespmem:$0x12F01];
	_ =	sdelay $0x3  }
0xed: {  	(v2sf) =	vpush v2, $0x0  }
0xee: {  	(v2sf) =	vpush v3, $0x0;
	_ =	sdelay $0xd  }
0xef: {  	s28 =	spop (v2sf)  }
0xf0: {  	s26 =	spop (v2sf)  }
0xf1: {  	s25 =	sadd.f32 s26, s28;
	_ =	sdelay $0x1  }
0xf2: {  	s25 =	smul.f32 $1.767766920e-01, s25;
	_ =	sdelay $0x1  }
0xf3: {  	v2 =	vmov s25  }
0xf4: {  	v2 =	vmul.f32 $1.442695020e+00, v2;
	_ =	sdelay $0x1  }
0xf5: {  	v2 =	vbroadcast v2, $0x0;
	_ =	sdelay $0x1  }
0xf6: {  	(erf) = vpow2.f32 v2;
	_ =	sdelay $0x1  }
0xf7: {  	v53 =	vld [tilespmem:s29+$0x6780]  }
0xf8: {  	v3 =	vld [tilespmem:s29+$0x390]  }
0xf9: {  	v2 =	vld [tilespmem:s29+$0x6790]  }
0xfa: {  	v54 =	vld [tilespmem:s29+$0x380];
	_ =	sdelay $0x3  }
0xfb: {  	v2 =	vmul.f32 v2, v3;
	v55 =	vpop (erf)  }
0xfc: {  	v3 =	vmul.f32 v53, v54;
	v6 =	vmul.f32 v55, v6;
	v56 =	vnsel vm0, $0x0, v55  }
0xfd: {  	v57 =	vmul.f32 v55, v9;
	[tilespmem:s29+$0xCB20] =	vst v56  }
0xfe: {  	v2 =	vadd.f32 v2, v3;
	[tilespmem:s29+$0xCB00] =	vst v6  }
0xff: {  	v58 =	vld [tilespmem:s29+$0x67B0];
	[tilespmem:s29+$0xCB10] =	vst v57  }
0x100: {  	v3 =	vld [tilespmem:s29+$0x67A0];
	[tilespmem:$0x13100] =	vst v2  }
0x101: {  	v4 =	vld [tilespmem:$0x13108];
	_ =	sdelay $0x4  }
0x102: {  	v2 =	vadd.f32 v4, v2;
	_ =	sdelay $0x1  }
0x103: {  	[tilespmem:$0x13100] =	vst v2  }
0x104: {  	v59 =	vld [tilespmem:$0x13104];
	_ =	sdelay $0x4  }
0x105: {  	v2 =	vadd.f32 v59, v2;
	_ =	sdelay $0x1  }
0x106: {  	[tilespmem:$0x13100] =	vst v2  }
0x107: {  	v60 =	vld [tilespmem:$0x13102];
	_ =	sdelay $0x4  }
0x108: {  	v2 =	vadd.f32 v60, v2;
	_ =	sdelay $0x1  }
0x109: {  	[tilespmem:$0x13100] =	vst v2  }
0x10a: {  	v61 =	vld [tilespmem:$0x13101];
	_ =	sdelay $0x3  }
0x10b: {  	(v2sf) =	vpush v2, $0x0  }
0x10c: {  	(v2sf) =	vpush v61, $0x0;
	_ =	sdelay $0xd  }
0x10d: {  	s30 =	spop (v2sf)  }
0x10e: {  	s31 =	spop (v2sf)  }
0x10f: {  	s25 =	sadd.f32 s31, s30;
	_ =	sdelay $0x1  }
0x110: {  	s25 =	smul.f32 $1.767766920e-01, s25;
	_ =	sdelay $0x1  }
0x111: {  	v2 =	vmov s25  }
0x112: {  	v2 =	vmul.f32 $1.442695020e+00, v2;
	_ =	sdelay $0x1  }
0x113: {  	v2 =	vbroadcast v2, $0x0;
	_ =	sdelay $0x1  }
0x114: {  	(erf) = vpow2.f32 v2;
	_ =	sdelay $0x8  }
0x115: {  	v2 =	vpop (erf)  }
0x116: {  	v62 =	vmul.f32 v2, v58;
	v63 =	vnsel vm0, $0x0, v2  }
0x117: {  	s24 =	sadd.s32 $0x1, s24;
	v2 =	vmul.f32 v2, v3;
	[tilespmem:s29+$0xCBA0] =	vst v63  }
0x118: {  	p0 =	sne.s32 s24, $0x64;
	[tilespmem:s29+$0xCB90] =	vst v62  }
.Ltmp2:
0x119: {  	[tilespmem:s29+$0xCB80] =	vst v2;
	(pc) =	sbr.rel @p0 .LBB2_4-.Ltmp2, $4  }
0x11a: {  	[spmem:s2] =	stream.indirect.scatter.add.f32 [tilespmem:s15], [sflag:$0x2], $0x80, s22, s18, $0xb8;
	[tilespmem:$0x1D700] =	vst v63  }
0x11b: {  	_ =	swait.ge [sflag:s16], $0x6400  }
0x11c: {  	[sflag:s16] =	ssyncset.done $0x0  }
0x11d: {  	[sflag:s16] =	ssyncadd.s32 $0xFFFF9C00  }
0x11e: {  	s3 =	sadd.s32 $0x1, s3  }
0x11f: {  	s23 =	sshll.u32 s1, $0x6;
	[bflag:$0x0] =	sbarrier.arrive $0xFFFF;
	p0 =	sne.s32 s3, s14  }
.Ltmp3:
0x120: {  	s24 =	sshrl.u32 s8, $0x3;
	s23 =	sor.u32 $0x1C02, s23;
	(pc) =	sbr.rel @p0 .LBB2_1-.Ltmp3, $4  }
0x121: {  	[hbm:s13], [sflag:s23] =	dma.local [spmem:s24], $0x1480  }
0x122: {  	_ =	swait.ge [sflag:s16], $0x1480  }
0x123: {  	[sflag:s16] =	ssyncset.done $0x0  }
0x124: {  	[sflag:s16] =	ssyncadd.s32 $0xFFFFEB80  }
0x125: {  	_ =	sfence.sel $0x180000  }
0x126: {  	[bflag:$0x0] =	sbarrier.arrive $0xFFFF  }
0x127: {  	p0 =	sne.s32 s1, $0x0;
	_ =	strace $0x90000050  }
0x128: {  	s0 =	sadd.s32 @!p0 $0x100000, s0;
	[bflag:$0x2] =	sbarrier.arrive $0xFFFF  }
0x129: {  	[sflag:s0] =	ssyncadd.tile.s32 @!p0 $0x1;
	_ =	shalt  }
.Lfunc_end2:
_tile_overlayer_lowered:
.L_overlay_start_2:
0x12a: {  	(tag) =	ssettag $0x2  }
0x12b: {  	s0 =	rddreg [dreg:$0x0];
	s2 =	stileid.u32  }
0x12c: {  	s1 =	rddreg [dreg:$0x1];
	p0 =	sne.s32 s2, $0x0  }
0x12d: {  	s3 =	rddreg [dreg:$0x2];
	[bflag:$0x3] =	sbarrier.arrive $0xFFFF;
	s2 =	simm.s32 @!p0 $0x1C02  }
0x12e: {  	[timem:s3], [sflag:s2] =	dma.local @!p0 [hbm:s0], s1  }
0x12f: {  	s0 =	simm.s32 @!p0 $0x2  }
0x130: {  	_ =	swait.ge @!p0 [sflag:s0], s1  }
0x131: {  	s1 =	ssub.s32 @!p0 $0x0, s1;
	[sflag:s0] =	ssyncset.done @!p0 $0x0  }
0x132: {  	[sflag:s0] =	ssyncadd.s32 @!p0 s1  }
0x133: {  	[bflag:$0x3] =	sbarrier.arrive $0xFFFF  }
0x134: {  	_ =	shalt  }

// kernel: kernel.30.cloned.1.call-start
scs
__scs_entry_jumppad:
0x0: {  	(pc) =	sbr.rel $0x88, $3  }
0x1: {  	(tag) =	ssettag $0x0;
	lr =	simm.s32 $0x1  }
0x2: {  	[smem:$0x3F6D] =	sst lr;
	_ =	strace $0xD0000000  }
0x3: {  	_ = 	snop  }
0x4: {  	_ = 	snop  }
0x5: {  	_ = 	snop  }
0x6: {  	_ = 	snop  }
0x7: {  	_ = 	snop  }
__scs_overlays_trampoline_lowered:
0x8: {  	[smem:$0x3F7C] =	sst s0  }
0x9: {  	[smem:$0x3F7D] =	sst s1  }
0xa: {  	[smem:$0x3F7E] =	sst s2  }
0xb: {  	[smem:$0x3F7F] =	sst s3  }
0xc: {  	[smem:$0x3F80] =	sst s4  }
0xd: {  	[smem:$0x3F81] =	sst s5  }
0xe: {  	[smem:$0x3F82] =	sst s6  }
0xf: {  	[smem:$0x3F83] =	sst s7  }
0x10: {  	[smem:$0x3F84] =	sst s8  }
0x11: {  	[smem:$0x3F85] =	sst s9;
	s0 =	simm.s32 @!p0 $0x0  }
0x12: {  	s1 =	sld [smem:$0x3F6B];
	s0 =	simm.s32 @p0 $0x1  }
0x13: {  	[smem:$0x3F86] =	sst s0;
	s0 =	simm.s32 @!p1 $0x0  }
0x14: {  	s2 =	sld [smem:$0x3F6A];
	s0 =	simm.s32 @p1 $0x1  }
0x15: {  	[smem:$0x3F87] =	sst s0;
	s0 =	simm.s32 @!p2 $0x0  }
0x16: {  	s3 =	sld [smem:$0x3FDB];
	s0 =	simm.s32 @p2 $0x1  }
0x17: {  	s4 =	simm.s32 $0x1BF5;
	[smem:$0x3F89] =	sst s0  }
0x18: {  	s0 =	sld [smem:$0x3F6C];
	_ =	swait.ge [sflag:s4], $0x0  }
0x19: {  	s7 =	sld [smem:$0x3F6D]  }
0x1a: {  	s8 =	sadd.s32 $0xFFFFE003, lr  }
0x1b: {  	s9 =	sadd.s32 $0xFFFFFEF7, lr;
	s5 =	simm.s32 $0xFFFFFFFF;
	p2 =	slt.u32 s8, $0xFFFFF086  }
0x1c: {  	p1 =	slt.u32 s9, $0xF7A;
	s5 =	simm.s32 @!p2 $0x0  }
0x1d: {  	s5 =	simm.s32 @p1 $0x1;
	p0 =	seq.s32 s7, s2  }
0x1e: {  	s7 =	smul.u32 @!p0 $0xF7A, s2;
	p2 =	seq.s32 @!p0 s5, $0x0  }
0x1f: {  	s9 =	smul.u32 $0xF7A, s1;
	s8 =	simm.s32 @!p0 $0x1BF5;
	p2 =	por !p2, p0  }
0x20: {  	[sflag:s8] =	ssyncset.s32 @!p0 $0xFFFFF086;
	s6 =	sadd.s32 @!p0 s3, s7;
	s7 =	simm.s32 @!p0 $0x108  }
0x21: {  	s3 =	sadd.s32 s3, s9;
	s6 =	sadd.s32 @!p0 $0x88, s6;
	s7 =	simm.s32 @p2 $0x1082  }
0x22: {  	[simem:s7], [sflag:s8] =	dma.local @!p0 [hbm:s6], $0xF7A  }
0x23: {  	s9 =	sor.u32 $0xD0000000, s2;
	s6 =	simm.s32 $0x108;
	_ =	swait.ge @!p0 [sflag:s8], $0x0  }
0x24: {  	s3 =	sadd.s32 $0x88, s3;
	s6 =	simm.s32 @!p1 $0x1082;
	[sflag:s4] =	ssyncset.s32 $0xFFFFF086  }
0x25: {  	[simem:s6], [sflag:s4] =	dma.local [hbm:s3], $0xF7A  }
0x26: {  	[smem:$0x3F6D] =	sst s1;
	(tag) =	ssettag s2;
	_ =	strace s9  }
0x27: {  	s1 =	sld [smem:$0x3F7D]  }
0x28: {  	s2 =	sld [smem:$0x3F7E]  }
0x29: {  	s4 =	sld [smem:$0x3F80]  }
0x2a: {  	p0 =	seq.s32 s5, $0x0;
	s5 =	sld [smem:$0x3F81]  }
0x2b: {  	s6 =	sld [smem:$0x3F82]  }
0x2c: {  	s7 =	sld [smem:$0x3F83]  }
0x2d: {  	s3 =	simm.s32 $0x108;
	s8 =	sld [smem:$0x3F84]  }
0x2e: {  	s3 =	simm.s32 @!p0 $0x1082;
	s9 =	sld [smem:$0x3F85]  }
0x2f: {  	lr =	sadd.s32 s0, s3;
	s0 =	sld [smem:$0x3F7C]  }
0x30: {  	s3 =	sld [smem:$0x3F7F]  }
0x31: {  	[smem:$0x3F88] =	sst s10  }
0x32: {  	s10 =	sld [smem:$0x3F86];
	_ =	sdelay $0x3  }
0x33: {  	p0 =	seq.s32 s10, $0x1;
	s10 =	sld [smem:$0x3F88];
	_ =	sdelay $0x3  }
0x34: {  	[smem:$0x3F88] =	sst s10  }
0x35: {  	s10 =	sld [smem:$0x3F87];
	_ =	sdelay $0x3  }
0x36: {  	p1 =	seq.s32 s10, $0x1;
	s10 =	sld [smem:$0x3F88];
	_ =	sdelay $0x3  }
0x37: {  	[smem:$0x3F88] =	sst s10  }
0x38: {  	s10 =	sld [smem:$0x3F89]  }
0x39: {  	_ = 	snop;
	(pc) =	sbr.ind lr, $3  }
0x3a: {  	_ = 	snop  }
0x3b: {  	_ = 	snop  }
0x3c: {  	p2 =	seq.s32 s10, $0x1;
	s10 =	sld [smem:$0x3F88]  }
0x3d: {  	_ =	shalt  }
0x3e: {  	_ =	shalt  }
0x3f: {  	_ =	shalt  }
0x40: {  	_ =	shalt  }
0x41: {  	_ =	shalt  }
0x42: {  	_ =	shalt  }
0x43: {  	_ =	shalt  }
0x44: {  	_ =	shalt  }
0x45: {  	_ =	shalt  }
0x46: {  	_ =	shalt  }
0x47: {  	_ =	shalt  }
0x48: {  	_ =	shalt  }
0x49: {  	_ =	shalt  }
0x4a: {  	_ =	shalt  }
0x4b: {  	_ =	shalt  }
0x4c: {  	_ =	shalt  }
0x4d: {  	_ =	shalt  }
0x4e: {  	_ =	shalt  }
0x4f: {  	_ =	shalt  }
0x50: {  	_ =	shalt  }
0x51: {  	_ =	shalt  }
0x52: {  	_ =	shalt  }
0x53: {  	_ =	shalt  }
0x54: {  	_ =	shalt  }
0x55: {  	_ =	shalt  }
0x56: {  	_ =	shalt  }
0x57: {  	_ =	shalt  }
0x58: {  	_ =	shalt  }
0x59: {  	_ =	shalt  }
0x5a: {  	_ =	shalt  }
0x5b: {  	_ =	shalt  }
0x5c: {  	_ =	shalt  }
0x5d: {  	_ =	shalt  }
0x5e: {  	_ =	shalt  }
0x5f: {  	_ =	shalt  }
0x60: {  	_ =	shalt  }
0x61: {  	_ =	shalt  }
0x62: {  	_ =	shalt  }
0x63: {  	_ =	shalt  }
0x64: {  	_ =	shalt  }
0x65: {  	_ =	shalt  }
0x66: {  	_ =	shalt  }
0x67: {  	_ =	shalt  }
0x68: {  	_ =	shalt  }
0x69: {  	_ =	shalt  }
0x6a: {  	_ =	shalt  }
0x6b: {  	_ =	shalt  }
0x6c: {  	_ =	shalt  }
0x6d: {  	_ =	shalt  }
0x6e: {  	_ =	shalt  }
0x6f: {  	_ =	shalt  }
0x70: {  	_ =	shalt  }
0x71: {  	_ =	shalt  }
0x72: {  	_ =	shalt  }
0x73: {  	_ =	shalt  }
0x74: {  	_ =	shalt  }
0x75: {  	_ =	shalt  }
0x76: {  	_ =	shalt  }
0x77: {  	_ =	shalt  }
0x78: {  	_ =	shalt  }
0x79: {  	_ =	shalt  }
0x7a: {  	_ =	shalt  }
0x7b: {  	_ =	shalt  }
0x7c: {  	_ =	shalt  }
0x7d: {  	_ =	shalt  }
0x7e: {  	_ =	shalt  }
0x7f: {  	_ =	shalt  }
0x80: {  	_ =	shalt  }
0x81: {  	_ =	shalt  }
0x82: {  	_ =	shalt  }
0x83: {  	_ =	shalt  }
0x84: {  	_ =	shalt  }
0x85: {  	_ =	shalt  }
0x86: {  	_ =	shalt  }
0x87: {  	_ =	shalt  }
.Lfunc_end0:
.L_simem_size_0:
called_computation.4_lowered:
.L_overlay_start_0:
0x88: {  	s2 =	sld [smem:$0x3FD9]  }
0x89: {  	s3 =	sld [smem:$0x3FFE];
	_ =	sdelay $0x1  }
0x8a: {  	s1 =	srdreg.scid  }
0x8b: {  	s0 =	sand.u32 $0x1, s1  }
0x8c: {  	s16 =	sshll.u32 s0, $0xA;
	s2 =	sadd.s32 s3, s2  }
0x8d: {  	s2 =	sadd.s32 s2, s16  }
0x8e: {  	[smem:$0x3F94] =	sst s2  }
0x8f: {  	_ = 	snop  }
0x90: {  	(tm) =	ssettm $0x1  }
0x91: {  	s17 =	sld [smem:$0x3FFB];
	_ =	sdelay $0x3  }
0x92: {  	_ =	strace s17  }
0x93: {  	s2 =	sld [smem:$0x3FFC];
	_ =	sdelay $0x3  }
0x94: {  	_ =	strace s2  }
0x95: {  	s2 =	sld [smem:$0x3FFD];
	_ =	sdelay $0x3  }
0x96: {  	_ =	strace s2  }
0x97: {  	_ =	strace $0x8FFFFFFF  }
0x98: {  	s18 =	sld [smem:$0x3FDB];
	_ =	sdelay $0x1  }
0x99: {  	s19 =	simm.s32 $_scs_section_size  }
0x9a: {  	s4 =	simm.s32 $_size__tile_overlayer_lowered;
	s5 =	simm.s32 $_tile_overlayer_lowered  }
0x9b: {  	s22 =	simm.s32 $0x1BFF;
	s21 =	sshll.u32 s5, $0x1;
	s2 =	sadd.s32 s19, s18  }
0x9c: {  	s6 =	simm.s32 $0x0;
	s20 =	sshll.u32 s4, $0x1;
	s4 =	sadd.s32 s21, s2  }
0x9d: {  	[timem:s6], [sflag:s22] =	dma.local [hbm:s4], s20  }
0x9e: {  	_ =	swait.ge [sflag:s22], s20  }
0x9f: {  	s3 =	ssub.s32 $0x0, s20;
	[sflag:s22] =	ssyncset.done $0x0  }
0xa0: {  	[sflag:s22] =	ssyncadd.s32 s3;
	_ =	sdelay $0x1  }
0xa1: {  	s23 =	simm.s32 $0x1B8B  }
0xa2: {  	_ =	swait.ge [sflag:s23], $0x1  }
0xa3: {  	[sflag:s23] =	ssyncset.done $0x0  }
0xa4: {  	s25 =	simm.s32 $0x1B8E;
	s24 =	sld [smem:$0x3FFE];
	[sflag:s23] =	ssyncadd.s32 $0xFFFFFFFF  }
0xa5: {  	s26 =	simm.s32 $execute0_lowered;
	[smem:$0x3FD2] =	sst s25  }
0xa6: {  	s4 =	sshll.u32 s26, $0x1;
	_ =	strace $0x80000052;
	[dreg:$0x1] =	wrdreg $0xFFFFFFFF  }
0xa7: {  	s28 =	simm.s32 $_size_execute0_lowered;
	s2 =	sadd.s32 s2, s4;
	[dreg:$0x0] =	wrdreg $0x0  }
0xa8: {  	s4 =	sshll.u32 s28, $0x1;
	[dreg:$0x2] =	wrdreg s2  }
0xa9: {  	[dreg:$0x3] =	wrdreg s4  }
0xaa: {  	[dreg:$0x4] =	wrdreg $0xC0  }
0xab: {  	_ =	task [dreg:s6], $0x5FFFF  }
0xac: {  	[dreg:$0x1] =	wrdreg $0xFFFFFFFF  }
0xad: {  	[dreg:$0x0] =	wrdreg $0x60  }
0xae: {  	[dreg:$0x2] =	wrdreg s24  }
0xaf: {  	[dreg:$0x3] =	wrdreg $0x133000  }
0xb0: {  	[dreg:$0x4] =	wrdreg $0x9  }
0xb1: {  	_ =	task.clear_ibuf [dreg:s6], $0x5FFFF;
	_ =	strace $0x90000052  }
0xb2: {  	s29 =	simm.s32 $0x9;
	_ =	strace $0x80000054  }
0xb3: {  	_ =	swait.ge [sflag:s29], $0x1  }
0xb4: {  	[sflag:s29] =	ssyncadd.s32 $0xFFFFFFFF  }
0xb5: {  	_ =	strace $0x90000054  }
0xb6: {  	_ =	sfence  }
0xb7: {  	s30 =	sld [smem:$0x0];
	_ =	sdelay $0x2  }
0xb8: {  	s31 =	sshll.u32 s1, $0xD;
	s1 =	sshrl.u32 s1, $0x2  }
0xb9: {  	s3 =	sand.u32 $0x4000, s31;
	s1 =	sadd.s32 s1, s30  }
0xba: {  	s0 =	sor.u32 s3, s0;
	s1 =	sshll.u32 s1, $0x11  }
0xbb: {  	s0 =	sor.u32 s1, s0  }
0xbc: {  	s0 =	sadd.s32 $0x8F2B, s0  }
0xbd: {  	[sflag:s0] =	ssyncadd.remote.s32 $0x1  }
0xbe: {  	_ =	sfence.sel $0xFFFF  }
0xbf: {  	[dreg:$0x0] =	wrdreg $0xFFFFFFFF;
	(pc) =	sbr.abs _section_cstart, $3  }
0xc0: {  	[dreg:$0x1] =	wrdreg $0xFFFFFFFF  }
0xc1: {  	_ =	task.clear_ibuf [dreg:s6], $0x2FFFF;
	_ =	strace $0x9FFFFFFF  }
0xc2: {  	(tm) =	ssettm $0x7FFFFFFF  }
0xc3: {  	_ =	shalt  }
tec
execute0_lowered:
.L_overlay_start_1:
0x0: {  	(tag) =	ssettag $0x1  }
0x1: {  	s8 =	rddreg [dreg:$0x0]  }
0x2: {  	s2 =	rddreg [dreg:$0x1]  }
0x3: {  	s0 =	rddreg [dreg:$0x2];
	s3 =	simm.s32 $0x0;
	s4 =	srdreg.scid  }
0x4: {  	s1 =	stileid.u32;
	s16 =	simm.s32 $0x2;
	s18 =	simm.s32 $0xC8  }
0x5: {  	s19 =	simm.s32 $0x300;
	s20 =	simm.s32 $0x1;
	s21 =	simm.s32 $0x6700  }
0x6: {  	s22 =	simm.s32 $0x200;
	[smem:$0x7FF] =	sst s3;
	s9 =	smul.u32 $0x1480, s1  }
0x7: {  	s13 =	sand.u32 $0x1, s4;
	s4 =	sadd.s32 $0x1DA00, s8;
	s11 =	smul.u32 $0x29000, s1  }
0x8: {  	s5 =	sadd.s32 $0x44C00, s8;
	s6 =	sadd.s32 $0x13C00, s8;
	s10 =	smul.u32 $0x14800, s13  }
0x9: {  	s7 =	sadd.s32 $0x9E00, s8;
	s12 =	ssub.s32 $0x2, s13;
	s17 =	smul.u32 $0xFFFFEC00, s13  }
0xa: {  	_ =	strace $0x80000053;
	s31 =	sshrl.u32 s12, $0x1;
	s11 =	sshrl.u32 s11, $0x2  }
0xb: {  	s9 =	sadd.s32 s9, s10;
	s15 =	ssub.s32 s12, s31;
	v0 =	vmov s17;
	s17 =	simm.s32 $0x100  }
0xc: {  	s14 =	sadd.s32 s9, s8;
	s8 =	sadd.s32 s11, s2;
	s11 =	smul.u32 $0x4E20, s1  }
0xd: {  	s9 =	sadd.s32 $0x3000, s8;
	s10 =	sadd.s32 $0x6000, s8;
	s12 =	sadd.s32 $0x9000, s8  }
0xe: {  	v1 =	vimm.f32 $0.0e+00;
	vm0 =	vcmask $0x3F0C;
	vm1 =	vmmov $0x3;
	s13 =	sadd.s32 $0x6BE00, s14;
	s14 =	smax.u32 s15, $0x1;
	s15 =	simm.s32 $0xCB00  }
.LBB2_1:
0xf: {  	s23 =	simm.s32 $0x0;
	s24 =	simm.s32 $0x200  }
.LBB2_2:
0x10: {  	p0 =	sne.s32 s24, $0x18E00;
	[tilespmem:s23+$0xCB70] =	vst v1  }
0x11: {  	[tilespmem:s23+$0xCB00] =	vst v1  }
0x12: {  	[tilespmem:s23+$0xCB10] =	vst v1  }
.Ltmp0:
0x13: {  	[tilespmem:s23+$0xCB20] =	vst v1;
	(pc) =	sbr.rel @p0 .LBB2_2-.Ltmp0, $4  }
0x14: {  	[tilespmem:s23+$0xCB30] =	vst v1  }
0x15: {  	[tilespmem:s23+$0xCB40] =	vst v1  }
0x16: {  	[tilespmem:s23+$0xCB50] =	vst v1  }
0x17: {  	[tilespmem:s23+$0xCB60] =	vst v1;
	s23 =	sshra.s32 s24, $0x2;
	s24 =	sadd.s32 $0x200, s24  }
0x18: {  	[tilespmem:s23+$0xCB70] =	vst v1  }
0x19: {  	[tilespmem:s23+$0xCB00] =	vst v1  }
0x1a: {  	[tilespmem:s23+$0xCB10] =	vst v1  }
0x1b: {  	[tilespmem:s23+$0xCB20] =	vst v1  }
0x1c: {  	[tilespmem:s23+$0xCB30] =	vst v1  }
0x1d: {  	[tilespmem:s23+$0xCB40] =	vst v1  }
0x1e: {  	[tilespmem:s23+$0xCB50] =	vst v1  }
0x1f: {  	[tilespmem:s23+$0xCB60] =	vst v1  }
0x20: {  	[tilespmem:$0x12F00] =	vst v1  }
0x21: {  	[tilespmem:$0x12F10] =	vst v1  }
0x22: {  	[tilespmem:$0x13100] =	vst v1  }
0x23: {  	[tilespmem:$0x13110] =	vst v1  }
0x24: {  	[spmem:s8] =	stream.linear.scatter [tilespmem:s15], [sflag:$0x2], $0x3000, $0x38;
	[tilespmem:$0x1D700] =	vst v63  }
0x25: {  	_ =	swait.ge [sflag:s16], $0x3000  }
0x26: {  	[sflag:s16] =	ssyncset.done $0x0  }
0x27: {  	[sflag:s16] =	ssyncadd.s32 $0xFFFFD000  }
0x28: {  	[spmem:s9] =	stream.linear.scatter [tilespmem:s15], [sflag:$0x2], $0x3000, $0x38;
	[tilespmem:$0x1D700] =	vst v63  }
0x29: {  	_ =	swait.ge [sflag:s16], $0x3000  }
0x2a: {  	[sflag:s16] =	ssyncset.done $0x0  }
0x2b: {  	[sflag:s16] =	ssyncadd.s32 $0xFFFFD000  }
0x2c: {  	[spmem:s10] =	stream.linear.scatter [tilespmem:s15], [sflag:$0x2], $0x3000, $0x38;
	[tilespmem:$0x1D700] =	vst v63  }
0x2d: {  	_ =	swait.ge [sflag:s16], $0x3000  }
0x2e: {  	[sflag:s16] =	ssyncset.done $0x0  }
0x2f: {  	[sflag:s16] =	ssyncadd.s32 $0xFFFFD000  }
0x30: {  	[spmem:s12] =	stream.linear.scatter [tilespmem:s15], [sflag:$0x2], $0x1400, $0x38;
	[tilespmem:$0x1D700] =	vst v63  }
0x31: {  	_ =	swait.ge [sflag:s16], $0x1400  }
0x32: {  	[sflag:s16] =	ssyncset.done $0x0  }
0x33: {  	[sflag:s16] =	ssyncadd.s32 $0xFFFFEC00  }
0x34: {  	s23 =	simm.s32 $0x0;
	s24 =	simm.s32 $0x0;
	[bflag:$0x0] =	sbarrier.arrive $0xFFFF  }
.LBB2_4:
0x35: {  	s25 =	smul.u32 $0xC8, s24;
	_ =	sdelay $0x1  }
0x36: {  	s25 =	sadd.s32 s11, s25  }
0x37: {  	s25 =	sshrl.u32 s25, $0x3  }
0x38: {  	s26 =	sadd.s32 s6, s25  }
0x39: {  	[tilespmem:s23], [sflag:$0x2] =	stream.linear.gather [hbm4b:s26+s23], $0xC8, $0x38;
	[tilespmem:$0x1D700] =	vst v63  }
0x3a: {  	_ =	swait.ge [sflag:s16], $0xC8  }
0x3b: {  	[sflag:s16] =	ssyncset.done $0x0  }
0x3c: {  	s25 =	sadd.s32 s7, s25;
	[sflag:s16] =	ssyncadd.s32 $0xFFFFFF38  }
0x3d: {  	[tilespmem:s17], [sflag:$0x2] =	stream.linear.gather [hbm4b:s25+s23], $0xC8, $0x38;
	[tilespmem:$0x1D700] =	vst v63  }
0x3e: {  	_ =	swait.ge [sflag:s16], $0xC8  }
0x3f: {  	[sflag:s16] =	ssyncset.done $0x0  }
0x40: {  	[sflag:s16] =	ssyncadd.s32 $0xFFFFFF38  }
0x41: {  	v2 =	vld [tilespmem:$0x100]  }
0x42: {  	v3 =	vld [tilespmem:$0x110]  }
0x43: {  	v4 =	vld [tilespmem:$0x120]  }
0x44: {  	v5 =	vld [tilespmem:$0x130]  }
0x45: {  	v6 =	vld [tilespmem:$0x140]  }
0x46: {  	v7 =	vld [tilespmem:$0x150];
	v2 =	vadd.s32 v0, v2  }
0x47: {  	v8 =	vld [tilespmem:$0x160];
	v3 =	vadd.s32 v0, v3;
	vm2 =	vlt.u32 v2, $0x1400  }
0x48: {  	v9 =	vld [tilespmem:$0x170];
	v4 =	vadd.s32 v0, v4;
	v2 =	vnsel vm2, $0x147F, v2;
	vm2 =	vlt.u32 v3, $0x1400  }
0x49: {  	[tilespmem:$0x200] =	vst v2;
	v2 =	vnsel vm2, $0x147F, v3;
	vm2 =	vlt.u32 v4, $0x1400;
	v3 =	vadd.s32 v0, v5;
	v5 =	vld [tilespmem:$0x180]  }
0x4a: {  	[tilespmem:$0x210] =	vst v2;
	v2 =	vnsel vm2, $0x147F, v4;
	vm2 =	vlt.u32 v3, $0x1400;
	v4 =	vadd.s32 v0, v6;
	v6 =	vld [tilespmem:$0x190]  }
0x4b: {  	[tilespmem:$0x220] =	vst v2;
	v2 =	vnsel vm2, $0x147F, v3;
	vm2 =	vlt.u32 v4, $0x1400;
	v3 =	vadd.s32 v0, v7;
	v7 =	vld [tilespmem:$0x1A0]  }
0x4c: {  	v62 =	vld [tilespmem:$0x1B0];
	[tilespmem:$0x230] =	vst v2;
	v2 =	vnsel vm2, $0x147F, v4;
	vm2 =	vlt.u32 v3, $0x1400;
	v4 =	vadd.s32 v0, v8  }
0x4d: {  	v63 =	vld [tilespmem:$0x1B8];
	[tilespmem:$0x240] =	vst v2;
	v2 =	vnsel vm2, $0x147F, v3;
	vm2 =	vlt.u32 v4, $0x1400;
	v3 =	vadd.s32 v0, v9  }
0x4e: {  	[tilespmem:$0x250] =	vst v2;
	v2 =	vnsel vm2, $0x147F, v4;
	vm2 =	vlt.u32 v3, $0x1400;
	v4 =	vadd.s32 v0, v5  }
0x4f: {  	[tilespmem:$0x260] =	vst v2;
	v2 =	vnsel vm2, $0x147F, v3;
	vm2 =	vlt.u32 v4, $0x1400;
	v3 =	vadd.s32 v0, v6  }
0x50: {  	[tilespmem:$0x270] =	vst v2;
	v2 =	vnsel vm2, $0x147F, v4;
	vm2 =	vlt.u32 v3, $0x1400;
	v4 =	vadd.s32 v0, v7  }
0x51: {  	[tilespmem:$0x280] =	vst v2;
	v2 =	vnsel vm2, $0x147F, v3;
	vm2 =	vlt.u32 v4, $0x1400;
	v3 =	vadd.s32 v0, v62  }
0x52: {  	[tilespmem:$0x290] =	vst v2;
	v2 =	vnsel vm2, $0x147F, v4;
	vm2 =	vlt.u32 v3, $0x1400;
	v4 =	vadd.s32 v0, v63  }
0x53: {  	[tilespmem:$0x2A0] =	vst v2;
	v2 =	vnsel vm2, $0x147F, v3;
	vm2 =	vlt.u32 v4, $0x1400  }
0x54: {  	[tilespmem:$0x2B0] =	vst v2;
	v2 =	vnsel vm2, $0x147F, v4  }
0x55: {  	[tilespmem:$0x2B8] =	vst v2  }
0x56: {  	[tilespmem:s19], [sflag:$0x1] =	stream.indirect.gather [hbm4b:s4+s18], $0x80, s17, s18, $0xb8;
	[tilespmem:$0x1D700] =	vst v63  }
0x57: {  	_ =	swait.ge [sflag:s20], $0x6400  }
0x58: {  	[sflag:s20] =	ssyncset.done $0x0  }
0x59: {  	[sflag:s20] =	ssyncadd.s32 $0xFFFF9C00  }
0x5a: {  	[tilespmem:s21], [sflag:$0x1] =	stream.indirect.gather [hbm4b:s5+s18], $0x80, s23, s18, $0xb8;
	[tilespmem:$0x1D700] =	vst v63  }
0x5b: {  	_ =	swait.ge [sflag:s20], $0x6400  }
0x5c: {  	[sflag:s20] =	ssyncset.done $0x0  }
0x5d: {  	s25 =	simm.s32 $0x0;
	[sflag:s20] =	ssyncadd.s32 $0xFFFF9C00  }
0x5e: {  	v2 =	vld [tilespmem:s25+$0x6700]  }
0x5f: {  	v3 =	vld [tilespmem:s25+$0x300];
	_ =	sdelay $0x4  }
0x60: {  	v2 =	vmul.f32 v2, v3;
	_ =	sdelay $0x1  }
0x61: {  	v3 =	vld [tilespmem:s25+$0x6720];
	[tilespmem:$0x12F00] =	vst v2  }
0x62: {  	v4 =	vld [tilespmem:$0x12F01];
	_ =	sdelay $0x3  }
0x63: {  	(v2sf) =	vpush v2, $0x0  }
0x64: {  	(v2sf) =	vpush v4, $0x0;
	_ =	sdelay $0xd  }
0x65: {  	s30 =	spop (v2sf)  }
0x66: {  	s28 =	spop (v2sf)  }
0x67: {  	s26 =	sadd.f32 s28, s30;
	_ =	sdelay $0x1  }
0x68: {  	s26 =	smul.f32 $7.071067690e-01, s26;
	_ =	sdelay $0x1  }
0x69: {  	v2 =	vmov s26  }
0x6a: {  	v2 =	vmul.f32 $1.442695020e+00, v2;
	_ =	sdelay $0x1  }
0x6b: {  	v2 =	vbroadcast v2, $0x0;
	_ =	sdelay $0x1  }
0x6c: {  	(erf) = vpow2.f32 v2;
	_ =	sdelay $0x5  }
0x6d: {  	v5 =	vld [tilespmem:s25+$0x380]  }
0x6e: {  	v4 =	vld [tilespmem:s25+$0x6780];
	_ =	sdelay $0x1  }
0x6f: {  	v2 =	vpop (erf)  }
0x70: {  	v3 =	vmul.f32 v2, v3  }
0x71: {  	v6 =	vsel vm0, $0x0, v2  }
0x72: {  	v4 =	vmul.f32 v4, v5;
	v3 =	vsel vm1, v3, v6  }
0x73: {  	[tilespmem:s25+$0xCB00] =	vst v3  }
0x74: {  	v2 =	vld [tilespmem:s25+$0x67A0];
	[tilespmem:$0x13100] =	vst v4  }
0x75: {  	v3 =	vld [tilespmem:$0x13101];
	_ =	sdelay $0x3  }
0x76: {  	(v2sf) =	vpush v4, $0x0  }
0x77: {  	(v2sf) =	vpush v3, $0x0;
	_ =	sdelay $0xd  }
0x78: {  	s31 =	spop (v2sf)  }
0x79: {  	s28 =	spop (v2sf)  }
0x7a: {  	s26 =	sadd.f32 s28, s31;
	_ =	sdelay $0x1  }
0x7b: {  	s26 =	smul.f32 $7.071067690e-01, s26;
	_ =	sdelay $0x1  }
0x7c: {  	v3 =	vmov s26  }
0x7d: {  	v3 =	vmul.f32 $1.442695020e+00, v3;
	_ =	sdelay $0x1  }
0x7e: {  	v4 =	vbroadcast v3, $0x0;
	_ =	sdelay $0x1  }
0x7f: {  	(erf) = vpow2.f32 v4;
	_ =	sdelay $0x4  }
0x80: {  	s28 =	simm.s32 $0x100  }
0x81: {  	v3 =	vld [tilespmem:s28+$0x6700]  }
0x82: {  	s26 =	simm.s32 $0x800;
	v4 =	vld [tilespmem:s28+$0x300]  }
.LBB2_5:
0x83: {  	p0 =	sne.s32 s26, $0x18C00  }
0x84: {  	v5 =	vpop (erf)  }
0x85: {  	v2 =	vmul.f32 v5, v2  }
0x86: {  	v5 =	vsel vm0, $0x0, v5  }
0x87: {  	v3 =	vmul.f32 v3, v4;
	v2 =	vsel vm1, v2, v5  }
0x88: {  	[tilespmem:s25+$0xCB80] =	vst v2;
	s25 =	smov.u32 s28  }
0x89: {  	v4 =	vld [tilespmem:s25+$0x6720];
	[tilespmem:$0x12F00] =	vst v3  }
0x8a: {  	v5 =	vld [tilespmem:$0x12F01]  }
0x8b: {  	v6 =	vld [tilespmem:s25+$0x6780]  }
0x8c: {  	v7 =	vld [tilespmem:s25+$0x380]  }
0x8d: {  	v2 =	vld [tilespmem:s25+$0x67A0]  }
0x8e: {  	(v2sf) =	vpush v3, $0x0  }
0x8f: {  	(v2sf) =	vpush v5, $0x0;
	_ =	sdelay $0xd  }
0x90: {  	s28 =	spop (v2sf)  }
0x91: {  	s29 =	spop (v2sf)  }
0x92: {  	s28 =	sadd.f32 s29, s28;
	_ =	sdelay $0x1  }
0x93: {  	s28 =	smul.f32 $7.071067690e-01, s28;
	_ =	sdelay $0x1  }
0x94: {  	v3 =	vmov s28  }
0x95: {  	v3 =	vmul.f32 $1.442695020e+00, v3;
	_ =	sdelay $0x1  }
0x96: {  	v3 =	vbroadcast v3, $0x0;
	_ =	sdelay $0x1  }
0x97: {  	(erf) = vpow2.f32 v3;
	_ =	sdelay $0x8  }
0x98: {  	v3 =	vpop (erf)  }
0x99: {  	v4 =	vmul.f32 v3, v4  }
0x9a: {  	v3 =	vsel vm0, $0x0, v3  }
0x9b: {  	v3 =	vsel vm1, v4, v3;
	v4 =	vmul.f32 v6, v7  }
0x9c: {  	[tilespmem:s25+$0xCB00] =	vst v3  }
0x9d: {  	[tilespmem:$0x13100] =	vst v4  }
0x9e: {  	v3 =	vld [tilespmem:$0x13101];
	_ =	sdelay $0x3  }
0x9f: {  	(v2sf) =	vpush v4, $0x0  }
0xa0: {  	(v2sf) =	vpush v3, $0x0;
	_ =	sdelay $0xd  }
0xa1: {  	s28 =	spop (v2sf)  }
0xa2: {  	s29 =	spop (v2sf)  }
0xa3: {  	s28 =	sadd.f32 s29, s28;
	_ =	sdelay $0x1  }
0xa4: {  	s28 =	smul.f32 $7.071067690e-01, s28;
	_ =	sdelay $0x1  }
0xa5: {  	v3 =	vmov s28  }
0xa6: {  	v3 =	vmul.f32 $1.442695020e+00, v3;
	_ =	sdelay $0x1  }
0xa7: {  	v3 =	vbroadcast v3, $0x0;
	_ =	sdelay $0x1  }
0xa8: {  	(erf) = vpow2.f32 v3;
	_ =	sdelay $0x2  }
.Ltmp1:
0xa9: {  	(pc) =	sbr.rel @p0 .LBB2_5-.Ltmp1, $4  }
0xaa: {  	_ = 	snop  }
0xab: {  	s28 =	sshra.s32 s26, $0x2  }
0xac: {  	v3 =	vld [tilespmem:s28+$0x6700]  }
0xad: {  	s26 =	sadd.s32 $0x400, s26;
	v4 =	vld [tilespmem:s28+$0x300]  }
0xae: {  	_ = 	snop  }
0xaf: {  	v5 =	vpop (erf)  }
0xb0: {  	v2 =	vmul.f32 v5, v2  }
0xb1: {  	v5 =	vsel vm0, $0x0, v5  }
0xb2: {  	v2 =	vsel vm1, v2, v5;
	v3 =	vmul.f32 v3, v4  }
0xb3: {  	[tilespmem:s25+$0xCB80] =	vst v2  }
0xb4: {  	v2 =	vld [tilespmem:s28+$0x6720];
	[tilespmem:$0x12F00] =	vst v3  }
0xb5: {  	v61 =	vld [tilespmem:$0x12F01];
	_ =	sdelay $0x3  }
0xb6: {  	(v2sf) =	vpush v3, $0x0  }
0xb7: {  	(v2sf) =	vpush v61, $0x0;
	_ =	sdelay $0xd  }
0xb8: {  	s29 =	spop (v2sf)  }
0xb9: {  	s26 =	spop (v2sf)  }
0xba: {  	s25 =	sadd.f32 s26, s29;
	_ =	sdelay $0x1  }
0xbb: {  	s25 =	smul.f32 $7.071067690e-01, s25;
	_ =	sdelay $0x1  }
0xbc: {  	v3 =	vmov s25  }
0xbd: {  	v3 =	vmul.f32 $1.442695020e+00, v3;
	_ =	sdelay $0x1  }
0xbe: {  	v3 =	vbroadcast v3, $0x0;
	_ =	sdelay $0x1  }
0xbf: {  	(erf) = vpow2.f32 v3;
	_ =	sdelay $0x5  }
0xc0: {  	v62 =	vld [tilespmem:s28+$0x380]  }
0xc1: {  	v3 =	vld [tilespmem:s28+$0x6780];
	_ =	sdelay $0x1  }
0xc2: {  	v63 =	vpop (erf)  }
0xc3: {  	v2 =	vmul.f32 v63, v2  }
0xc4: {  	v5 =	vsel vm0, $0x0, v63  }
0xc5: {  	v3 =	vmul.f32 v3, v62;
	v2 =	vsel vm1, v2, v5  }
0xc6: {  	[tilespmem:s28+$0xCB00] =	vst v2  }
0xc7: {  	v6 =	vld [tilespmem:s28+$0x67A0];
	[tilespmem:$0x13100] =	vst v3  }
0xc8: {  	v2 =	vld [tilespmem:$0x13101];
	_ =	sdelay $0x3  }
0xc9: {  	(v2sf) =	vpush v3, $0x0  }
0xca: {  	(v2sf) =	vpush v2, $0x0;
	_ =	sdelay $0xd  }
0xcb: {  	s30 =	spop (v2sf)  }
0xcc: {  	s31 =	spop (v2sf)  }
0xcd: {  	s25 =	sadd.f32 s31, s30;
	_ =	sdelay $0x1  }
0xce: {  	s25 =	smul.f32 $7.071067690e-01, s25;
	_ =	sdelay $0x1  }
0xcf: {  	v2 =	vmov s25  }
0xd0: {  	v2 =	vmul.f32 $1.442695020e+00, v2;
	_ =	sdelay $0x1  }
0xd1: {  	v2 =	vbroadcast v2, $0x0;
	_ =	sdelay $0x1  }
0xd2: {  	(erf) = vpow2.f32 v2;
	_ =	sdelay $0x8  }
0xd3: {  	v2 =	vpop (erf)  }
0xd4: {  	v3 =	vmul.f32 v2, v6  }
0xd5: {  	s24 =	sadd.s32 $0x1, s24;
	v2 =	vsel vm0, $0x0, v2  }
0xd6: {  	p0 =	sne.s32 s24, $0x64;
	v2 =	vsel vm1, v3, v2  }
.Ltmp2:
0xd7: {  	[tilespmem:s28+$0xCB80] =	vst v2;
	(pc) =	sbr.rel @p0 .LBB2_4-.Ltmp2, $4  }
0xd8: {  	[spmem:s2] =	stream.indirect.scatter.add.f32 [tilespmem:s15], [sflag:$0x2], $0x80, s22, s18, $0xb8;
	[tilespmem:$0x1D700] =	vst v63  }
0xd9: {  	_ =	swait.ge [sflag:s16], $0x6400  }
0xda: {  	[sflag:s16] =	ssyncset.done $0x0  }
0xdb: {  	[sflag:s16] =	ssyncadd.s32 $0xFFFF9C00  }
0xdc: {  	s3 =	sadd.s32 $0x1, s3  }
0xdd: {  	s23 =	sshll.u32 s1, $0x6;
	[bflag:$0x0] =	sbarrier.arrive $0xFFFF;
	p0 =	sne.s32 s3, s14  }
.Ltmp3:
0xde: {  	s24 =	sshrl.u32 s8, $0x3;
	s23 =	sor.u32 $0x1C02, s23;
	(pc) =	sbr.rel @p0 .LBB2_1-.Ltmp3, $4  }
0xdf: {  	[hbm:s13], [sflag:s23] =	dma.local [spmem:s24], $0x1480  }
0xe0: {  	_ =	swait.ge [sflag:s16], $0x1480  }
0xe1: {  	[sflag:s16] =	ssyncset.done $0x0  }
0xe2: {  	[sflag:s16] =	ssyncadd.s32 $0xFFFFEB80  }
0xe3: {  	_ =	sfence.sel $0x180000  }
0xe4: {  	[bflag:$0x0] =	sbarrier.arrive $0xFFFF  }
0xe5: {  	p0 =	sne.s32 s1, $0x0;
	_ =	strace $0x90000053  }
0xe6: {  	s0 =	sadd.s32 @!p0 $0x100000, s0;
	[bflag:$0x2] =	sbarrier.arrive $0xFFFF  }
0xe7: {  	[sflag:s0] =	ssyncadd.tile.s32 @!p0 $0x1;
	_ =	shalt  }
.Lfunc_end2:
_tile_overlayer_lowered:
.L_overlay_start_2:
0xe8: {  	(tag) =	ssettag $0x2  }
0xe9: {  	s0 =	rddreg [dreg:$0x0];
	s2 =	stileid.u32  }
0xea: {  	s1 =	rddreg [dreg:$0x1];
	p0 =	sne.s32 s2, $0x0  }
0xeb: {  	s3 =	rddreg [dreg:$0x2];
	[bflag:$0x3] =	sbarrier.arrive $0xFFFF;
	s2 =	simm.s32 @!p0 $0x1C02  }
0xec: {  	[timem:s3], [sflag:s2] =	dma.local @!p0 [hbm:s0], s1  }
0xed: {  	s0 =	simm.s32 @!p0 $0x2  }
0xee: {  	_ =	swait.ge @!p0 [sflag:s0], s1  }
0xef: {  	s1 =	ssub.s32 @!p0 $0x0, s1;
	[sflag:s0] =	ssyncset.done @!p0 $0x0  }
0xf0: {  	[sflag:s0] =	ssyncadd.s32 @!p0 s1  }
0xf1: {  	[bflag:$0x3] =	sbarrier.arrive $0xFFFF  }
0xf2: {  	_ =	shalt  }

</sc_bundles>
